<compile_context>
chip_gen: v7x
topology: tpu7x:2x2x1
jax: 0.10.2.dev20260603
libtpu: 0.0.44.dev20260713+nightly
codegen_flags: <defaults>
</compile_context>

<pallas_src>
import functools

import jax
import jax.numpy as jnp
from jax import lax
from jax.experimental import pallas as pl
from jax.experimental.pallas import tpu as pltpu, tpu_sc as plsc

N = 10000
E = 320000
DF = 128
H = 64
L = 3

_NODE_BLK = 1000
_EDGE_BLK = 4000

_NC, _NS = 2, 16
_NW = _NC * _NS
_EPW = E // _NW
_CH = 80
_NCHUNK = _EPW // _CH

_NPW = 320
_CAPP = 1152
_PENDTOT = _NW * _CAPP
_GRP = 128
_GSH = 7
_CAPW = 80 * _GRP
_BLK = 1024
_NBLK = 9
_TAIL = _EPW - _NBLK * _BLK

_i16 = lambda: lax.iota(jnp.int32, 16)
_SC_PARAMS = pltpu.CompilerParams(needs_layout_passes=False)


def _take16(x, idx):
    return lax.gather(
        x, idx[:, None],
        dimension_numbers=lax.GatherDimensionNumbers(
            offset_dims=(), collapsed_slice_dims=(0,), start_index_map=(0,)),
        slice_sizes=(1,),
        mode=lax.GatherScatterMode.PROMISE_IN_BOUNDS)


def _sload(ref, i):
    base = pl.multiple_of((i >> 4) << 4, 16)
    v = ref[pl.ds(base, 16)]
    return _take16(v, lax.broadcast(i & 15, (16,)))[0]


def _sstore(ref, i, val):
    base = pl.multiple_of((i >> 4) << 4, 16)
    v = ref[pl.ds(base, 16)]
    ref[pl.ds(base, 16)] = jnp.where(_i16() == (i & 15), val, v)



def _g_body(c_hbm, dst_hbm, src_hbm, p_hbm,
            idxd, idxs, bufD, bufS, bufP, semD, semS):
    wid = lax.axis_index("s") * _NC + lax.axis_index("c")

    def chunk(j, carry):
        base = pl.multiple_of(wid * _EPW + j * _CH, _CH)
        base2 = pl.multiple_of(wid * (_EPW // 2) + j * (_CH // 2), _CH // 2)
        pltpu.sync_copy(dst_hbm.at[pl.ds(base, _CH)], idxd)
        pltpu.sync_copy(src_hbm.at[pl.ds(base, _CH)], idxs)
        cpD = pltpu.async_copy(c_hbm.at[idxd], bufD, semD)
        cpS = pltpu.async_copy(c_hbm.at[idxs], bufS, semS)
        cpD.wait()
        cpS.wait()

        def pair(i, c2):
            for q in range(4):
                lo = pl.ds(q * 16, 16)
                hi = pl.ds(64 + q * 16, 16)
                bufP[i, lo] = bufD[2 * i, lo] + bufS[2 * i, hi]
                bufP[i, hi] = bufD[2 * i + 1, lo] + bufS[2 * i + 1, hi]
            return c2

        lax.fori_loop(0, _CH // 2, pair, 0)
        pltpu.sync_copy(bufP, p_hbm.at[pl.ds(base2, _CH // 2)])
        return carry

    lax.fori_loop(0, _NCHUNK, chunk, 0)


def _gather_add(c, dst, src):
    mesh = plsc.VectorSubcoreMesh(core_axis_name="c", subcore_axis_name="s")
    return pl.kernel(
        _g_body,
        out_type=jax.ShapeDtypeStruct((E // 2, 2 * H), jnp.float32),
        mesh=mesh,
        scratch_types=[
            pltpu.VMEM((_CH,), jnp.int32),
            pltpu.VMEM((_CH,), jnp.int32),
            pltpu.VMEM((_CH, 2 * H), jnp.float32),
            pltpu.VMEM((_CH, 2 * H), jnp.float32),
            pltpu.VMEM((_CH // 2, 2 * H), jnp.float32),
            pltpu.SemaphoreType.DMA,
            pltpu.SemaphoreType.DMA,
        ],
    )(c, dst, src)



def _r_body(dst_hbm, lists_hbm, ngrp_hbm, dbuf, pend, npv, goff, cbuf):
    wid = lax.axis_index("s") * _NC + lax.axis_index("c")
    base0 = wid * _EPW
    zi = jnp.zeros((16,), jnp.int32)
    ones = jnp.full((16,), 1, jnp.int32)

    def initp(i, c):
        pend[pl.ds(i * 16, 16)] = jnp.full((16,), _NPW, jnp.int32)
        return c
    lax.fori_loop(0, _PENDTOT // 16, initp, 0)
    npv[pl.ds(0, 16)] = zi
    npv[pl.ds(16, 16)] = zi
    goff[pl.ds(0, 16)] = zi
    goff[pl.ds(16, 16)] = zi

    def sub(k, ebase):
        d = dbuf[pl.ds(k * 16, 16)]
        o = d // _NPW
        eid = ebase + k * 16 + _i16()
        packed = (eid << 9) | (d - o * _NPW)
        o_s, perm = plsc.sort_key_val(o, _i16())
        p_s = _take16(packed, perm)
        prev = _take16(o_s, jnp.maximum(_i16() - 1, 0))
        is_start = (_i16() == 0) | (o_s != prev)
        start = plsc.cummax(jnp.where(is_start, _i16(), 0))
        rank = _i16() - start
        npo = plsc.load_gather(npv, [o_s])
        addr = o_s * _CAPP + npo + rank
        plsc.store_scatter(pend, [addr], p_s)
        plsc.addupdate_scatter(npv, [o_s], ones)

    def sweep(o, c):
        np_o = _sload(npv, o)
        gf = np_o >> _GSH
        g0 = _sload(goff, o)

        def flush1(g, c2):
            po = pl.multiple_of(o * _CAPP + g * _GRP, _GRP)
            go = pl.multiple_of((g0 + g) * _GRP, _GRP)
            pltpu.sync_copy(pend.at[pl.ds(po, _GRP)],
                            lists_hbm.at[wid, o, pl.ds(go, _GRP)])
            return c2
        lax.fori_loop(0, gf, flush1, 0)

        @pl.when(gf > 0)
        def _():
            for t in range(_GRP // 16):
                rem = pend[pl.ds(o * _CAPP + gf * _GRP + t * 16, 16)]
                pend[pl.ds(o * _CAPP + t * 16, 16)] = rem
            _sstore(npv, o, np_o & (_GRP - 1))
            _sstore(goff, o, g0 + gf)
        return c

    def block(b, c):
        base = pl.multiple_of(base0 + b * _BLK, 8)
        pltpu.sync_copy(dst_hbm.at[pl.ds(base, _BLK)], dbuf)
        lax.fori_loop(0, _BLK // 16, lambda k, cc: (sub(k, base), cc)[1], 0)
        lax.fori_loop(0, _NW, sweep, 0)
        return c
    lax.fori_loop(0, _NBLK, block, 0)

    tbase = pl.multiple_of(base0 + _NBLK * _BLK, 8)
    pltpu.sync_copy(dst_hbm.at[pl.ds(tbase, _TAIL)], dbuf.at[pl.ds(0, _TAIL)])
    lax.fori_loop(0, _TAIL // 16, lambda k, cc: (sub(k, tbase), cc)[1], 0)

    for t in range(2):
        cnt = goff[pl.ds(t * 16, 16)] * _GRP + npv[pl.ds(t * 16, 16)]
        cbuf[pl.ds(t * 16, 16)] = cnt

    def fsweep(o, c):
        np_o = _sload(npv, o)
        gf = (np_o + _GRP - 1) >> _GSH
        g0 = _sload(goff, o)

        def flush1(g, c2):
            po = pl.multiple_of(o * _CAPP + g * _GRP, _GRP)
            go = pl.multiple_of((g0 + g) * _GRP, _GRP)
            pltpu.sync_copy(pend.at[pl.ds(po, _GRP)],
                            lists_hbm.at[wid, o, pl.ds(go, _GRP)])
            return c2
        lax.fori_loop(0, gf, flush1, 0)
        return c
    lax.fori_loop(0, _NW, fsweep, 0)
    pltpu.sync_copy(cbuf, ngrp_hbm.at[wid])


def _route(dst):
    mesh = plsc.VectorSubcoreMesh(core_axis_name="c", subcore_axis_name="s")
    return pl.kernel(
        _r_body,
        out_type=(jax.ShapeDtypeStruct((_NW, _NW, _CAPW), jnp.int32),
                  jax.ShapeDtypeStruct((_NW, _NW), jnp.int32)),
        mesh=mesh,
        compiler_params=_SC_PARAMS,
        scratch_types=[
            pltpu.VMEM((_BLK,), jnp.int32),
            pltpu.VMEM((_PENDTOT,), jnp.int32),
            pltpu.VMEM((_NW,), jnp.int32),
            pltpu.VMEM((_NW,), jnp.int32),
            pltpu.VMEM((_NW,), jnp.int32),
        ],
    )(dst)



def _s_body(zd_hbm, lists_hbm, ngrp_hbm, agg_hbm,
            cntbuf, pkbuf, prbuf, locbuf, bufZ, agg_flat, sem):
    wid = lax.axis_index("s") * _NC + lax.axis_index("c")
    zf = jnp.zeros((16,), jnp.float32)

    def initz(i, c):
        agg_flat[pl.ds(i * 16, 16)] = zf
        return c
    lax.fori_loop(0, _NPW * H // 16, initz, 0)

    pltpu.sync_copy(ngrp_hbm, cntbuf)

    def cell(sidx, c):
        cv = cntbuf[sidx, pl.ds(pl.multiple_of((wid >> 4) << 4, 16), 16)]
        cnt = _take16(cv, lax.broadcast(wid & 15, (16,)))[0]
        ng = (cnt + _GRP - 1) >> _GSH

        def grp(g, c2):
            go = pl.multiple_of(g * _GRP, _GRP)
            pltpu.sync_copy(lists_hbm.at[sidx, wid, pl.ds(go, _GRP)], pkbuf)
            for k in range(_GRP // 16):
                pk = pkbuf[pl.ds(k * 16, 16)]
                prbuf[pl.ds(k * 16, 16)] = pk >> 9
                locbuf[pl.ds(k * 16, 16)] = pk & 511
            pltpu.async_copy(zd_hbm.at[prbuf], bufZ, sem).wait()
            nthis = jnp.minimum(cnt - g * _GRP, _GRP)

            def edge(j, c3):
                lv = locbuf[pl.ds(pl.multiple_of((j >> 4) << 4, 16), 16)]
                locv = _take16(lv, lax.broadcast(j & 15, (16,)))
                abase = locv * H
                for q in range(4):
                    off = q * 16 + _i16()
                    a = plsc.load_gather(agg_flat, [abase + off])
                    z = bufZ[j, pl.ds(q * 16, 16)]
                    plsc.store_scatter(agg_flat, [abase + off],
                                       jnp.maximum(a, z))
                return c3
            lax.fori_loop(0, nthis, edge, 0)
            return c2
        lax.fori_loop(0, ng, grp, 0)
        return c
    lax.fori_loop(0, _NW, cell, 0)

    obase = pl.multiple_of(wid * _NPW * H, _NPW * H)
    pltpu.sync_copy(agg_flat, agg_hbm.at[pl.ds(obase, _NPW * H)])


def _scatter_max(zd, lists, ngrp):
    mesh = plsc.VectorSubcoreMesh(core_axis_name="c", subcore_axis_name="s")
    return pl.kernel(
        _s_body,
        out_type=jax.ShapeDtypeStruct((_NW * _NPW * H,), jnp.float32),
        mesh=mesh,
        compiler_params=_SC_PARAMS,
        scratch_types=[
            pltpu.VMEM((_NW, _NW), jnp.int32),
            pltpu.VMEM((_GRP,), jnp.int32),
            pltpu.VMEM((_GRP,), jnp.int32),
            pltpu.VMEM((_GRP,), jnp.int32),
            pltpu.VMEM((_GRP, 2 * H), jnp.float32),
            pltpu.VMEM((_NPW * H,), jnp.float32),
            pltpu.SemaphoreType.DMA,
        ],
    )(zd, lists, ngrp)



def _mm_kernel(x_ref, wt_ref, b_ref, o_ref, *, relu_in, relu_out):
    x = x_ref[...]
    if relu_in:
        x = jnp.maximum(x, 0.0)
    acc = jnp.dot(x, wt_ref[...], preferred_element_type=jnp.float32)
    acc = acc + b_ref[...]
    if relu_out:
        acc = jnp.maximum(acc, 0.0)
    o_ref[...] = acc


def _linear(x, wt, b, blk, relu_in=False, relu_out=False):
    m, k = x.shape
    n = wt.shape[1]
    return pl.pallas_call(
        functools.partial(_mm_kernel, relu_in=relu_in, relu_out=relu_out),
        grid=(m // blk,),
        in_specs=[
            pl.BlockSpec((blk, k), lambda i: (i, 0)),
            pl.BlockSpec((k, n), lambda i: (0, 0)),
            pl.BlockSpec((1, n), lambda i: (0, 0)),
        ],
        out_specs=pl.BlockSpec((blk, n), lambda i: (i, 0)),
        out_shape=jax.ShapeDtypeStruct((m, n), jnp.float32),
    )(x, wt, b.reshape(1, n))


def _medge_kernel(p_ref, w_ref, b_ref, o_ref):
    z = jnp.dot(jnp.maximum(p_ref[...], 0.0), w_ref[...],
                preferred_element_type=jnp.float32) + b_ref[...]
    lo = z[:, :H]
    hi = z[:, H:]
    zz = jnp.concatenate([lo, lo, hi, hi], axis=1)
    o_ref[...] = zz.reshape(2 * z.shape[0], 2 * H)


def _medge(p, w2b, b22):
    blk = _EDGE_BLK
    return pl.pallas_call(
        _medge_kernel,
        grid=(E // 2 // blk,),
        in_specs=[
            pl.BlockSpec((blk, 2 * H), lambda i: (i, 0)),
            pl.BlockSpec((2 * H, 2 * H), lambda i: (0, 0)),
            pl.BlockSpec((1, 2 * H), lambda i: (0, 0)),
        ],
        out_specs=pl.BlockSpec((2 * blk, 2 * H), lambda i: (i, 0)),
        out_shape=jax.ShapeDtypeStruct((E, 2 * H), jnp.float32),
    )(p, w2b, b22.reshape(1, 2 * H))


def _init_kernel(x_ref, wpt_ref, bp_ref, wct_ref, bc_ref, h_ref, c_ref):
    h = jnp.maximum(
        jnp.dot(x_ref[...], wpt_ref[...], preferred_element_type=jnp.float32)
        + bp_ref[...], 0.0)
    h_ref[...] = h
    c_ref[...] = jnp.dot(h, wct_ref[...],
                         preferred_element_type=jnp.float32) + bc_ref[...]


def _init(x, wpt, bp, wct, bc):
    blk = _NODE_BLK
    return pl.pallas_call(
        _init_kernel,
        grid=(N // blk,),
        in_specs=[
            pl.BlockSpec((blk, DF), lambda i: (i, 0)),
            pl.BlockSpec((DF, H), lambda i: (0, 0)),
            pl.BlockSpec((1, H), lambda i: (0, 0)),
            pl.BlockSpec((H, 2 * H), lambda i: (0, 0)),
            pl.BlockSpec((1, 2 * H), lambda i: (0, 0)),
        ],
        out_specs=[
            pl.BlockSpec((blk, H), lambda i: (i, 0)),
            pl.BlockSpec((blk, 2 * H), lambda i: (i, 0)),
        ],
        out_shape=[
            jax.ShapeDtypeStruct((N, H), jnp.float32),
            jax.ShapeDtypeStruct((N, 2 * H), jnp.float32),
        ],
    )(x, wpt, bp.reshape(1, H), wct, bc.reshape(1, 2 * H))


def _head_kernel(agg_ref, h_ref, wct_ref, bc_ref, hn_ref, c_ref):
    hn = agg_ref[...] + h_ref[...]
    hn_ref[...] = hn
    c_ref[...] = jnp.dot(hn, wct_ref[...],
                         preferred_element_type=jnp.float32) + bc_ref[...]


def _head(agg, h, wct, bc):
    blk = _NODE_BLK
    return pl.pallas_call(
        _head_kernel,
        grid=(N // blk,),
        in_specs=[
            pl.BlockSpec((blk, H), lambda i: (i, 0)),
            pl.BlockSpec((blk, H), lambda i: (i, 0)),
            pl.BlockSpec((H, 2 * H), lambda i: (0, 0)),
            pl.BlockSpec((1, 2 * H), lambda i: (0, 0)),
        ],
        out_specs=[
            pl.BlockSpec((blk, H), lambda i: (i, 0)),
            pl.BlockSpec((blk, 2 * H), lambda i: (i, 0)),
        ],
        out_shape=[
            jax.ShapeDtypeStruct((N, H), jnp.float32),
            jax.ShapeDtypeStruct((N, 2 * H), jnp.float32),
        ],
    )(agg, h, wct, bc.reshape(1, 2 * H))


def _out_kernel(agg_ref, h_ref, w1_ref, b1_ref, w2_ref, b2_ref, o_ref):
    hn = agg_ref[...] + h_ref[...]
    t = jnp.maximum(
        jnp.dot(hn, w1_ref[...], preferred_element_type=jnp.float32)
        + b1_ref[...], 0.0)
    o_ref[...] = jnp.dot(t, w2_ref[...],
                         preferred_element_type=jnp.float32) + b2_ref[...]


def _out(agg, h, w1t, b1, w2t, b2):
    blk = _NODE_BLK
    hh = H // 2
    return pl.pallas_call(
        _out_kernel,
        grid=(N // blk,),
        in_specs=[
            pl.BlockSpec((blk, H), lambda i: (i, 0)),
            pl.BlockSpec((blk, H), lambda i: (i, 0)),
            pl.BlockSpec((H, hh), lambda i: (0, 0)),
            pl.BlockSpec((1, hh), lambda i: (0, 0)),
            pl.BlockSpec((hh, 1), lambda i: (0, 0)),
            pl.BlockSpec((1, 1), lambda i: (0, 0)),
        ],
        out_specs=pl.BlockSpec((blk, 1), lambda i: (i, 0)),
        out_shape=jax.ShapeDtypeStruct((N, 1), jnp.float32),
    )(agg, h, w1t, b1.reshape(1, hh), w2t, b2.reshape(1, 1))



def kernel(x, edge_index, batch, params):
    src = edge_index[0]
    dst = edge_index[1]

    lists, ngrp = _route(dst)

    def fold(p):
        s = p['g'] * jax.lax.rsqrt(p['rv'] + 1e-5)
        t = p['be'] - p['rm'] * s
        W1a = p['W1'][:, :H]
        W1b = p['W1'][:, H:]
        Wa = (W1a - W1b) * s[:, None]
        Wb = W1b * s[:, None]
        c = p['b1'] * s + t
        wct = jnp.concatenate([Wa.T, Wb.T], axis=1)
        bc = jnp.concatenate([c, jnp.zeros((H,), jnp.float32)])
        w2t = p['W2'].T
        z = jnp.zeros_like(w2t)
        w2blk = jnp.block([[w2t, z], [z, w2t]])
        b22 = jnp.concatenate([p['b2'], p['b2']])
        return wct, bc, w2blk, b22

    folds = [fold(p) for p in params['layers']]
    h, C = _init(x, params['Wp'].T, params['bp'], folds[0][0], folds[0][1])

    for l in range(L):
        _, _, w2b, b22 = folds[l]
        P = _gather_add(C, dst, src)
        Zd = _medge(P, w2b, b22)
        aggp = _scatter_max(Zd, lists, ngrp).reshape(_NW * _NPW, H)
        agg = lax.slice(aggp, (0, 0), (N, H))

        if l + 1 < L:
            h, C = _head(agg, h, folds[l + 1][0], folds[l + 1][1])
        else:
            o = _out(agg, h, params['Wo1'].T, params['bo1'],
                     params['Wo2'].T, params['bo2'])
    return jnp.squeeze(o, -1)

# --- scband reference (transcript-rebuilt; emitter-appended) ---
"""Pipeline reference for scband-dynamic-correlation-net-84207128805732 (READ-ONLY COPY).

The authoritative reference and input builder live on the scoring server;
editing this copy changes nothing except your own understanding.
"""

import jax, jax.numpy as jnp
import numpy as np

N = 10000
E = 320000
DF = 128
H = 64
L = 3


def _init_params(key):
    ks = jax.random.split(key, 4 + L)

    def lin(k, out_d, in_d):
        k1, k2 = jax.random.split(k)
        s = 1.0 / np.sqrt(in_d)
        W = jax.random.uniform(k1, (out_d, in_d), minval=-s, maxval=s, dtype=jnp.float32)
        b = jax.random.uniform(k2, (out_d,), minval=-s, maxval=s, dtype=jnp.float32)
        return W, b

    Wp, bp = lin(ks[0], H, DF)
    layers = []
    for l in range(L):
        k1, k2 = jax.random.split(ks[1 + l])
        W1, b1 = lin(k1, H, 2 * H)
        W2, b2 = lin(k2, H, H)
        layers.append({'W1': W1, 'b1': b1,
                       'g': jnp.ones((H,), jnp.float32), 'be': jnp.zeros((H,), jnp.float32),
                       'rm': jnp.zeros((H,), jnp.float32), 'rv': jnp.ones((H,), jnp.float32),
                       'W2': W2, 'b2': b2})
    Wo1, bo1 = lin(ks[1 + L], H // 2, H)
    Wo2, bo2 = lin(ks[2 + L], 1, H // 2)
    return {'Wp': Wp, 'bp': bp, 'layers': layers, 'Wo1': Wo1, 'bo1': bo1, 'Wo2': Wo2, 'bo2': bo2}


def setup_inputs(seed: int = 0):
    key = jax.random.key(seed)
    kx, ke, kp = jax.random.split(key, 3)
    x = jax.random.normal(kx, (N, DF), dtype=jnp.float32)
    edge_index = jax.random.randint(ke, (2, E), 0, N, dtype=jnp.int32)
    batch = jnp.zeros((N,), dtype=jnp.int32)
    params = _init_params(kp)
    return {'x': x, 'edge_index': edge_index, 'batch': batch, 'params': params}


def _forward(x, params, edge_index):
    # eval mode: BatchNorm uses running stats, dropout is identity
    src = edge_index[0]
    dst = edge_index[1]
    h = jax.nn.relu(x @ params['Wp'].T + params['bp'])
    for l in range(L):
        p = params['layers'][l]
        h_res = h
        # EdgeConv message: nn([x_i, x_j - x_i]) with i = dst (target), j = src (source)
        x_i = h[dst]
        x_j = h[src]
        m = jnp.concatenate([x_i, x_j - x_i], axis=1)
        z = m @ p['W1'].T + p['b1']
        z = (z - p['rm']) / jnp.sqrt(p['rv'] + 1e-5) * p['g'] + p['be']
        z = jax.nn.relu(z)
        z = z @ p['W2'].T + p['b2']
        # aggr='max' over incoming edges per destination node
        agg = jax.ops.segment_max(z, dst, num_segments=N)
        agg = jnp.where(jnp.isneginf(agg), 0.0, agg)
        h = jax.nn.relu(agg) + h_res
    o = jax.nn.relu(h @ params['Wo1'].T + params['bo1'])
    o = o @ params['Wo2'].T + params['bo2']
    return jnp.squeeze(o, -1)


def reference(x, edge_index, batch, params):
    return _forward(x, params, edge_index)

if __name__ == "__main__":
    import jax
    _d = setup_inputs()
    print(jax.jit(kernel)(*tuple(_d.values())))

</pallas_src>

<mosaic_0001>
#map = affine_map<(d0, d1) -> (0, 0)>
#map1 = affine_map<(d0, d1) -> (0)>
module attributes {stable_mosaic.version = 14 : i64} {
  func.func @_g_body(%arg0: i32, %arg1: i32, %arg2: memref<10000x128xf32, #tpu.memory_space<hbm>>, %arg3: memref<320000xi32, #tpu.memory_space<hbm>>, %arg4: memref<320000xi32, #tpu.memory_space<hbm>>, %arg5: memref<160000x128xf32, #tpu.memory_space<hbm>>, %arg6: memref<80xi32, #tpu.memory_space<vmem>>, %arg7: memref<80xi32, #tpu.memory_space<vmem>>, %arg8: memref<80x128xf32, #tpu.memory_space<vmem>>, %arg9: memref<80x128xf32, #tpu.memory_space<vmem>>, %arg10: memref<40x128xf32, #tpu.memory_space<vmem>>, %arg11: memref<!tpu.dma_semaphore, #tpu.memory_space<semaphore_mem>>, %arg12: memref<!tpu.dma_semaphore, #tpu.memory_space<semaphore_mem>>) attributes {dimension_semantics = [#tpu.dimension_semantics<core_parallel>, #tpu.dimension_semantics<subcore_parallel>], iteration_bounds = array<i64: 2, 16>, scalar_prefetch = 0 : i64, scratch_operands = 7 : i64, tpu.core_type = #tpu.core_type<sc_vector_subcore>, window_params = [{transform_indices = #map}, {transform_indices = #map1}, {transform_indices = #map1}, {transform_indices = #map}]} {
    %mul3A = arith.constant 2 : i32
    %mul3A_0 = arith.muli %arg1, %mul3A : i32
    %add3A = arith.addi %mul3A_0, %arg0 : i32
    %scan3A = arith.constant 0 : i32
    %scan3A_1 = arith.constant 0 : i32
    %scan3A_2 = arith.constant 125 : i32
    %scan3A_3 = arith.addi %scan3A_1, %scan3A_2 : i32
    %scan3A_4 = arith.constant 1 : i32
    scf.for %scan3A_6 = %scan3A_1 to %scan3A_3 step %scan3A_4  : i32 {
      %mul3A_7 = arith.constant 10000 : i32
      %mul3A_8 = arith.muli %add3A, %mul3A_7 : i32
      %mul3A_9 = arith.constant 80 : i32
      %mul3A_10 = arith.muli %scan3A_6, %mul3A_9 : i32
      %add3A_11 = arith.addi %mul3A_8, %mul3A_10 : i32
      %multiple_of3A = tpu.assume_multiple %add3A_11, 80 : i32
      %mul3A_12 = arith.constant 5000 : i32
      %mul3A_13 = arith.muli %add3A, %mul3A_12 : i32
      %mul3A_14 = arith.constant 40 : i32
      %mul3A_15 = arith.muli %scan3A_6, %mul3A_14 : i32
      %add3A_16 = arith.addi %mul3A_13, %mul3A_15 : i32
      %multiple_of3A_17 = tpu.assume_multiple %add3A_16, 40 : i32
      "tpu.region"() ({
        %run_scoped3A = tpu.sem_alloc : memref<!tpu.dma_semaphore, #tpu.memory_space<semaphore_mem>>
        %dma_start3A_34 = tpu.memref_slice %arg3[%multiple_of3A] : memref<320000xi32, #tpu.memory_space<hbm>> -> memref<80xi32, #tpu.memory_space<hbm>>
        %dma_start3A_35 = tpu.memref_slice %arg3[%multiple_of3A] : memref<320000xi32, #tpu.memory_space<hbm>> -> memref<80xi32, #tpu.memory_space<hbm>>
        tpu.enqueue_dma source(%dma_start3A_35 : memref<80xi32, #tpu.memory_space<hbm>>) target(%arg6 : memref<80xi32, #tpu.memory_space<vmem>>) target_semaphore(%run_scoped3A : memref<!tpu.dma_semaphore, #tpu.memory_space<semaphore_mem>>)
        %dma_wait3A_36 = tpu.memref_slice %arg3[%multiple_of3A] : memref<320000xi32, #tpu.memory_space<hbm>> -> memref<80xi32, #tpu.memory_space<hbm>>
        %dma_wait3A_37 = tpu.memref_slice %arg3[%multiple_of3A] : memref<320000xi32, #tpu.memory_space<hbm>> -> memref<80xi32, #tpu.memory_space<hbm>>
        tpu.wait_dma2 semaphore(%run_scoped3A : memref<!tpu.dma_semaphore, #tpu.memory_space<semaphore_mem>>) src(%dma_wait3A_37 : memref<80xi32, #tpu.memory_space<hbm>>) dst(%arg6 : memref<80xi32, #tpu.memory_space<vmem>>)
        tpu.yield
      }) : () -> ()
      "tpu.region"() ({
        %run_scoped3A = tpu.sem_alloc : memref<!tpu.dma_semaphore, #tpu.memory_space<semaphore_mem>>
        %dma_start3A_34 = tpu.memref_slice %arg4[%multiple_of3A] : memref<320000xi32, #tpu.memory_space<hbm>> -> memref<80xi32, #tpu.memory_space<hbm>>
        %dma_start3A_35 = tpu.memref_slice %arg4[%multiple_of3A] : memref<320000xi32, #tpu.memory_space<hbm>> -> memref<80xi32, #tpu.memory_space<hbm>>
        tpu.enqueue_dma source(%dma_start3A_35 : memref<80xi32, #tpu.memory_space<hbm>>) target(%arg7 : memref<80xi32, #tpu.memory_space<vmem>>) target_semaphore(%run_scoped3A : memref<!tpu.dma_semaphore, #tpu.memory_space<semaphore_mem>>)
        %dma_wait3A_36 = tpu.memref_slice %arg4[%multiple_of3A] : memref<320000xi32, #tpu.memory_space<hbm>> -> memref<80xi32, #tpu.memory_space<hbm>>
        %dma_wait3A_37 = tpu.memref_slice %arg4[%multiple_of3A] : memref<320000xi32, #tpu.memory_space<hbm>> -> memref<80xi32, #tpu.memory_space<hbm>>
        tpu.wait_dma2 semaphore(%run_scoped3A : memref<!tpu.dma_semaphore, #tpu.memory_space<semaphore_mem>>) src(%dma_wait3A_37 : memref<80xi32, #tpu.memory_space<hbm>>) dst(%arg7 : memref<80xi32, #tpu.memory_space<vmem>>)
        tpu.yield
      }) : () -> ()
      %dma_start3A = arith.constant 0 : i32
      %dma_start3A_18 = arith.constant 0 : i32
      %dma_start3A_19 = tpu.memref_slice %arg2[%dma_start3A, %dma_start3A_18] : memref<10000x128xf32, #tpu.memory_space<hbm>> -> memref<10000x128xf32, #tpu.memory_space<hbm>>
      tpu.enqueue_indirect_dma source(%dma_start3A_19 : memref<10000x128xf32, #tpu.memory_space<hbm>>) target(%arg8 : memref<80x128xf32, #tpu.memory_space<vmem>>) offsets(%arg6 : memref<80xi32, #tpu.memory_space<vmem>>) semaphore(%arg11 : memref<!tpu.dma_semaphore, #tpu.memory_space<semaphore_mem>>)
      %dma_start3A_20 = arith.constant 0 : i32
      %dma_start3A_21 = arith.constant 0 : i32
      %dma_start3A_22 = tpu.memref_slice %arg2[%dma_start3A_20, %dma_start3A_21] : memref<10000x128xf32, #tpu.memory_space<hbm>> -> memref<10000x128xf32, #tpu.memory_space<hbm>>
      tpu.enqueue_indirect_dma source(%dma_start3A_22 : memref<10000x128xf32, #tpu.memory_space<hbm>>) target(%arg9 : memref<80x128xf32, #tpu.memory_space<vmem>>) offsets(%arg7 : memref<80xi32, #tpu.memory_space<vmem>>) semaphore(%arg12 : memref<!tpu.dma_semaphore, #tpu.memory_space<semaphore_mem>>)
      %dma_wait3A = arith.constant 0 : i32
      %dma_wait3A_23 = arith.constant 0 : i32
      %dma_wait3A_24 = tpu.memref_slice %arg2[%dma_wait3A, %dma_wait3A_23] : memref<10000x128xf32, #tpu.memory_space<hbm>> -> memref<10000x128xf32, #tpu.memory_space<hbm>>
      tpu.wait_indirect_dma semaphore(%arg11 : memref<!tpu.dma_semaphore, #tpu.memory_space<semaphore_mem>>) src(%dma_wait3A_24 : memref<10000x128xf32, #tpu.memory_space<hbm>>) dst(%arg8 : memref<80x128xf32, #tpu.memory_space<vmem>>)
      %dma_wait3A_25 = arith.constant 0 : i32
      %dma_wait3A_26 = arith.constant 0 : i32
      %dma_wait3A_27 = tpu.memref_slice %arg2[%dma_wait3A_25, %dma_wait3A_26] : memref<10000x128xf32, #tpu.memory_space<hbm>> -> memref<10000x128xf32, #tpu.memory_space<hbm>>
      tpu.wait_indirect_dma semaphore(%arg12 : memref<!tpu.dma_semaphore, #tpu.memory_space<semaphore_mem>>) src(%dma_wait3A_27 : memref<10000x128xf32, #tpu.memory_space<hbm>>) dst(%arg9 : memref<80x128xf32, #tpu.memory_space<vmem>>)
      %scan3A_28 = arith.constant 0 : i32
      %scan3A_29 = arith.constant 0 : i32
      %scan3A_30 = arith.constant 40 : i32
      %scan3A_31 = arith.addi %scan3A_29, %scan3A_30 : i32
      %scan3A_32 = arith.constant 1 : i32
      scf.for %scan3A_34 = %scan3A_29 to %scan3A_31 step %scan3A_32  : i32 {
        %mul3A_35 = arith.constant 2 : i32
        %mul3A_36 = arith.muli %mul3A_35, %scan3A_34 : i32
        %get3A = arith.index_cast %mul3A_36 : i32 to index
        %get3A_37 = arith.constant 0 : index
        %get3A_38 = tpu.vector_load %arg8[%get3A, %get3A_37] {strides = array<i32>} : memref<80x128xf32, #tpu.memory_space<vmem>>, vector<1x16xf32>,
        %get3A_39 = vector.shape_cast %get3A_38 : vector<1x16xf32> to vector<16xf32>
        %mul3A_40 = arith.constant 2 : i32
        %mul3A_41 = arith.muli %mul3A_40, %scan3A_34 : i32
        %get3A_42 = arith.index_cast %mul3A_41 : i32 to index
        %get3A_43 = arith.constant 64 : index
        %get3A_44 = tpu.vector_load %arg9[%get3A_42, %get3A_43] {strides = array<i32>} : memref<80x128xf32, #tpu.memory_space<vmem>>, vector<1x16xf32>,
        %get3A_45 = vector.shape_cast %get3A_44 : vector<1x16xf32> to vector<16xf32>
        %add3A_46 = arith.addf %get3A_39, %get3A_45 : vector<16xf32>
        %swap3A = arith.index_cast %scan3A_34 : i32 to index
        %swap3A_47 = arith.constant 0 : index
        %swap3A_48 = tpu.vector_load %arg10[%swap3A, %swap3A_47] {strides = array<i32>} : memref<40x128xf32, #tpu.memory_space<vmem>>, vector<1x16xf32>,
        %swap3A_49 = vector.shape_cast %swap3A_48 : vector<1x16xf32> to vector<16xf32>
        %swap3A_50 = vector.shape_cast %add3A_46 : vector<16xf32> to vector<1x16xf32>
        tpu.vector_store %arg10[%swap3A, %swap3A_47], %swap3A_50 {strides = array<i32>} : memref<40x128xf32, #tpu.memory_space<vmem>>, vector<1x16xf32>,
        %mul3A_51 = arith.constant 2 : i32
        %mul3A_52 = arith.muli %mul3A_51, %scan3A_34 : i32
        %add3A_53 = arith.constant 1 : i32
        %add3A_54 = arith.addi %mul3A_52, %add3A_53 : i32
        %get3A_55 = arith.index_cast %add3A_54 : i32 to index
        %get3A_56 = arith.constant 0 : index
        %get3A_57 = tpu.vector_load %arg8[%get3A_55, %get3A_56] {strides = array<i32>} : memref<80x128xf32, #tpu.memory_space<vmem>>, vector<1x16xf32>,
        %get3A_58 = vector.shape_cast %get3A_57 : vector<1x16xf32> to vector<16xf32>
        %mul3A_59 = arith.constant 2 : i32
        %mul3A_60 = arith.muli %mul3A_59, %scan3A_34 : i32
        %add3A_61 = arith.constant 1 : i32
        %add3A_62 = arith.addi %mul3A_60, %add3A_61 : i32
        %get3A_63 = arith.index_cast %add3A_62 : i32 to index
        %get3A_64 = arith.constant 64 : index
        %get3A_65 = tpu.vector_load %arg9[%get3A_63, %get3A_64] {strides = array<i32>} : memref<80x128xf32, #tpu.memory_space<vmem>>, vector<1x16xf32>,
        %get3A_66 = vector.shape_cast %get3A_65 : vector<1x16xf32> to vector<16xf32>
        %add3A_67 = arith.addf %get3A_58, %get3A_66 : vector<16xf32>
        %swap3A_68 = arith.index_cast %scan3A_34 : i32 to index
        %swap3A_69 = arith.constant 64 : index
        %swap3A_70 = tpu.vector_load %arg10[%swap3A_68, %swap3A_69] {strides = array<i32>} : memref<40x128xf32, #tpu.memory_space<vmem>>, vector<1x16xf32>,
        %swap3A_71 = vector.shape_cast %swap3A_70 : vector<1x16xf32> to vector<16xf32>
        %swap3A_72 = vector.shape_cast %add3A_67 : vector<16xf32> to vector<1x16xf32>
        tpu.vector_store %arg10[%swap3A_68, %swap3A_69], %swap3A_72 {strides = array<i32>} : memref<40x128xf32, #tpu.memory_space<vmem>>, vector<1x16xf32>,
        %mul3A_73 = arith.constant 2 : i32
        %mul3A_74 = arith.muli %mul3A_73, %scan3A_34 : i32
        %get3A_75 = arith.index_cast %mul3A_74 : i32 to index
        %get3A_76 = arith.constant 16 : index
        %get3A_77 = tpu.vector_load %arg8[%get3A_75, %get3A_76] {strides = array<i32>} : memref<80x128xf32, #tpu.memory_space<vmem>>, vector<1x16xf32>,
        %get3A_78 = vector.shape_cast %get3A_77 : vector<1x16xf32> to vector<16xf32>
        %mul3A_79 = arith.constant 2 : i32
        %mul3A_80 = arith.muli %mul3A_79, %scan3A_34 : i32
        %get3A_81 = arith.index_cast %mul3A_80 : i32 to index
        %get3A_82 = arith.constant 80 : index
        %get3A_83 = tpu.vector_load %arg9[%get3A_81, %get3A_82] {strides = array<i32>} : memref<80x128xf32, #tpu.memory_space<vmem>>, vector<1x16xf32>,
        %get3A_84 = vector.shape_cast %get3A_83 : vector<1x16xf32> to vector<16xf32>
        %add3A_85 = arith.addf %get3A_78, %get3A_84 : vector<16xf32>
        %swap3A_86 = arith.index_cast %scan3A_34 : i32 to index
        %swap3A_87 = arith.constant 16 : index
        %swap3A_88 = tpu.vector_load %arg10[%swap3A_86, %swap3A_87] {strides = array<i32>} : memref<40x128xf32, #tpu.memory_space<vmem>>, vector<1x16xf32>,
        %swap3A_89 = vector.shape_cast %swap3A_88 : vector<1x16xf32> to vector<16xf32>
        %swap3A_90 = vector.shape_cast %add3A_85 : vector<16xf32> to vector<1x16xf32>
        tpu.vector_store %arg10[%swap3A_86, %swap3A_87], %swap3A_90 {strides = array<i32>} : memref<40x128xf32, #tpu.memory_space<vmem>>, vector<1x16xf32>,
        %mul3A_91 = arith.constant 2 : i32
        %mul3A_92 = arith.muli %mul3A_91, %scan3A_34 : i32
        %add3A_93 = arith.constant 1 : i32
        %add3A_94 = arith.addi %mul3A_92, %add3A_93 : i32
        %get3A_95 = arith.index_cast %add3A_94 : i32 to index
        %get3A_96 = arith.constant 16 : index
        %get3A_97 = tpu.vector_load %arg8[%get3A_95, %get3A_96] {strides = array<i32>} : memref<80x128xf32, #tpu.memory_space<vmem>>, vector<1x16xf32>,
        %get3A_98 = vector.shape_cast %get3A_97 : vector<1x16xf32> to vector<16xf32>
        %mul3A_99 = arith.constant 2 : i32
        %mul3A_100 = arith.muli %mul3A_99, %scan3A_34 : i32
        %add3A_101 = arith.constant 1 : i32
        %add3A_102 = arith.addi %mul3A_100, %add3A_101 : i32
        %get3A_103 = arith.index_cast %add3A_102 : i32 to index
        %get3A_104 = arith.constant 80 : index
        %get3A_105 = tpu.vector_load %arg9[%get3A_103, %get3A_104] {strides = array<i32>} : memref<80x128xf32, #tpu.memory_space<vmem>>, vector<1x16xf32>,
        %get3A_106 = vector.shape_cast %get3A_105 : vector<1x16xf32> to vector<16xf32>
        %add3A_107 = arith.addf %get3A_98, %get3A_106 : vector<16xf32>
        %swap3A_108 = arith.index_cast %scan3A_34 : i32 to index
        %swap3A_109 = arith.constant 80 : index
        %swap3A_110 = tpu.vector_load %arg10[%swap3A_108, %swap3A_109] {strides = array<i32>} : memref<40x128xf32, #tpu.memory_space<vmem>>, vector<1x16xf32>,
        %swap3A_111 = vector.shape_cast %swap3A_110 : vector<1x16xf32> to vector<16xf32>
        %swap3A_112 = vector.shape_cast %add3A_107 : vector<16xf32> to vector<1x16xf32>
        tpu.vector_store %arg10[%swap3A_108, %swap3A_109], %swap3A_112 {strides = array<i32>} : memref<40x128xf32, #tpu.memory_space<vmem>>, vector<1x16xf32>,
        %mul3A_113 = arith.constant 2 : i32
        %mul3A_114 = arith.muli %mul3A_113, %scan3A_34 : i32
        %get3A_115 = arith.index_cast %mul3A_114 : i32 to index
        %get3A_116 = arith.constant 32 : index
        %get3A_117 = tpu.vector_load %arg8[%get3A_115, %get3A_116] {strides = array<i32>} : memref<80x128xf32, #tpu.memory_space<vmem>>, vector<1x16xf32>,
        %get3A_118 = vector.shape_cast %get3A_117 : vector<1x16xf32> to vector<16xf32>
        %mul3A_119 = arith.constant 2 : i32
        %mul3A_120 = arith.muli %mul3A_119, %scan3A_34 : i32
        %get3A_121 = arith.index_cast %mul3A_120 : i32 to index
        %get3A_122 = arith.constant 96 : index
        %get3A_123 = tpu.vector_load %arg9[%get3A_121, %get3A_122] {strides = array<i32>} : memref<80x128xf32, #tpu.memory_space<vmem>>, vector<1x16xf32>,
        %get3A_124 = vector.shape_cast %get3A_123 : vector<1x16xf32> to vector<16xf32>
        %add3A_125 = arith.addf %get3A_118, %get3A_124 : vector<16xf32>
        %swap3A_126 = arith.index_cast %scan3A_34 : i32 to index
        %swap3A_127 = arith.constant 32 : index
        %swap3A_128 = tpu.vector_load %arg10[%swap3A_126, %swap3A_127] {strides = array<i32>} : memref<40x128xf32, #tpu.memory_space<vmem>>, vector<1x16xf32>,
        %swap3A_129 = vector.shape_cast %swap3A_128 : vector<1x16xf32> to vector<16xf32>
        %swap3A_130 = vector.shape_cast %add3A_125 : vector<16xf32> to vector<1x16xf32>
        tpu.vector_store %arg10[%swap3A_126, %swap3A_127], %swap3A_130 {strides = array<i32>} : memref<40x128xf32, #tpu.memory_space<vmem>>, vector<1x16xf32>,
        %mul3A_131 = arith.constant 2 : i32
        %mul3A_132 = arith.muli %mul3A_131, %scan3A_34 : i32
        %add3A_133 = arith.constant 1 : i32
        %add3A_134 = arith.addi %mul3A_132, %add3A_133 : i32
        %get3A_135 = arith.index_cast %add3A_134 : i32 to index
        %get3A_136 = arith.constant 32 : index
        %get3A_137 = tpu.vector_load %arg8[%get3A_135, %get3A_136] {strides = array<i32>} : memref<80x128xf32, #tpu.memory_space<vmem>>, vector<1x16xf32>,
        %get3A_138 = vector.shape_cast %get3A_137 : vector<1x16xf32> to vector<16xf32>
        %mul3A_139 = arith.constant 2 : i32
        %mul3A_140 = arith.muli %mul3A_139, %scan3A_34 : i32
        %add3A_141 = arith.constant 1 : i32
        %add3A_142 = arith.addi %mul3A_140, %add3A_141 : i32
        %get3A_143 = arith.index_cast %add3A_142 : i32 to index
        %get3A_144 = arith.constant 96 : index
        %get3A_145 = tpu.vector_load %arg9[%get3A_143, %get3A_144] {strides = array<i32>} : memref<80x128xf32, #tpu.memory_space<vmem>>, vector<1x16xf32>,
        %get3A_146 = vector.shape_cast %get3A_145 : vector<1x16xf32> to vector<16xf32>
        %add3A_147 = arith.addf %get3A_138, %get3A_146 : vector<16xf32>
        %swap3A_148 = arith.index_cast %scan3A_34 : i32 to index
        %swap3A_149 = arith.constant 96 : index
        %swap3A_150 = tpu.vector_load %arg10[%swap3A_148, %swap3A_149] {strides = array<i32>} : memref<40x128xf32, #tpu.memory_space<vmem>>, vector<1x16xf32>,
        %swap3A_151 = vector.shape_cast %swap3A_150 : vector<1x16xf32> to vector<16xf32>
        %swap3A_152 = vector.shape_cast %add3A_147 : vector<16xf32> to vector<1x16xf32>
        tpu.vector_store %arg10[%swap3A_148, %swap3A_149], %swap3A_152 {strides = array<i32>} : memref<40x128xf32, #tpu.memory_space<vmem>>, vector<1x16xf32>,
        %mul3A_153 = arith.constant 2 : i32
        %mul3A_154 = arith.muli %mul3A_153, %scan3A_34 : i32
        %get3A_155 = arith.index_cast %mul3A_154 : i32 to index
        %get3A_156 = arith.constant 48 : index
        %get3A_157 = tpu.vector_load %arg8[%get3A_155, %get3A_156] {strides = array<i32>} : memref<80x128xf32, #tpu.memory_space<vmem>>, vector<1x16xf32>,
        %get3A_158 = vector.shape_cast %get3A_157 : vector<1x16xf32> to vector<16xf32>
        %mul3A_159 = arith.constant 2 : i32
        %mul3A_160 = arith.muli %mul3A_159, %scan3A_34 : i32
        %get3A_161 = arith.index_cast %mul3A_160 : i32 to index
        %get3A_162 = arith.constant 112 : index
        %get3A_163 = tpu.vector_load %arg9[%get3A_161, %get3A_162] {strides = array<i32>} : memref<80x128xf32, #tpu.memory_space<vmem>>, vector<1x16xf32>,
        %get3A_164 = vector.shape_cast %get3A_163 : vector<1x16xf32> to vector<16xf32>
        %add3A_165 = arith.addf %get3A_158, %get3A_164 : vector<16xf32>
        %swap3A_166 = arith.index_cast %scan3A_34 : i32 to index
        %swap3A_167 = arith.constant 48 : index
        %swap3A_168 = tpu.vector_load %arg10[%swap3A_166, %swap3A_167] {strides = array<i32>} : memref<40x128xf32, #tpu.memory_space<vmem>>, vector<1x16xf32>,
        %swap3A_169 = vector.shape_cast %swap3A_168 : vector<1x16xf32> to vector<16xf32>
        %swap3A_170 = vector.shape_cast %add3A_165 : vector<16xf32> to vector<1x16xf32>
        tpu.vector_store %arg10[%swap3A_166, %swap3A_167], %swap3A_170 {strides = array<i32>} : memref<40x128xf32, #tpu.memory_space<vmem>>, vector<1x16xf32>,
        %mul3A_171 = arith.constant 2 : i32
        %mul3A_172 = arith.muli %mul3A_171, %scan3A_34 : i32
        %add3A_173 = arith.constant 1 : i32
        %add3A_174 = arith.addi %mul3A_172, %add3A_173 : i32
        %get3A_175 = arith.index_cast %add3A_174 : i32 to index
        %get3A_176 = arith.constant 48 : index
        %get3A_177 = tpu.vector_load %arg8[%get3A_175, %get3A_176] {strides = array<i32>} : memref<80x128xf32, #tpu.memory_space<vmem>>, vector<1x16xf32>,
        %get3A_178 = vector.shape_cast %get3A_177 : vector<1x16xf32> to vector<16xf32>
        %mul3A_179 = arith.constant 2 : i32
        %mul3A_180 = arith.muli %mul3A_179, %scan3A_34 : i32
        %add3A_181 = arith.constant 1 : i32
        %add3A_182 = arith.addi %mul3A_180, %add3A_181 : i32
        %get3A_183 = arith.index_cast %add3A_182 : i32 to index
        %get3A_184 = arith.constant 112 : index
        %get3A_185 = tpu.vector_load %arg9[%get3A_183, %get3A_184] {strides = array<i32>} : memref<80x128xf32, #tpu.memory_space<vmem>>, vector<1x16xf32>,
        %get3A_186 = vector.shape_cast %get3A_185 : vector<1x16xf32> to vector<16xf32>
        %add3A_187 = arith.addf %get3A_178, %get3A_186 : vector<16xf32>
        %swap3A_188 = arith.index_cast %scan3A_34 : i32 to index
        %swap3A_189 = arith.constant 112 : index
        %swap3A_190 = tpu.vector_load %arg10[%swap3A_188, %swap3A_189] {strides = array<i32>} : memref<40x128xf32, #tpu.memory_space<vmem>>, vector<1x16xf32>,
        %swap3A_191 = vector.shape_cast %swap3A_190 : vector<1x16xf32> to vector<16xf32>
        %swap3A_192 = vector.shape_cast %add3A_187 : vector<16xf32> to vector<1x16xf32>
        tpu.vector_store %arg10[%swap3A_188, %swap3A_189], %swap3A_192 {strides = array<i32>} : memref<40x128xf32, #tpu.memory_space<vmem>>, vector<1x16xf32>,
      }
      %scan3A_33 = arith.constant 40 : i32
      "tpu.region"() ({
        %run_scoped3A = tpu.sem_alloc : memref<!tpu.dma_semaphore, #tpu.memory_space<semaphore_mem>>
        %dma_start3A_34 = arith.constant 0 : i32
        %dma_start3A_35 = tpu.memref_slice %arg5[%multiple_of3A_17, %dma_start3A_34] : memref<160000x128xf32, #tpu.memory_space<hbm>> -> memref<40x128xf32, #tpu.memory_space<hbm>>
        %dma_start3A_36 = arith.constant 0 : i32
        %dma_start3A_37 = tpu.memref_slice %arg5[%multiple_of3A_17, %dma_start3A_36] : memref<160000x128xf32, #tpu.memory_space<hbm>> -> memref<40x128xf32, #tpu.memory_space<hbm>>
        tpu.enqueue_dma source(%arg10 : memref<40x128xf32, #tpu.memory_space<vmem>>) target(%dma_start3A_37 : memref<40x128xf32, #tpu.memory_space<hbm>>) target_semaphore(%run_scoped3A : memref<!tpu.dma_semaphore, #tpu.memory_space<semaphore_mem>>)
        %dma_wait3A_38 = arith.constant 0 : i32
        %dma_wait3A_39 = tpu.memref_slice %arg5[%multiple_of3A_17, %dma_wait3A_38] : memref<160000x128xf32, #tpu.memory_space<hbm>> -> memref<40x128xf32, #tpu.memory_space<hbm>>
        %dma_wait3A_40 = arith.constant 0 : i32
        %dma_wait3A_41 = tpu.memref_slice %arg5[%multiple_of3A_17, %dma_wait3A_40] : memref<160000x128xf32, #tpu.memory_space<hbm>> -> memref<40x128xf32, #tpu.memory_space<hbm>>
        tpu.wait_dma2 semaphore(%run_scoped3A : memref<!tpu.dma_semaphore, #tpu.memory_space<semaphore_mem>>) src(%arg10 : memref<40x128xf32, #tpu.memory_space<vmem>>) dst(%dma_wait3A_41 : memref<40x128xf32, #tpu.memory_space<hbm>>)
        tpu.yield
      }) : () -> ()
    }
    %scan3A_5 = arith.constant 125 : i32
    return
  }
}

#map = affine_map<(d0, d1) -> (0)>
#map1 = affine_map<(d0, d1) -> (0, 0, 0)>
#map2 = affine_map<(d0, d1) -> (0, 0)>
module attributes {stable_mosaic.version = 14 : i64} {
  func.func @_r_body(%arg0: i32, %arg1: i32, %arg2: memref<320000xi32, #tpu.memory_space<hbm>>, %arg3: memref<32x32x10240xi32, #tpu.memory_space<hbm>>, %arg4: memref<32x32xi32, #tpu.memory_space<hbm>>, %arg5: memref<1024xi32, #tpu.memory_space<vmem>>, %arg6: memref<36864xi32, #tpu.memory_space<vmem>>, %arg7: memref<32xi32, #tpu.memory_space<vmem>>, %arg8: memref<32xi32, #tpu.memory_space<vmem>>, %arg9: memref<32xi32, #tpu.memory_space<vmem>>) attributes {dimension_semantics = [#tpu.dimension_semantics<core_parallel>, #tpu.dimension_semantics<subcore_parallel>], iteration_bounds = array<i64: 2, 16>, scalar_prefetch = 0 : i64, scratch_operands = 5 : i64, tpu.core_type = #tpu.core_type<sc_vector_subcore>, window_params = [{transform_indices = #map}, {transform_indices = #map1}, {transform_indices = #map2}]} {
    %mul3A = arith.constant 2 : i32
    %mul3A_0 = arith.muli %arg1, %mul3A : i32
    %add3A = arith.addi %mul3A_0, %arg0 : i32
    %mul3A_1 = arith.constant 10000 : i32
    %mul3A_2 = arith.muli %add3A, %mul3A_1 : i32
    %broadcast_in_dim3A = arith.constant 0 : i32
    %broadcast_in_dim3A_3 = vector.broadcast %broadcast_in_dim3A : i32 to vector<16xi32>
    %broadcast_in_dim3A_4 = arith.constant 1 : i32
    %broadcast_in_dim3A_5 = vector.broadcast %broadcast_in_dim3A_4 : i32 to vector<16xi32>
    %scan3A = arith.constant 0 : i32
    %scan3A_6 = arith.constant 0 : i32
    %scan3A_7 = arith.constant 2304 : i32
    %scan3A_8 = arith.addi %scan3A_6, %scan3A_7 : i32
    %scan3A_9 = arith.constant 1 : i32
    scf.for %scan3A_57 = %scan3A_6 to %scan3A_8 step %scan3A_9  : i32 {
      %broadcast_in_dim3A_58 = arith.constant 320 : i32
      %broadcast_in_dim3A_59 = vector.broadcast %broadcast_in_dim3A_58 : i32 to vector<16xi32>
      %mul3A_60 = arith.constant 16 : i32
      %mul3A_61 = arith.muli %scan3A_57, %mul3A_60 : i32
      %swap3A_62 = arith.index_cast %mul3A_61 : i32 to index
      %swap3A_63 = tpu.vector_load %arg6[%swap3A_62] {strides = array<i32>} : memref<36864xi32, #tpu.memory_space<vmem>>, vector<16xi32>,
      tpu.vector_store %arg6[%swap3A_62], %broadcast_in_dim3A_59 {strides = array<i32>} : memref<36864xi32, #tpu.memory_space<vmem>>, vector<16xi32>,
    }
    %scan3A_10 = arith.constant 2304 : i32
    %swap3A = arith.constant 0 : index
    %swap3A_11 = tpu.vector_load %arg7[%swap3A] {strides = array<i32>} : memref<32xi32, #tpu.memory_space<vmem>>, vector<16xi32>,
    tpu.vector_store %arg7[%swap3A], %broadcast_in_dim3A_3 {strides = array<i32>} : memref<32xi32, #tpu.memory_space<vmem>>, vector<16xi32>,
    %swap3A_12 = arith.constant 16 : index
    %swap3A_13 = tpu.vector_load %arg7[%swap3A_12] {strides = array<i32>} : memref<32xi32, #tpu.memory_space<vmem>>, vector<16xi32>,
    tpu.vector_store %arg7[%swap3A_12], %broadcast_in_dim3A_3 {strides = array<i32>} : memref<32xi32, #tpu.memory_space<vmem>>, vector<16xi32>,
    %swap3A_14 = arith.constant 0 : index
    %swap3A_15 = tpu.vector_load %arg8[%swap3A_14] {strides = array<i32>} : memref<32xi32, #tpu.memory_space<vmem>>, vector<16xi32>,
    tpu.vector_store %arg8[%swap3A_14], %broadcast_in_dim3A_3 {strides = array<i32>} : memref<32xi32, #tpu.memory_space<vmem>>, vector<16xi32>,
    %swap3A_16 = arith.constant 16 : index
    %swap3A_17 = tpu.vector_load %arg8[%swap3A_16] {strides = array<i32>} : memref<32xi32, #tpu.memory_space<vmem>>, vector<16xi32>,
    tpu.vector_store %arg8[%swap3A_16], %broadcast_in_dim3A_3 {strides = array<i32>} : memref<32xi32, #tpu.memory_space<vmem>>, vector<16xi32>,
    %scan3A_18 = arith.constant 0 : i32
    %scan3A_19 = arith.constant 0 : i32
    %scan3A_20 = arith.constant 9 : i32
    %scan3A_21 = arith.addi %scan3A_19, %scan3A_20 : i32
    %scan3A_22 = arith.constant 1 : i32
    scf.for %scan3A_57 = %scan3A_19 to %scan3A_21 step %scan3A_22  : i32 {
      %mul3A_58 = arith.constant 1024 : i32
      %mul3A_59 = arith.muli %scan3A_57, %mul3A_58 : i32
      %add3A_60 = arith.addi %mul3A_2, %mul3A_59 : i32
      %multiple_of3A_61 = tpu.assume_multiple %add3A_60, 8 : i32
      "tpu.region"() ({
        %run_scoped3A = tpu.sem_alloc : memref<!tpu.dma_semaphore, #tpu.memory_space<semaphore_mem>>
        %dma_start3A = tpu.memref_slice %arg2[%multiple_of3A_61] : memref<320000xi32, #tpu.memory_space<hbm>> -> memref<1024xi32, #tpu.memory_space<hbm>>
        %dma_start3A_74 = tpu.memref_slice %arg2[%multiple_of3A_61] : memref<320000xi32, #tpu.memory_space<hbm>> -> memref<1024xi32, #tpu.memory_space<hbm>>
        tpu.enqueue_dma source(%dma_start3A_74 : memref<1024xi32, #tpu.memory_space<hbm>>) target(%arg5 : memref<1024xi32, #tpu.memory_space<vmem>>) target_semaphore(%run_scoped3A : memref<!tpu.dma_semaphore, #tpu.memory_space<semaphore_mem>>)
        %dma_wait3A = tpu.memref_slice %arg2[%multiple_of3A_61] : memref<320000xi32, #tpu.memory_space<hbm>> -> memref<1024xi32, #tpu.memory_space<hbm>>
        %dma_wait3A_75 = tpu.memref_slice %arg2[%multiple_of3A_61] : memref<320000xi32, #tpu.memory_space<hbm>> -> memref<1024xi32, #tpu.memory_space<hbm>>
        tpu.wait_dma2 semaphore(%run_scoped3A : memref<!tpu.dma_semaphore, #tpu.memory_space<semaphore_mem>>) src(%dma_wait3A_75 : memref<1024xi32, #tpu.memory_space<hbm>>) dst(%arg5 : memref<1024xi32, #tpu.memory_space<vmem>>)
        tpu.yield
      }) : () -> ()
      %scan3A_62 = arith.constant 0 : i32
      %scan3A_63 = arith.constant 0 : i32
      %scan3A_64 = arith.constant 64 : i32
      %scan3A_65 = arith.addi %scan3A_63, %scan3A_64 : i32
      %scan3A_66 = arith.constant 1 : i32
      scf.for %scan3A_74 = %scan3A_63 to %scan3A_65 step %scan3A_66  : i32 {
        %mul3A_75 = arith.constant 16 : i32
        %mul3A_76 = arith.muli %scan3A_74, %mul3A_75 : i32
        %get3A_77 = arith.index_cast %mul3A_76 : i32 to index
        %get3A_78 = tpu.vector_load %arg5[%get3A_77] {strides = array<i32>} : memref<1024xi32, #tpu.memory_space<vmem>>, vector<16xi32>,
        %jit3A = arith.constant 320 : i32
        %div3A = vector.broadcast %jit3A : i32 to vector<16xi32>
        %div3A_79 = arith.divsi %get3A_78, %div3A : vector<16xi32>
        %sign3A = arith.constant 0 : i32
        %sign3A_80 = vector.broadcast %sign3A : i32 to vector<16xi32>
        %sign3A_81 = arith.cmpi sgt, %get3A_78, %sign3A_80 : vector<16xi32>
        %sign3A_82 = arith.extui %sign3A_81 : vector<16xi1> to vector<16xi32>
        %sign3A_83 = arith.constant 0 : i32
        %sign3A_84 = vector.broadcast %sign3A_83 : i32 to vector<16xi32>
        %sign3A_85 = arith.cmpi slt, %get3A_78, %sign3A_84 : vector<16xi32>
        %sign3A_86 = arith.extui %sign3A_85 : vector<16xi1> to vector<16xi32>
        %sign3A_87 = arith.subi %sign3A_82, %sign3A_86 : vector<16xi32>
        %sign3A_88 = arith.constant 0 : i32
        %sign3A_89 = arith.cmpi sgt, %jit3A, %sign3A_88 : i32
        %sign3A_90 = arith.extui %sign3A_89 : i1 to i32
        %sign3A_91 = arith.constant 0 : i32
        %sign3A_92 = arith.cmpi slt, %jit3A, %sign3A_91 : i32
        %sign3A_93 = arith.extui %sign3A_92 : i1 to i32
        %sign3A_94 = arith.subi %sign3A_90, %sign3A_93 : i32
        %ne3A = vector.broadcast %sign3A_94 : i32 to vector<16xi32>
        %ne3A_95 = arith.cmpi ne, %sign3A_87, %ne3A : vector<16xi32>
        %rem3A = vector.broadcast %jit3A : i32 to vector<16xi32>
        %rem3A_96 = arith.remsi %get3A_78, %rem3A : vector<16xi32>
        %ne3A_97 = arith.constant 0 : i32
        %ne3A_98 = vector.broadcast %ne3A_97 : i32 to vector<16xi32>
        %ne3A_99 = arith.cmpi ne, %rem3A_96, %ne3A_98 : vector<16xi32>
        %and3A = arith.andi %ne3A_95, %ne3A_99 : vector<16xi1>
        %sub3A = arith.constant 1 : i32
        %sub3A_100 = vector.broadcast %sub3A : i32 to vector<16xi32>
        %sub3A_101 = arith.subi %div3A_79, %sub3A_100 : vector<16xi32>
        %select_n3A = arith.select %and3A, %sub3A_101, %div3A_79 : vector<16xi1>, vector<16xi32>
        %mul3A_102 = arith.constant 16 : i32
        %mul3A_103 = arith.muli %scan3A_74, %mul3A_102 : i32
        %add3A_104 = arith.addi %multiple_of3A_61, %mul3A_103 : i32
        %iota3A = tpu.iota {dimensions = array<i32: 0>} : vector<16xi32>
        %add3A_105 = vector.broadcast %add3A_104 : i32 to vector<16xi32>
        %add3A_106 = arith.addi %add3A_105, %iota3A : vector<16xi32>
        %shift_left3A = arith.constant 9 : i32
        %shift_left3A_107 = vector.broadcast %shift_left3A : i32 to vector<16xi32>
        %shift_left3A_108 = arith.shli %add3A_106, %shift_left3A_107 : vector<16xi32>
        %mul3A_109 = arith.constant 320 : i32
        %mul3A_110 = vector.broadcast %mul3A_109 : i32 to vector<16xi32>
        %mul3A_111 = arith.muli %select_n3A, %mul3A_110 : vector<16xi32>
        %sub3A_112 = arith.subi %get3A_78, %mul3A_111 : vector<16xi32>
        %or3A = arith.ori %shift_left3A_108, %sub3A_112 : vector<16xi32>
        %iota3A_113 = tpu.iota {dimensions = array<i32: 0>} : vector<16xi32>
        %masked_sort3A = arith.constant dense<true> : vector<16xi1>
        %masked_sort3A_114 = arith.constant -2147483648 : i32
        %masked_sort3A_115 = vector.broadcast %masked_sort3A_114 : i32 to vector<16xi32>
        %masked_sort3A_116 = arith.xori %select_n3A, %masked_sort3A_115 : vector<16xi32>
        %masked_sort3A_117, %masked_sort3A_118, %masked_sort3A_119 = tpu.sort %masked_sort3A_116, %iota3A_113 masked %masked_sort3A : (vector<16xi32>, vector<16xi32>, vector<16xi1>) -> (vector<16xi1>, vector<16xi32>, vector<16xi32>)
        %masked_sort3A_120 = arith.xori %masked_sort3A_118, %masked_sort3A_115 : vector<16xi32>
        %broadcast_in_dim3A_121 = vector.shape_cast %masked_sort3A_119 : vector<16xi32> to vector<16x1xi32>
        %gather3A = vector.shape_cast %broadcast_in_dim3A_121 : vector<16x1xi32> to vector<16xi32>
        %gather3A_122 = tpu.dynamic_gather %or3A[%gather3A] in [0] : vector<16xi32>, vector<16xi32> -> vector<16xi32>
        %iota3A_123 = tpu.iota {dimensions = array<i32: 0>} : vector<16xi32>
        %sub3A_124 = arith.constant 1 : i32
        %sub3A_125 = vector.broadcast %sub3A_124 : i32 to vector<16xi32>
        %sub3A_126 = arith.subi %iota3A_123, %sub3A_125 : vector<16xi32>
        %max3A = arith.constant 0 : i32
        %max3A_127 = vector.broadcast %max3A : i32 to vector<16xi32>
        %max3A_128 = arith.maxsi %sub3A_126, %max3A_127 : vector<16xi32>
        %broadcast_in_dim3A_129 = vector.shape_cast %max3A_128 : vector<16xi32> to vector<16x1xi32>
        %gather3A_130 = vector.shape_cast %broadcast_in_dim3A_129 : vector<16x1xi32> to vector<16xi32>
        %gather3A_131 = tpu.dynamic_gather %masked_sort3A_120[%gather3A_130] in [0] : vector<16xi32>, vector<16xi32> -> vector<16xi32>
        %iota3A_132 = tpu.iota {dimensions = array<i32: 0>} : vector<16xi32>
        %eq3A = arith.constant 0 : i32
        %eq3A_133 = vector.broadcast %eq3A : i32 to vector<16xi32>
        %eq3A_134 = arith.cmpi eq, %iota3A_132, %eq3A_133 : vector<16xi32>
        %ne3A_135 = arith.cmpi ne, %masked_sort3A_120, %gather3A_131 : vector<16xi32>
        %or3A_136 = arith.ori %eq3A_134, %ne3A_135 : vector<16xi1>
        %iota3A_137 = tpu.iota {dimensions = array<i32: 0>} : vector<16xi32>
        %jit3A_138 = arith.constant 0 : i32
        %broadcast_in_dim3A_139 = vector.broadcast %jit3A_138 : i32 to vector<16xi32>
        %select_n3A_140 = arith.select %or3A_136, %iota3A_137, %broadcast_in_dim3A_139 : vector<16xi1>, vector<16xi32>
        %broadcast_in_dim3A_141 = arith.constant true
        %broadcast_in_dim3A_142 = vector.broadcast %broadcast_in_dim3A_141 : i1 to vector<16xi1>
        %masked_cummax3A = arith.constant -2147483648 : i32
        %masked_cummax3A_143 = vector.broadcast %masked_cummax3A : i32 to vector<16xi32>
        %masked_cummax3A_144 = arith.xori %select_n3A_140, %masked_cummax3A_143 : vector<16xi32>
        %masked_cummax3A_145 = tpu.scan <max>, %masked_cummax3A_144 masked %broadcast_in_dim3A_142 : vector<16xi32>, vector<16xi1> -> vector<16xi32>
        %masked_cummax3A_146 = arith.xori %masked_cummax3A_145, %masked_cummax3A_143 : vector<16xi32>
        %iota3A_147 = tpu.iota {dimensions = array<i32: 0>} : vector<16xi32>
        %sub3A_148 = arith.subi %iota3A_147, %masked_cummax3A_146 : vector<16xi32>
        %gather3A_149 = tpu.vector_load_idx %arg7[%masked_sort3A_120] : memref<32xi32, #tpu.memory_space<vmem>>[vector<16xi32>], vector<16xi32>,
        %mul3A_150 = arith.constant 1152 : i32
        %mul3A_151 = vector.broadcast %mul3A_150 : i32 to vector<16xi32>
        %mul3A_152 = arith.muli %masked_sort3A_120, %mul3A_151 : vector<16xi32>
        %add3A_153 = arith.addi %mul3A_152, %gather3A_149 : vector<16xi32>
        %add3A_154 = arith.addi %add3A_153, %sub3A_148 : vector<16xi32>
        tpu.vector_store_idx %arg6[%add3A_154], %gather3A_122 : memref<36864xi32, #tpu.memory_space<vmem>>[vector<16xi32>], vector<16xi32>,
        tpu.vector_store_idx %arg7[%masked_sort3A_120], %broadcast_in_dim3A_5 {add = true} : memref<32xi32, #tpu.memory_space<vmem>>[vector<16xi32>], vector<16xi32>,
      }
      %scan3A_67 = arith.constant 64 : i32
      %scan3A_68 = arith.constant 0 : i32
      %scan3A_69 = arith.constant 0 : i32
      %scan3A_70 = arith.constant 32 : i32
      %scan3A_71 = arith.addi %scan3A_69, %scan3A_70 : i32
      %scan3A_72 = arith.constant 1 : i32
      scf.for %scan3A_74 = %scan3A_69 to %scan3A_71 step %scan3A_72  : i32 {
        %shift_right_arithmetic3A = arith.constant 4 : i32
        %shift_right_arithmetic3A_75 = arith.shrsi %scan3A_74, %shift_right_arithmetic3A : i32
        %shift_left3A = arith.constant 4 : i32
        %shift_left3A_76 = arith.shli %shift_right_arithmetic3A_75, %shift_left3A : i32
        %multiple_of3A_77 = tpu.assume_multiple %shift_left3A_76, 16 : i32
        %get3A_78 = arith.index_cast %multiple_of3A_77 : i32 to index
        %get3A_79 = tpu.vector_load %arg7[%get3A_78] {strides = array<i32>} : memref<32xi32, #tpu.memory_space<vmem>>, vector<16xi32>,
        %and3A = arith.constant 15 : i32
        %and3A_80 = arith.andi %scan3A_74, %and3A : i32
        %broadcast_in_dim3A_81 = vector.broadcast %and3A_80 : i32 to vector<16xi32>
        %broadcast_in_dim3A_82 = vector.shape_cast %broadcast_in_dim3A_81 : vector<16xi32> to vector<16x1xi32>
        %gather3A = vector.shape_cast %broadcast_in_dim3A_82 : vector<16x1xi32> to vector<16xi32>
        %gather3A_83 = tpu.dynamic_gather %get3A_79[%gather3A] in [0] : vector<16xi32>, vector<16xi32> -> vector<16xi32>
        %slice3A = vector.extract_strided_slice %gather3A_83 {offsets = [0], sizes = [1], strides = [1]} : vector<16xi32> to vector<1xi32>
        %squeeze3A = vector.extract %slice3A[0] : i32 from vector<1xi32>
        %shift_right_arithmetic3A_84 = arith.constant 7 : i32
        %shift_right_arithmetic3A_85 = arith.shrsi %squeeze3A, %shift_right_arithmetic3A_84 : i32
        %shift_right_arithmetic3A_86 = arith.constant 4 : i32
        %shift_right_arithmetic3A_87 = arith.shrsi %scan3A_74, %shift_right_arithmetic3A_86 : i32
        %shift_left3A_88 = arith.constant 4 : i32
        %shift_left3A_89 = arith.shli %shift_right_arithmetic3A_87, %shift_left3A_88 : i32
        %multiple_of3A_90 = tpu.assume_multiple %shift_left3A_89, 16 : i32
        %get3A_91 = arith.index_cast %multiple_of3A_90 : i32 to index
        %get3A_92 = tpu.vector_load %arg8[%get3A_91] {strides = array<i32>} : memref<32xi32, #tpu.memory_space<vmem>>, vector<16xi32>,
        %and3A_93 = arith.constant 15 : i32
        %and3A_94 = arith.andi %scan3A_74, %and3A_93 : i32
        %broadcast_in_dim3A_95 = vector.broadcast %and3A_94 : i32 to vector<16xi32>
        %broadcast_in_dim3A_96 = vector.shape_cast %broadcast_in_dim3A_95 : vector<16xi32> to vector<16x1xi32>
        %gather3A_97 = vector.shape_cast %broadcast_in_dim3A_96 : vector<16x1xi32> to vector<16xi32>
        %gather3A_98 = tpu.dynamic_gather %get3A_92[%gather3A_97] in [0] : vector<16xi32>, vector<16xi32> -> vector<16xi32>
        %slice3A_99 = vector.extract_strided_slice %gather3A_98 {offsets = [0], sizes = [1], strides = [1]} : vector<16xi32> to vector<1xi32>
        %squeeze3A_100 = vector.extract %slice3A_99[0] : i32 from vector<1xi32>
        %while3A = arith.constant 0 : i32
        %while3A_101 = arith.constant 0 : i32
        %while3A_102 = arith.subi %shift_right_arithmetic3A_85, %while3A_101 : i32
        %while3A_103 = arith.addi %while3A_101, %while3A_102 : i32
        %while3A_104 = arith.constant 1 : i32
        %while3A_105 = arith.divsi %while3A_102, %while3A_104 : i32
        %while3A_106 = arith.muli %while3A_105, %while3A_104 : i32
        %while3A_107 = arith.addi %while3A_101, %while3A_106 : i32
        %while3A_108 = arith.constant 1 : i32
        scf.for %while3A_112 = %while3A_101 to %while3A_107 step %while3A_108  : i32 {
          %mul3A_113 = arith.constant 1152 : i32
          %mul3A_114 = arith.muli %scan3A_74, %mul3A_113 : i32
          %mul3A_115 = arith.constant 128 : i32
          %mul3A_116 = arith.muli %while3A_112, %mul3A_115 : i32
          %add3A_117 = arith.addi %mul3A_114, %mul3A_116 : i32
          %multiple_of3A_118 = tpu.assume_multiple %add3A_117, 128 : i32
          %add3A_119 = arith.addi %squeeze3A_100, %while3A_112 : i32
          %mul3A_120 = arith.constant 128 : i32
          %mul3A_121 = arith.muli %add3A_119, %mul3A_120 : i32
          %multiple_of3A_122 = tpu.assume_multiple %mul3A_121, 128 : i32
          "tpu.region"() ({
            %run_scoped3A = tpu.sem_alloc : memref<!tpu.dma_semaphore, #tpu.memory_space<semaphore_mem>>
            %dma_start3A = tpu.memref_slice %arg6[%multiple_of3A_118] : memref<36864xi32, #tpu.memory_space<vmem>> -> memref<128xi32, #tpu.memory_space<vmem>>
            %dma_start3A_123 = tpu.memref_slice %arg3[%add3A, %scan3A_74, %multiple_of3A_122] : memref<32x32x10240xi32, #tpu.memory_space<hbm>> -> memref<1x1x128xi32, #tpu.memory_space<hbm>>
            %dma_start3A_124 = tpu.memref_squeeze %dma_start3A_123 : memref<1x1x128xi32, #tpu.memory_space<hbm>> -> memref<128xi32, #tpu.memory_space<hbm>>
            %dma_start3A_125 = tpu.memref_slice %arg3[%add3A, %scan3A_74, %multiple_of3A_122] : memref<32x32x10240xi32, #tpu.memory_space<hbm>> -> memref<1x1x128xi32, #tpu.memory_space<hbm>>
            %dma_start3A_126 = tpu.memref_squeeze %dma_start3A_125 : memref<1x1x128xi32, #tpu.memory_space<hbm>> -> memref<128xi32, #tpu.memory_space<hbm>>
            %dma_start3A_127 = tpu.memref_slice %arg6[%multiple_of3A_118] : memref<36864xi32, #tpu.memory_space<vmem>> -> memref<128xi32, #tpu.memory_space<vmem>>
            tpu.enqueue_dma source(%dma_start3A_127 : memref<128xi32, #tpu.memory_space<vmem>>) target(%dma_start3A_126 : memref<128xi32, #tpu.memory_space<hbm>>) target_semaphore(%run_scoped3A : memref<!tpu.dma_semaphore, #tpu.memory_space<semaphore_mem>>)
            %dma_wait3A = tpu.memref_slice %arg6[%multiple_of3A_118] : memref<36864xi32, #tpu.memory_space<vmem>> -> memref<128xi32, #tpu.memory_space<vmem>>
            %dma_wait3A_128 = tpu.memref_slice %arg3[%add3A, %scan3A_74, %multiple_of3A_122] : memref<32x32x10240xi32, #tpu.memory_space<hbm>> -> memref<1x1x128xi32, #tpu.memory_space<hbm>>
            %dma_wait3A_129 = tpu.memref_squeeze %dma_wait3A_128 : memref<1x1x128xi32, #tpu.memory_space<hbm>> -> memref<128xi32, #tpu.memory_space<hbm>>
            %dma_wait3A_130 = tpu.memref_slice %arg3[%add3A, %scan3A_74, %multiple_of3A_122] : memref<32x32x10240xi32, #tpu.memory_space<hbm>> -> memref<1x1x128xi32, #tpu.memory_space<hbm>>
            %dma_wait3A_131 = tpu.memref_squeeze %dma_wait3A_130 : memref<1x1x128xi32, #tpu.memory_space<hbm>> -> memref<128xi32, #tpu.memory_space<hbm>>
            %dma_wait3A_132 = tpu.memref_slice %arg6[%multiple_of3A_118] : memref<36864xi32, #tpu.memory_space<vmem>> -> memref<128xi32, #tpu.memory_space<vmem>>
            tpu.wait_dma2 semaphore(%run_scoped3A : memref<!tpu.dma_semaphore, #tpu.memory_space<semaphore_mem>>) src(%dma_wait3A_132 : memref<128xi32, #tpu.memory_space<vmem>>) dst(%dma_wait3A_131 : memref<128xi32, #tpu.memory_space<hbm>>)
            tpu.yield
          }) : () -> ()
        }
        %while3A_109 = arith.constant 1 : i32
        scf.for %while3A_112 = %while3A_107 to %while3A_103 step %while3A_109  : i32 {
          %mul3A_113 = arith.constant 1152 : i32
          %mul3A_114 = arith.muli %scan3A_74, %mul3A_113 : i32
          %mul3A_115 = arith.constant 128 : i32
          %mul3A_116 = arith.muli %while3A_112, %mul3A_115 : i32
          %add3A_117 = arith.addi %mul3A_114, %mul3A_116 : i32
          %multiple_of3A_118 = tpu.assume_multiple %add3A_117, 128 : i32
          %add3A_119 = arith.addi %squeeze3A_100, %while3A_112 : i32
          %mul3A_120 = arith.constant 128 : i32
          %mul3A_121 = arith.muli %add3A_119, %mul3A_120 : i32
          %multiple_of3A_122 = tpu.assume_multiple %mul3A_121, 128 : i32
          "tpu.region"() ({
            %run_scoped3A = tpu.sem_alloc : memref<!tpu.dma_semaphore, #tpu.memory_space<semaphore_mem>>
            %dma_start3A = tpu.memref_slice %arg6[%multiple_of3A_118] : memref<36864xi32, #tpu.memory_space<vmem>> -> memref<128xi32, #tpu.memory_space<vmem>>
            %dma_start3A_123 = tpu.memref_slice %arg3[%add3A, %scan3A_74, %multiple_of3A_122] : memref<32x32x10240xi32, #tpu.memory_space<hbm>> -> memref<1x1x128xi32, #tpu.memory_space<hbm>>
            %dma_start3A_124 = tpu.memref_squeeze %dma_start3A_123 : memref<1x1x128xi32, #tpu.memory_space<hbm>> -> memref<128xi32, #tpu.memory_space<hbm>>
            %dma_start3A_125 = tpu.memref_slice %arg3[%add3A, %scan3A_74, %multiple_of3A_122] : memref<32x32x10240xi32, #tpu.memory_space<hbm>> -> memref<1x1x128xi32, #tpu.memory_space<hbm>>
            %dma_start3A_126 = tpu.memref_squeeze %dma_start3A_125 : memref<1x1x128xi32, #tpu.memory_space<hbm>> -> memref<128xi32, #tpu.memory_space<hbm>>
            %dma_start3A_127 = tpu.memref_slice %arg6[%multiple_of3A_118] : memref<36864xi32, #tpu.memory_space<vmem>> -> memref<128xi32, #tpu.memory_space<vmem>>
            tpu.enqueue_dma source(%dma_start3A_127 : memref<128xi32, #tpu.memory_space<vmem>>) target(%dma_start3A_126 : memref<128xi32, #tpu.memory_space<hbm>>) target_semaphore(%run_scoped3A : memref<!tpu.dma_semaphore, #tpu.memory_space<semaphore_mem>>)
            %dma_wait3A = tpu.memref_slice %arg6[%multiple_of3A_118] : memref<36864xi32, #tpu.memory_space<vmem>> -> memref<128xi32, #tpu.memory_space<vmem>>
            %dma_wait3A_128 = tpu.memref_slice %arg3[%add3A, %scan3A_74, %multiple_of3A_122] : memref<32x32x10240xi32, #tpu.memory_space<hbm>> -> memref<1x1x128xi32, #tpu.memory_space<hbm>>
            %dma_wait3A_129 = tpu.memref_squeeze %dma_wait3A_128 : memref<1x1x128xi32, #tpu.memory_space<hbm>> -> memref<128xi32, #tpu.memory_space<hbm>>
            %dma_wait3A_130 = tpu.memref_slice %arg3[%add3A, %scan3A_74, %multiple_of3A_122] : memref<32x32x10240xi32, #tpu.memory_space<hbm>> -> memref<1x1x128xi32, #tpu.memory_space<hbm>>
            %dma_wait3A_131 = tpu.memref_squeeze %dma_wait3A_130 : memref<1x1x128xi32, #tpu.memory_space<hbm>> -> memref<128xi32, #tpu.memory_space<hbm>>
            %dma_wait3A_132 = tpu.memref_slice %arg6[%multiple_of3A_118] : memref<36864xi32, #tpu.memory_space<vmem>> -> memref<128xi32, #tpu.memory_space<vmem>>
            tpu.wait_dma2 semaphore(%run_scoped3A : memref<!tpu.dma_semaphore, #tpu.memory_space<semaphore_mem>>) src(%dma_wait3A_132 : memref<128xi32, #tpu.memory_space<vmem>>) dst(%dma_wait3A_131 : memref<128xi32, #tpu.memory_space<hbm>>)
            tpu.yield
          }) : () -> ()
        }
        %gt3A = arith.constant 0 : i32
        %gt3A_110 = arith.cmpi sgt, %shift_right_arithmetic3A_85, %gt3A : i32
        %convert_element_type3A = arith.extui %gt3A_110 : i1 to i32
        %cond3A = arith.constant 0 : i32
        %cond3A_111 = arith.cmpi ne, %convert_element_type3A, %cond3A : i32
        scf.if %cond3A_111 {
          %mul3A_112 = arith.constant 1152 : i32
          %mul3A_113 = arith.muli %scan3A_74, %mul3A_112 : i32
          %mul3A_114 = arith.constant 128 : i32
          %mul3A_115 = arith.muli %shift_right_arithmetic3A_85, %mul3A_114 : i32
          %add3A_116 = arith.addi %mul3A_113, %mul3A_115 : i32
          %add3A_117 = arith.constant 0 : i32
          %add3A_118 = arith.addi %add3A_116, %add3A_117 : i32
          %get3A_119 = arith.index_cast %add3A_118 : i32 to index
          %get3A_120 = tpu.vector_load %arg6[%get3A_119] {strides = array<i32>} : memref<36864xi32, #tpu.memory_space<vmem>>, vector<16xi32>,
          %mul3A_121 = arith.constant 1152 : i32
          %mul3A_122 = arith.muli %scan3A_74, %mul3A_121 : i32
          %add3A_123 = arith.constant 0 : i32
          %add3A_124 = arith.addi %mul3A_122, %add3A_123 : i32
          %swap3A_125 = arith.index_cast %add3A_124 : i32 to index
          %swap3A_126 = tpu.vector_load %arg6[%swap3A_125] {strides = array<i32>} : memref<36864xi32, #tpu.memory_space<vmem>>, vector<16xi32>,
          tpu.vector_store %arg6[%swap3A_125], %get3A_120 {strides = array<i32>} : memref<36864xi32, #tpu.memory_space<vmem>>, vector<16xi32>,
          %mul3A_127 = arith.constant 1152 : i32
          %mul3A_128 = arith.muli %scan3A_74, %mul3A_127 : i32
          %mul3A_129 = arith.constant 128 : i32
          %mul3A_130 = arith.muli %shift_right_arithmetic3A_85, %mul3A_129 : i32
          %add3A_131 = arith.addi %mul3A_128, %mul3A_130 : i32
          %add3A_132 = arith.constant 16 : i32
          %add3A_133 = arith.addi %add3A_131, %add3A_132 : i32
          %get3A_134 = arith.index_cast %add3A_133 : i32 to index
          %get3A_135 = tpu.vector_load %arg6[%get3A_134] {strides = array<i32>} : memref<36864xi32, #tpu.memory_space<vmem>>, vector<16xi32>,
          %mul3A_136 = arith.constant 1152 : i32
          %mul3A_137 = arith.muli %scan3A_74, %mul3A_136 : i32
          %add3A_138 = arith.constant 16 : i32
          %add3A_139 = arith.addi %mul3A_137, %add3A_138 : i32
          %swap3A_140 = arith.index_cast %add3A_139 : i32 to index
          %swap3A_141 = tpu.vector_load %arg6[%swap3A_140] {strides = array<i32>} : memref<36864xi32, #tpu.memory_space<vmem>>, vector<16xi32>,
          tpu.vector_store %arg6[%swap3A_140], %get3A_135 {strides = array<i32>} : memref<36864xi32, #tpu.memory_space<vmem>>, vector<16xi32>,
          %mul3A_142 = arith.constant 1152 : i32
          %mul3A_143 = arith.muli %scan3A_74, %mul3A_142 : i32
          %mul3A_144 = arith.constant 128 : i32
          %mul3A_145 = arith.muli %shift_right_arithmetic3A_85, %mul3A_144 : i32
          %add3A_146 = arith.addi %mul3A_143, %mul3A_145 : i32
          %add3A_147 = arith.constant 32 : i32
          %add3A_148 = arith.addi %add3A_146, %add3A_147 : i32
          %get3A_149 = arith.index_cast %add3A_148 : i32 to index
          %get3A_150 = tpu.vector_load %arg6[%get3A_149] {strides = array<i32>} : memref<36864xi32, #tpu.memory_space<vmem>>, vector<16xi32>,
          %mul3A_151 = arith.constant 1152 : i32
          %mul3A_152 = arith.muli %scan3A_74, %mul3A_151 : i32
          %add3A_153 = arith.constant 32 : i32
          %add3A_154 = arith.addi %mul3A_152, %add3A_153 : i32
          %swap3A_155 = arith.index_cast %add3A_154 : i32 to index
          %swap3A_156 = tpu.vector_load %arg6[%swap3A_155] {strides = array<i32>} : memref<36864xi32, #tpu.memory_space<vmem>>, vector<16xi32>,
          tpu.vector_store %arg6[%swap3A_155], %get3A_150 {strides = array<i32>} : memref<36864xi32, #tpu.memory_space<vmem>>, vector<16xi32>,
          %mul3A_157 = arith.constant 1152 : i32
          %mul3A_158 = arith.muli %scan3A_74, %mul3A_157 : i32
          %mul3A_159 = arith.constant 128 : i32
          %mul3A_160 = arith.muli %shift_right_arithmetic3A_85, %mul3A_159 : i32
          %add3A_161 = arith.addi %mul3A_158, %mul3A_160 : i32
          %add3A_162 = arith.constant 48 : i32
          %add3A_163 = arith.addi %add3A_161, %add3A_162 : i32
          %get3A_164 = arith.index_cast %add3A_163 : i32 to index
          %get3A_165 = tpu.vector_load %arg6[%get3A_164] {strides = array<i32>} : memref<36864xi32, #tpu.memory_space<vmem>>, vector<16xi32>,
          %mul3A_166 = arith.constant 1152 : i32
          %mul3A_167 = arith.muli %scan3A_74, %mul3A_166 : i32
          %add3A_168 = arith.constant 48 : i32
          %add3A_169 = arith.addi %mul3A_167, %add3A_168 : i32
          %swap3A_170 = arith.index_cast %add3A_169 : i32 to index
          %swap3A_171 = tpu.vector_load %arg6[%swap3A_170] {strides = array<i32>} : memref<36864xi32, #tpu.memory_space<vmem>>, vector<16xi32>,
          tpu.vector_store %arg6[%swap3A_170], %get3A_165 {strides = array<i32>} : memref<36864xi32, #tpu.memory_space<vmem>>, vector<16xi32>,
          %mul3A_172 = arith.constant 1152 : i32
          %mul3A_173 = arith.muli %scan3A_74, %mul3A_172 : i32
          %mul3A_174 = arith.constant 128 : i32
          %mul3A_175 = arith.muli %shift_right_arithmetic3A_85, %mul3A_174 : i32
          %add3A_176 = arith.addi %mul3A_173, %mul3A_175 : i32
          %add3A_177 = arith.constant 64 : i32
          %add3A_178 = arith.addi %add3A_176, %add3A_177 : i32
          %get3A_179 = arith.index_cast %add3A_178 : i32 to index
          %get3A_180 = tpu.vector_load %arg6[%get3A_179] {strides = array<i32>} : memref<36864xi32, #tpu.memory_space<vmem>>, vector<16xi32>,
          %mul3A_181 = arith.constant 1152 : i32
          %mul3A_182 = arith.muli %scan3A_74, %mul3A_181 : i32
          %add3A_183 = arith.constant 64 : i32
          %add3A_184 = arith.addi %mul3A_182, %add3A_183 : i32
          %swap3A_185 = arith.index_cast %add3A_184 : i32 to index
          %swap3A_186 = tpu.vector_load %arg6[%swap3A_185] {strides = array<i32>} : memref<36864xi32, #tpu.memory_space<vmem>>, vector<16xi32>,
          tpu.vector_store %arg6[%swap3A_185], %get3A_180 {strides = array<i32>} : memref<36864xi32, #tpu.memory_space<vmem>>, vector<16xi32>,
          %mul3A_187 = arith.constant 1152 : i32
          %mul3A_188 = arith.muli %scan3A_74, %mul3A_187 : i32
          %mul3A_189 = arith.constant 128 : i32
          %mul3A_190 = arith.muli %shift_right_arithmetic3A_85, %mul3A_189 : i32
          %add3A_191 = arith.addi %mul3A_188, %mul3A_190 : i32
          %add3A_192 = arith.constant 80 : i32
          %add3A_193 = arith.addi %add3A_191, %add3A_192 : i32
          %get3A_194 = arith.index_cast %add3A_193 : i32 to index
          %get3A_195 = tpu.vector_load %arg6[%get3A_194] {strides = array<i32>} : memref<36864xi32, #tpu.memory_space<vmem>>, vector<16xi32>,
          %mul3A_196 = arith.constant 1152 : i32
          %mul3A_197 = arith.muli %scan3A_74, %mul3A_196 : i32
          %add3A_198 = arith.constant 80 : i32
          %add3A_199 = arith.addi %mul3A_197, %add3A_198 : i32
          %swap3A_200 = arith.index_cast %add3A_199 : i32 to index
          %swap3A_201 = tpu.vector_load %arg6[%swap3A_200] {strides = array<i32>} : memref<36864xi32, #tpu.memory_space<vmem>>, vector<16xi32>,
          tpu.vector_store %arg6[%swap3A_200], %get3A_195 {strides = array<i32>} : memref<36864xi32, #tpu.memory_space<vmem>>, vector<16xi32>,
          %mul3A_202 = arith.constant 1152 : i32
          %mul3A_203 = arith.muli %scan3A_74, %mul3A_202 : i32
          %mul3A_204 = arith.constant 128 : i32
          %mul3A_205 = arith.muli %shift_right_arithmetic3A_85, %mul3A_204 : i32
          %add3A_206 = arith.addi %mul3A_203, %mul3A_205 : i32
          %add3A_207 = arith.constant 96 : i32
          %add3A_208 = arith.addi %add3A_206, %add3A_207 : i32
          %get3A_209 = arith.index_cast %add3A_208 : i32 to index
          %get3A_210 = tpu.vector_load %arg6[%get3A_209] {strides = array<i32>} : memref<36864xi32, #tpu.memory_space<vmem>>, vector<16xi32>,
          %mul3A_211 = arith.constant 1152 : i32
          %mul3A_212 = arith.muli %scan3A_74, %mul3A_211 : i32
          %add3A_213 = arith.constant 96 : i32
          %add3A_214 = arith.addi %mul3A_212, %add3A_213 : i32
          %swap3A_215 = arith.index_cast %add3A_214 : i32 to index
          %swap3A_216 = tpu.vector_load %arg6[%swap3A_215] {strides = array<i32>} : memref<36864xi32, #tpu.memory_space<vmem>>, vector<16xi32>,
          tpu.vector_store %arg6[%swap3A_215], %get3A_210 {strides = array<i32>} : memref<36864xi32, #tpu.memory_space<vmem>>, vector<16xi32>,
          %mul3A_217 = arith.constant 1152 : i32
          %mul3A_218 = arith.muli %scan3A_74, %mul3A_217 : i32
          %mul3A_219 = arith.constant 128 : i32
          %mul3A_220 = arith.muli %shift_right_arithmetic3A_85, %mul3A_219 : i32
          %add3A_221 = arith.addi %mul3A_218, %mul3A_220 : i32
          %add3A_222 = arith.constant 112 : i32
          %add3A_223 = arith.addi %add3A_221, %add3A_222 : i32
          %get3A_224 = arith.index_cast %add3A_223 : i32 to index
          %get3A_225 = tpu.vector_load %arg6[%get3A_224] {strides = array<i32>} : memref<36864xi32, #tpu.memory_space<vmem>>, vector<16xi32>,
          %mul3A_226 = arith.constant 1152 : i32
          %mul3A_227 = arith.muli %scan3A_74, %mul3A_226 : i32
          %add3A_228 = arith.constant 112 : i32
          %add3A_229 = arith.addi %mul3A_227, %add3A_228 : i32
          %swap3A_230 = arith.index_cast %add3A_229 : i32 to index
          %swap3A_231 = tpu.vector_load %arg6[%swap3A_230] {strides = array<i32>} : memref<36864xi32, #tpu.memory_space<vmem>>, vector<16xi32>,
          tpu.vector_store %arg6[%swap3A_230], %get3A_225 {strides = array<i32>} : memref<36864xi32, #tpu.memory_space<vmem>>, vector<16xi32>,
          %and3A_232 = arith.constant 127 : i32
          %and3A_233 = arith.andi %squeeze3A, %and3A_232 : i32
          %shift_right_arithmetic3A_234 = arith.constant 4 : i32
          %shift_right_arithmetic3A_235 = arith.shrsi %scan3A_74, %shift_right_arithmetic3A_234 : i32
          %shift_left3A_236 = arith.constant 4 : i32
          %shift_left3A_237 = arith.shli %shift_right_arithmetic3A_235, %shift_left3A_236 : i32
          %multiple_of3A_238 = tpu.assume_multiple %shift_left3A_237, 16 : i32
          %get3A_239 = arith.index_cast %multiple_of3A_238 : i32 to index
          %get3A_240 = tpu.vector_load %arg7[%get3A_239] {strides = array<i32>} : memref<32xi32, #tpu.memory_space<vmem>>, vector<16xi32>,
          %iota3A = tpu.iota {dimensions = array<i32: 0>} : vector<16xi32>
          %and3A_241 = arith.constant 15 : i32
          %and3A_242 = arith.andi %scan3A_74, %and3A_241 : i32
          %eq3A = vector.broadcast %and3A_242 : i32 to vector<16xi32>
          %eq3A_243 = arith.cmpi eq, %iota3A, %eq3A : vector<16xi32>
          %broadcast_in_dim3A_244 = vector.broadcast %and3A_233 : i32 to vector<16xi32>
          %select_n3A = arith.select %eq3A_243, %broadcast_in_dim3A_244, %get3A_240 : vector<16xi1>, vector<16xi32>
          %swap3A_245 = arith.index_cast %multiple_of3A_238 : i32 to index
          %swap3A_246 = tpu.vector_load %arg7[%swap3A_245] {strides = array<i32>} : memref<32xi32, #tpu.memory_space<vmem>>, vector<16xi32>,
          tpu.vector_store %arg7[%swap3A_245], %select_n3A {strides = array<i32>} : memref<32xi32, #tpu.memory_space<vmem>>, vector<16xi32>,
          %add3A_247 = arith.addi %squeeze3A_100, %shift_right_arithmetic3A_85 : i32
          %shift_right_arithmetic3A_248 = arith.constant 4 : i32
          %shift_right_arithmetic3A_249 = arith.shrsi %scan3A_74, %shift_right_arithmetic3A_248 : i32
          %shift_left3A_250 = arith.constant 4 : i32
          %shift_left3A_251 = arith.shli %shift_right_arithmetic3A_249, %shift_left3A_250 : i32
          %multiple_of3A_252 = tpu.assume_multiple %shift_left3A_251, 16 : i32
          %get3A_253 = arith.index_cast %multiple_of3A_252 : i32 to index
          %get3A_254 = tpu.vector_load %arg8[%get3A_253] {strides = array<i32>} : memref<32xi32, #tpu.memory_space<vmem>>, vector<16xi32>,
          %iota3A_255 = tpu.iota {dimensions = array<i32: 0>} : vector<16xi32>
          %and3A_256 = arith.constant 15 : i32
          %and3A_257 = arith.andi %scan3A_74, %and3A_256 : i32
          %eq3A_258 = vector.broadcast %and3A_257 : i32 to vector<16xi32>
          %eq3A_259 = arith.cmpi eq, %iota3A_255, %eq3A_258 : vector<16xi32>
          %broadcast_in_dim3A_260 = vector.broadcast %add3A_247 : i32 to vector<16xi32>
          %select_n3A_261 = arith.select %eq3A_259, %broadcast_in_dim3A_260, %get3A_254 : vector<16xi1>, vector<16xi32>
          %swap3A_262 = arith.index_cast %multiple_of3A_252 : i32 to index
          %swap3A_263 = tpu.vector_load %arg8[%swap3A_262] {strides = array<i32>} : memref<32xi32, #tpu.memory_space<vmem>>, vector<16xi32>,
          tpu.vector_store %arg8[%swap3A_262], %select_n3A_261 {strides = array<i32>} : memref<32xi32, #tpu.memory_space<vmem>>, vector<16xi32>,
        } else {
        }
      }
      %scan3A_73 = arith.constant 32 : i32
    }
    %scan3A_23 = arith.constant 9 : i32
    %add3A_24 = arith.constant 9216 : i32
    %add3A_25 = arith.addi %mul3A_2, %add3A_24 : i32
    %multiple_of3A = tpu.assume_multiple %add3A_25, 8 : i32
    "tpu.region"() ({
      %run_scoped3A = tpu.sem_alloc : memref<!tpu.dma_semaphore, #tpu.memory_space<semaphore_mem>>
      %dma_start3A = arith.constant 0 : i32
      %dma_start3A_57 = tpu.memref_slice %arg5[%dma_start3A] : memref<1024xi32, #tpu.memory_space<vmem>> -> memref<784xi32, #tpu.memory_space<vmem>>
      %dma_start3A_58 = tpu.memref_slice %arg2[%multiple_of3A] : memref<320000xi32, #tpu.memory_space<hbm>> -> memref<784xi32, #tpu.memory_space<hbm>>
      %dma_start3A_59 = arith.constant 0 : i32
      %dma_start3A_60 = tpu.memref_slice %arg5[%dma_start3A_59] : memref<1024xi32, #tpu.memory_space<vmem>> -> memref<784xi32, #tpu.memory_space<vmem>>
      %dma_start3A_61 = tpu.memref_slice %arg2[%multiple_of3A] : memref<320000xi32, #tpu.memory_space<hbm>> -> memref<784xi32, #tpu.memory_space<hbm>>
      tpu.enqueue_dma source(%dma_start3A_61 : memref<784xi32, #tpu.memory_space<hbm>>) target(%dma_start3A_60 : memref<784xi32, #tpu.memory_space<vmem>>) target_semaphore(%run_scoped3A : memref<!tpu.dma_semaphore, #tpu.memory_space<semaphore_mem>>)
      %dma_wait3A = arith.constant 0 : i32
      %dma_wait3A_62 = tpu.memref_slice %arg5[%dma_wait3A] : memref<1024xi32, #tpu.memory_space<vmem>> -> memref<784xi32, #tpu.memory_space<vmem>>
      %dma_wait3A_63 = tpu.memref_slice %arg2[%multiple_of3A] : memref<320000xi32, #tpu.memory_space<hbm>> -> memref<784xi32, #tpu.memory_space<hbm>>
      %dma_wait3A_64 = arith.constant 0 : i32
      %dma_wait3A_65 = tpu.memref_slice %arg5[%dma_wait3A_64] : memref<1024xi32, #tpu.memory_space<vmem>> -> memref<784xi32, #tpu.memory_space<vmem>>
      %dma_wait3A_66 = tpu.memref_slice %arg2[%multiple_of3A] : memref<320000xi32, #tpu.memory_space<hbm>> -> memref<784xi32, #tpu.memory_space<hbm>>
      tpu.wait_dma2 semaphore(%run_scoped3A : memref<!tpu.dma_semaphore, #tpu.memory_space<semaphore_mem>>) src(%dma_wait3A_66 : memref<784xi32, #tpu.memory_space<hbm>>) dst(%dma_wait3A_65 : memref<784xi32, #tpu.memory_space<vmem>>)
      tpu.yield
    }) : () -> ()
    %scan3A_26 = arith.constant 0 : i32
    %scan3A_27 = arith.constant 0 : i32
    %scan3A_28 = arith.constant 49 : i32
    %scan3A_29 = arith.addi %scan3A_27, %scan3A_28 : i32
    %scan3A_30 = arith.constant 1 : i32
    scf.for %scan3A_57 = %scan3A_27 to %scan3A_29 step %scan3A_30  : i32 {
      %mul3A_58 = arith.constant 16 : i32
      %mul3A_59 = arith.muli %scan3A_57, %mul3A_58 : i32
      %get3A_60 = arith.index_cast %mul3A_59 : i32 to index
      %get3A_61 = tpu.vector_load %arg5[%get3A_60] {strides = array<i32>} : memref<1024xi32, #tpu.memory_space<vmem>>, vector<16xi32>,
      %jit3A = arith.constant 320 : i32
      %div3A = vector.broadcast %jit3A : i32 to vector<16xi32>
      %div3A_62 = arith.divsi %get3A_61, %div3A : vector<16xi32>
      %sign3A = arith.constant 0 : i32
      %sign3A_63 = vector.broadcast %sign3A : i32 to vector<16xi32>
      %sign3A_64 = arith.cmpi sgt, %get3A_61, %sign3A_63 : vector<16xi32>
      %sign3A_65 = arith.extui %sign3A_64 : vector<16xi1> to vector<16xi32>
      %sign3A_66 = arith.constant 0 : i32
      %sign3A_67 = vector.broadcast %sign3A_66 : i32 to vector<16xi32>
      %sign3A_68 = arith.cmpi slt, %get3A_61, %sign3A_67 : vector<16xi32>
      %sign3A_69 = arith.extui %sign3A_68 : vector<16xi1> to vector<16xi32>
      %sign3A_70 = arith.subi %sign3A_65, %sign3A_69 : vector<16xi32>
      %sign3A_71 = arith.constant 0 : i32
      %sign3A_72 = arith.cmpi sgt, %jit3A, %sign3A_71 : i32
      %sign3A_73 = arith.extui %sign3A_72 : i1 to i32
      %sign3A_74 = arith.constant 0 : i32
      %sign3A_75 = arith.cmpi slt, %jit3A, %sign3A_74 : i32
      %sign3A_76 = arith.extui %sign3A_75 : i1 to i32
      %sign3A_77 = arith.subi %sign3A_73, %sign3A_76 : i32
      %ne3A = vector.broadcast %sign3A_77 : i32 to vector<16xi32>
      %ne3A_78 = arith.cmpi ne, %sign3A_70, %ne3A : vector<16xi32>
      %rem3A = vector.broadcast %jit3A : i32 to vector<16xi32>
      %rem3A_79 = arith.remsi %get3A_61, %rem3A : vector<16xi32>
      %ne3A_80 = arith.constant 0 : i32
      %ne3A_81 = vector.broadcast %ne3A_80 : i32 to vector<16xi32>
      %ne3A_82 = arith.cmpi ne, %rem3A_79, %ne3A_81 : vector<16xi32>
      %and3A = arith.andi %ne3A_78, %ne3A_82 : vector<16xi1>
      %sub3A = arith.constant 1 : i32
      %sub3A_83 = vector.broadcast %sub3A : i32 to vector<16xi32>
      %sub3A_84 = arith.subi %div3A_62, %sub3A_83 : vector<16xi32>
      %select_n3A = arith.select %and3A, %sub3A_84, %div3A_62 : vector<16xi1>, vector<16xi32>
      %mul3A_85 = arith.constant 16 : i32
      %mul3A_86 = arith.muli %scan3A_57, %mul3A_85 : i32
      %add3A_87 = arith.addi %multiple_of3A, %mul3A_86 : i32
      %iota3A = tpu.iota {dimensions = array<i32: 0>} : vector<16xi32>
      %add3A_88 = vector.broadcast %add3A_87 : i32 to vector<16xi32>
      %add3A_89 = arith.addi %add3A_88, %iota3A : vector<16xi32>
      %shift_left3A = arith.constant 9 : i32
      %shift_left3A_90 = vector.broadcast %shift_left3A : i32 to vector<16xi32>
      %shift_left3A_91 = arith.shli %add3A_89, %shift_left3A_90 : vector<16xi32>
      %mul3A_92 = arith.constant 320 : i32
      %mul3A_93 = vector.broadcast %mul3A_92 : i32 to vector<16xi32>
      %mul3A_94 = arith.muli %select_n3A, %mul3A_93 : vector<16xi32>
      %sub3A_95 = arith.subi %get3A_61, %mul3A_94 : vector<16xi32>
      %or3A = arith.ori %shift_left3A_91, %sub3A_95 : vector<16xi32>
      %iota3A_96 = tpu.iota {dimensions = array<i32: 0>} : vector<16xi32>
      %masked_sort3A = arith.constant dense<true> : vector<16xi1>
      %masked_sort3A_97 = arith.constant -2147483648 : i32
      %masked_sort3A_98 = vector.broadcast %masked_sort3A_97 : i32 to vector<16xi32>
      %masked_sort3A_99 = arith.xori %select_n3A, %masked_sort3A_98 : vector<16xi32>
      %masked_sort3A_100, %masked_sort3A_101, %masked_sort3A_102 = tpu.sort %masked_sort3A_99, %iota3A_96 masked %masked_sort3A : (vector<16xi32>, vector<16xi32>, vector<16xi1>) -> (vector<16xi1>, vector<16xi32>, vector<16xi32>)
      %masked_sort3A_103 = arith.xori %masked_sort3A_101, %masked_sort3A_98 : vector<16xi32>
      %broadcast_in_dim3A_104 = vector.shape_cast %masked_sort3A_102 : vector<16xi32> to vector<16x1xi32>
      %gather3A = vector.shape_cast %broadcast_in_dim3A_104 : vector<16x1xi32> to vector<16xi32>
      %gather3A_105 = tpu.dynamic_gather %or3A[%gather3A] in [0] : vector<16xi32>, vector<16xi32> -> vector<16xi32>
      %iota3A_106 = tpu.iota {dimensions = array<i32: 0>} : vector<16xi32>
      %sub3A_107 = arith.constant 1 : i32
      %sub3A_108 = vector.broadcast %sub3A_107 : i32 to vector<16xi32>
      %sub3A_109 = arith.subi %iota3A_106, %sub3A_108 : vector<16xi32>
      %max3A = arith.constant 0 : i32
      %max3A_110 = vector.broadcast %max3A : i32 to vector<16xi32>
      %max3A_111 = arith.maxsi %sub3A_109, %max3A_110 : vector<16xi32>
      %broadcast_in_dim3A_112 = vector.shape_cast %max3A_111 : vector<16xi32> to vector<16x1xi32>
      %gather3A_113 = vector.shape_cast %broadcast_in_dim3A_112 : vector<16x1xi32> to vector<16xi32>
      %gather3A_114 = tpu.dynamic_gather %masked_sort3A_103[%gather3A_113] in [0] : vector<16xi32>, vector<16xi32> -> vector<16xi32>
      %iota3A_115 = tpu.iota {dimensions = array<i32: 0>} : vector<16xi32>
      %eq3A = arith.constant 0 : i32
      %eq3A_116 = vector.broadcast %eq3A : i32 to vector<16xi32>
      %eq3A_117 = arith.cmpi eq, %iota3A_115, %eq3A_116 : vector<16xi32>
      %ne3A_118 = arith.cmpi ne, %masked_sort3A_103, %gather3A_114 : vector<16xi32>
      %or3A_119 = arith.ori %eq3A_117, %ne3A_118 : vector<16xi1>
      %iota3A_120 = tpu.iota {dimensions = array<i32: 0>} : vector<16xi32>
      %jit3A_121 = arith.constant 0 : i32
      %broadcast_in_dim3A_122 = vector.broadcast %jit3A_121 : i32 to vector<16xi32>
      %select_n3A_123 = arith.select %or3A_119, %iota3A_120, %broadcast_in_dim3A_122 : vector<16xi1>, vector<16xi32>
      %broadcast_in_dim3A_124 = arith.constant true
      %broadcast_in_dim3A_125 = vector.broadcast %broadcast_in_dim3A_124 : i1 to vector<16xi1>
      %masked_cummax3A = arith.constant -2147483648 : i32
      %masked_cummax3A_126 = vector.broadcast %masked_cummax3A : i32 to vector<16xi32>
      %masked_cummax3A_127 = arith.xori %select_n3A_123, %masked_cummax3A_126 : vector<16xi32>
      %masked_cummax3A_128 = tpu.scan <max>, %masked_cummax3A_127 masked %broadcast_in_dim3A_125 : vector<16xi32>, vector<16xi1> -> vector<16xi32>
      %masked_cummax3A_129 = arith.xori %masked_cummax3A_128, %masked_cummax3A_126 : vector<16xi32>
      %iota3A_130 = tpu.iota {dimensions = array<i32: 0>} : vector<16xi32>
      %sub3A_131 = arith.subi %iota3A_130, %masked_cummax3A_129 : vector<16xi32>
      %gather3A_132 = tpu.vector_load_idx %arg7[%masked_sort3A_103] : memref<32xi32, #tpu.memory_space<vmem>>[vector<16xi32>], vector<16xi32>,
      %mul3A_133 = arith.constant 1152 : i32
      %mul3A_134 = vector.broadcast %mul3A_133 : i32 to vector<16xi32>
      %mul3A_135 = arith.muli %masked_sort3A_103, %mul3A_134 : vector<16xi32>
      %add3A_136 = arith.addi %mul3A_135, %gather3A_132 : vector<16xi32>
      %add3A_137 = arith.addi %add3A_136, %sub3A_131 : vector<16xi32>
      tpu.vector_store_idx %arg6[%add3A_137], %gather3A_105 : memref<36864xi32, #tpu.memory_space<vmem>>[vector<16xi32>], vector<16xi32>,
      tpu.vector_store_idx %arg7[%masked_sort3A_103], %broadcast_in_dim3A_5 {add = true} : memref<32xi32, #tpu.memory_space<vmem>>[vector<16xi32>], vector<16xi32>,
    }
    %scan3A_31 = arith.constant 49 : i32
    %get3A = arith.constant 0 : index
    %get3A_32 = tpu.vector_load %arg8[%get3A] {strides = array<i32>} : memref<32xi32, #tpu.memory_space<vmem>>, vector<16xi32>,
    %mul3A_33 = arith.constant 128 : i32
    %mul3A_34 = vector.broadcast %mul3A_33 : i32 to vector<16xi32>
    %mul3A_35 = arith.muli %get3A_32, %mul3A_34 : vector<16xi32>
    %get3A_36 = arith.constant 0 : index
    %get3A_37 = tpu.vector_load %arg7[%get3A_36] {strides = array<i32>} : memref<32xi32, #tpu.memory_space<vmem>>, vector<16xi32>,
    %add3A_38 = arith.addi %mul3A_35, %get3A_37 : vector<16xi32>
    %swap3A_39 = arith.constant 0 : index
    %swap3A_40 = tpu.vector_load %arg9[%swap3A_39] {strides = array<i32>} : memref<32xi32, #tpu.memory_space<vmem>>, vector<16xi32>,
    tpu.vector_store %arg9[%swap3A_39], %add3A_38 {strides = array<i32>} : memref<32xi32, #tpu.memory_space<vmem>>, vector<16xi32>,
    %get3A_41 = arith.constant 16 : index
    %get3A_42 = tpu.vector_load %arg8[%get3A_41] {strides = array<i32>} : memref<32xi32, #tpu.memory_space<vmem>>, vector<16xi32>,
    %mul3A_43 = arith.constant 128 : i32
    %mul3A_44 = vector.broadcast %mul3A_43 : i32 to vector<16xi32>
    %mul3A_45 = arith.muli %get3A_42, %mul3A_44 : vector<16xi32>
    %get3A_46 = arith.constant 16 : index
    %get3A_47 = tpu.vector_load %arg7[%get3A_46] {strides = array<i32>} : memref<32xi32, #tpu.memory_space<vmem>>, vector<16xi32>,
    %add3A_48 = arith.addi %mul3A_45, %get3A_47 : vector<16xi32>
    %swap3A_49 = arith.constant 16 : index
    %swap3A_50 = tpu.vector_load %arg9[%swap3A_49] {strides = array<i32>} : memref<32xi32, #tpu.memory_space<vmem>>, vector<16xi32>,
    tpu.vector_store %arg9[%swap3A_49], %add3A_48 {strides = array<i32>} : memref<32xi32, #tpu.memory_space<vmem>>, vector<16xi32>,
    %scan3A_51 = arith.constant 0 : i32
    %scan3A_52 = arith.constant 0 : i32
    %scan3A_53 = arith.constant 32 : i32
    %scan3A_54 = arith.addi %scan3A_52, %scan3A_53 : i32
    %scan3A_55 = arith.constant 1 : i32
    scf.for %scan3A_57 = %scan3A_52 to %scan3A_54 step %scan3A_55  : i32 {
      %shift_right_arithmetic3A = arith.constant 4 : i32
      %shift_right_arithmetic3A_58 = arith.shrsi %scan3A_57, %shift_right_arithmetic3A : i32
      %shift_left3A = arith.constant 4 : i32
      %shift_left3A_59 = arith.shli %shift_right_arithmetic3A_58, %shift_left3A : i32
      %multiple_of3A_60 = tpu.assume_multiple %shift_left3A_59, 16 : i32
      %get3A_61 = arith.index_cast %multiple_of3A_60 : i32 to index
      %get3A_62 = tpu.vector_load %arg7[%get3A_61] {strides = array<i32>} : memref<32xi32, #tpu.memory_space<vmem>>, vector<16xi32>,
      %and3A = arith.constant 15 : i32
      %and3A_63 = arith.andi %scan3A_57, %and3A : i32
      %broadcast_in_dim3A_64 = vector.broadcast %and3A_63 : i32 to vector<16xi32>
      %broadcast_in_dim3A_65 = vector.shape_cast %broadcast_in_dim3A_64 : vector<16xi32> to vector<16x1xi32>
      %gather3A = vector.shape_cast %broadcast_in_dim3A_65 : vector<16x1xi32> to vector<16xi32>
      %gather3A_66 = tpu.dynamic_gather %get3A_62[%gather3A] in [0] : vector<16xi32>, vector<16xi32> -> vector<16xi32>
      %slice3A = vector.extract_strided_slice %gather3A_66 {offsets = [0], sizes = [1], strides = [1]} : vector<16xi32> to vector<1xi32>
      %squeeze3A = vector.extract %slice3A[0] : i32 from vector<1xi32>
      %add3A_67 = arith.constant 128 : i32
      %add3A_68 = arith.addi %squeeze3A, %add3A_67 : i32
      %sub3A = arith.constant 1 : i32
      %sub3A_69 = arith.subi %add3A_68, %sub3A : i32
      %shift_right_arithmetic3A_70 = arith.constant 7 : i32
      %shift_right_arithmetic3A_71 = arith.shrsi %sub3A_69, %shift_right_arithmetic3A_70 : i32
      %shift_right_arithmetic3A_72 = arith.constant 4 : i32
      %shift_right_arithmetic3A_73 = arith.shrsi %scan3A_57, %shift_right_arithmetic3A_72 : i32
      %shift_left3A_74 = arith.constant 4 : i32
      %shift_left3A_75 = arith.shli %shift_right_arithmetic3A_73, %shift_left3A_74 : i32
      %multiple_of3A_76 = tpu.assume_multiple %shift_left3A_75, 16 : i32
      %get3A_77 = arith.index_cast %multiple_of3A_76 : i32 to index
      %get3A_78 = tpu.vector_load %arg8[%get3A_77] {strides = array<i32>} : memref<32xi32, #tpu.memory_space<vmem>>, vector<16xi32>,
      %and3A_79 = arith.constant 15 : i32
      %and3A_80 = arith.andi %scan3A_57, %and3A_79 : i32
      %broadcast_in_dim3A_81 = vector.broadcast %and3A_80 : i32 to vector<16xi32>
      %broadcast_in_dim3A_82 = vector.shape_cast %broadcast_in_dim3A_81 : vector<16xi32> to vector<16x1xi32>
      %gather3A_83 = vector.shape_cast %broadcast_in_dim3A_82 : vector<16x1xi32> to vector<16xi32>
      %gather3A_84 = tpu.dynamic_gather %get3A_78[%gather3A_83] in [0] : vector<16xi32>, vector<16xi32> -> vector<16xi32>
      %slice3A_85 = vector.extract_strided_slice %gather3A_84 {offsets = [0], sizes = [1], strides = [1]} : vector<16xi32> to vector<1xi32>
      %squeeze3A_86 = vector.extract %slice3A_85[0] : i32 from vector<1xi32>
      %while3A = arith.constant 0 : i32
      %while3A_87 = arith.constant 0 : i32
      %while3A_88 = arith.subi %shift_right_arithmetic3A_71, %while3A_87 : i32
      %while3A_89 = arith.addi %while3A_87, %while3A_88 : i32
      %while3A_90 = arith.constant 1 : i32
      %while3A_91 = arith.divsi %while3A_88, %while3A_90 : i32
      %while3A_92 = arith.muli %while3A_91, %while3A_90 : i32
      %while3A_93 = arith.addi %while3A_87, %while3A_92 : i32
      %while3A_94 = arith.constant 1 : i32
      scf.for %while3A_96 = %while3A_87 to %while3A_93 step %while3A_94  : i32 {
        %mul3A_97 = arith.constant 1152 : i32
        %mul3A_98 = arith.muli %scan3A_57, %mul3A_97 : i32
        %mul3A_99 = arith.constant 128 : i32
        %mul3A_100 = arith.muli %while3A_96, %mul3A_99 : i32
        %add3A_101 = arith.addi %mul3A_98, %mul3A_100 : i32
        %multiple_of3A_102 = tpu.assume_multiple %add3A_101, 128 : i32
        %add3A_103 = arith.addi %squeeze3A_86, %while3A_96 : i32
        %mul3A_104 = arith.constant 128 : i32
        %mul3A_105 = arith.muli %add3A_103, %mul3A_104 : i32
        %multiple_of3A_106 = tpu.assume_multiple %mul3A_105, 128 : i32
        "tpu.region"() ({
          %run_scoped3A = tpu.sem_alloc : memref<!tpu.dma_semaphore, #tpu.memory_space<semaphore_mem>>
          %dma_start3A = tpu.memref_slice %arg6[%multiple_of3A_102] : memref<36864xi32, #tpu.memory_space<vmem>> -> memref<128xi32, #tpu.memory_space<vmem>>
          %dma_start3A_107 = tpu.memref_slice %arg3[%add3A, %scan3A_57, %multiple_of3A_106] : memref<32x32x10240xi32, #tpu.memory_space<hbm>> -> memref<1x1x128xi32, #tpu.memory_space<hbm>>
          %dma_start3A_108 = tpu.memref_squeeze %dma_start3A_107 : memref<1x1x128xi32, #tpu.memory_space<hbm>> -> memref<128xi32, #tpu.memory_space<hbm>>
          %dma_start3A_109 = tpu.memref_slice %arg3[%add3A, %scan3A_57, %multiple_of3A_106] : memref<32x32x10240xi32, #tpu.memory_space<hbm>> -> memref<1x1x128xi32, #tpu.memory_space<hbm>>
          %dma_start3A_110 = tpu.memref_squeeze %dma_start3A_109 : memref<1x1x128xi32, #tpu.memory_space<hbm>> -> memref<128xi32, #tpu.memory_space<hbm>>
          %dma_start3A_111 = tpu.memref_slice %arg6[%multiple_of3A_102] : memref<36864xi32, #tpu.memory_space<vmem>> -> memref<128xi32, #tpu.memory_space<vmem>>
          tpu.enqueue_dma source(%dma_start3A_111 : memref<128xi32, #tpu.memory_space<vmem>>) target(%dma_start3A_110 : memref<128xi32, #tpu.memory_space<hbm>>) target_semaphore(%run_scoped3A : memref<!tpu.dma_semaphore, #tpu.memory_space<semaphore_mem>>)
          %dma_wait3A = tpu.memref_slice %arg6[%multiple_of3A_102] : memref<36864xi32, #tpu.memory_space<vmem>> -> memref<128xi32, #tpu.memory_space<vmem>>
          %dma_wait3A_112 = tpu.memref_slice %arg3[%add3A, %scan3A_57, %multiple_of3A_106] : memref<32x32x10240xi32, #tpu.memory_space<hbm>> -> memref<1x1x128xi32, #tpu.memory_space<hbm>>
          %dma_wait3A_113 = tpu.memref_squeeze %dma_wait3A_112 : memref<1x1x128xi32, #tpu.memory_space<hbm>> -> memref<128xi32, #tpu.memory_space<hbm>>
          %dma_wait3A_114 = tpu.memref_slice %arg3[%add3A, %scan3A_57, %multiple_of3A_106] : memref<32x32x10240xi32, #tpu.memory_space<hbm>> -> memref<1x1x128xi32, #tpu.memory_space<hbm>>
          %dma_wait3A_115 = tpu.memref_squeeze %dma_wait3A_114 : memref<1x1x128xi32, #tpu.memory_space<hbm>> -> memref<128xi32, #tpu.memory_space<hbm>>
          %dma_wait3A_116 = tpu.memref_slice %arg6[%multiple_of3A_102] : memref<36864xi32, #tpu.memory_space<vmem>> -> memref<128xi32, #tpu.memory_space<vmem>>
          tpu.wait_dma2 semaphore(%run_scoped3A : memref<!tpu.dma_semaphore, #tpu.memory_space<semaphore_mem>>) src(%dma_wait3A_116 : memref<128xi32, #tpu.memory_space<vmem>>) dst(%dma_wait3A_115 : memref<128xi32, #tpu.memory_space<hbm>>)
          tpu.yield
        }) : () -> ()
      }
      %while3A_95 = arith.constant 1 : i32
      scf.for %while3A_96 = %while3A_93 to %while3A_89 step %while3A_95  : i32 {
        %mul3A_97 = arith.constant 1152 : i32
        %mul3A_98 = arith.muli %scan3A_57, %mul3A_97 : i32
        %mul3A_99 = arith.constant 128 : i32
        %mul3A_100 = arith.muli %while3A_96, %mul3A_99 : i32
        %add3A_101 = arith.addi %mul3A_98, %mul3A_100 : i32
        %multiple_of3A_102 = tpu.assume_multiple %add3A_101, 128 : i32
        %add3A_103 = arith.addi %squeeze3A_86, %while3A_96 : i32
        %mul3A_104 = arith.constant 128 : i32
        %mul3A_105 = arith.muli %add3A_103, %mul3A_104 : i32
        %multiple_of3A_106 = tpu.assume_multiple %mul3A_105, 128 : i32
        "tpu.region"() ({
          %run_scoped3A = tpu.sem_alloc : memref<!tpu.dma_semaphore, #tpu.memory_space<semaphore_mem>>
          %dma_start3A = tpu.memref_slice %arg6[%multiple_of3A_102] : memref<36864xi32, #tpu.memory_space<vmem>> -> memref<128xi32, #tpu.memory_space<vmem>>
          %dma_start3A_107 = tpu.memref_slice %arg3[%add3A, %scan3A_57, %multiple_of3A_106] : memref<32x32x10240xi32, #tpu.memory_space<hbm>> -> memref<1x1x128xi32, #tpu.memory_space<hbm>>
          %dma_start3A_108 = tpu.memref_squeeze %dma_start3A_107 : memref<1x1x128xi32, #tpu.memory_space<hbm>> -> memref<128xi32, #tpu.memory_space<hbm>>
          %dma_start3A_109 = tpu.memref_slice %arg3[%add3A, %scan3A_57, %multiple_of3A_106] : memref<32x32x10240xi32, #tpu.memory_space<hbm>> -> memref<1x1x128xi32, #tpu.memory_space<hbm>>
          %dma_start3A_110 = tpu.memref_squeeze %dma_start3A_109 : memref<1x1x128xi32, #tpu.memory_space<hbm>> -> memref<128xi32, #tpu.memory_space<hbm>>
          %dma_start3A_111 = tpu.memref_slice %arg6[%multiple_of3A_102] : memref<36864xi32, #tpu.memory_space<vmem>> -> memref<128xi32, #tpu.memory_space<vmem>>
          tpu.enqueue_dma source(%dma_start3A_111 : memref<128xi32, #tpu.memory_space<vmem>>) target(%dma_start3A_110 : memref<128xi32, #tpu.memory_space<hbm>>) target_semaphore(%run_scoped3A : memref<!tpu.dma_semaphore, #tpu.memory_space<semaphore_mem>>)
          %dma_wait3A = tpu.memref_slice %arg6[%multiple_of3A_102] : memref<36864xi32, #tpu.memory_space<vmem>> -> memref<128xi32, #tpu.memory_space<vmem>>
          %dma_wait3A_112 = tpu.memref_slice %arg3[%add3A, %scan3A_57, %multiple_of3A_106] : memref<32x32x10240xi32, #tpu.memory_space<hbm>> -> memref<1x1x128xi32, #tpu.memory_space<hbm>>
          %dma_wait3A_113 = tpu.memref_squeeze %dma_wait3A_112 : memref<1x1x128xi32, #tpu.memory_space<hbm>> -> memref<128xi32, #tpu.memory_space<hbm>>
          %dma_wait3A_114 = tpu.memref_slice %arg3[%add3A, %scan3A_57, %multiple_of3A_106] : memref<32x32x10240xi32, #tpu.memory_space<hbm>> -> memref<1x1x128xi32, #tpu.memory_space<hbm>>
          %dma_wait3A_115 = tpu.memref_squeeze %dma_wait3A_114 : memref<1x1x128xi32, #tpu.memory_space<hbm>> -> memref<128xi32, #tpu.memory_space<hbm>>
          %dma_wait3A_116 = tpu.memref_slice %arg6[%multiple_of3A_102] : memref<36864xi32, #tpu.memory_space<vmem>> -> memref<128xi32, #tpu.memory_space<vmem>>
          tpu.wait_dma2 semaphore(%run_scoped3A : memref<!tpu.dma_semaphore, #tpu.memory_space<semaphore_mem>>) src(%dma_wait3A_116 : memref<128xi32, #tpu.memory_space<vmem>>) dst(%dma_wait3A_115 : memref<128xi32, #tpu.memory_space<hbm>>)
          tpu.yield
        }) : () -> ()
      }
    }
    %scan3A_56 = arith.constant 32 : i32
    "tpu.region"() ({
      %run_scoped3A = tpu.sem_alloc : memref<!tpu.dma_semaphore, #tpu.memory_space<semaphore_mem>>
      %dma_start3A = arith.constant 0 : i32
      %dma_start3A_57 = tpu.memref_slice %arg4[%add3A, %dma_start3A] : memref<32x32xi32, #tpu.memory_space<hbm>> -> memref<1x32xi32, #tpu.memory_space<hbm>>
      %dma_start3A_58 = tpu.memref_squeeze %dma_start3A_57 : memref<1x32xi32, #tpu.memory_space<hbm>> -> memref<32xi32, #tpu.memory_space<hbm>>
      %dma_start3A_59 = arith.constant 0 : i32
      %dma_start3A_60 = tpu.memref_slice %arg4[%add3A, %dma_start3A_59] : memref<32x32xi32, #tpu.memory_space<hbm>> -> memref<1x32xi32, #tpu.memory_space<hbm>>
      %dma_start3A_61 = tpu.memref_squeeze %dma_start3A_60 : memref<1x32xi32, #tpu.memory_space<hbm>> -> memref<32xi32, #tpu.memory_space<hbm>>
      tpu.enqueue_dma source(%arg9 : memref<32xi32, #tpu.memory_space<vmem>>) target(%dma_start3A_61 : memref<32xi32, #tpu.memory_space<hbm>>) target_semaphore(%run_scoped3A : memref<!tpu.dma_semaphore, #tpu.memory_space<semaphore_mem>>)
      %dma_wait3A = arith.constant 0 : i32
      %dma_wait3A_62 = tpu.memref_slice %arg4[%add3A, %dma_wait3A] : memref<32x32xi32, #tpu.memory_space<hbm>> -> memref<1x32xi32, #tpu.memory_space<hbm>>
      %dma_wait3A_63 = tpu.memref_squeeze %dma_wait3A_62 : memref<1x32xi32, #tpu.memory_space<hbm>> -> memref<32xi32, #tpu.memory_space<hbm>>
      %dma_wait3A_64 = arith.constant 0 : i32
      %dma_wait3A_65 = tpu.memref_slice %arg4[%add3A, %dma_wait3A_64] : memref<32x32xi32, #tpu.memory_space<hbm>> -> memref<1x32xi32, #tpu.memory_space<hbm>>
      %dma_wait3A_66 = tpu.memref_squeeze %dma_wait3A_65 : memref<1x32xi32, #tpu.memory_space<hbm>> -> memref<32xi32, #tpu.memory_space<hbm>>
      tpu.wait_dma2 semaphore(%run_scoped3A : memref<!tpu.dma_semaphore, #tpu.memory_space<semaphore_mem>>) src(%arg9 : memref<32xi32, #tpu.memory_space<vmem>>) dst(%dma_wait3A_66 : memref<32xi32, #tpu.memory_space<hbm>>)
      tpu.yield
    }) : () -> ()
    return
  }
}

#map = affine_map<(d0, d1) -> (0, 0)>
#map1 = affine_map<(d0, d1) -> (0, 0, 0)>
#map2 = affine_map<(d0, d1) -> (0)>
module attributes {stable_mosaic.version = 14 : i64} {
  func.func @_s_body(%arg0: i32, %arg1: i32, %arg2: memref<320000x128xf32, #tpu.memory_space<hbm>>, %arg3: memref<32x32x10240xi32, #tpu.memory_space<hbm>>, %arg4: memref<32x32xi32, #tpu.memory_space<hbm>>, %arg5: memref<655360xf32, #tpu.memory_space<hbm>>, %arg6: memref<32x32xi32, #tpu.memory_space<vmem>>, %arg7: memref<128xi32, #tpu.memory_space<vmem>>, %arg8: memref<128xi32, #tpu.memory_space<vmem>>, %arg9: memref<128xi32, #tpu.memory_space<vmem>>, %arg10: memref<128x128xf32, #tpu.memory_space<vmem>>, %arg11: memref<20480xf32, #tpu.memory_space<vmem>>, %arg12: memref<!tpu.dma_semaphore, #tpu.memory_space<semaphore_mem>>) attributes {dimension_semantics = [#tpu.dimension_semantics<core_parallel>, #tpu.dimension_semantics<subcore_parallel>], iteration_bounds = array<i64: 2, 16>, scalar_prefetch = 0 : i64, scratch_operands = 7 : i64, tpu.core_type = #tpu.core_type<sc_vector_subcore>, window_params = [{transform_indices = #map}, {transform_indices = #map1}, {transform_indices = #map}, {transform_indices = #map2}]} {
    %mul3A = arith.constant 2 : i32
    %mul3A_0 = arith.muli %arg1, %mul3A : i32
    %add3A = arith.addi %mul3A_0, %arg0 : i32
    %broadcast_in_dim3A = arith.constant 0.000000e+00 : f32
    %broadcast_in_dim3A_1 = vector.broadcast %broadcast_in_dim3A : f32 to vector<16xf32>
    %scan3A = arith.constant 0 : i32
    %scan3A_2 = arith.constant 0 : i32
    %scan3A_3 = arith.constant 1280 : i32
    %scan3A_4 = arith.addi %scan3A_2, %scan3A_3 : i32
    %scan3A_5 = arith.constant 1 : i32
    scf.for %scan3A_17 = %scan3A_2 to %scan3A_4 step %scan3A_5  : i32 {
      %mul3A_18 = arith.constant 16 : i32
      %mul3A_19 = arith.muli %scan3A_17, %mul3A_18 : i32
      %swap3A = arith.index_cast %mul3A_19 : i32 to index
      %swap3A_20 = tpu.vector_load %arg11[%swap3A] {strides = array<i32>} : memref<20480xf32, #tpu.memory_space<vmem>>, vector<16xf32>,
      tpu.vector_store %arg11[%swap3A], %broadcast_in_dim3A_1 {strides = array<i32>} : memref<20480xf32, #tpu.memory_space<vmem>>, vector<16xf32>,
    }
    %scan3A_6 = arith.constant 1280 : i32
    "tpu.region"() ({
      %run_scoped3A = tpu.sem_alloc : memref<!tpu.dma_semaphore, #tpu.memory_space<semaphore_mem>>
      tpu.enqueue_dma source(%arg4 : memref<32x32xi32, #tpu.memory_space<hbm>>) target(%arg6 : memref<32x32xi32, #tpu.memory_space<vmem>>) target_semaphore(%run_scoped3A : memref<!tpu.dma_semaphore, #tpu.memory_space<semaphore_mem>>)
      tpu.wait_dma2 semaphore(%run_scoped3A : memref<!tpu.dma_semaphore, #tpu.memory_space<semaphore_mem>>) src(%arg4 : memref<32x32xi32, #tpu.memory_space<hbm>>) dst(%arg6 : memref<32x32xi32, #tpu.memory_space<vmem>>)
      tpu.yield
    }) : () -> ()
    %scan3A_7 = arith.constant 0 : i32
    %scan3A_8 = arith.constant 0 : i32
    %scan3A_9 = arith.constant 32 : i32
    %scan3A_10 = arith.addi %scan3A_8, %scan3A_9 : i32
    %scan3A_11 = arith.constant 1 : i32
    scf.for %scan3A_17 = %scan3A_8 to %scan3A_10 step %scan3A_11  : i32 {
      %shift_right_arithmetic3A = arith.constant 4 : i32
      %shift_right_arithmetic3A_18 = arith.shrsi %add3A, %shift_right_arithmetic3A : i32
      %shift_left3A = arith.constant 4 : i32
      %shift_left3A_19 = arith.shli %shift_right_arithmetic3A_18, %shift_left3A : i32
      %multiple_of3A_20 = tpu.assume_multiple %shift_left3A_19, 16 : i32
      %get3A = arith.index_cast %scan3A_17 : i32 to index
      %get3A_21 = arith.index_cast %multiple_of3A_20 : i32 to index
      %get3A_22 = tpu.vector_load %arg6[%get3A, %get3A_21] {strides = array<i32>} : memref<32x32xi32, #tpu.memory_space<vmem>>, vector<16xi32>,
      %and3A = arith.constant 15 : i32
      %and3A_23 = arith.andi %add3A, %and3A : i32
      %broadcast_in_dim3A_24 = vector.broadcast %and3A_23 : i32 to vector<16xi32>
      %broadcast_in_dim3A_25 = vector.shape_cast %broadcast_in_dim3A_24 : vector<16xi32> to vector<16x1xi32>
      %gather3A = vector.shape_cast %broadcast_in_dim3A_25 : vector<16x1xi32> to vector<16xi32>
      %gather3A_26 = tpu.dynamic_gather %get3A_22[%gather3A] in [0] : vector<16xi32>, vector<16xi32> -> vector<16xi32>
      %slice3A = vector.extract_strided_slice %gather3A_26 {offsets = [0], sizes = [1], strides = [1]} : vector<16xi32> to vector<1xi32>
      %squeeze3A = vector.extract %slice3A[0] : i32 from vector<1xi32>
      %add3A_27 = arith.constant 128 : i32
      %add3A_28 = arith.addi %squeeze3A, %add3A_27 : i32
      %sub3A = arith.constant 1 : i32
      %sub3A_29 = arith.subi %add3A_28, %sub3A : i32
      %shift_right_arithmetic3A_30 = arith.constant 7 : i32
      %shift_right_arithmetic3A_31 = arith.shrsi %sub3A_29, %shift_right_arithmetic3A_30 : i32
      %while3A = arith.constant 0 : i32
      %while3A_32 = arith.constant 0 : i32
      %while3A_33 = arith.subi %shift_right_arithmetic3A_31, %while3A_32 : i32
      %while3A_34 = arith.addi %while3A_32, %while3A_33 : i32
      %while3A_35 = arith.constant 1 : i32
      %while3A_36 = arith.divsi %while3A_33, %while3A_35 : i32
      %while3A_37 = arith.muli %while3A_36, %while3A_35 : i32
      %while3A_38 = arith.addi %while3A_32, %while3A_37 : i32
      %while3A_39 = arith.constant 1 : i32
      scf.for %while3A_41 = %while3A_32 to %while3A_38 step %while3A_39  : i32 {
        %mul3A_42 = arith.constant 128 : i32
        %mul3A_43 = arith.muli %while3A_41, %mul3A_42 : i32
        %multiple_of3A_44 = tpu.assume_multiple %mul3A_43, 128 : i32
        "tpu.region"() ({
          %run_scoped3A = tpu.sem_alloc : memref<!tpu.dma_semaphore, #tpu.memory_space<semaphore_mem>>
          %dma_start3A_158 = tpu.memref_slice %arg3[%scan3A_17, %add3A, %multiple_of3A_44] : memref<32x32x10240xi32, #tpu.memory_space<hbm>> -> memref<1x1x128xi32, #tpu.memory_space<hbm>>
          %dma_start3A_159 = tpu.memref_squeeze %dma_start3A_158 : memref<1x1x128xi32, #tpu.memory_space<hbm>> -> memref<128xi32, #tpu.memory_space<hbm>>
          %dma_start3A_160 = tpu.memref_slice %arg3[%scan3A_17, %add3A, %multiple_of3A_44] : memref<32x32x10240xi32, #tpu.memory_space<hbm>> -> memref<1x1x128xi32, #tpu.memory_space<hbm>>
          %dma_start3A_161 = tpu.memref_squeeze %dma_start3A_160 : memref<1x1x128xi32, #tpu.memory_space<hbm>> -> memref<128xi32, #tpu.memory_space<hbm>>
          tpu.enqueue_dma source(%dma_start3A_161 : memref<128xi32, #tpu.memory_space<hbm>>) target(%arg7 : memref<128xi32, #tpu.memory_space<vmem>>) target_semaphore(%run_scoped3A : memref<!tpu.dma_semaphore, #tpu.memory_space<semaphore_mem>>)
          %dma_wait3A_162 = tpu.memref_slice %arg3[%scan3A_17, %add3A, %multiple_of3A_44] : memref<32x32x10240xi32, #tpu.memory_space<hbm>> -> memref<1x1x128xi32, #tpu.memory_space<hbm>>
          %dma_wait3A_163 = tpu.memref_squeeze %dma_wait3A_162 : memref<1x1x128xi32, #tpu.memory_space<hbm>> -> memref<128xi32, #tpu.memory_space<hbm>>
          %dma_wait3A_164 = tpu.memref_slice %arg3[%scan3A_17, %add3A, %multiple_of3A_44] : memref<32x32x10240xi32, #tpu.memory_space<hbm>> -> memref<1x1x128xi32, #tpu.memory_space<hbm>>
          %dma_wait3A_165 = tpu.memref_squeeze %dma_wait3A_164 : memref<1x1x128xi32, #tpu.memory_space<hbm>> -> memref<128xi32, #tpu.memory_space<hbm>>
          tpu.wait_dma2 semaphore(%run_scoped3A : memref<!tpu.dma_semaphore, #tpu.memory_space<semaphore_mem>>) src(%dma_wait3A_165 : memref<128xi32, #tpu.memory_space<hbm>>) dst(%arg7 : memref<128xi32, #tpu.memory_space<vmem>>)
          tpu.yield
        }) : () -> ()
        %get3A_45 = arith.constant 0 : index
        %get3A_46 = tpu.vector_load %arg7[%get3A_45] {strides = array<i32>} : memref<128xi32, #tpu.memory_space<vmem>>, vector<16xi32>,
        %shift_right_arithmetic3A_47 = arith.constant 9 : i32
        %shift_right_arithmetic3A_48 = vector.broadcast %shift_right_arithmetic3A_47 : i32 to vector<16xi32>
        %shift_right_arithmetic3A_49 = arith.shrsi %get3A_46, %shift_right_arithmetic3A_48 : vector<16xi32>
        %swap3A = arith.constant 0 : index
        %swap3A_50 = tpu.vector_load %arg8[%swap3A] {strides = array<i32>} : memref<128xi32, #tpu.memory_space<vmem>>, vector<16xi32>,
        tpu.vector_store %arg8[%swap3A], %shift_right_arithmetic3A_49 {strides = array<i32>} : memref<128xi32, #tpu.memory_space<vmem>>, vector<16xi32>,
        %and3A_51 = arith.constant 511 : i32
        %and3A_52 = vector.broadcast %and3A_51 : i32 to vector<16xi32>
        %and3A_53 = arith.andi %get3A_46, %and3A_52 : vector<16xi32>
        %swap3A_54 = arith.constant 0 : index
        %swap3A_55 = tpu.vector_load %arg9[%swap3A_54] {strides = array<i32>} : memref<128xi32, #tpu.memory_space<vmem>>, vector<16xi32>,
        tpu.vector_store %arg9[%swap3A_54], %and3A_53 {strides = array<i32>} : memref<128xi32, #tpu.memory_space<vmem>>, vector<16xi32>,
        %get3A_56 = arith.constant 16 : index
        %get3A_57 = tpu.vector_load %arg7[%get3A_56] {strides = array<i32>} : memref<128xi32, #tpu.memory_space<vmem>>, vector<16xi32>,
        %shift_right_arithmetic3A_58 = arith.constant 9 : i32
        %shift_right_arithmetic3A_59 = vector.broadcast %shift_right_arithmetic3A_58 : i32 to vector<16xi32>
        %shift_right_arithmetic3A_60 = arith.shrsi %get3A_57, %shift_right_arithmetic3A_59 : vector<16xi32>
        %swap3A_61 = arith.constant 16 : index
        %swap3A_62 = tpu.vector_load %arg8[%swap3A_61] {strides = array<i32>} : memref<128xi32, #tpu.memory_space<vmem>>, vector<16xi32>,
        tpu.vector_store %arg8[%swap3A_61], %shift_right_arithmetic3A_60 {strides = array<i32>} : memref<128xi32, #tpu.memory_space<vmem>>, vector<16xi32>,
        %and3A_63 = arith.constant 511 : i32
        %and3A_64 = vector.broadcast %and3A_63 : i32 to vector<16xi32>
        %and3A_65 = arith.andi %get3A_57, %and3A_64 : vector<16xi32>
        %swap3A_66 = arith.constant 16 : index
        %swap3A_67 = tpu.vector_load %arg9[%swap3A_66] {strides = array<i32>} : memref<128xi32, #tpu.memory_space<vmem>>, vector<16xi32>,
        tpu.vector_store %arg9[%swap3A_66], %and3A_65 {strides = array<i32>} : memref<128xi32, #tpu.memory_space<vmem>>, vector<16xi32>,
        %get3A_68 = arith.constant 32 : index
        %get3A_69 = tpu.vector_load %arg7[%get3A_68] {strides = array<i32>} : memref<128xi32, #tpu.memory_space<vmem>>, vector<16xi32>,
        %shift_right_arithmetic3A_70 = arith.constant 9 : i32
        %shift_right_arithmetic3A_71 = vector.broadcast %shift_right_arithmetic3A_70 : i32 to vector<16xi32>
        %shift_right_arithmetic3A_72 = arith.shrsi %get3A_69, %shift_right_arithmetic3A_71 : vector<16xi32>
        %swap3A_73 = arith.constant 32 : index
        %swap3A_74 = tpu.vector_load %arg8[%swap3A_73] {strides = array<i32>} : memref<128xi32, #tpu.memory_space<vmem>>, vector<16xi32>,
        tpu.vector_store %arg8[%swap3A_73], %shift_right_arithmetic3A_72 {strides = array<i32>} : memref<128xi32, #tpu.memory_space<vmem>>, vector<16xi32>,
        %and3A_75 = arith.constant 511 : i32
        %and3A_76 = vector.broadcast %and3A_75 : i32 to vector<16xi32>
        %and3A_77 = arith.andi %get3A_69, %and3A_76 : vector<16xi32>
        %swap3A_78 = arith.constant 32 : index
        %swap3A_79 = tpu.vector_load %arg9[%swap3A_78] {strides = array<i32>} : memref<128xi32, #tpu.memory_space<vmem>>, vector<16xi32>,
        tpu.vector_store %arg9[%swap3A_78], %and3A_77 {strides = array<i32>} : memref<128xi32, #tpu.memory_space<vmem>>, vector<16xi32>,
        %get3A_80 = arith.constant 48 : index
        %get3A_81 = tpu.vector_load %arg7[%get3A_80] {strides = array<i32>} : memref<128xi32, #tpu.memory_space<vmem>>, vector<16xi32>,
        %shift_right_arithmetic3A_82 = arith.constant 9 : i32
        %shift_right_arithmetic3A_83 = vector.broadcast %shift_right_arithmetic3A_82 : i32 to vector<16xi32>
        %shift_right_arithmetic3A_84 = arith.shrsi %get3A_81, %shift_right_arithmetic3A_83 : vector<16xi32>
        %swap3A_85 = arith.constant 48 : index
        %swap3A_86 = tpu.vector_load %arg8[%swap3A_85] {strides = array<i32>} : memref<128xi32, #tpu.memory_space<vmem>>, vector<16xi32>,
        tpu.vector_store %arg8[%swap3A_85], %shift_right_arithmetic3A_84 {strides = array<i32>} : memref<128xi32, #tpu.memory_space<vmem>>, vector<16xi32>,
        %and3A_87 = arith.constant 511 : i32
        %and3A_88 = vector.broadcast %and3A_87 : i32 to vector<16xi32>
        %and3A_89 = arith.andi %get3A_81, %and3A_88 : vector<16xi32>
        %swap3A_90 = arith.constant 48 : index
        %swap3A_91 = tpu.vector_load %arg9[%swap3A_90] {strides = array<i32>} : memref<128xi32, #tpu.memory_space<vmem>>, vector<16xi32>,
        tpu.vector_store %arg9[%swap3A_90], %and3A_89 {strides = array<i32>} : memref<128xi32, #tpu.memory_space<vmem>>, vector<16xi32>,
        %get3A_92 = arith.constant 64 : index
        %get3A_93 = tpu.vector_load %arg7[%get3A_92] {strides = array<i32>} : memref<128xi32, #tpu.memory_space<vmem>>, vector<16xi32>,
        %shift_right_arithmetic3A_94 = arith.constant 9 : i32
        %shift_right_arithmetic3A_95 = vector.broadcast %shift_right_arithmetic3A_94 : i32 to vector<16xi32>
        %shift_right_arithmetic3A_96 = arith.shrsi %get3A_93, %shift_right_arithmetic3A_95 : vector<16xi32>
        %swap3A_97 = arith.constant 64 : index
        %swap3A_98 = tpu.vector_load %arg8[%swap3A_97] {strides = array<i32>} : memref<128xi32, #tpu.memory_space<vmem>>, vector<16xi32>,
        tpu.vector_store %arg8[%swap3A_97], %shift_right_arithmetic3A_96 {strides = array<i32>} : memref<128xi32, #tpu.memory_space<vmem>>, vector<16xi32>,
        %and3A_99 = arith.constant 511 : i32
        %and3A_100 = vector.broadcast %and3A_99 : i32 to vector<16xi32>
        %and3A_101 = arith.andi %get3A_93, %and3A_100 : vector<16xi32>
        %swap3A_102 = arith.constant 64 : index
        %swap3A_103 = tpu.vector_load %arg9[%swap3A_102] {strides = array<i32>} : memref<128xi32, #tpu.memory_space<vmem>>, vector<16xi32>,
        tpu.vector_store %arg9[%swap3A_102], %and3A_101 {strides = array<i32>} : memref<128xi32, #tpu.memory_space<vmem>>, vector<16xi32>,
        %get3A_104 = arith.constant 80 : index
        %get3A_105 = tpu.vector_load %arg7[%get3A_104] {strides = array<i32>} : memref<128xi32, #tpu.memory_space<vmem>>, vector<16xi32>,
        %shift_right_arithmetic3A_106 = arith.constant 9 : i32
        %shift_right_arithmetic3A_107 = vector.broadcast %shift_right_arithmetic3A_106 : i32 to vector<16xi32>
        %shift_right_arithmetic3A_108 = arith.shrsi %get3A_105, %shift_right_arithmetic3A_107 : vector<16xi32>
        %swap3A_109 = arith.constant 80 : index
        %swap3A_110 = tpu.vector_load %arg8[%swap3A_109] {strides = array<i32>} : memref<128xi32, #tpu.memory_space<vmem>>, vector<16xi32>,
        tpu.vector_store %arg8[%swap3A_109], %shift_right_arithmetic3A_108 {strides = array<i32>} : memref<128xi32, #tpu.memory_space<vmem>>, vector<16xi32>,
        %and3A_111 = arith.constant 511 : i32
        %and3A_112 = vector.broadcast %and3A_111 : i32 to vector<16xi32>
        %and3A_113 = arith.andi %get3A_105, %and3A_112 : vector<16xi32>
        %swap3A_114 = arith.constant 80 : index
        %swap3A_115 = tpu.vector_load %arg9[%swap3A_114] {strides = array<i32>} : memref<128xi32, #tpu.memory_space<vmem>>, vector<16xi32>,
        tpu.vector_store %arg9[%swap3A_114], %and3A_113 {strides = array<i32>} : memref<128xi32, #tpu.memory_space<vmem>>, vector<16xi32>,
        %get3A_116 = arith.constant 96 : index
        %get3A_117 = tpu.vector_load %arg7[%get3A_116] {strides = array<i32>} : memref<128xi32, #tpu.memory_space<vmem>>, vector<16xi32>,
        %shift_right_arithmetic3A_118 = arith.constant 9 : i32
        %shift_right_arithmetic3A_119 = vector.broadcast %shift_right_arithmetic3A_118 : i32 to vector<16xi32>
        %shift_right_arithmetic3A_120 = arith.shrsi %get3A_117, %shift_right_arithmetic3A_119 : vector<16xi32>
        %swap3A_121 = arith.constant 96 : index
        %swap3A_122 = tpu.vector_load %arg8[%swap3A_121] {strides = array<i32>} : memref<128xi32, #tpu.memory_space<vmem>>, vector<16xi32>,
        tpu.vector_store %arg8[%swap3A_121], %shift_right_arithmetic3A_120 {strides = array<i32>} : memref<128xi32, #tpu.memory_space<vmem>>, vector<16xi32>,
        %and3A_123 = arith.constant 511 : i32
        %and3A_124 = vector.broadcast %and3A_123 : i32 to vector<16xi32>
        %and3A_125 = arith.andi %get3A_117, %and3A_124 : vector<16xi32>
        %swap3A_126 = arith.constant 96 : index
        %swap3A_127 = tpu.vector_load %arg9[%swap3A_126] {strides = array<i32>} : memref<128xi32, #tpu.memory_space<vmem>>, vector<16xi32>,
        tpu.vector_store %arg9[%swap3A_126], %and3A_125 {strides = array<i32>} : memref<128xi32, #tpu.memory_space<vmem>>, vector<16xi32>,
        %get3A_128 = arith.constant 112 : index
        %get3A_129 = tpu.vector_load %arg7[%get3A_128] {strides = array<i32>} : memref<128xi32, #tpu.memory_space<vmem>>, vector<16xi32>,
        %shift_right_arithmetic3A_130 = arith.constant 9 : i32
        %shift_right_arithmetic3A_131 = vector.broadcast %shift_right_arithmetic3A_130 : i32 to vector<16xi32>
        %shift_right_arithmetic3A_132 = arith.shrsi %get3A_129, %shift_right_arithmetic3A_131 : vector<16xi32>
        %swap3A_133 = arith.constant 112 : index
        %swap3A_134 = tpu.vector_load %arg8[%swap3A_133] {strides = array<i32>} : memref<128xi32, #tpu.memory_space<vmem>>, vector<16xi32>,
        tpu.vector_store %arg8[%swap3A_133], %shift_right_arithmetic3A_132 {strides = array<i32>} : memref<128xi32, #tpu.memory_space<vmem>>, vector<16xi32>,
        %and3A_135 = arith.constant 511 : i32
        %and3A_136 = vector.broadcast %and3A_135 : i32 to vector<16xi32>
        %and3A_137 = arith.andi %get3A_129, %and3A_136 : vector<16xi32>
        %swap3A_138 = arith.constant 112 : index
        %swap3A_139 = tpu.vector_load %arg9[%swap3A_138] {strides = array<i32>} : memref<128xi32, #tpu.memory_space<vmem>>, vector<16xi32>,
        tpu.vector_store %arg9[%swap3A_138], %and3A_137 {strides = array<i32>} : memref<128xi32, #tpu.memory_space<vmem>>, vector<16xi32>,
        %dma_start3A = arith.constant 0 : i32
        %dma_start3A_140 = arith.constant 0 : i32
        %dma_start3A_141 = tpu.memref_slice %arg2[%dma_start3A, %dma_start3A_140] : memref<320000x128xf32, #tpu.memory_space<hbm>> -> memref<320000x128xf32, #tpu.memory_space<hbm>>
        tpu.enqueue_indirect_dma source(%dma_start3A_141 : memref<320000x128xf32, #tpu.memory_space<hbm>>) target(%arg10 : memref<128x128xf32, #tpu.memory_space<vmem>>) offsets(%arg8 : memref<128xi32, #tpu.memory_space<vmem>>) semaphore(%arg12 : memref<!tpu.dma_semaphore, #tpu.memory_space<semaphore_mem>>)
        %dma_wait3A = arith.constant 0 : i32
        %dma_wait3A_142 = arith.constant 0 : i32
        %dma_wait3A_143 = tpu.memref_slice %arg2[%dma_wait3A, %dma_wait3A_142] : memref<320000x128xf32, #tpu.memory_space<hbm>> -> memref<320000x128xf32, #tpu.memory_space<hbm>>
        tpu.wait_indirect_dma semaphore(%arg12 : memref<!tpu.dma_semaphore, #tpu.memory_space<semaphore_mem>>) src(%dma_wait3A_143 : memref<320000x128xf32, #tpu.memory_space<hbm>>) dst(%arg10 : memref<128x128xf32, #tpu.memory_space<vmem>>)
        %mul3A_144 = arith.constant 128 : i32
        %mul3A_145 = arith.muli %while3A_41, %mul3A_144 : i32
        %sub3A_146 = arith.subi %squeeze3A, %mul3A_145 : i32
        %min3A = arith.constant 128 : i32
        %min3A_147 = arith.minsi %sub3A_146, %min3A : i32
        %while3A_148 = arith.constant 0 : i32
        %while3A_149 = arith.constant 0 : i32
        %while3A_150 = arith.subi %min3A_147, %while3A_149 : i32
        %while3A_151 = arith.addi %while3A_149, %while3A_150 : i32
        %while3A_152 = arith.constant 1 : i32
        %while3A_153 = arith.divsi %while3A_150, %while3A_152 : i32
        %while3A_154 = arith.muli %while3A_153, %while3A_152 : i32
        %while3A_155 = arith.addi %while3A_149, %while3A_154 : i32
        %while3A_156 = arith.constant 1 : i32
        scf.for %while3A_158 = %while3A_149 to %while3A_155 step %while3A_156  : i32 {
          %shift_right_arithmetic3A_159 = arith.constant 4 : i32
          %shift_right_arithmetic3A_160 = arith.shrsi %while3A_158, %shift_right_arithmetic3A_159 : i32
          %shift_left3A_161 = arith.constant 4 : i32
          %shift_left3A_162 = arith.shli %shift_right_arithmetic3A_160, %shift_left3A_161 : i32
          %multiple_of3A_163 = tpu.assume_multiple %shift_left3A_162, 16 : i32
          %get3A_164 = arith.index_cast %multiple_of3A_163 : i32 to index
          %get3A_165 = tpu.vector_load %arg9[%get3A_164] {strides = array<i32>} : memref<128xi32, #tpu.memory_space<vmem>>, vector<16xi32>,
          %and3A_166 = arith.constant 15 : i32
          %and3A_167 = arith.andi %while3A_158, %and3A_166 : i32
          %broadcast_in_dim3A_168 = vector.broadcast %and3A_167 : i32 to vector<16xi32>
          %broadcast_in_dim3A_169 = vector.shape_cast %broadcast_in_dim3A_168 : vector<16xi32> to vector<16x1xi32>
          %gather3A_170 = vector.shape_cast %broadcast_in_dim3A_169 : vector<16x1xi32> to vector<16xi32>
          %gather3A_171 = tpu.dynamic_gather %get3A_165[%gather3A_170] in [0] : vector<16xi32>, vector<16xi32> -> vector<16xi32>
          %mul3A_172 = arith.constant 64 : i32
          %mul3A_173 = vector.broadcast %mul3A_172 : i32 to vector<16xi32>
          %mul3A_174 = arith.muli %gather3A_171, %mul3A_173 : vector<16xi32>
          %iota3A = tpu.iota {dimensions = array<i32: 0>} : vector<16xi32>
          %add3A_175 = arith.constant 0 : i32
          %add3A_176 = vector.broadcast %add3A_175 : i32 to vector<16xi32>
          %add3A_177 = arith.addi %add3A_176, %iota3A : vector<16xi32>
          %add3A_178 = arith.addi %mul3A_174, %add3A_177 : vector<16xi32>
          %gather3A_179 = tpu.vector_load_idx %arg11[%add3A_178] : memref<20480xf32, #tpu.memory_space<vmem>>[vector<16xi32>], vector<16xf32>,
          %get3A_180 = arith.index_cast %while3A_158 : i32 to index
          %get3A_181 = arith.constant 0 : index
          %get3A_182 = tpu.vector_load %arg10[%get3A_180, %get3A_181] {strides = array<i32>} : memref<128x128xf32, #tpu.memory_space<vmem>>, vector<16xf32>,
          %add3A_183 = arith.addi %mul3A_174, %add3A_177 : vector<16xi32>
          %max3A = arith.maximumf %gather3A_179, %get3A_182 : vector<16xf32>
          tpu.vector_store_idx %arg11[%add3A_183], %max3A : memref<20480xf32, #tpu.memory_space<vmem>>[vector<16xi32>], vector<16xf32>,
          %iota3A_184 = tpu.iota {dimensions = array<i32: 0>} : vector<16xi32>
          %add3A_185 = arith.constant 16 : i32
          %add3A_186 = vector.broadcast %add3A_185 : i32 to vector<16xi32>
          %add3A_187 = arith.addi %add3A_186, %iota3A_184 : vector<16xi32>
          %add3A_188 = arith.addi %mul3A_174, %add3A_187 : vector<16xi32>
          %gather3A_189 = tpu.vector_load_idx %arg11[%add3A_188] : memref<20480xf32, #tpu.memory_space<vmem>>[vector<16xi32>], vector<16xf32>,
          %get3A_190 = arith.index_cast %while3A_158 : i32 to index
          %get3A_191 = arith.constant 16 : index
          %get3A_192 = tpu.vector_load %arg10[%get3A_190, %get3A_191] {strides = array<i32>} : memref<128x128xf32, #tpu.memory_space<vmem>>, vector<16xf32>,
          %add3A_193 = arith.addi %mul3A_174, %add3A_187 : vector<16xi32>
          %max3A_194 = arith.maximumf %gather3A_189, %get3A_192 : vector<16xf32>
          tpu.vector_store_idx %arg11[%add3A_193], %max3A_194 : memref<20480xf32, #tpu.memory_space<vmem>>[vector<16xi32>], vector<16xf32>,
          %iota3A_195 = tpu.iota {dimensions = array<i32: 0>} : vector<16xi32>
          %add3A_196 = arith.constant 32 : i32
          %add3A_197 = vector.broadcast %add3A_196 : i32 to vector<16xi32>
          %add3A_198 = arith.addi %add3A_197, %iota3A_195 : vector<16xi32>
          %add3A_199 = arith.addi %mul3A_174, %add3A_198 : vector<16xi32>
          %gather3A_200 = tpu.vector_load_idx %arg11[%add3A_199] : memref<20480xf32, #tpu.memory_space<vmem>>[vector<16xi32>], vector<16xf32>,
          %get3A_201 = arith.index_cast %while3A_158 : i32 to index
          %get3A_202 = arith.constant 32 : index
          %get3A_203 = tpu.vector_load %arg10[%get3A_201, %get3A_202] {strides = array<i32>} : memref<128x128xf32, #tpu.memory_space<vmem>>, vector<16xf32>,
          %add3A_204 = arith.addi %mul3A_174, %add3A_198 : vector<16xi32>
          %max3A_205 = arith.maximumf %gather3A_200, %get3A_203 : vector<16xf32>
          tpu.vector_store_idx %arg11[%add3A_204], %max3A_205 : memref<20480xf32, #tpu.memory_space<vmem>>[vector<16xi32>], vector<16xf32>,
          %iota3A_206 = tpu.iota {dimensions = array<i32: 0>} : vector<16xi32>
          %add3A_207 = arith.constant 48 : i32
          %add3A_208 = vector.broadcast %add3A_207 : i32 to vector<16xi32>
          %add3A_209 = arith.addi %add3A_208, %iota3A_206 : vector<16xi32>
          %add3A_210 = arith.addi %mul3A_174, %add3A_209 : vector<16xi32>
          %gather3A_211 = tpu.vector_load_idx %arg11[%add3A_210] : memref<20480xf32, #tpu.memory_space<vmem>>[vector<16xi32>], vector<16xf32>,
          %get3A_212 = arith.index_cast %while3A_158 : i32 to index
          %get3A_213 = arith.constant 48 : index
          %get3A_214 = tpu.vector_load %arg10[%get3A_212, %get3A_213] {strides = array<i32>} : memref<128x128xf32, #tpu.memory_space<vmem>>, vector<16xf32>,
          %add3A_215 = arith.addi %mul3A_174, %add3A_209 : vector<16xi32>
          %max3A_216 = arith.maximumf %gather3A_211, %get3A_214 : vector<16xf32>
          tpu.vector_store_idx %arg11[%add3A_215], %max3A_216 : memref<20480xf32, #tpu.memory_space<vmem>>[vector<16xi32>], vector<16xf32>,
        }
        %while3A_157 = arith.constant 1 : i32
        scf.for %while3A_158 = %while3A_155 to %while3A_151 step %while3A_157  : i32 {
          %shift_right_arithmetic3A_159 = arith.constant 4 : i32
          %shift_right_arithmetic3A_160 = arith.shrsi %while3A_158, %shift_right_arithmetic3A_159 : i32
          %shift_left3A_161 = arith.constant 4 : i32
          %shift_left3A_162 = arith.shli %shift_right_arithmetic3A_160, %shift_left3A_161 : i32
          %multiple_of3A_163 = tpu.assume_multiple %shift_left3A_162, 16 : i32
          %get3A_164 = arith.index_cast %multiple_of3A_163 : i32 to index
          %get3A_165 = tpu.vector_load %arg9[%get3A_164] {strides = array<i32>} : memref<128xi32, #tpu.memory_space<vmem>>, vector<16xi32>,
          %and3A_166 = arith.constant 15 : i32
          %and3A_167 = arith.andi %while3A_158, %and3A_166 : i32
          %broadcast_in_dim3A_168 = vector.broadcast %and3A_167 : i32 to vector<16xi32>
          %broadcast_in_dim3A_169 = vector.shape_cast %broadcast_in_dim3A_168 : vector<16xi32> to vector<16x1xi32>
          %gather3A_170 = vector.shape_cast %broadcast_in_dim3A_169 : vector<16x1xi32> to vector<16xi32>
          %gather3A_171 = tpu.dynamic_gather %get3A_165[%gather3A_170] in [0] : vector<16xi32>, vector<16xi32> -> vector<16xi32>
          %mul3A_172 = arith.constant 64 : i32
          %mul3A_173 = vector.broadcast %mul3A_172 : i32 to vector<16xi32>
          %mul3A_174 = arith.muli %gather3A_171, %mul3A_173 : vector<16xi32>
          %iota3A = tpu.iota {dimensions = array<i32: 0>} : vector<16xi32>
          %add3A_175 = arith.constant 0 : i32
          %add3A_176 = vector.broadcast %add3A_175 : i32 to vector<16xi32>
          %add3A_177 = arith.addi %add3A_176, %iota3A : vector<16xi32>
          %add3A_178 = arith.addi %mul3A_174, %add3A_177 : vector<16xi32>
          %gather3A_179 = tpu.vector_load_idx %arg11[%add3A_178] : memref<20480xf32, #tpu.memory_space<vmem>>[vector<16xi32>], vector<16xf32>,
          %get3A_180 = arith.index_cast %while3A_158 : i32 to index
          %get3A_181 = arith.constant 0 : index
          %get3A_182 = tpu.vector_load %arg10[%get3A_180, %get3A_181] {strides = array<i32>} : memref<128x128xf32, #tpu.memory_space<vmem>>, vector<16xf32>,
          %add3A_183 = arith.addi %mul3A_174, %add3A_177 : vector<16xi32>
          %max3A = arith.maximumf %gather3A_179, %get3A_182 : vector<16xf32>
          tpu.vector_store_idx %arg11[%add3A_183], %max3A : memref<20480xf32, #tpu.memory_space<vmem>>[vector<16xi32>], vector<16xf32>,
          %iota3A_184 = tpu.iota {dimensions = array<i32: 0>} : vector<16xi32>
          %add3A_185 = arith.constant 16 : i32
          %add3A_186 = vector.broadcast %add3A_185 : i32 to vector<16xi32>
          %add3A_187 = arith.addi %add3A_186, %iota3A_184 : vector<16xi32>
          %add3A_188 = arith.addi %mul3A_174, %add3A_187 : vector<16xi32>
          %gather3A_189 = tpu.vector_load_idx %arg11[%add3A_188] : memref<20480xf32, #tpu.memory_space<vmem>>[vector<16xi32>], vector<16xf32>,
          %get3A_190 = arith.index_cast %while3A_158 : i32 to index
          %get3A_191 = arith.constant 16 : index
          %get3A_192 = tpu.vector_load %arg10[%get3A_190, %get3A_191] {strides = array<i32>} : memref<128x128xf32, #tpu.memory_space<vmem>>, vector<16xf32>,
          %add3A_193 = arith.addi %mul3A_174, %add3A_187 : vector<16xi32>
          %max3A_194 = arith.maximumf %gather3A_189, %get3A_192 : vector<16xf32>
          tpu.vector_store_idx %arg11[%add3A_193], %max3A_194 : memref<20480xf32, #tpu.memory_space<vmem>>[vector<16xi32>], vector<16xf32>,
          %iota3A_195 = tpu.iota {dimensions = array<i32: 0>} : vector<16xi32>
          %add3A_196 = arith.constant 32 : i32
          %add3A_197 = vector.broadcast %add3A_196 : i32 to vector<16xi32>
          %add3A_198 = arith.addi %add3A_197, %iota3A_195 : vector<16xi32>
          %add3A_199 = arith.addi %mul3A_174, %add3A_198 : vector<16xi32>
          %gather3A_200 = tpu.vector_load_idx %arg11[%add3A_199] : memref<20480xf32, #tpu.memory_space<vmem>>[vector<16xi32>], vector<16xf32>,
          %get3A_201 = arith.index_cast %while3A_158 : i32 to index
          %get3A_202 = arith.constant 32 : index
          %get3A_203 = tpu.vector_load %arg10[%get3A_201, %get3A_202] {strides = array<i32>} : memref<128x128xf32, #tpu.memory_space<vmem>>, vector<16xf32>,
          %add3A_204 = arith.addi %mul3A_174, %add3A_198 : vector<16xi32>
          %max3A_205 = arith.maximumf %gather3A_200, %get3A_203 : vector<16xf32>
          tpu.vector_store_idx %arg11[%add3A_204], %max3A_205 : memref<20480xf32, #tpu.memory_space<vmem>>[vector<16xi32>], vector<16xf32>,
          %iota3A_206 = tpu.iota {dimensions = array<i32: 0>} : vector<16xi32>
          %add3A_207 = arith.constant 48 : i32
          %add3A_208 = vector.broadcast %add3A_207 : i32 to vector<16xi32>
          %add3A_209 = arith.addi %add3A_208, %iota3A_206 : vector<16xi32>
          %add3A_210 = arith.addi %mul3A_174, %add3A_209 : vector<16xi32>
          %gather3A_211 = tpu.vector_load_idx %arg11[%add3A_210] : memref<20480xf32, #tpu.memory_space<vmem>>[vector<16xi32>], vector<16xf32>,
          %get3A_212 = arith.index_cast %while3A_158 : i32 to index
          %get3A_213 = arith.constant 48 : index
          %get3A_214 = tpu.vector_load %arg10[%get3A_212, %get3A_213] {strides = array<i32>} : memref<128x128xf32, #tpu.memory_space<vmem>>, vector<16xf32>,
          %add3A_215 = arith.addi %mul3A_174, %add3A_209 : vector<16xi32>
          %max3A_216 = arith.maximumf %gather3A_211, %get3A_214 : vector<16xf32>
          tpu.vector_store_idx %arg11[%add3A_215], %max3A_216 : memref<20480xf32, #tpu.memory_space<vmem>>[vector<16xi32>], vector<16xf32>,
        }
      }
      %while3A_40 = arith.constant 1 : i32
      scf.for %while3A_41 = %while3A_38 to %while3A_34 step %while3A_40  : i32 {
        %mul3A_42 = arith.constant 128 : i32
        %mul3A_43 = arith.muli %while3A_41, %mul3A_42 : i32
        %multiple_of3A_44 = tpu.assume_multiple %mul3A_43, 128 : i32
        "tpu.region"() ({
          %run_scoped3A = tpu.sem_alloc : memref<!tpu.dma_semaphore, #tpu.memory_space<semaphore_mem>>
          %dma_start3A_158 = tpu.memref_slice %arg3[%scan3A_17, %add3A, %multiple_of3A_44] : memref<32x32x10240xi32, #tpu.memory_space<hbm>> -> memref<1x1x128xi32, #tpu.memory_space<hbm>>
          %dma_start3A_159 = tpu.memref_squeeze %dma_start3A_158 : memref<1x1x128xi32, #tpu.memory_space<hbm>> -> memref<128xi32, #tpu.memory_space<hbm>>
          %dma_start3A_160 = tpu.memref_slice %arg3[%scan3A_17, %add3A, %multiple_of3A_44] : memref<32x32x10240xi32, #tpu.memory_space<hbm>> -> memref<1x1x128xi32, #tpu.memory_space<hbm>>
          %dma_start3A_161 = tpu.memref_squeeze %dma_start3A_160 : memref<1x1x128xi32, #tpu.memory_space<hbm>> -> memref<128xi32, #tpu.memory_space<hbm>>
          tpu.enqueue_dma source(%dma_start3A_161 : memref<128xi32, #tpu.memory_space<hbm>>) target(%arg7 : memref<128xi32, #tpu.memory_space<vmem>>) target_semaphore(%run_scoped3A : memref<!tpu.dma_semaphore, #tpu.memory_space<semaphore_mem>>)
          %dma_wait3A_162 = tpu.memref_slice %arg3[%scan3A_17, %add3A, %multiple_of3A_44] : memref<32x32x10240xi32, #tpu.memory_space<hbm>> -> memref<1x1x128xi32, #tpu.memory_space<hbm>>
          %dma_wait3A_163 = tpu.memref_squeeze %dma_wait3A_162 : memref<1x1x128xi32, #tpu.memory_space<hbm>> -> memref<128xi32, #tpu.memory_space<hbm>>
          %dma_wait3A_164 = tpu.memref_slice %arg3[%scan3A_17, %add3A, %multiple_of3A_44] : memref<32x32x10240xi32, #tpu.memory_space<hbm>> -> memref<1x1x128xi32, #tpu.memory_space<hbm>>
          %dma_wait3A_165 = tpu.memref_squeeze %dma_wait3A_164 : memref<1x1x128xi32, #tpu.memory_space<hbm>> -> memref<128xi32, #tpu.memory_space<hbm>>
          tpu.wait_dma2 semaphore(%run_scoped3A : memref<!tpu.dma_semaphore, #tpu.memory_space<semaphore_mem>>) src(%dma_wait3A_165 : memref<128xi32, #tpu.memory_space<hbm>>) dst(%arg7 : memref<128xi32, #tpu.memory_space<vmem>>)
          tpu.yield
        }) : () -> ()
        %get3A_45 = arith.constant 0 : index
        %get3A_46 = tpu.vector_load %arg7[%get3A_45] {strides = array<i32>} : memref<128xi32, #tpu.memory_space<vmem>>, vector<16xi32>,
        %shift_right_arithmetic3A_47 = arith.constant 9 : i32
        %shift_right_arithmetic3A_48 = vector.broadcast %shift_right_arithmetic3A_47 : i32 to vector<16xi32>
        %shift_right_arithmetic3A_49 = arith.shrsi %get3A_46, %shift_right_arithmetic3A_48 : vector<16xi32>
        %swap3A = arith.constant 0 : index
        %swap3A_50 = tpu.vector_load %arg8[%swap3A] {strides = array<i32>} : memref<128xi32, #tpu.memory_space<vmem>>, vector<16xi32>,
        tpu.vector_store %arg8[%swap3A], %shift_right_arithmetic3A_49 {strides = array<i32>} : memref<128xi32, #tpu.memory_space<vmem>>, vector<16xi32>,
        %and3A_51 = arith.constant 511 : i32
        %and3A_52 = vector.broadcast %and3A_51 : i32 to vector<16xi32>
        %and3A_53 = arith.andi %get3A_46, %and3A_52 : vector<16xi32>
        %swap3A_54 = arith.constant 0 : index
        %swap3A_55 = tpu.vector_load %arg9[%swap3A_54] {strides = array<i32>} : memref<128xi32, #tpu.memory_space<vmem>>, vector<16xi32>,
        tpu.vector_store %arg9[%swap3A_54], %and3A_53 {strides = array<i32>} : memref<128xi32, #tpu.memory_space<vmem>>, vector<16xi32>,
        %get3A_56 = arith.constant 16 : index
        %get3A_57 = tpu.vector_load %arg7[%get3A_56] {strides = array<i32>} : memref<128xi32, #tpu.memory_space<vmem>>, vector<16xi32>,
        %shift_right_arithmetic3A_58 = arith.constant 9 : i32
        %shift_right_arithmetic3A_59 = vector.broadcast %shift_right_arithmetic3A_58 : i32 to vector<16xi32>
        %shift_right_arithmetic3A_60 = arith.shrsi %get3A_57, %shift_right_arithmetic3A_59 : vector<16xi32>
        %swap3A_61 = arith.constant 16 : index
        %swap3A_62 = tpu.vector_load %arg8[%swap3A_61] {strides = array<i32>} : memref<128xi32, #tpu.memory_space<vmem>>, vector<16xi32>,
        tpu.vector_store %arg8[%swap3A_61], %shift_right_arithmetic3A_60 {strides = array<i32>} : memref<128xi32, #tpu.memory_space<vmem>>, vector<16xi32>,
        %and3A_63 = arith.constant 511 : i32
        %and3A_64 = vector.broadcast %and3A_63 : i32 to vector<16xi32>
        %and3A_65 = arith.andi %get3A_57, %and3A_64 : vector<16xi32>
        %swap3A_66 = arith.constant 16 : index
        %swap3A_67 = tpu.vector_load %arg9[%swap3A_66] {strides = array<i32>} : memref<128xi32, #tpu.memory_space<vmem>>, vector<16xi32>,
        tpu.vector_store %arg9[%swap3A_66], %and3A_65 {strides = array<i32>} : memref<128xi32, #tpu.memory_space<vmem>>, vector<16xi32>,
        %get3A_68 = arith.constant 32 : index
        %get3A_69 = tpu.vector_load %arg7[%get3A_68] {strides = array<i32>} : memref<128xi32, #tpu.memory_space<vmem>>, vector<16xi32>,
        %shift_right_arithmetic3A_70 = arith.constant 9 : i32
        %shift_right_arithmetic3A_71 = vector.broadcast %shift_right_arithmetic3A_70 : i32 to vector<16xi32>
        %shift_right_arithmetic3A_72 = arith.shrsi %get3A_69, %shift_right_arithmetic3A_71 : vector<16xi32>
        %swap3A_73 = arith.constant 32 : index
        %swap3A_74 = tpu.vector_load %arg8[%swap3A_73] {strides = array<i32>} : memref<128xi32, #tpu.memory_space<vmem>>, vector<16xi32>,
        tpu.vector_store %arg8[%swap3A_73], %shift_right_arithmetic3A_72 {strides = array<i32>} : memref<128xi32, #tpu.memory_space<vmem>>, vector<16xi32>,
        %and3A_75 = arith.constant 511 : i32
        %and3A_76 = vector.broadcast %and3A_75 : i32 to vector<16xi32>
        %and3A_77 = arith.andi %get3A_69, %and3A_76 : vector<16xi32>
        %swap3A_78 = arith.constant 32 : index
        %swap3A_79 = tpu.vector_load %arg9[%swap3A_78] {strides = array<i32>} : memref<128xi32, #tpu.memory_space<vmem>>, vector<16xi32>,
        tpu.vector_store %arg9[%swap3A_78], %and3A_77 {strides = array<i32>} : memref<128xi32, #tpu.memory_space<vmem>>, vector<16xi32>,
        %get3A_80 = arith.constant 48 : index
        %get3A_81 = tpu.vector_load %arg7[%get3A_80] {strides = array<i32>} : memref<128xi32, #tpu.memory_space<vmem>>, vector<16xi32>,
        %shift_right_arithmetic3A_82 = arith.constant 9 : i32
        %shift_right_arithmetic3A_83 = vector.broadcast %shift_right_arithmetic3A_82 : i32 to vector<16xi32>
        %shift_right_arithmetic3A_84 = arith.shrsi %get3A_81, %shift_right_arithmetic3A_83 : vector<16xi32>
        %swap3A_85 = arith.constant 48 : index
        %swap3A_86 = tpu.vector_load %arg8[%swap3A_85] {strides = array<i32>} : memref<128xi32, #tpu.memory_space<vmem>>, vector<16xi32>,
        tpu.vector_store %arg8[%swap3A_85], %shift_right_arithmetic3A_84 {strides = array<i32>} : memref<128xi32, #tpu.memory_space<vmem>>, vector<16xi32>,
        %and3A_87 = arith.constant 511 : i32
        %and3A_88 = vector.broadcast %and3A_87 : i32 to vector<16xi32>
        %and3A_89 = arith.andi %get3A_81, %and3A_88 : vector<16xi32>
        %swap3A_90 = arith.constant 48 : index
        %swap3A_91 = tpu.vector_load %arg9[%swap3A_90] {strides = array<i32>} : memref<128xi32, #tpu.memory_space<vmem>>, vector<16xi32>,
        tpu.vector_store %arg9[%swap3A_90], %and3A_89 {strides = array<i32>} : memref<128xi32, #tpu.memory_space<vmem>>, vector<16xi32>,
        %get3A_92 = arith.constant 64 : index
        %get3A_93 = tpu.vector_load %arg7[%get3A_92] {strides = array<i32>} : memref<128xi32, #tpu.memory_space<vmem>>, vector<16xi32>,
        %shift_right_arithmetic3A_94 = arith.constant 9 : i32
        %shift_right_arithmetic3A_95 = vector.broadcast %shift_right_arithmetic3A_94 : i32 to vector<16xi32>
        %shift_right_arithmetic3A_96 = arith.shrsi %get3A_93, %shift_right_arithmetic3A_95 : vector<16xi32>
        %swap3A_97 = arith.constant 64 : index
        %swap3A_98 = tpu.vector_load %arg8[%swap3A_97] {strides = array<i32>} : memref<128xi32, #tpu.memory_space<vmem>>, vector<16xi32>,
        tpu.vector_store %arg8[%swap3A_97], %shift_right_arithmetic3A_96 {strides = array<i32>} : memref<128xi32, #tpu.memory_space<vmem>>, vector<16xi32>,
        %and3A_99 = arith.constant 511 : i32
        %and3A_100 = vector.broadcast %and3A_99 : i32 to vector<16xi32>
        %and3A_101 = arith.andi %get3A_93, %and3A_100 : vector<16xi32>
        %swap3A_102 = arith.constant 64 : index
        %swap3A_103 = tpu.vector_load %arg9[%swap3A_102] {strides = array<i32>} : memref<128xi32, #tpu.memory_space<vmem>>, vector<16xi32>,
        tpu.vector_store %arg9[%swap3A_102], %and3A_101 {strides = array<i32>} : memref<128xi32, #tpu.memory_space<vmem>>, vector<16xi32>,
        %get3A_104 = arith.constant 80 : index
        %get3A_105 = tpu.vector_load %arg7[%get3A_104] {strides = array<i32>} : memref<128xi32, #tpu.memory_space<vmem>>, vector<16xi32>,
        %shift_right_arithmetic3A_106 = arith.constant 9 : i32
        %shift_right_arithmetic3A_107 = vector.broadcast %shift_right_arithmetic3A_106 : i32 to vector<16xi32>
        %shift_right_arithmetic3A_108 = arith.shrsi %get3A_105, %shift_right_arithmetic3A_107 : vector<16xi32>
        %swap3A_109 = arith.constant 80 : index
        %swap3A_110 = tpu.vector_load %arg8[%swap3A_109] {strides = array<i32>} : memref<128xi32, #tpu.memory_space<vmem>>, vector<16xi32>,
        tpu.vector_store %arg8[%swap3A_109], %shift_right_arithmetic3A_108 {strides = array<i32>} : memref<128xi32, #tpu.memory_space<vmem>>, vector<16xi32>,
        %and3A_111 = arith.constant 511 : i32
        %and3A_112 = vector.broadcast %and3A_111 : i32 to vector<16xi32>
        %and3A_113 = arith.andi %get3A_105, %and3A_112 : vector<16xi32>
        %swap3A_114 = arith.constant 80 : index
        %swap3A_115 = tpu.vector_load %arg9[%swap3A_114] {strides = array<i32>} : memref<128xi32, #tpu.memory_space<vmem>>, vector<16xi32>,
        tpu.vector_store %arg9[%swap3A_114], %and3A_113 {strides = array<i32>} : memref<128xi32, #tpu.memory_space<vmem>>, vector<16xi32>,
        %get3A_116 = arith.constant 96 : index
        %get3A_117 = tpu.vector_load %arg7[%get3A_116] {strides = array<i32>} : memref<128xi32, #tpu.memory_space<vmem>>, vector<16xi32>,
        %shift_right_arithmetic3A_118 = arith.constant 9 : i32
        %shift_right_arithmetic3A_119 = vector.broadcast %shift_right_arithmetic3A_118 : i32 to vector<16xi32>
        %shift_right_arithmetic3A_120 = arith.shrsi %get3A_117, %shift_right_arithmetic3A_119 : vector<16xi32>
        %swap3A_121 = arith.constant 96 : index
        %swap3A_122 = tpu.vector_load %arg8[%swap3A_121] {strides = array<i32>} : memref<128xi32, #tpu.memory_space<vmem>>, vector<16xi32>,
        tpu.vector_store %arg8[%swap3A_121], %shift_right_arithmetic3A_120 {strides = array<i32>} : memref<128xi32, #tpu.memory_space<vmem>>, vector<16xi32>,
        %and3A_123 = arith.constant 511 : i32
        %and3A_124 = vector.broadcast %and3A_123 : i32 to vector<16xi32>
        %and3A_125 = arith.andi %get3A_117, %and3A_124 : vector<16xi32>
        %swap3A_126 = arith.constant 96 : index
        %swap3A_127 = tpu.vector_load %arg9[%swap3A_126] {strides = array<i32>} : memref<128xi32, #tpu.memory_space<vmem>>, vector<16xi32>,
        tpu.vector_store %arg9[%swap3A_126], %and3A_125 {strides = array<i32>} : memref<128xi32, #tpu.memory_space<vmem>>, vector<16xi32>,
        %get3A_128 = arith.constant 112 : index
        %get3A_129 = tpu.vector_load %arg7[%get3A_128] {strides = array<i32>} : memref<128xi32, #tpu.memory_space<vmem>>, vector<16xi32>,
        %shift_right_arithmetic3A_130 = arith.constant 9 : i32
        %shift_right_arithmetic3A_131 = vector.broadcast %shift_right_arithmetic3A_130 : i32 to vector<16xi32>
        %shift_right_arithmetic3A_132 = arith.shrsi %get3A_129, %shift_right_arithmetic3A_131 : vector<16xi32>
        %swap3A_133 = arith.constant 112 : index
        %swap3A_134 = tpu.vector_load %arg8[%swap3A_133] {strides = array<i32>} : memref<128xi32, #tpu.memory_space<vmem>>, vector<16xi32>,
        tpu.vector_store %arg8[%swap3A_133], %shift_right_arithmetic3A_132 {strides = array<i32>} : memref<128xi32, #tpu.memory_space<vmem>>, vector<16xi32>,
        %and3A_135 = arith.constant 511 : i32
        %and3A_136 = vector.broadcast %and3A_135 : i32 to vector<16xi32>
        %and3A_137 = arith.andi %get3A_129, %and3A_136 : vector<16xi32>
        %swap3A_138 = arith.constant 112 : index
        %swap3A_139 = tpu.vector_load %arg9[%swap3A_138] {strides = array<i32>} : memref<128xi32, #tpu.memory_space<vmem>>, vector<16xi32>,
        tpu.vector_store %arg9[%swap3A_138], %and3A_137 {strides = array<i32>} : memref<128xi32, #tpu.memory_space<vmem>>, vector<16xi32>,
        %dma_start3A = arith.constant 0 : i32
        %dma_start3A_140 = arith.constant 0 : i32
        %dma_start3A_141 = tpu.memref_slice %arg2[%dma_start3A, %dma_start3A_140] : memref<320000x128xf32, #tpu.memory_space<hbm>> -> memref<320000x128xf32, #tpu.memory_space<hbm>>
        tpu.enqueue_indirect_dma source(%dma_start3A_141 : memref<320000x128xf32, #tpu.memory_space<hbm>>) target(%arg10 : memref<128x128xf32, #tpu.memory_space<vmem>>) offsets(%arg8 : memref<128xi32, #tpu.memory_space<vmem>>) semaphore(%arg12 : memref<!tpu.dma_semaphore, #tpu.memory_space<semaphore_mem>>)
        %dma_wait3A = arith.constant 0 : i32
        %dma_wait3A_142 = arith.constant 0 : i32
        %dma_wait3A_143 = tpu.memref_slice %arg2[%dma_wait3A, %dma_wait3A_142] : memref<320000x128xf32, #tpu.memory_space<hbm>> -> memref<320000x128xf32, #tpu.memory_space<hbm>>
        tpu.wait_indirect_dma semaphore(%arg12 : memref<!tpu.dma_semaphore, #tpu.memory_space<semaphore_mem>>) src(%dma_wait3A_143 : memref<320000x128xf32, #tpu.memory_space<hbm>>) dst(%arg10 : memref<128x128xf32, #tpu.memory_space<vmem>>)
        %mul3A_144 = arith.constant 128 : i32
        %mul3A_145 = arith.muli %while3A_41, %mul3A_144 : i32
        %sub3A_146 = arith.subi %squeeze3A, %mul3A_145 : i32
        %min3A = arith.constant 128 : i32
        %min3A_147 = arith.minsi %sub3A_146, %min3A : i32
        %while3A_148 = arith.constant 0 : i32
        %while3A_149 = arith.constant 0 : i32
        %while3A_150 = arith.subi %min3A_147, %while3A_149 : i32
        %while3A_151 = arith.addi %while3A_149, %while3A_150 : i32
        %while3A_152 = arith.constant 1 : i32
        %while3A_153 = arith.divsi %while3A_150, %while3A_152 : i32
        %while3A_154 = arith.muli %while3A_153, %while3A_152 : i32
        %while3A_155 = arith.addi %while3A_149, %while3A_154 : i32
        %while3A_156 = arith.constant 1 : i32
        scf.for %while3A_158 = %while3A_149 to %while3A_155 step %while3A_156  : i32 {
          %shift_right_arithmetic3A_159 = arith.constant 4 : i32
          %shift_right_arithmetic3A_160 = arith.shrsi %while3A_158, %shift_right_arithmetic3A_159 : i32
          %shift_left3A_161 = arith.constant 4 : i32
          %shift_left3A_162 = arith.shli %shift_right_arithmetic3A_160, %shift_left3A_161 : i32
          %multiple_of3A_163 = tpu.assume_multiple %shift_left3A_162, 16 : i32
          %get3A_164 = arith.index_cast %multiple_of3A_163 : i32 to index
          %get3A_165 = tpu.vector_load %arg9[%get3A_164] {strides = array<i32>} : memref<128xi32, #tpu.memory_space<vmem>>, vector<16xi32>,
          %and3A_166 = arith.constant 15 : i32
          %and3A_167 = arith.andi %while3A_158, %and3A_166 : i32
          %broadcast_in_dim3A_168 = vector.broadcast %and3A_167 : i32 to vector<16xi32>
          %broadcast_in_dim3A_169 = vector.shape_cast %broadcast_in_dim3A_168 : vector<16xi32> to vector<16x1xi32>
          %gather3A_170 = vector.shape_cast %broadcast_in_dim3A_169 : vector<16x1xi32> to vector<16xi32>
          %gather3A_171 = tpu.dynamic_gather %get3A_165[%gather3A_170] in [0] : vector<16xi32>, vector<16xi32> -> vector<16xi32>
          %mul3A_172 = arith.constant 64 : i32
          %mul3A_173 = vector.broadcast %mul3A_172 : i32 to vector<16xi32>
          %mul3A_174 = arith.muli %gather3A_171, %mul3A_173 : vector<16xi32>
          %iota3A = tpu.iota {dimensions = array<i32: 0>} : vector<16xi32>
          %add3A_175 = arith.constant 0 : i32
          %add3A_176 = vector.broadcast %add3A_175 : i32 to vector<16xi32>
          %add3A_177 = arith.addi %add3A_176, %iota3A : vector<16xi32>
          %add3A_178 = arith.addi %mul3A_174, %add3A_177 : vector<16xi32>
          %gather3A_179 = tpu.vector_load_idx %arg11[%add3A_178] : memref<20480xf32, #tpu.memory_space<vmem>>[vector<16xi32>], vector<16xf32>,
          %get3A_180 = arith.index_cast %while3A_158 : i32 to index
          %get3A_181 = arith.constant 0 : index
          %get3A_182 = tpu.vector_load %arg10[%get3A_180, %get3A_181] {strides = array<i32>} : memref<128x128xf32, #tpu.memory_space<vmem>>, vector<16xf32>,
          %add3A_183 = arith.addi %mul3A_174, %add3A_177 : vector<16xi32>
          %max3A = arith.maximumf %gather3A_179, %get3A_182 : vector<16xf32>
          tpu.vector_store_idx %arg11[%add3A_183], %max3A : memref<20480xf32, #tpu.memory_space<vmem>>[vector<16xi32>], vector<16xf32>,
          %iota3A_184 = tpu.iota {dimensions = array<i32: 0>} : vector<16xi32>
          %add3A_185 = arith.constant 16 : i32
          %add3A_186 = vector.broadcast %add3A_185 : i32 to vector<16xi32>
          %add3A_187 = arith.addi %add3A_186, %iota3A_184 : vector<16xi32>
          %add3A_188 = arith.addi %mul3A_174, %add3A_187 : vector<16xi32>
          %gather3A_189 = tpu.vector_load_idx %arg11[%add3A_188] : memref<20480xf32, #tpu.memory_space<vmem>>[vector<16xi32>], vector<16xf32>,
          %get3A_190 = arith.index_cast %while3A_158 : i32 to index
          %get3A_191 = arith.constant 16 : index
          %get3A_192 = tpu.vector_load %arg10[%get3A_190, %get3A_191] {strides = array<i32>} : memref<128x128xf32, #tpu.memory_space<vmem>>, vector<16xf32>,
          %add3A_193 = arith.addi %mul3A_174, %add3A_187 : vector<16xi32>
          %max3A_194 = arith.maximumf %gather3A_189, %get3A_192 : vector<16xf32>
          tpu.vector_store_idx %arg11[%add3A_193], %max3A_194 : memref<20480xf32, #tpu.memory_space<vmem>>[vector<16xi32>], vector<16xf32>,
          %iota3A_195 = tpu.iota {dimensions = array<i32: 0>} : vector<16xi32>
          %add3A_196 = arith.constant 32 : i32
          %add3A_197 = vector.broadcast %add3A_196 : i32 to vector<16xi32>
          %add3A_198 = arith.addi %add3A_197, %iota3A_195 : vector<16xi32>
          %add3A_199 = arith.addi %mul3A_174, %add3A_198 : vector<16xi32>
          %gather3A_200 = tpu.vector_load_idx %arg11[%add3A_199] : memref<20480xf32, #tpu.memory_space<vmem>>[vector<16xi32>], vector<16xf32>,
          %get3A_201 = arith.index_cast %while3A_158 : i32 to index
          %get3A_202 = arith.constant 32 : index
          %get3A_203 = tpu.vector_load %arg10[%get3A_201, %get3A_202] {strides = array<i32>} : memref<128x128xf32, #tpu.memory_space<vmem>>, vector<16xf32>,
          %add3A_204 = arith.addi %mul3A_174, %add3A_198 : vector<16xi32>
          %max3A_205 = arith.maximumf %gather3A_200, %get3A_203 : vector<16xf32>
          tpu.vector_store_idx %arg11[%add3A_204], %max3A_205 : memref<20480xf32, #tpu.memory_space<vmem>>[vector<16xi32>], vector<16xf32>,
          %iota3A_206 = tpu.iota {dimensions = array<i32: 0>} : vector<16xi32>
          %add3A_207 = arith.constant 48 : i32
          %add3A_208 = vector.broadcast %add3A_207 : i32 to vector<16xi32>
          %add3A_209 = arith.addi %add3A_208, %iota3A_206 : vector<16xi32>
          %add3A_210 = arith.addi %mul3A_174, %add3A_209 : vector<16xi32>
          %gather3A_211 = tpu.vector_load_idx %arg11[%add3A_210] : memref<20480xf32, #tpu.memory_space<vmem>>[vector<16xi32>], vector<16xf32>,
          %get3A_212 = arith.index_cast %while3A_158 : i32 to index
          %get3A_213 = arith.constant 48 : index
          %get3A_214 = tpu.vector_load %arg10[%get3A_212, %get3A_213] {strides = array<i32>} : memref<128x128xf32, #tpu.memory_space<vmem>>, vector<16xf32>,
          %add3A_215 = arith.addi %mul3A_174, %add3A_209 : vector<16xi32>
          %max3A_216 = arith.maximumf %gather3A_211, %get3A_214 : vector<16xf32>
          tpu.vector_store_idx %arg11[%add3A_215], %max3A_216 : memref<20480xf32, #tpu.memory_space<vmem>>[vector<16xi32>], vector<16xf32>,
        }
        %while3A_157 = arith.constant 1 : i32
        scf.for %while3A_158 = %while3A_155 to %while3A_151 step %while3A_157  : i32 {
          %shift_right_arithmetic3A_159 = arith.constant 4 : i32
          %shift_right_arithmetic3A_160 = arith.shrsi %while3A_158, %shift_right_arithmetic3A_159 : i32
          %shift_left3A_161 = arith.constant 4 : i32
          %shift_left3A_162 = arith.shli %shift_right_arithmetic3A_160, %shift_left3A_161 : i32
          %multiple_of3A_163 = tpu.assume_multiple %shift_left3A_162, 16 : i32
          %get3A_164 = arith.index_cast %multiple_of3A_163 : i32 to index
          %get3A_165 = tpu.vector_load %arg9[%get3A_164] {strides = array<i32>} : memref<128xi32, #tpu.memory_space<vmem>>, vector<16xi32>,
          %and3A_166 = arith.constant 15 : i32
          %and3A_167 = arith.andi %while3A_158, %and3A_166 : i32
          %broadcast_in_dim3A_168 = vector.broadcast %and3A_167 : i32 to vector<16xi32>
          %broadcast_in_dim3A_169 = vector.shape_cast %broadcast_in_dim3A_168 : vector<16xi32> to vector<16x1xi32>
          %gather3A_170 = vector.shape_cast %broadcast_in_dim3A_169 : vector<16x1xi32> to vector<16xi32>
          %gather3A_171 = tpu.dynamic_gather %get3A_165[%gather3A_170] in [0] : vector<16xi32>, vector<16xi32> -> vector<16xi32>
          %mul3A_172 = arith.constant 64 : i32
          %mul3A_173 = vector.broadcast %mul3A_172 : i32 to vector<16xi32>
          %mul3A_174 = arith.muli %gather3A_171, %mul3A_173 : vector<16xi32>
          %iota3A = tpu.iota {dimensions = array<i32: 0>} : vector<16xi32>
          %add3A_175 = arith.constant 0 : i32
          %add3A_176 = vector.broadcast %add3A_175 : i32 to vector<16xi32>
          %add3A_177 = arith.addi %add3A_176, %iota3A : vector<16xi32>
          %add3A_178 = arith.addi %mul3A_174, %add3A_177 : vector<16xi32>
          %gather3A_179 = tpu.vector_load_idx %arg11[%add3A_178] : memref<20480xf32, #tpu.memory_space<vmem>>[vector<16xi32>], vector<16xf32>,
          %get3A_180 = arith.index_cast %while3A_158 : i32 to index
          %get3A_181 = arith.constant 0 : index
          %get3A_182 = tpu.vector_load %arg10[%get3A_180, %get3A_181] {strides = array<i32>} : memref<128x128xf32, #tpu.memory_space<vmem>>, vector<16xf32>,
          %add3A_183 = arith.addi %mul3A_174, %add3A_177 : vector<16xi32>
          %max3A = arith.maximumf %gather3A_179, %get3A_182 : vector<16xf32>
          tpu.vector_store_idx %arg11[%add3A_183], %max3A : memref<20480xf32, #tpu.memory_space<vmem>>[vector<16xi32>], vector<16xf32>,
          %iota3A_184 = tpu.iota {dimensions = array<i32: 0>} : vector<16xi32>
          %add3A_185 = arith.constant 16 : i32
          %add3A_186 = vector.broadcast %add3A_185 : i32 to vector<16xi32>
          %add3A_187 = arith.addi %add3A_186, %iota3A_184 : vector<16xi32>
          %add3A_188 = arith.addi %mul3A_174, %add3A_187 : vector<16xi32>
          %gather3A_189 = tpu.vector_load_idx %arg11[%add3A_188] : memref<20480xf32, #tpu.memory_space<vmem>>[vector<16xi32>], vector<16xf32>,
          %get3A_190 = arith.index_cast %while3A_158 : i32 to index
          %get3A_191 = arith.constant 16 : index
          %get3A_192 = tpu.vector_load %arg10[%get3A_190, %get3A_191] {strides = array<i32>} : memref<128x128xf32, #tpu.memory_space<vmem>>, vector<16xf32>,
          %add3A_193 = arith.addi %mul3A_174, %add3A_187 : vector<16xi32>
          %max3A_194 = arith.maximumf %gather3A_189, %get3A_192 : vector<16xf32>
          tpu.vector_store_idx %arg11[%add3A_193], %max3A_194 : memref<20480xf32, #tpu.memory_space<vmem>>[vector<16xi32>], vector<16xf32>,
          %iota3A_195 = tpu.iota {dimensions = array<i32: 0>} : vector<16xi32>
          %add3A_196 = arith.constant 32 : i32
          %add3A_197 = vector.broadcast %add3A_196 : i32 to vector<16xi32>
          %add3A_198 = arith.addi %add3A_197, %iota3A_195 : vector<16xi32>
          %add3A_199 = arith.addi %mul3A_174, %add3A_198 : vector<16xi32>
          %gather3A_200 = tpu.vector_load_idx %arg11[%add3A_199] : memref<20480xf32, #tpu.memory_space<vmem>>[vector<16xi32>], vector<16xf32>,
          %get3A_201 = arith.index_cast %while3A_158 : i32 to index
          %get3A_202 = arith.constant 32 : index
          %get3A_203 = tpu.vector_load %arg10[%get3A_201, %get3A_202] {strides = array<i32>} : memref<128x128xf32, #tpu.memory_space<vmem>>, vector<16xf32>,
          %add3A_204 = arith.addi %mul3A_174, %add3A_198 : vector<16xi32>
          %max3A_205 = arith.maximumf %gather3A_200, %get3A_203 : vector<16xf32>
          tpu.vector_store_idx %arg11[%add3A_204], %max3A_205 : memref<20480xf32, #tpu.memory_space<vmem>>[vector<16xi32>], vector<16xf32>,
          %iota3A_206 = tpu.iota {dimensions = array<i32: 0>} : vector<16xi32>
          %add3A_207 = arith.constant 48 : i32
          %add3A_208 = vector.broadcast %add3A_207 : i32 to vector<16xi32>
          %add3A_209 = arith.addi %add3A_208, %iota3A_206 : vector<16xi32>
          %add3A_210 = arith.addi %mul3A_174, %add3A_209 : vector<16xi32>
          %gather3A_211 = tpu.vector_load_idx %arg11[%add3A_210] : memref<20480xf32, #tpu.memory_space<vmem>>[vector<16xi32>], vector<16xf32>,
          %get3A_212 = arith.index_cast %while3A_158 : i32 to index
          %get3A_213 = arith.constant 48 : index
          %get3A_214 = tpu.vector_load %arg10[%get3A_212, %get3A_213] {strides = array<i32>} : memref<128x128xf32, #tpu.memory_space<vmem>>, vector<16xf32>,
          %add3A_215 = arith.addi %mul3A_174, %add3A_209 : vector<16xi32>
          %max3A_216 = arith.maximumf %gather3A_211, %get3A_214 : vector<16xf32>
          tpu.vector_store_idx %arg11[%add3A_215], %max3A_216 : memref<20480xf32, #tpu.memory_space<vmem>>[vector<16xi32>], vector<16xf32>,
        }
      }
    }
    %scan3A_12 = arith.constant 32 : i32
    %mul3A_13 = arith.constant 320 : i32
    %mul3A_14 = arith.muli %add3A, %mul3A_13 : i32
    %mul3A_15 = arith.constant 64 : i32
    %mul3A_16 = arith.muli %mul3A_14, %mul3A_15 : i32
    %multiple_of3A = tpu.assume_multiple %mul3A_16, 20480 : i32
    "tpu.region"() ({
      %run_scoped3A = tpu.sem_alloc : memref<!tpu.dma_semaphore, #tpu.memory_space<semaphore_mem>>
      %dma_start3A = tpu.memref_slice %arg5[%multiple_of3A] : memref<655360xf32, #tpu.memory_space<hbm>> -> memref<20480xf32, #tpu.memory_space<hbm>>
      %dma_start3A_17 = tpu.memref_slice %arg5[%multiple_of3A] : memref<655360xf32, #tpu.memory_space<hbm>> -> memref<20480xf32, #tpu.memory_space<hbm>>
      tpu.enqueue_dma source(%arg11 : memref<20480xf32, #tpu.memory_space<vmem>>) target(%dma_start3A_17 : memref<20480xf32, #tpu.memory_space<hbm>>) target_semaphore(%run_scoped3A : memref<!tpu.dma_semaphore, #tpu.memory_space<semaphore_mem>>)
      %dma_wait3A = tpu.memref_slice %arg5[%multiple_of3A] : memref<655360xf32, #tpu.memory_space<hbm>> -> memref<20480xf32, #tpu.memory_space<hbm>>
      %dma_wait3A_18 = tpu.memref_slice %arg5[%multiple_of3A] : memref<655360xf32, #tpu.memory_space<hbm>> -> memref<20480xf32, #tpu.memory_space<hbm>>
      tpu.wait_dma2 semaphore(%run_scoped3A : memref<!tpu.dma_semaphore, #tpu.memory_space<semaphore_mem>>) src(%arg11 : memref<20480xf32, #tpu.memory_space<vmem>>) dst(%dma_wait3A_18 : memref<20480xf32, #tpu.memory_space<hbm>>)
      tpu.yield
    }) : () -> ()
    return
  }
}

#map = affine_map<(d0, d1) -> (0, 0)>
#map1 = affine_map<(d0, d1) -> (0)>
module attributes {stable_mosaic.version = 14 : i64} {
  func.func @_g_body(%arg0: i32, %arg1: i32, %arg2: memref<10000x128xf32, #tpu.memory_space<hbm>>, %arg3: memref<320000xi32, #tpu.memory_space<hbm>>, %arg4: memref<320000xi32, #tpu.memory_space<hbm>>, %arg5: memref<160000x128xf32, #tpu.memory_space<hbm>>, %arg6: memref<80xi32, #tpu.memory_space<vmem>>, %arg7: memref<80xi32, #tpu.memory_space<vmem>>, %arg8: memref<80x128xf32, #tpu.memory_space<vmem>>, %arg9: memref<80x128xf32, #tpu.memory_space<vmem>>, %arg10: memref<40x128xf32, #tpu.memory_space<vmem>>, %arg11: memref<!tpu.dma_semaphore, #tpu.memory_space<semaphore_mem>>, %arg12: memref<!tpu.dma_semaphore, #tpu.memory_space<semaphore_mem>>) attributes {dimension_semantics = [#tpu.dimension_semantics<core_parallel>, #tpu.dimension_semantics<subcore_parallel>], iteration_bounds = array<i64: 2, 16>, scalar_prefetch = 0 : i64, scratch_operands = 7 : i64, tpu.core_type = #tpu.core_type<sc_vector_subcore>, window_params = [{transform_indices = #map}, {transform_indices = #map1}, {transform_indices = #map1}, {transform_indices = #map}]} {
    %mul3A = arith.constant 2 : i32
    %mul3A_0 = arith.muli %arg1, %mul3A : i32
    %add3A = arith.addi %mul3A_0, %arg0 : i32
    %scan3A = arith.constant 0 : i32
    %scan3A_1 = arith.constant 0 : i32
    %scan3A_2 = arith.constant 125 : i32
    %scan3A_3 = arith.addi %scan3A_1, %scan3A_2 : i32
    %scan3A_4 = arith.constant 1 : i32
    scf.for %scan3A_6 = %scan3A_1 to %scan3A_3 step %scan3A_4  : i32 {
      %mul3A_7 = arith.constant 10000 : i32
      %mul3A_8 = arith.muli %add3A, %mul3A_7 : i32
      %mul3A_9 = arith.constant 80 : i32
      %mul3A_10 = arith.muli %scan3A_6, %mul3A_9 : i32
      %add3A_11 = arith.addi %mul3A_8, %mul3A_10 : i32
      %multiple_of3A = tpu.assume_multiple %add3A_11, 80 : i32
      %mul3A_12 = arith.constant 5000 : i32
      %mul3A_13 = arith.muli %add3A, %mul3A_12 : i32
      %mul3A_14 = arith.constant 40 : i32
      %mul3A_15 = arith.muli %scan3A_6, %mul3A_14 : i32
      %add3A_16 = arith.addi %mul3A_13, %mul3A_15 : i32
      %multiple_of3A_17 = tpu.assume_multiple %add3A_16, 40 : i32
      "tpu.region"() ({
        %run_scoped3A = tpu.sem_alloc : memref<!tpu.dma_semaphore, #tpu.memory_space<semaphore_mem>>
        %dma_start3A_34 = tpu.memref_slice %arg3[%multiple_of3A] : memref<320000xi32, #tpu.memory_space<hbm>> -> memref<80xi32, #tpu.memory_space<hbm>>
        %dma_start3A_35 = tpu.memref_slice %arg3[%multiple_of3A] : memref<320000xi32, #tpu.memory_space<hbm>> -> memref<80xi32, #tpu.memory_space<hbm>>
        tpu.enqueue_dma source(%dma_start3A_35 : memref<80xi32, #tpu.memory_space<hbm>>) target(%arg6 : memref<80xi32, #tpu.memory_space<vmem>>) target_semaphore(%run_scoped3A : memref<!tpu.dma_semaphore, #tpu.memory_space<semaphore_mem>>)
        %dma_wait3A_36 = tpu.memref_slice %arg3[%multiple_of3A] : memref<320000xi32, #tpu.memory_space<hbm>> -> memref<80xi32, #tpu.memory_space<hbm>>
        %dma_wait3A_37 = tpu.memref_slice %arg3[%multiple_of3A] : memref<320000xi32, #tpu.memory_space<hbm>> -> memref<80xi32, #tpu.memory_space<hbm>>
        tpu.wait_dma2 semaphore(%run_scoped3A : memref<!tpu.dma_semaphore, #tpu.memory_space<semaphore_mem>>) src(%dma_wait3A_37 : memref<80xi32, #tpu.memory_space<hbm>>) dst(%arg6 : memref<80xi32, #tpu.memory_space<vmem>>)
        tpu.yield
      }) : () -> ()
      "tpu.region"() ({
        %run_scoped3A = tpu.sem_alloc : memref<!tpu.dma_semaphore, #tpu.memory_space<semaphore_mem>>
        %dma_start3A_34 = tpu.memref_slice %arg4[%multiple_of3A] : memref<320000xi32, #tpu.memory_space<hbm>> -> memref<80xi32, #tpu.memory_space<hbm>>
        %dma_start3A_35 = tpu.memref_slice %arg4[%multiple_of3A] : memref<320000xi32, #tpu.memory_space<hbm>> -> memref<80xi32, #tpu.memory_space<hbm>>
        tpu.enqueue_dma source(%dma_start3A_35 : memref<80xi32, #tpu.memory_space<hbm>>) target(%arg7 : memref<80xi32, #tpu.memory_space<vmem>>) target_semaphore(%run_scoped3A : memref<!tpu.dma_semaphore, #tpu.memory_space<semaphore_mem>>)
        %dma_wait3A_36 = tpu.memref_slice %arg4[%multiple_of3A] : memref<320000xi32, #tpu.memory_space<hbm>> -> memref<80xi32, #tpu.memory_space<hbm>>
        %dma_wait3A_37 = tpu.memref_slice %arg4[%multiple_of3A] : memref<320000xi32, #tpu.memory_space<hbm>> -> memref<80xi32, #tpu.memory_space<hbm>>
        tpu.wait_dma2 semaphore(%run_scoped3A : memref<!tpu.dma_semaphore, #tpu.memory_space<semaphore_mem>>) src(%dma_wait3A_37 : memref<80xi32, #tpu.memory_space<hbm>>) dst(%arg7 : memref<80xi32, #tpu.memory_space<vmem>>)
        tpu.yield
      }) : () -> ()
      %dma_start3A = arith.constant 0 : i32
      %dma_start3A_18 = arith.constant 0 : i32
      %dma_start3A_19 = tpu.memref_slice %arg2[%dma_start3A, %dma_start3A_18] : memref<10000x128xf32, #tpu.memory_space<hbm>> -> memref<10000x128xf32, #tpu.memory_space<hbm>>
      tpu.enqueue_indirect_dma source(%dma_start3A_19 : memref<10000x128xf32, #tpu.memory_space<hbm>>) target(%arg8 : memref<80x128xf32, #tpu.memory_space<vmem>>) offsets(%arg6 : memref<80xi32, #tpu.memory_space<vmem>>) semaphore(%arg11 : memref<!tpu.dma_semaphore, #tpu.memory_space<semaphore_mem>>)
      %dma_start3A_20 = arith.constant 0 : i32
      %dma_start3A_21 = arith.constant 0 : i32
      %dma_start3A_22 = tpu.memref_slice %arg2[%dma_start3A_20, %dma_start3A_21] : memref<10000x128xf32, #tpu.memory_space<hbm>> -> memref<10000x128xf32, #tpu.memory_space<hbm>>
      tpu.enqueue_indirect_dma source(%dma_start3A_22 : memref<10000x128xf32, #tpu.memory_space<hbm>>) target(%arg9 : memref<80x128xf32, #tpu.memory_space<vmem>>) offsets(%arg7 : memref<80xi32, #tpu.memory_space<vmem>>) semaphore(%arg12 : memref<!tpu.dma_semaphore, #tpu.memory_space<semaphore_mem>>)
      %dma_wait3A = arith.constant 0 : i32
      %dma_wait3A_23 = arith.constant 0 : i32
      %dma_wait3A_24 = tpu.memref_slice %arg2[%dma_wait3A, %dma_wait3A_23] : memref<10000x128xf32, #tpu.memory_space<hbm>> -> memref<10000x128xf32, #tpu.memory_space<hbm>>
      tpu.wait_indirect_dma semaphore(%arg11 : memref<!tpu.dma_semaphore, #tpu.memory_space<semaphore_mem>>) src(%dma_wait3A_24 : memref<10000x128xf32, #tpu.memory_space<hbm>>) dst(%arg8 : memref<80x128xf32, #tpu.memory_space<vmem>>)
      %dma_wait3A_25 = arith.constant 0 : i32
      %dma_wait3A_26 = arith.constant 0 : i32
      %dma_wait3A_27 = tpu.memref_slice %arg2[%dma_wait3A_25, %dma_wait3A_26] : memref<10000x128xf32, #tpu.memory_space<hbm>> -> memref<10000x128xf32, #tpu.memory_space<hbm>>
      tpu.wait_indirect_dma semaphore(%arg12 : memref<!tpu.dma_semaphore, #tpu.memory_space<semaphore_mem>>) src(%dma_wait3A_27 : memref<10000x128xf32, #tpu.memory_space<hbm>>) dst(%arg9 : memref<80x128xf32, #tpu.memory_space<vmem>>)
      %scan3A_28 = arith.constant 0 : i32
      %scan3A_29 = arith.constant 0 : i32
      %scan3A_30 = arith.constant 40 : i32
      %scan3A_31 = arith.addi %scan3A_29, %scan3A_30 : i32
      %scan3A_32 = arith.constant 1 : i32
      scf.for %scan3A_34 = %scan3A_29 to %scan3A_31 step %scan3A_32  : i32 {
        %mul3A_35 = arith.constant 2 : i32
        %mul3A_36 = arith.muli %mul3A_35, %scan3A_34 : i32
        %get3A = arith.index_cast %mul3A_36 : i32 to index
        %get3A_37 = arith.constant 0 : index
        %get3A_38 = tpu.vector_load %arg8[%get3A, %get3A_37] {strides = array<i32>} : memref<80x128xf32, #tpu.memory_space<vmem>>, vector<1x16xf32>,
        %get3A_39 = vector.shape_cast %get3A_38 : vector<1x16xf32> to vector<16xf32>
        %mul3A_40 = arith.constant 2 : i32
        %mul3A_41 = arith.muli %mul3A_40, %scan3A_34 : i32
        %get3A_42 = arith.index_cast %mul3A_41 : i32 to index
        %get3A_43 = arith.constant 64 : index
        %get3A_44 = tpu.vector_load %arg9[%get3A_42, %get3A_43] {strides = array<i32>} : memref<80x128xf32, #tpu.memory_space<vmem>>, vector<1x16xf32>,
        %get3A_45 = vector.shape_cast %get3A_44 : vector<1x16xf32> to vector<16xf32>
        %add3A_46 = arith.addf %get3A_39, %get3A_45 : vector<16xf32>
        %swap3A = arith.index_cast %scan3A_34 : i32 to index
        %swap3A_47 = arith.constant 0 : index
        %swap3A_48 = tpu.vector_load %arg10[%swap3A, %swap3A_47] {strides = array<i32>} : memref<40x128xf32, #tpu.memory_space<vmem>>, vector<1x16xf32>,
        %swap3A_49 = vector.shape_cast %swap3A_48 : vector<1x16xf32> to vector<16xf32>
        %swap3A_50 = vector.shape_cast %add3A_46 : vector<16xf32> to vector<1x16xf32>
        tpu.vector_store %arg10[%swap3A, %swap3A_47], %swap3A_50 {strides = array<i32>} : memref<40x128xf32, #tpu.memory_space<vmem>>, vector<1x16xf32>,
        %mul3A_51 = arith.constant 2 : i32
        %mul3A_52 = arith.muli %mul3A_51, %scan3A_34 : i32
        %add3A_53 = arith.constant 1 : i32
        %add3A_54 = arith.addi %mul3A_52, %add3A_53 : i32
        %get3A_55 = arith.index_cast %add3A_54 : i32 to index
        %get3A_56 = arith.constant 0 : index
        %get3A_57 = tpu.vector_load %arg8[%get3A_55, %get3A_56] {strides = array<i32>} : memref<80x128xf32, #tpu.memory_space<vmem>>, vector<1x16xf32>,
        %get3A_58 = vector.shape_cast %get3A_57 : vector<1x16xf32> to vector<16xf32>
        %mul3A_59 = arith.constant 2 : i32
        %mul3A_60 = arith.muli %mul3A_59, %scan3A_34 : i32
        %add3A_61 = arith.constant 1 : i32
        %add3A_62 = arith.addi %mul3A_60, %add3A_61 : i32
        %get3A_63 = arith.index_cast %add3A_62 : i32 to index
        %get3A_64 = arith.constant 64 : index
        %get3A_65 = tpu.vector_load %arg9[%get3A_63, %get3A_64] {strides = array<i32>} : memref<80x128xf32, #tpu.memory_space<vmem>>, vector<1x16xf32>,
        %get3A_66 = vector.shape_cast %get3A_65 : vector<1x16xf32> to vector<16xf32>
        %add3A_67 = arith.addf %get3A_58, %get3A_66 : vector<16xf32>
        %swap3A_68 = arith.index_cast %scan3A_34 : i32 to index
        %swap3A_69 = arith.constant 64 : index
        %swap3A_70 = tpu.vector_load %arg10[%swap3A_68, %swap3A_69] {strides = array<i32>} : memref<40x128xf32, #tpu.memory_space<vmem>>, vector<1x16xf32>,
        %swap3A_71 = vector.shape_cast %swap3A_70 : vector<1x16xf32> to vector<16xf32>
        %swap3A_72 = vector.shape_cast %add3A_67 : vector<16xf32> to vector<1x16xf32>
        tpu.vector_store %arg10[%swap3A_68, %swap3A_69], %swap3A_72 {strides = array<i32>} : memref<40x128xf32, #tpu.memory_space<vmem>>, vector<1x16xf32>,
        %mul3A_73 = arith.constant 2 : i32
        %mul3A_74 = arith.muli %mul3A_73, %scan3A_34 : i32
        %get3A_75 = arith.index_cast %mul3A_74 : i32 to index
        %get3A_76 = arith.constant 16 : index
        %get3A_77 = tpu.vector_load %arg8[%get3A_75, %get3A_76] {strides = array<i32>} : memref<80x128xf32, #tpu.memory_space<vmem>>, vector<1x16xf32>,
        %get3A_78 = vector.shape_cast %get3A_77 : vector<1x16xf32> to vector<16xf32>
        %mul3A_79 = arith.constant 2 : i32
        %mul3A_80 = arith.muli %mul3A_79, %scan3A_34 : i32
        %get3A_81 = arith.index_cast %mul3A_80 : i32 to index
        %get3A_82 = arith.constant 80 : index
        %get3A_83 = tpu.vector_load %arg9[%get3A_81, %get3A_82] {strides = array<i32>} : memref<80x128xf32, #tpu.memory_space<vmem>>, vector<1x16xf32>,
        %get3A_84 = vector.shape_cast %get3A_83 : vector<1x16xf32> to vector<16xf32>
        %add3A_85 = arith.addf %get3A_78, %get3A_84 : vector<16xf32>
        %swap3A_86 = arith.index_cast %scan3A_34 : i32 to index
        %swap3A_87 = arith.constant 16 : index
        %swap3A_88 = tpu.vector_load %arg10[%swap3A_86, %swap3A_87] {strides = array<i32>} : memref<40x128xf32, #tpu.memory_space<vmem>>, vector<1x16xf32>,
        %swap3A_89 = vector.shape_cast %swap3A_88 : vector<1x16xf32> to vector<16xf32>
        %swap3A_90 = vector.shape_cast %add3A_85 : vector<16xf32> to vector<1x16xf32>
        tpu.vector_store %arg10[%swap3A_86, %swap3A_87], %swap3A_90 {strides = array<i32>} : memref<40x128xf32, #tpu.memory_space<vmem>>, vector<1x16xf32>,
        %mul3A_91 = arith.constant 2 : i32
        %mul3A_92 = arith.muli %mul3A_91, %scan3A_34 : i32
        %add3A_93 = arith.constant 1 : i32
        %add3A_94 = arith.addi %mul3A_92, %add3A_93 : i32
        %get3A_95 = arith.index_cast %add3A_94 : i32 to index
        %get3A_96 = arith.constant 16 : index
        %get3A_97 = tpu.vector_load %arg8[%get3A_95, %get3A_96] {strides = array<i32>} : memref<80x128xf32, #tpu.memory_space<vmem>>, vector<1x16xf32>,
        %get3A_98 = vector.shape_cast %get3A_97 : vector<1x16xf32> to vector<16xf32>
        %mul3A_99 = arith.constant 2 : i32
        %mul3A_100 = arith.muli %mul3A_99, %scan3A_34 : i32
        %add3A_101 = arith.constant 1 : i32
        %add3A_102 = arith.addi %mul3A_100, %add3A_101 : i32
        %get3A_103 = arith.index_cast %add3A_102 : i32 to index
        %get3A_104 = arith.constant 80 : index
        %get3A_105 = tpu.vector_load %arg9[%get3A_103, %get3A_104] {strides = array<i32>} : memref<80x128xf32, #tpu.memory_space<vmem>>, vector<1x16xf32>,
        %get3A_106 = vector.shape_cast %get3A_105 : vector<1x16xf32> to vector<16xf32>
        %add3A_107 = arith.addf %get3A_98, %get3A_106 : vector<16xf32>
        %swap3A_108 = arith.index_cast %scan3A_34 : i32 to index
        %swap3A_109 = arith.constant 80 : index
        %swap3A_110 = tpu.vector_load %arg10[%swap3A_108, %swap3A_109] {strides = array<i32>} : memref<40x128xf32, #tpu.memory_space<vmem>>, vector<1x16xf32>,
        %swap3A_111 = vector.shape_cast %swap3A_110 : vector<1x16xf32> to vector<16xf32>
        %swap3A_112 = vector.shape_cast %add3A_107 : vector<16xf32> to vector<1x16xf32>
        tpu.vector_store %arg10[%swap3A_108, %swap3A_109], %swap3A_112 {strides = array<i32>} : memref<40x128xf32, #tpu.memory_space<vmem>>, vector<1x16xf32>,
        %mul3A_113 = arith.constant 2 : i32
        %mul3A_114 = arith.muli %mul3A_113, %scan3A_34 : i32
        %get3A_115 = arith.index_cast %mul3A_114 : i32 to index
        %get3A_116 = arith.constant 32 : index
        %get3A_117 = tpu.vector_load %arg8[%get3A_115, %get3A_116] {strides = array<i32>} : memref<80x128xf32, #tpu.memory_space<vmem>>, vector<1x16xf32>,
        %get3A_118 = vector.shape_cast %get3A_117 : vector<1x16xf32> to vector<16xf32>
        %mul3A_119 = arith.constant 2 : i32
        %mul3A_120 = arith.muli %mul3A_119, %scan3A_34 : i32
        %get3A_121 = arith.index_cast %mul3A_120 : i32 to index
        %get3A_122 = arith.constant 96 : index
        %get3A_123 = tpu.vector_load %arg9[%get3A_121, %get3A_122] {strides = array<i32>} : memref<80x128xf32, #tpu.memory_space<vmem>>, vector<1x16xf32>,
        %get3A_124 = vector.shape_cast %get3A_123 : vector<1x16xf32> to vector<16xf32>
        %add3A_125 = arith.addf %get3A_118, %get3A_124 : vector<16xf32>
        %swap3A_126 = arith.index_cast %scan3A_34 : i32 to index
        %swap3A_127 = arith.constant 32 : index
        %swap3A_128 = tpu.vector_load %arg10[%swap3A_126, %swap3A_127] {strides = array<i32>} : memref<40x128xf32, #tpu.memory_space<vmem>>, vector<1x16xf32>,
        %swap3A_129 = vector.shape_cast %swap3A_128 : vector<1x16xf32> to vector<16xf32>
        %swap3A_130 = vector.shape_cast %add3A_125 : vector<16xf32> to vector<1x16xf32>
        tpu.vector_store %arg10[%swap3A_126, %swap3A_127], %swap3A_130 {strides = array<i32>} : memref<40x128xf32, #tpu.memory_space<vmem>>, vector<1x16xf32>,
        %mul3A_131 = arith.constant 2 : i32
        %mul3A_132 = arith.muli %mul3A_131, %scan3A_34 : i32
        %add3A_133 = arith.constant 1 : i32
        %add3A_134 = arith.addi %mul3A_132, %add3A_133 : i32
        %get3A_135 = arith.index_cast %add3A_134 : i32 to index
        %get3A_136 = arith.constant 32 : index
        %get3A_137 = tpu.vector_load %arg8[%get3A_135, %get3A_136] {strides = array<i32>} : memref<80x128xf32, #tpu.memory_space<vmem>>, vector<1x16xf32>,
        %get3A_138 = vector.shape_cast %get3A_137 : vector<1x16xf32> to vector<16xf32>
        %mul3A_139 = arith.constant 2 : i32
        %mul3A_140 = arith.muli %mul3A_139, %scan3A_34 : i32
        %add3A_141 = arith.constant 1 : i32
        %add3A_142 = arith.addi %mul3A_140, %add3A_141 : i32
        %get3A_143 = arith.index_cast %add3A_142 : i32 to index
        %get3A_144 = arith.constant 96 : index
        %get3A_145 = tpu.vector_load %arg9[%get3A_143, %get3A_144] {strides = array<i32>} : memref<80x128xf32, #tpu.memory_space<vmem>>, vector<1x16xf32>,
        %get3A_146 = vector.shape_cast %get3A_145 : vector<1x16xf32> to vector<16xf32>
        %add3A_147 = arith.addf %get3A_138, %get3A_146 : vector<16xf32>
        %swap3A_148 = arith.index_cast %scan3A_34 : i32 to index
        %swap3A_149 = arith.constant 96 : index
        %swap3A_150 = tpu.vector_load %arg10[%swap3A_148, %swap3A_149] {strides = array<i32>} : memref<40x128xf32, #tpu.memory_space<vmem>>, vector<1x16xf32>,
        %swap3A_151 = vector.shape_cast %swap3A_150 : vector<1x16xf32> to vector<16xf32>
        %swap3A_152 = vector.shape_cast %add3A_147 : vector<16xf32> to vector<1x16xf32>
        tpu.vector_store %arg10[%swap3A_148, %swap3A_149], %swap3A_152 {strides = array<i32>} : memref<40x128xf32, #tpu.memory_space<vmem>>, vector<1x16xf32>,
        %mul3A_153 = arith.constant 2 : i32
        %mul3A_154 = arith.muli %mul3A_153, %scan3A_34 : i32
        %get3A_155 = arith.index_cast %mul3A_154 : i32 to index
        %get3A_156 = arith.constant 48 : index
        %get3A_157 = tpu.vector_load %arg8[%get3A_155, %get3A_156] {strides = array<i32>} : memref<80x128xf32, #tpu.memory_space<vmem>>, vector<1x16xf32>,
        %get3A_158 = vector.shape_cast %get3A_157 : vector<1x16xf32> to vector<16xf32>
        %mul3A_159 = arith.constant 2 : i32
        %mul3A_160 = arith.muli %mul3A_159, %scan3A_34 : i32
        %get3A_161 = arith.index_cast %mul3A_160 : i32 to index
        %get3A_162 = arith.constant 112 : index
        %get3A_163 = tpu.vector_load %arg9[%get3A_161, %get3A_162] {strides = array<i32>} : memref<80x128xf32, #tpu.memory_space<vmem>>, vector<1x16xf32>,
        %get3A_164 = vector.shape_cast %get3A_163 : vector<1x16xf32> to vector<16xf32>
        %add3A_165 = arith.addf %get3A_158, %get3A_164 : vector<16xf32>
        %swap3A_166 = arith.index_cast %scan3A_34 : i32 to index
        %swap3A_167 = arith.constant 48 : index
        %swap3A_168 = tpu.vector_load %arg10[%swap3A_166, %swap3A_167] {strides = array<i32>} : memref<40x128xf32, #tpu.memory_space<vmem>>, vector<1x16xf32>,
        %swap3A_169 = vector.shape_cast %swap3A_168 : vector<1x16xf32> to vector<16xf32>
        %swap3A_170 = vector.shape_cast %add3A_165 : vector<16xf32> to vector<1x16xf32>
        tpu.vector_store %arg10[%swap3A_166, %swap3A_167], %swap3A_170 {strides = array<i32>} : memref<40x128xf32, #tpu.memory_space<vmem>>, vector<1x16xf32>,
        %mul3A_171 = arith.constant 2 : i32
        %mul3A_172 = arith.muli %mul3A_171, %scan3A_34 : i32
        %add3A_173 = arith.constant 1 : i32
        %add3A_174 = arith.addi %mul3A_172, %add3A_173 : i32
        %get3A_175 = arith.index_cast %add3A_174 : i32 to index
        %get3A_176 = arith.constant 48 : index
        %get3A_177 = tpu.vector_load %arg8[%get3A_175, %get3A_176] {strides = array<i32>} : memref<80x128xf32, #tpu.memory_space<vmem>>, vector<1x16xf32>,
        %get3A_178 = vector.shape_cast %get3A_177 : vector<1x16xf32> to vector<16xf32>
        %mul3A_179 = arith.constant 2 : i32
        %mul3A_180 = arith.muli %mul3A_179, %scan3A_34 : i32
        %add3A_181 = arith.constant 1 : i32
        %add3A_182 = arith.addi %mul3A_180, %add3A_181 : i32
        %get3A_183 = arith.index_cast %add3A_182 : i32 to index
        %get3A_184 = arith.constant 112 : index
        %get3A_185 = tpu.vector_load %arg9[%get3A_183, %get3A_184] {strides = array<i32>} : memref<80x128xf32, #tpu.memory_space<vmem>>, vector<1x16xf32>,
        %get3A_186 = vector.shape_cast %get3A_185 : vector<1x16xf32> to vector<16xf32>
        %add3A_187 = arith.addf %get3A_178, %get3A_186 : vector<16xf32>
        %swap3A_188 = arith.index_cast %scan3A_34 : i32 to index
        %swap3A_189 = arith.constant 112 : index
        %swap3A_190 = tpu.vector_load %arg10[%swap3A_188, %swap3A_189] {strides = array<i32>} : memref<40x128xf32, #tpu.memory_space<vmem>>, vector<1x16xf32>,
        %swap3A_191 = vector.shape_cast %swap3A_190 : vector<1x16xf32> to vector<16xf32>
        %swap3A_192 = vector.shape_cast %add3A_187 : vector<16xf32> to vector<1x16xf32>
        tpu.vector_store %arg10[%swap3A_188, %swap3A_189], %swap3A_192 {strides = array<i32>} : memref<40x128xf32, #tpu.memory_space<vmem>>, vector<1x16xf32>,
      }
      %scan3A_33 = arith.constant 40 : i32
      "tpu.region"() ({
        %run_scoped3A = tpu.sem_alloc : memref<!tpu.dma_semaphore, #tpu.memory_space<semaphore_mem>>
        %dma_start3A_34 = arith.constant 0 : i32
        %dma_start3A_35 = tpu.memref_slice %arg5[%multiple_of3A_17, %dma_start3A_34] : memref<160000x128xf32, #tpu.memory_space<hbm>> -> memref<40x128xf32, #tpu.memory_space<hbm>>
        %dma_start3A_36 = arith.constant 0 : i32
        %dma_start3A_37 = tpu.memref_slice %arg5[%multiple_of3A_17, %dma_start3A_36] : memref<160000x128xf32, #tpu.memory_space<hbm>> -> memref<40x128xf32, #tpu.memory_space<hbm>>
        tpu.enqueue_dma source(%arg10 : memref<40x128xf32, #tpu.memory_space<vmem>>) target(%dma_start3A_37 : memref<40x128xf32, #tpu.memory_space<hbm>>) target_semaphore(%run_scoped3A : memref<!tpu.dma_semaphore, #tpu.memory_space<semaphore_mem>>)
        %dma_wait3A_38 = arith.constant 0 : i32
        %dma_wait3A_39 = tpu.memref_slice %arg5[%multiple_of3A_17, %dma_wait3A_38] : memref<160000x128xf32, #tpu.memory_space<hbm>> -> memref<40x128xf32, #tpu.memory_space<hbm>>
        %dma_wait3A_40 = arith.constant 0 : i32
        %dma_wait3A_41 = tpu.memref_slice %arg5[%multiple_of3A_17, %dma_wait3A_40] : memref<160000x128xf32, #tpu.memory_space<hbm>> -> memref<40x128xf32, #tpu.memory_space<hbm>>
        tpu.wait_dma2 semaphore(%run_scoped3A : memref<!tpu.dma_semaphore, #tpu.memory_space<semaphore_mem>>) src(%arg10 : memref<40x128xf32, #tpu.memory_space<vmem>>) dst(%dma_wait3A_41 : memref<40x128xf32, #tpu.memory_space<hbm>>)
        tpu.yield
      }) : () -> ()
    }
    %scan3A_5 = arith.constant 125 : i32
    return
  }
}

#map = affine_map<(d0, d1) -> (0, 0)>
#map1 = affine_map<(d0, d1) -> (0, 0, 0)>
#map2 = affine_map<(d0, d1) -> (0)>
module attributes {stable_mosaic.version = 14 : i64} {
  func.func @_s_body(%arg0: i32, %arg1: i32, %arg2: memref<320000x128xf32, #tpu.memory_space<hbm>>, %arg3: memref<32x32x10240xi32, #tpu.memory_space<hbm>>, %arg4: memref<32x32xi32, #tpu.memory_space<hbm>>, %arg5: memref<655360xf32, #tpu.memory_space<hbm>>, %arg6: memref<32x32xi32, #tpu.memory_space<vmem>>, %arg7: memref<128xi32, #tpu.memory_space<vmem>>, %arg8: memref<128xi32, #tpu.memory_space<vmem>>, %arg9: memref<128xi32, #tpu.memory_space<vmem>>, %arg10: memref<128x128xf32, #tpu.memory_space<vmem>>, %arg11: memref<20480xf32, #tpu.memory_space<vmem>>, %arg12: memref<!tpu.dma_semaphore, #tpu.memory_space<semaphore_mem>>) attributes {dimension_semantics = [#tpu.dimension_semantics<core_parallel>, #tpu.dimension_semantics<subcore_parallel>], iteration_bounds = array<i64: 2, 16>, scalar_prefetch = 0 : i64, scratch_operands = 7 : i64, tpu.core_type = #tpu.core_type<sc_vector_subcore>, window_params = [{transform_indices = #map}, {transform_indices = #map1}, {transform_indices = #map}, {transform_indices = #map2}]} {
    %mul3A = arith.constant 2 : i32
    %mul3A_0 = arith.muli %arg1, %mul3A : i32
    %add3A = arith.addi %mul3A_0, %arg0 : i32
    %broadcast_in_dim3A = arith.constant 0.000000e+00 : f32
    %broadcast_in_dim3A_1 = vector.broadcast %broadcast_in_dim3A : f32 to vector<16xf32>
    %scan3A = arith.constant 0 : i32
    %scan3A_2 = arith.constant 0 : i32
    %scan3A_3 = arith.constant 1280 : i32
    %scan3A_4 = arith.addi %scan3A_2, %scan3A_3 : i32
    %scan3A_5 = arith.constant 1 : i32
    scf.for %scan3A_17 = %scan3A_2 to %scan3A_4 step %scan3A_5  : i32 {
      %mul3A_18 = arith.constant 16 : i32
      %mul3A_19 = arith.muli %scan3A_17, %mul3A_18 : i32
      %swap3A = arith.index_cast %mul3A_19 : i32 to index
      %swap3A_20 = tpu.vector_load %arg11[%swap3A] {strides = array<i32>} : memref<20480xf32, #tpu.memory_space<vmem>>, vector<16xf32>,
      tpu.vector_store %arg11[%swap3A], %broadcast_in_dim3A_1 {strides = array<i32>} : memref<20480xf32, #tpu.memory_space<vmem>>, vector<16xf32>,
    }
    %scan3A_6 = arith.constant 1280 : i32
    "tpu.region"() ({
      %run_scoped3A = tpu.sem_alloc : memref<!tpu.dma_semaphore, #tpu.memory_space<semaphore_mem>>
      tpu.enqueue_dma source(%arg4 : memref<32x32xi32, #tpu.memory_space<hbm>>) target(%arg6 : memref<32x32xi32, #tpu.memory_space<vmem>>) target_semaphore(%run_scoped3A : memref<!tpu.dma_semaphore, #tpu.memory_space<semaphore_mem>>)
      tpu.wait_dma2 semaphore(%run_scoped3A : memref<!tpu.dma_semaphore, #tpu.memory_space<semaphore_mem>>) src(%arg4 : memref<32x32xi32, #tpu.memory_space<hbm>>) dst(%arg6 : memref<32x32xi32, #tpu.memory_space<vmem>>)
      tpu.yield
    }) : () -> ()
    %scan3A_7 = arith.constant 0 : i32
    %scan3A_8 = arith.constant 0 : i32
    %scan3A_9 = arith.constant 32 : i32
    %scan3A_10 = arith.addi %scan3A_8, %scan3A_9 : i32
    %scan3A_11 = arith.constant 1 : i32
    scf.for %scan3A_17 = %scan3A_8 to %scan3A_10 step %scan3A_11  : i32 {
      %shift_right_arithmetic3A = arith.constant 4 : i32
      %shift_right_arithmetic3A_18 = arith.shrsi %add3A, %shift_right_arithmetic3A : i32
      %shift_left3A = arith.constant 4 : i32
      %shift_left3A_19 = arith.shli %shift_right_arithmetic3A_18, %shift_left3A : i32
      %multiple_of3A_20 = tpu.assume_multiple %shift_left3A_19, 16 : i32
      %get3A = arith.index_cast %scan3A_17 : i32 to index
      %get3A_21 = arith.index_cast %multiple_of3A_20 : i32 to index
      %get3A_22 = tpu.vector_load %arg6[%get3A, %get3A_21] {strides = array<i32>} : memref<32x32xi32, #tpu.memory_space<vmem>>, vector<16xi32>,
      %and3A = arith.constant 15 : i32
      %and3A_23 = arith.andi %add3A, %and3A : i32
      %broadcast_in_dim3A_24 = vector.broadcast %and3A_23 : i32 to vector<16xi32>
      %broadcast_in_dim3A_25 = vector.shape_cast %broadcast_in_dim3A_24 : vector<16xi32> to vector<16x1xi32>
      %gather3A = vector.shape_cast %broadcast_in_dim3A_25 : vector<16x1xi32> to vector<16xi32>
      %gather3A_26 = tpu.dynamic_gather %get3A_22[%gather3A] in [0] : vector<16xi32>, vector<16xi32> -> vector<16xi32>
      %slice3A = vector.extract_strided_slice %gather3A_26 {offsets = [0], sizes = [1], strides = [1]} : vector<16xi32> to vector<1xi32>
      %squeeze3A = vector.extract %slice3A[0] : i32 from vector<1xi32>
      %add3A_27 = arith.constant 128 : i32
      %add3A_28 = arith.addi %squeeze3A, %add3A_27 : i32
      %sub3A = arith.constant 1 : i32
      %sub3A_29 = arith.subi %add3A_28, %sub3A : i32
      %shift_right_arithmetic3A_30 = arith.constant 7 : i32
      %shift_right_arithmetic3A_31 = arith.shrsi %sub3A_29, %shift_right_arithmetic3A_30 : i32
      %while3A = arith.constant 0 : i32
      %while3A_32 = arith.constant 0 : i32
      %while3A_33 = arith.subi %shift_right_arithmetic3A_31, %while3A_32 : i32
      %while3A_34 = arith.addi %while3A_32, %while3A_33 : i32
      %while3A_35 = arith.constant 1 : i32
      %while3A_36 = arith.divsi %while3A_33, %while3A_35 : i32
      %while3A_37 = arith.muli %while3A_36, %while3A_35 : i32
      %while3A_38 = arith.addi %while3A_32, %while3A_37 : i32
      %while3A_39 = arith.constant 1 : i32
      scf.for %while3A_41 = %while3A_32 to %while3A_38 step %while3A_39  : i32 {
        %mul3A_42 = arith.constant 128 : i32
        %mul3A_43 = arith.muli %while3A_41, %mul3A_42 : i32
        %multiple_of3A_44 = tpu.assume_multiple %mul3A_43, 128 : i32
        "tpu.region"() ({
          %run_scoped3A = tpu.sem_alloc : memref<!tpu.dma_semaphore, #tpu.memory_space<semaphore_mem>>
          %dma_start3A_158 = tpu.memref_slice %arg3[%scan3A_17, %add3A, %multiple_of3A_44] : memref<32x32x10240xi32, #tpu.memory_space<hbm>> -> memref<1x1x128xi32, #tpu.memory_space<hbm>>
          %dma_start3A_159 = tpu.memref_squeeze %dma_start3A_158 : memref<1x1x128xi32, #tpu.memory_space<hbm>> -> memref<128xi32, #tpu.memory_space<hbm>>
          %dma_start3A_160 = tpu.memref_slice %arg3[%scan3A_17, %add3A, %multiple_of3A_44] : memref<32x32x10240xi32, #tpu.memory_space<hbm>> -> memref<1x1x128xi32, #tpu.memory_space<hbm>>
          %dma_start3A_161 = tpu.memref_squeeze %dma_start3A_160 : memref<1x1x128xi32, #tpu.memory_space<hbm>> -> memref<128xi32, #tpu.memory_space<hbm>>
          tpu.enqueue_dma source(%dma_start3A_161 : memref<128xi32, #tpu.memory_space<hbm>>) target(%arg7 : memref<128xi32, #tpu.memory_space<vmem>>) target_semaphore(%run_scoped3A : memref<!tpu.dma_semaphore, #tpu.memory_space<semaphore_mem>>)
          %dma_wait3A_162 = tpu.memref_slice %arg3[%scan3A_17, %add3A, %multiple_of3A_44] : memref<32x32x10240xi32, #tpu.memory_space<hbm>> -> memref<1x1x128xi32, #tpu.memory_space<hbm>>
          %dma_wait3A_163 = tpu.memref_squeeze %dma_wait3A_162 : memref<1x1x128xi32, #tpu.memory_space<hbm>> -> memref<128xi32, #tpu.memory_space<hbm>>
          %dma_wait3A_164 = tpu.memref_slice %arg3[%scan3A_17, %add3A, %multiple_of3A_44] : memref<32x32x10240xi32, #tpu.memory_space<hbm>> -> memref<1x1x128xi32, #tpu.memory_space<hbm>>
          %dma_wait3A_165 = tpu.memref_squeeze %dma_wait3A_164 : memref<1x1x128xi32, #tpu.memory_space<hbm>> -> memref<128xi32, #tpu.memory_space<hbm>>
          tpu.wait_dma2 semaphore(%run_scoped3A : memref<!tpu.dma_semaphore, #tpu.memory_space<semaphore_mem>>) src(%dma_wait3A_165 : memref<128xi32, #tpu.memory_space<hbm>>) dst(%arg7 : memref<128xi32, #tpu.memory_space<vmem>>)
          tpu.yield
        }) : () -> ()
        %get3A_45 = arith.constant 0 : index
        %get3A_46 = tpu.vector_load %arg7[%get3A_45] {strides = array<i32>} : memref<128xi32, #tpu.memory_space<vmem>>, vector<16xi32>,
        %shift_right_arithmetic3A_47 = arith.constant 9 : i32
        %shift_right_arithmetic3A_48 = vector.broadcast %shift_right_arithmetic3A_47 : i32 to vector<16xi32>
        %shift_right_arithmetic3A_49 = arith.shrsi %get3A_46, %shift_right_arithmetic3A_48 : vector<16xi32>
        %swap3A = arith.constant 0 : index
        %swap3A_50 = tpu.vector_load %arg8[%swap3A] {strides = array<i32>} : memref<128xi32, #tpu.memory_space<vmem>>, vector<16xi32>,
        tpu.vector_store %arg8[%swap3A], %shift_right_arithmetic3A_49 {strides = array<i32>} : memref<128xi32, #tpu.memory_space<vmem>>, vector<16xi32>,
        %and3A_51 = arith.constant 511 : i32
        %and3A_52 = vector.broadcast %and3A_51 : i32 to vector<16xi32>
        %and3A_53 = arith.andi %get3A_46, %and3A_52 : vector<16xi32>
        %swap3A_54 = arith.constant 0 : index
        %swap3A_55 = tpu.vector_load %arg9[%swap3A_54] {strides = array<i32>} : memref<128xi32, #tpu.memory_space<vmem>>, vector<16xi32>,
        tpu.vector_store %arg9[%swap3A_54], %and3A_53 {strides = array<i32>} : memref<128xi32, #tpu.memory_space<vmem>>, vector<16xi32>,
        %get3A_56 = arith.constant 16 : index
        %get3A_57 = tpu.vector_load %arg7[%get3A_56] {strides = array<i32>} : memref<128xi32, #tpu.memory_space<vmem>>, vector<16xi32>,
        %shift_right_arithmetic3A_58 = arith.constant 9 : i32
        %shift_right_arithmetic3A_59 = vector.broadcast %shift_right_arithmetic3A_58 : i32 to vector<16xi32>
        %shift_right_arithmetic3A_60 = arith.shrsi %get3A_57, %shift_right_arithmetic3A_59 : vector<16xi32>
        %swap3A_61 = arith.constant 16 : index
        %swap3A_62 = tpu.vector_load %arg8[%swap3A_61] {strides = array<i32>} : memref<128xi32, #tpu.memory_space<vmem>>, vector<16xi32>,
        tpu.vector_store %arg8[%swap3A_61], %shift_right_arithmetic3A_60 {strides = array<i32>} : memref<128xi32, #tpu.memory_space<vmem>>, vector<16xi32>,
        %and3A_63 = arith.constant 511 : i32
        %and3A_64 = vector.broadcast %and3A_63 : i32 to vector<16xi32>
        %and3A_65 = arith.andi %get3A_57, %and3A_64 : vector<16xi32>
        %swap3A_66 = arith.constant 16 : index
        %swap3A_67 = tpu.vector_load %arg9[%swap3A_66] {strides = array<i32>} : memref<128xi32, #tpu.memory_space<vmem>>, vector<16xi32>,
        tpu.vector_store %arg9[%swap3A_66], %and3A_65 {strides = array<i32>} : memref<128xi32, #tpu.memory_space<vmem>>, vector<16xi32>,
        %get3A_68 = arith.constant 32 : index
        %get3A_69 = tpu.vector_load %arg7[%get3A_68] {strides = array<i32>} : memref<128xi32, #tpu.memory_space<vmem>>, vector<16xi32>,
        %shift_right_arithmetic3A_70 = arith.constant 9 : i32
        %shift_right_arithmetic3A_71 = vector.broadcast %shift_right_arithmetic3A_70 : i32 to vector<16xi32>
        %shift_right_arithmetic3A_72 = arith.shrsi %get3A_69, %shift_right_arithmetic3A_71 : vector<16xi32>
        %swap3A_73 = arith.constant 32 : index
        %swap3A_74 = tpu.vector_load %arg8[%swap3A_73] {strides = array<i32>} : memref<128xi32, #tpu.memory_space<vmem>>, vector<16xi32>,
        tpu.vector_store %arg8[%swap3A_73], %shift_right_arithmetic3A_72 {strides = array<i32>} : memref<128xi32, #tpu.memory_space<vmem>>, vector<16xi32>,
        %and3A_75 = arith.constant 511 : i32
        %and3A_76 = vector.broadcast %and3A_75 : i32 to vector<16xi32>
        %and3A_77 = arith.andi %get3A_69, %and3A_76 : vector<16xi32>
        %swap3A_78 = arith.constant 32 : index
        %swap3A_79 = tpu.vector_load %arg9[%swap3A_78] {strides = array<i32>} : memref<128xi32, #tpu.memory_space<vmem>>, vector<16xi32>,
        tpu.vector_store %arg9[%swap3A_78], %and3A_77 {strides = array<i32>} : memref<128xi32, #tpu.memory_space<vmem>>, vector<16xi32>,
        %get3A_80 = arith.constant 48 : index
        %get3A_81 = tpu.vector_load %arg7[%get3A_80] {strides = array<i32>} : memref<128xi32, #tpu.memory_space<vmem>>, vector<16xi32>,
        %shift_right_arithmetic3A_82 = arith.constant 9 : i32
        %shift_right_arithmetic3A_83 = vector.broadcast %shift_right_arithmetic3A_82 : i32 to vector<16xi32>
        %shift_right_arithmetic3A_84 = arith.shrsi %get3A_81, %shift_right_arithmetic3A_83 : vector<16xi32>
        %swap3A_85 = arith.constant 48 : index
        %swap3A_86 = tpu.vector_load %arg8[%swap3A_85] {strides = array<i32>} : memref<128xi32, #tpu.memory_space<vmem>>, vector<16xi32>,
        tpu.vector_store %arg8[%swap3A_85], %shift_right_arithmetic3A_84 {strides = array<i32>} : memref<128xi32, #tpu.memory_space<vmem>>, vector<16xi32>,
        %and3A_87 = arith.constant 511 : i32
        %and3A_88 = vector.broadcast %and3A_87 : i32 to vector<16xi32>
        %and3A_89 = arith.andi %get3A_81, %and3A_88 : vector<16xi32>
        %swap3A_90 = arith.constant 48 : index
        %swap3A_91 = tpu.vector_load %arg9[%swap3A_90] {strides = array<i32>} : memref<128xi32, #tpu.memory_space<vmem>>, vector<16xi32>,
        tpu.vector_store %arg9[%swap3A_90], %and3A_89 {strides = array<i32>} : memref<128xi32, #tpu.memory_space<vmem>>, vector<16xi32>,
        %get3A_92 = arith.constant 64 : index
        %get3A_93 = tpu.vector_load %arg7[%get3A_92] {strides = array<i32>} : memref<128xi32, #tpu.memory_space<vmem>>, vector<16xi32>,
        %shift_right_arithmetic3A_94 = arith.constant 9 : i32
        %shift_right_arithmetic3A_95 = vector.broadcast %shift_right_arithmetic3A_94 : i32 to vector<16xi32>
        %shift_right_arithmetic3A_96 = arith.shrsi %get3A_93, %shift_right_arithmetic3A_95 : vector<16xi32>
        %swap3A_97 = arith.constant 64 : index
        %swap3A_98 = tpu.vector_load %arg8[%swap3A_97] {strides = array<i32>} : memref<128xi32, #tpu.memory_space<vmem>>, vector<16xi32>,
        tpu.vector_store %arg8[%swap3A_97], %shift_right_arithmetic3A_96 {strides = array<i32>} : memref<128xi32, #tpu.memory_space<vmem>>, vector<16xi32>,
        %and3A_99 = arith.constant 511 : i32
        %and3A_100 = vector.broadcast %and3A_99 : i32 to vector<16xi32>
        %and3A_101 = arith.andi %get3A_93, %and3A_100 : vector<16xi32>
        %swap3A_102 = arith.constant 64 : index
        %swap3A_103 = tpu.vector_load %arg9[%swap3A_102] {strides = array<i32>} : memref<128xi32, #tpu.memory_space<vmem>>, vector<16xi32>,
        tpu.vector_store %arg9[%swap3A_102], %and3A_101 {strides = array<i32>} : memref<128xi32, #tpu.memory_space<vmem>>, vector<16xi32>,
        %get3A_104 = arith.constant 80 : index
        %get3A_105 = tpu.vector_load %arg7[%get3A_104] {strides = array<i32>} : memref<128xi32, #tpu.memory_space<vmem>>, vector<16xi32>,
        %shift_right_arithmetic3A_106 = arith.constant 9 : i32
        %shift_right_arithmetic3A_107 = vector.broadcast %shift_right_arithmetic3A_106 : i32 to vector<16xi32>
        %shift_right_arithmetic3A_108 = arith.shrsi %get3A_105, %shift_right_arithmetic3A_107 : vector<16xi32>
        %swap3A_109 = arith.constant 80 : index
        %swap3A_110 = tpu.vector_load %arg8[%swap3A_109] {strides = array<i32>} : memref<128xi32, #tpu.memory_space<vmem>>, vector<16xi32>,
        tpu.vector_store %arg8[%swap3A_109], %shift_right_arithmetic3A_108 {strides = array<i32>} : memref<128xi32, #tpu.memory_space<vmem>>, vector<16xi32>,
        %and3A_111 = arith.constant 511 : i32
        %and3A_112 = vector.broadcast %and3A_111 : i32 to vector<16xi32>
        %and3A_113 = arith.andi %get3A_105, %and3A_112 : vector<16xi32>
        %swap3A_114 = arith.constant 80 : index
        %swap3A_115 = tpu.vector_load %arg9[%swap3A_114] {strides = array<i32>} : memref<128xi32, #tpu.memory_space<vmem>>, vector<16xi32>,
        tpu.vector_store %arg9[%swap3A_114], %and3A_113 {strides = array<i32>} : memref<128xi32, #tpu.memory_space<vmem>>, vector<16xi32>,
        %get3A_116 = arith.constant 96 : index
        %get3A_117 = tpu.vector_load %arg7[%get3A_116] {strides = array<i32>} : memref<128xi32, #tpu.memory_space<vmem>>, vector<16xi32>,
        %shift_right_arithmetic3A_118 = arith.constant 9 : i32
        %shift_right_arithmetic3A_119 = vector.broadcast %shift_right_arithmetic3A_118 : i32 to vector<16xi32>
        %shift_right_arithmetic3A_120 = arith.shrsi %get3A_117, %shift_right_arithmetic3A_119 : vector<16xi32>
        %swap3A_121 = arith.constant 96 : index
        %swap3A_122 = tpu.vector_load %arg8[%swap3A_121] {strides = array<i32>} : memref<128xi32, #tpu.memory_space<vmem>>, vector<16xi32>,
        tpu.vector_store %arg8[%swap3A_121], %shift_right_arithmetic3A_120 {strides = array<i32>} : memref<128xi32, #tpu.memory_space<vmem>>, vector<16xi32>,
        %and3A_123 = arith.constant 511 : i32
        %and3A_124 = vector.broadcast %and3A_123 : i32 to vector<16xi32>
        %and3A_125 = arith.andi %get3A_117, %and3A_124 : vector<16xi32>
        %swap3A_126 = arith.constant 96 : index
        %swap3A_127 = tpu.vector_load %arg9[%swap3A_126] {strides = array<i32>} : memref<128xi32, #tpu.memory_space<vmem>>, vector<16xi32>,
        tpu.vector_store %arg9[%swap3A_126], %and3A_125 {strides = array<i32>} : memref<128xi32, #tpu.memory_space<vmem>>, vector<16xi32>,
        %get3A_128 = arith.constant 112 : index
        %get3A_129 = tpu.vector_load %arg7[%get3A_128] {strides = array<i32>} : memref<128xi32, #tpu.memory_space<vmem>>, vector<16xi32>,
        %shift_right_arithmetic3A_130 = arith.constant 9 : i32
        %shift_right_arithmetic3A_131 = vector.broadcast %shift_right_arithmetic3A_130 : i32 to vector<16xi32>
        %shift_right_arithmetic3A_132 = arith.shrsi %get3A_129, %shift_right_arithmetic3A_131 : vector<16xi32>
        %swap3A_133 = arith.constant 112 : index
        %swap3A_134 = tpu.vector_load %arg8[%swap3A_133] {strides = array<i32>} : memref<128xi32, #tpu.memory_space<vmem>>, vector<16xi32>,
        tpu.vector_store %arg8[%swap3A_133], %shift_right_arithmetic3A_132 {strides = array<i32>} : memref<128xi32, #tpu.memory_space<vmem>>, vector<16xi32>,
        %and3A_135 = arith.constant 511 : i32
        %and3A_136 = vector.broadcast %and3A_135 : i32 to vector<16xi32>
        %and3A_137 = arith.andi %get3A_129, %and3A_136 : vector<16xi32>
        %swap3A_138 = arith.constant 112 : index
        %swap3A_139 = tpu.vector_load %arg9[%swap3A_138] {strides = array<i32>} : memref<128xi32, #tpu.memory_space<vmem>>, vector<16xi32>,
        tpu.vector_store %arg9[%swap3A_138], %and3A_137 {strides = array<i32>} : memref<128xi32, #tpu.memory_space<vmem>>, vector<16xi32>,
        %dma_start3A = arith.constant 0 : i32
        %dma_start3A_140 = arith.constant 0 : i32
        %dma_start3A_141 = tpu.memref_slice %arg2[%dma_start3A, %dma_start3A_140] : memref<320000x128xf32, #tpu.memory_space<hbm>> -> memref<320000x128xf32, #tpu.memory_space<hbm>>
        tpu.enqueue_indirect_dma source(%dma_start3A_141 : memref<320000x128xf32, #tpu.memory_space<hbm>>) target(%arg10 : memref<128x128xf32, #tpu.memory_space<vmem>>) offsets(%arg8 : memref<128xi32, #tpu.memory_space<vmem>>) semaphore(%arg12 : memref<!tpu.dma_semaphore, #tpu.memory_space<semaphore_mem>>)
        %dma_wait3A = arith.constant 0 : i32
        %dma_wait3A_142 = arith.constant 0 : i32
        %dma_wait3A_143 = tpu.memref_slice %arg2[%dma_wait3A, %dma_wait3A_142] : memref<320000x128xf32, #tpu.memory_space<hbm>> -> memref<320000x128xf32, #tpu.memory_space<hbm>>
        tpu.wait_indirect_dma semaphore(%arg12 : memref<!tpu.dma_semaphore, #tpu.memory_space<semaphore_mem>>) src(%dma_wait3A_143 : memref<320000x128xf32, #tpu.memory_space<hbm>>) dst(%arg10 : memref<128x128xf32, #tpu.memory_space<vmem>>)
        %mul3A_144 = arith.constant 128 : i32
        %mul3A_145 = arith.muli %while3A_41, %mul3A_144 : i32
        %sub3A_146 = arith.subi %squeeze3A, %mul3A_145 : i32
        %min3A = arith.constant 128 : i32
        %min3A_147 = arith.minsi %sub3A_146, %min3A : i32
        %while3A_148 = arith.constant 0 : i32
        %while3A_149 = arith.constant 0 : i32
        %while3A_150 = arith.subi %min3A_147, %while3A_149 : i32
        %while3A_151 = arith.addi %while3A_149, %while3A_150 : i32
        %while3A_152 = arith.constant 1 : i32
        %while3A_153 = arith.divsi %while3A_150, %while3A_152 : i32
        %while3A_154 = arith.muli %while3A_153, %while3A_152 : i32
        %while3A_155 = arith.addi %while3A_149, %while3A_154 : i32
        %while3A_156 = arith.constant 1 : i32
        scf.for %while3A_158 = %while3A_149 to %while3A_155 step %while3A_156  : i32 {
          %shift_right_arithmetic3A_159 = arith.constant 4 : i32
          %shift_right_arithmetic3A_160 = arith.shrsi %while3A_158, %shift_right_arithmetic3A_159 : i32
          %shift_left3A_161 = arith.constant 4 : i32
          %shift_left3A_162 = arith.shli %shift_right_arithmetic3A_160, %shift_left3A_161 : i32
          %multiple_of3A_163 = tpu.assume_multiple %shift_left3A_162, 16 : i32
          %get3A_164 = arith.index_cast %multiple_of3A_163 : i32 to index
          %get3A_165 = tpu.vector_load %arg9[%get3A_164] {strides = array<i32>} : memref<128xi32, #tpu.memory_space<vmem>>, vector<16xi32>,
          %and3A_166 = arith.constant 15 : i32
          %and3A_167 = arith.andi %while3A_158, %and3A_166 : i32
          %broadcast_in_dim3A_168 = vector.broadcast %and3A_167 : i32 to vector<16xi32>
          %broadcast_in_dim3A_169 = vector.shape_cast %broadcast_in_dim3A_168 : vector<16xi32> to vector<16x1xi32>
          %gather3A_170 = vector.shape_cast %broadcast_in_dim3A_169 : vector<16x1xi32> to vector<16xi32>
          %gather3A_171 = tpu.dynamic_gather %get3A_165[%gather3A_170] in [0] : vector<16xi32>, vector<16xi32> -> vector<16xi32>
          %mul3A_172 = arith.constant 64 : i32
          %mul3A_173 = vector.broadcast %mul3A_172 : i32 to vector<16xi32>
          %mul3A_174 = arith.muli %gather3A_171, %mul3A_173 : vector<16xi32>
          %iota3A = tpu.iota {dimensions = array<i32: 0>} : vector<16xi32>
          %add3A_175 = arith.constant 0 : i32
          %add3A_176 = vector.broadcast %add3A_175 : i32 to vector<16xi32>
          %add3A_177 = arith.addi %add3A_176, %iota3A : vector<16xi32>
          %add3A_178 = arith.addi %mul3A_174, %add3A_177 : vector<16xi32>
          %gather3A_179 = tpu.vector_load_idx %arg11[%add3A_178] : memref<20480xf32, #tpu.memory_space<vmem>>[vector<16xi32>], vector<16xf32>,
          %get3A_180 = arith.index_cast %while3A_158 : i32 to index
          %get3A_181 = arith.constant 0 : index
          %get3A_182 = tpu.vector_load %arg10[%get3A_180, %get3A_181] {strides = array<i32>} : memref<128x128xf32, #tpu.memory_space<vmem>>, vector<16xf32>,
          %add3A_183 = arith.addi %mul3A_174, %add3A_177 : vector<16xi32>
          %max3A = arith.maximumf %gather3A_179, %get3A_182 : vector<16xf32>
          tpu.vector_store_idx %arg11[%add3A_183], %max3A : memref<20480xf32, #tpu.memory_space<vmem>>[vector<16xi32>], vector<16xf32>,
          %iota3A_184 = tpu.iota {dimensions = array<i32: 0>} : vector<16xi32>
          %add3A_185 = arith.constant 16 : i32
          %add3A_186 = vector.broadcast %add3A_185 : i32 to vector<16xi32>
          %add3A_187 = arith.addi %add3A_186, %iota3A_184 : vector<16xi32>
          %add3A_188 = arith.addi %mul3A_174, %add3A_187 : vector<16xi32>
          %gather3A_189 = tpu.vector_load_idx %arg11[%add3A_188] : memref<20480xf32, #tpu.memory_space<vmem>>[vector<16xi32>], vector<16xf32>,
          %get3A_190 = arith.index_cast %while3A_158 : i32 to index
          %get3A_191 = arith.constant 16 : index
          %get3A_192 = tpu.vector_load %arg10[%get3A_190, %get3A_191] {strides = array<i32>} : memref<128x128xf32, #tpu.memory_space<vmem>>, vector<16xf32>,
          %add3A_193 = arith.addi %mul3A_174, %add3A_187 : vector<16xi32>
          %max3A_194 = arith.maximumf %gather3A_189, %get3A_192 : vector<16xf32>
          tpu.vector_store_idx %arg11[%add3A_193], %max3A_194 : memref<20480xf32, #tpu.memory_space<vmem>>[vector<16xi32>], vector<16xf32>,
          %iota3A_195 = tpu.iota {dimensions = array<i32: 0>} : vector<16xi32>
          %add3A_196 = arith.constant 32 : i32
          %add3A_197 = vector.broadcast %add3A_196 : i32 to vector<16xi32>
          %add3A_198 = arith.addi %add3A_197, %iota3A_195 : vector<16xi32>
          %add3A_199 = arith.addi %mul3A_174, %add3A_198 : vector<16xi32>
          %gather3A_200 = tpu.vector_load_idx %arg11[%add3A_199] : memref<20480xf32, #tpu.memory_space<vmem>>[vector<16xi32>], vector<16xf32>,
          %get3A_201 = arith.index_cast %while3A_158 : i32 to index
          %get3A_202 = arith.constant 32 : index
          %get3A_203 = tpu.vector_load %arg10[%get3A_201, %get3A_202] {strides = array<i32>} : memref<128x128xf32, #tpu.memory_space<vmem>>, vector<16xf32>,
          %add3A_204 = arith.addi %mul3A_174, %add3A_198 : vector<16xi32>
          %max3A_205 = arith.maximumf %gather3A_200, %get3A_203 : vector<16xf32>
          tpu.vector_store_idx %arg11[%add3A_204], %max3A_205 : memref<20480xf32, #tpu.memory_space<vmem>>[vector<16xi32>], vector<16xf32>,
          %iota3A_206 = tpu.iota {dimensions = array<i32: 0>} : vector<16xi32>
          %add3A_207 = arith.constant 48 : i32
          %add3A_208 = vector.broadcast %add3A_207 : i32 to vector<16xi32>
          %add3A_209 = arith.addi %add3A_208, %iota3A_206 : vector<16xi32>
          %add3A_210 = arith.addi %mul3A_174, %add3A_209 : vector<16xi32>
          %gather3A_211 = tpu.vector_load_idx %arg11[%add3A_210] : memref<20480xf32, #tpu.memory_space<vmem>>[vector<16xi32>], vector<16xf32>,
          %get3A_212 = arith.index_cast %while3A_158 : i32 to index
          %get3A_213 = arith.constant 48 : index
          %get3A_214 = tpu.vector_load %arg10[%get3A_212, %get3A_213] {strides = array<i32>} : memref<128x128xf32, #tpu.memory_space<vmem>>, vector<16xf32>,
          %add3A_215 = arith.addi %mul3A_174, %add3A_209 : vector<16xi32>
          %max3A_216 = arith.maximumf %gather3A_211, %get3A_214 : vector<16xf32>
          tpu.vector_store_idx %arg11[%add3A_215], %max3A_216 : memref<20480xf32, #tpu.memory_space<vmem>>[vector<16xi32>], vector<16xf32>,
        }
        %while3A_157 = arith.constant 1 : i32
        scf.for %while3A_158 = %while3A_155 to %while3A_151 step %while3A_157  : i32 {
          %shift_right_arithmetic3A_159 = arith.constant 4 : i32
          %shift_right_arithmetic3A_160 = arith.shrsi %while3A_158, %shift_right_arithmetic3A_159 : i32
          %shift_left3A_161 = arith.constant 4 : i32
          %shift_left3A_162 = arith.shli %shift_right_arithmetic3A_160, %shift_left3A_161 : i32
          %multiple_of3A_163 = tpu.assume_multiple %shift_left3A_162, 16 : i32
          %get3A_164 = arith.index_cast %multiple_of3A_163 : i32 to index
          %get3A_165 = tpu.vector_load %arg9[%get3A_164] {strides = array<i32>} : memref<128xi32, #tpu.memory_space<vmem>>, vector<16xi32>,
          %and3A_166 = arith.constant 15 : i32
          %and3A_167 = arith.andi %while3A_158, %and3A_166 : i32
          %broadcast_in_dim3A_168 = vector.broadcast %and3A_167 : i32 to vector<16xi32>
          %broadcast_in_dim3A_169 = vector.shape_cast %broadcast_in_dim3A_168 : vector<16xi32> to vector<16x1xi32>
          %gather3A_170 = vector.shape_cast %broadcast_in_dim3A_169 : vector<16x1xi32> to vector<16xi32>
          %gather3A_171 = tpu.dynamic_gather %get3A_165[%gather3A_170] in [0] : vector<16xi32>, vector<16xi32> -> vector<16xi32>
          %mul3A_172 = arith.constant 64 : i32
          %mul3A_173 = vector.broadcast %mul3A_172 : i32 to vector<16xi32>
          %mul3A_174 = arith.muli %gather3A_171, %mul3A_173 : vector<16xi32>
          %iota3A = tpu.iota {dimensions = array<i32: 0>} : vector<16xi32>
          %add3A_175 = arith.constant 0 : i32
          %add3A_176 = vector.broadcast %add3A_175 : i32 to vector<16xi32>
          %add3A_177 = arith.addi %add3A_176, %iota3A : vector<16xi32>
          %add3A_178 = arith.addi %mul3A_174, %add3A_177 : vector<16xi32>
          %gather3A_179 = tpu.vector_load_idx %arg11[%add3A_178] : memref<20480xf32, #tpu.memory_space<vmem>>[vector<16xi32>], vector<16xf32>,
          %get3A_180 = arith.index_cast %while3A_158 : i32 to index
          %get3A_181 = arith.constant 0 : index
          %get3A_182 = tpu.vector_load %arg10[%get3A_180, %get3A_181] {strides = array<i32>} : memref<128x128xf32, #tpu.memory_space<vmem>>, vector<16xf32>,
          %add3A_183 = arith.addi %mul3A_174, %add3A_177 : vector<16xi32>
          %max3A = arith.maximumf %gather3A_179, %get3A_182 : vector<16xf32>
          tpu.vector_store_idx %arg11[%add3A_183], %max3A : memref<20480xf32, #tpu.memory_space<vmem>>[vector<16xi32>], vector<16xf32>,
          %iota3A_184 = tpu.iota {dimensions = array<i32: 0>} : vector<16xi32>
          %add3A_185 = arith.constant 16 : i32
          %add3A_186 = vector.broadcast %add3A_185 : i32 to vector<16xi32>
          %add3A_187 = arith.addi %add3A_186, %iota3A_184 : vector<16xi32>
          %add3A_188 = arith.addi %mul3A_174, %add3A_187 : vector<16xi32>
          %gather3A_189 = tpu.vector_load_idx %arg11[%add3A_188] : memref<20480xf32, #tpu.memory_space<vmem>>[vector<16xi32>], vector<16xf32>,
          %get3A_190 = arith.index_cast %while3A_158 : i32 to index
          %get3A_191 = arith.constant 16 : index
          %get3A_192 = tpu.vector_load %arg10[%get3A_190, %get3A_191] {strides = array<i32>} : memref<128x128xf32, #tpu.memory_space<vmem>>, vector<16xf32>,
          %add3A_193 = arith.addi %mul3A_174, %add3A_187 : vector<16xi32>
          %max3A_194 = arith.maximumf %gather3A_189, %get3A_192 : vector<16xf32>
          tpu.vector_store_idx %arg11[%add3A_193], %max3A_194 : memref<20480xf32, #tpu.memory_space<vmem>>[vector<16xi32>], vector<16xf32>,
          %iota3A_195 = tpu.iota {dimensions = array<i32: 0>} : vector<16xi32>
          %add3A_196 = arith.constant 32 : i32
          %add3A_197 = vector.broadcast %add3A_196 : i32 to vector<16xi32>
          %add3A_198 = arith.addi %add3A_197, %iota3A_195 : vector<16xi32>
          %add3A_199 = arith.addi %mul3A_174, %add3A_198 : vector<16xi32>
          %gather3A_200 = tpu.vector_load_idx %arg11[%add3A_199] : memref<20480xf32, #tpu.memory_space<vmem>>[vector<16xi32>], vector<16xf32>,
          %get3A_201 = arith.index_cast %while3A_158 : i32 to index
          %get3A_202 = arith.constant 32 : index
          %get3A_203 = tpu.vector_load %arg10[%get3A_201, %get3A_202] {strides = array<i32>} : memref<128x128xf32, #tpu.memory_space<vmem>>, vector<16xf32>,
          %add3A_204 = arith.addi %mul3A_174, %add3A_198 : vector<16xi32>
          %max3A_205 = arith.maximumf %gather3A_200, %get3A_203 : vector<16xf32>
          tpu.vector_store_idx %arg11[%add3A_204], %max3A_205 : memref<20480xf32, #tpu.memory_space<vmem>>[vector<16xi32>], vector<16xf32>,
          %iota3A_206 = tpu.iota {dimensions = array<i32: 0>} : vector<16xi32>
          %add3A_207 = arith.constant 48 : i32
          %add3A_208 = vector.broadcast %add3A_207 : i32 to vector<16xi32>
          %add3A_209 = arith.addi %add3A_208, %iota3A_206 : vector<16xi32>
          %add3A_210 = arith.addi %mul3A_174, %add3A_209 : vector<16xi32>
          %gather3A_211 = tpu.vector_load_idx %arg11[%add3A_210] : memref<20480xf32, #tpu.memory_space<vmem>>[vector<16xi32>], vector<16xf32>,
          %get3A_212 = arith.index_cast %while3A_158 : i32 to index
          %get3A_213 = arith.constant 48 : index
          %get3A_214 = tpu.vector_load %arg10[%get3A_212, %get3A_213] {strides = array<i32>} : memref<128x128xf32, #tpu.memory_space<vmem>>, vector<16xf32>,
          %add3A_215 = arith.addi %mul3A_174, %add3A_209 : vector<16xi32>
          %max3A_216 = arith.maximumf %gather3A_211, %get3A_214 : vector<16xf32>
          tpu.vector_store_idx %arg11[%add3A_215], %max3A_216 : memref<20480xf32, #tpu.memory_space<vmem>>[vector<16xi32>], vector<16xf32>,
        }
      }
      %while3A_40 = arith.constant 1 : i32
      scf.for %while3A_41 = %while3A_38 to %while3A_34 step %while3A_40  : i32 {
        %mul3A_42 = arith.constant 128 : i32
        %mul3A_43 = arith.muli %while3A_41, %mul3A_42 : i32
        %multiple_of3A_44 = tpu.assume_multiple %mul3A_43, 128 : i32
        "tpu.region"() ({
          %run_scoped3A = tpu.sem_alloc : memref<!tpu.dma_semaphore, #tpu.memory_space<semaphore_mem>>
          %dma_start3A_158 = tpu.memref_slice %arg3[%scan3A_17, %add3A, %multiple_of3A_44] : memref<32x32x10240xi32, #tpu.memory_space<hbm>> -> memref<1x1x128xi32, #tpu.memory_space<hbm>>
          %dma_start3A_159 = tpu.memref_squeeze %dma_start3A_158 : memref<1x1x128xi32, #tpu.memory_space<hbm>> -> memref<128xi32, #tpu.memory_space<hbm>>
          %dma_start3A_160 = tpu.memref_slice %arg3[%scan3A_17, %add3A, %multiple_of3A_44] : memref<32x32x10240xi32, #tpu.memory_space<hbm>> -> memref<1x1x128xi32, #tpu.memory_space<hbm>>
          %dma_start3A_161 = tpu.memref_squeeze %dma_start3A_160 : memref<1x1x128xi32, #tpu.memory_space<hbm>> -> memref<128xi32, #tpu.memory_space<hbm>>
          tpu.enqueue_dma source(%dma_start3A_161 : memref<128xi32, #tpu.memory_space<hbm>>) target(%arg7 : memref<128xi32, #tpu.memory_space<vmem>>) target_semaphore(%run_scoped3A : memref<!tpu.dma_semaphore, #tpu.memory_space<semaphore_mem>>)
          %dma_wait3A_162 = tpu.memref_slice %arg3[%scan3A_17, %add3A, %multiple_of3A_44] : memref<32x32x10240xi32, #tpu.memory_space<hbm>> -> memref<1x1x128xi32, #tpu.memory_space<hbm>>
          %dma_wait3A_163 = tpu.memref_squeeze %dma_wait3A_162 : memref<1x1x128xi32, #tpu.memory_space<hbm>> -> memref<128xi32, #tpu.memory_space<hbm>>
          %dma_wait3A_164 = tpu.memref_slice %arg3[%scan3A_17, %add3A, %multiple_of3A_44] : memref<32x32x10240xi32, #tpu.memory_space<hbm>> -> memref<1x1x128xi32, #tpu.memory_space<hbm>>
          %dma_wait3A_165 = tpu.memref_squeeze %dma_wait3A_164 : memref<1x1x128xi32, #tpu.memory_space<hbm>> -> memref<128xi32, #tpu.memory_space<hbm>>
          tpu.wait_dma2 semaphore(%run_scoped3A : memref<!tpu.dma_semaphore, #tpu.memory_space<semaphore_mem>>) src(%dma_wait3A_165 : memref<128xi32, #tpu.memory_space<hbm>>) dst(%arg7 : memref<128xi32, #tpu.memory_space<vmem>>)
          tpu.yield
        }) : () -> ()
        %get3A_45 = arith.constant 0 : index
        %get3A_46 = tpu.vector_load %arg7[%get3A_45] {strides = array<i32>} : memref<128xi32, #tpu.memory_space<vmem>>, vector<16xi32>,
        %shift_right_arithmetic3A_47 = arith.constant 9 : i32
        %shift_right_arithmetic3A_48 = vector.broadcast %shift_right_arithmetic3A_47 : i32 to vector<16xi32>
        %shift_right_arithmetic3A_49 = arith.shrsi %get3A_46, %shift_right_arithmetic3A_48 : vector<16xi32>
        %swap3A = arith.constant 0 : index
        %swap3A_50 = tpu.vector_load %arg8[%swap3A] {strides = array<i32>} : memref<128xi32, #tpu.memory_space<vmem>>, vector<16xi32>,
        tpu.vector_store %arg8[%swap3A], %shift_right_arithmetic3A_49 {strides = array<i32>} : memref<128xi32, #tpu.memory_space<vmem>>, vector<16xi32>,
        %and3A_51 = arith.constant 511 : i32
        %and3A_52 = vector.broadcast %and3A_51 : i32 to vector<16xi32>
        %and3A_53 = arith.andi %get3A_46, %and3A_52 : vector<16xi32>
        %swap3A_54 = arith.constant 0 : index
        %swap3A_55 = tpu.vector_load %arg9[%swap3A_54] {strides = array<i32>} : memref<128xi32, #tpu.memory_space<vmem>>, vector<16xi32>,
        tpu.vector_store %arg9[%swap3A_54], %and3A_53 {strides = array<i32>} : memref<128xi32, #tpu.memory_space<vmem>>, vector<16xi32>,
        %get3A_56 = arith.constant 16 : index
        %get3A_57 = tpu.vector_load %arg7[%get3A_56] {strides = array<i32>} : memref<128xi32, #tpu.memory_space<vmem>>, vector<16xi32>,
        %shift_right_arithmetic3A_58 = arith.constant 9 : i32
        %shift_right_arithmetic3A_59 = vector.broadcast %shift_right_arithmetic3A_58 : i32 to vector<16xi32>
        %shift_right_arithmetic3A_60 = arith.shrsi %get3A_57, %shift_right_arithmetic3A_59 : vector<16xi32>
        %swap3A_61 = arith.constant 16 : index
        %swap3A_62 = tpu.vector_load %arg8[%swap3A_61] {strides = array<i32>} : memref<128xi32, #tpu.memory_space<vmem>>, vector<16xi32>,
        tpu.vector_store %arg8[%swap3A_61], %shift_right_arithmetic3A_60 {strides = array<i32>} : memref<128xi32, #tpu.memory_space<vmem>>, vector<16xi32>,
        %and3A_63 = arith.constant 511 : i32
        %and3A_64 = vector.broadcast %and3A_63 : i32 to vector<16xi32>
        %and3A_65 = arith.andi %get3A_57, %and3A_64 : vector<16xi32>
        %swap3A_66 = arith.constant 16 : index
        %swap3A_67 = tpu.vector_load %arg9[%swap3A_66] {strides = array<i32>} : memref<128xi32, #tpu.memory_space<vmem>>, vector<16xi32>,
        tpu.vector_store %arg9[%swap3A_66], %and3A_65 {strides = array<i32>} : memref<128xi32, #tpu.memory_space<vmem>>, vector<16xi32>,
        %get3A_68 = arith.constant 32 : index
        %get3A_69 = tpu.vector_load %arg7[%get3A_68] {strides = array<i32>} : memref<128xi32, #tpu.memory_space<vmem>>, vector<16xi32>,
        %shift_right_arithmetic3A_70 = arith.constant 9 : i32
        %shift_right_arithmetic3A_71 = vector.broadcast %shift_right_arithmetic3A_70 : i32 to vector<16xi32>
        %shift_right_arithmetic3A_72 = arith.shrsi %get3A_69, %shift_right_arithmetic3A_71 : vector<16xi32>
        %swap3A_73 = arith.constant 32 : index
        %swap3A_74 = tpu.vector_load %arg8[%swap3A_73] {strides = array<i32>} : memref<128xi32, #tpu.memory_space<vmem>>, vector<16xi32>,
        tpu.vector_store %arg8[%swap3A_73], %shift_right_arithmetic3A_72 {strides = array<i32>} : memref<128xi32, #tpu.memory_space<vmem>>, vector<16xi32>,
        %and3A_75 = arith.constant 511 : i32
        %and3A_76 = vector.broadcast %and3A_75 : i32 to vector<16xi32>
        %and3A_77 = arith.andi %get3A_69, %and3A_76 : vector<16xi32>
        %swap3A_78 = arith.constant 32 : index
        %swap3A_79 = tpu.vector_load %arg9[%swap3A_78] {strides = array<i32>} : memref<128xi32, #tpu.memory_space<vmem>>, vector<16xi32>,
        tpu.vector_store %arg9[%swap3A_78], %and3A_77 {strides = array<i32>} : memref<128xi32, #tpu.memory_space<vmem>>, vector<16xi32>,
        %get3A_80 = arith.constant 48 : index
        %get3A_81 = tpu.vector_load %arg7[%get3A_80] {strides = array<i32>} : memref<128xi32, #tpu.memory_space<vmem>>, vector<16xi32>,
        %shift_right_arithmetic3A_82 = arith.constant 9 : i32
        %shift_right_arithmetic3A_83 = vector.broadcast %shift_right_arithmetic3A_82 : i32 to vector<16xi32>
        %shift_right_arithmetic3A_84 = arith.shrsi %get3A_81, %shift_right_arithmetic3A_83 : vector<16xi32>
        %swap3A_85 = arith.constant 48 : index
        %swap3A_86 = tpu.vector_load %arg8[%swap3A_85] {strides = array<i32>} : memref<128xi32, #tpu.memory_space<vmem>>, vector<16xi32>,
        tpu.vector_store %arg8[%swap3A_85], %shift_right_arithmetic3A_84 {strides = array<i32>} : memref<128xi32, #tpu.memory_space<vmem>>, vector<16xi32>,
        %and3A_87 = arith.constant 511 : i32
        %and3A_88 = vector.broadcast %and3A_87 : i32 to vector<16xi32>
        %and3A_89 = arith.andi %get3A_81, %and3A_88 : vector<16xi32>
        %swap3A_90 = arith.constant 48 : index
        %swap3A_91 = tpu.vector_load %arg9[%swap3A_90] {strides = array<i32>} : memref<128xi32, #tpu.memory_space<vmem>>, vector<16xi32>,
        tpu.vector_store %arg9[%swap3A_90], %and3A_89 {strides = array<i32>} : memref<128xi32, #tpu.memory_space<vmem>>, vector<16xi32>,
        %get3A_92 = arith.constant 64 : index
        %get3A_93 = tpu.vector_load %arg7[%get3A_92] {strides = array<i32>} : memref<128xi32, #tpu.memory_space<vmem>>, vector<16xi32>,
        %shift_right_arithmetic3A_94 = arith.constant 9 : i32
        %shift_right_arithmetic3A_95 = vector.broadcast %shift_right_arithmetic3A_94 : i32 to vector<16xi32>
        %shift_right_arithmetic3A_96 = arith.shrsi %get3A_93, %shift_right_arithmetic3A_95 : vector<16xi32>
        %swap3A_97 = arith.constant 64 : index
        %swap3A_98 = tpu.vector_load %arg8[%swap3A_97] {strides = array<i32>} : memref<128xi32, #tpu.memory_space<vmem>>, vector<16xi32>,
        tpu.vector_store %arg8[%swap3A_97], %shift_right_arithmetic3A_96 {strides = array<i32>} : memref<128xi32, #tpu.memory_space<vmem>>, vector<16xi32>,
        %and3A_99 = arith.constant 511 : i32
        %and3A_100 = vector.broadcast %and3A_99 : i32 to vector<16xi32>
        %and3A_101 = arith.andi %get3A_93, %and3A_100 : vector<16xi32>
        %swap3A_102 = arith.constant 64 : index
        %swap3A_103 = tpu.vector_load %arg9[%swap3A_102] {strides = array<i32>} : memref<128xi32, #tpu.memory_space<vmem>>, vector<16xi32>,
        tpu.vector_store %arg9[%swap3A_102], %and3A_101 {strides = array<i32>} : memref<128xi32, #tpu.memory_space<vmem>>, vector<16xi32>,
        %get3A_104 = arith.constant 80 : index
        %get3A_105 = tpu.vector_load %arg7[%get3A_104] {strides = array<i32>} : memref<128xi32, #tpu.memory_space<vmem>>, vector<16xi32>,
        %shift_right_arithmetic3A_106 = arith.constant 9 : i32
        %shift_right_arithmetic3A_107 = vector.broadcast %shift_right_arithmetic3A_106 : i32 to vector<16xi32>
        %shift_right_arithmetic3A_108 = arith.shrsi %get3A_105, %shift_right_arithmetic3A_107 : vector<16xi32>
        %swap3A_109 = arith.constant 80 : index
        %swap3A_110 = tpu.vector_load %arg8[%swap3A_109] {strides = array<i32>} : memref<128xi32, #tpu.memory_space<vmem>>, vector<16xi32>,
        tpu.vector_store %arg8[%swap3A_109], %shift_right_arithmetic3A_108 {strides = array<i32>} : memref<128xi32, #tpu.memory_space<vmem>>, vector<16xi32>,
        %and3A_111 = arith.constant 511 : i32
        %and3A_112 = vector.broadcast %and3A_111 : i32 to vector<16xi32>
        %and3A_113 = arith.andi %get3A_105, %and3A_112 : vector<16xi32>
        %swap3A_114 = arith.constant 80 : index
        %swap3A_115 = tpu.vector_load %arg9[%swap3A_114] {strides = array<i32>} : memref<128xi32, #tpu.memory_space<vmem>>, vector<16xi32>,
        tpu.vector_store %arg9[%swap3A_114], %and3A_113 {strides = array<i32>} : memref<128xi32, #tpu.memory_space<vmem>>, vector<16xi32>,
        %get3A_116 = arith.constant 96 : index
        %get3A_117 = tpu.vector_load %arg7[%get3A_116] {strides = array<i32>} : memref<128xi32, #tpu.memory_space<vmem>>, vector<16xi32>,
        %shift_right_arithmetic3A_118 = arith.constant 9 : i32
        %shift_right_arithmetic3A_119 = vector.broadcast %shift_right_arithmetic3A_118 : i32 to vector<16xi32>
        %shift_right_arithmetic3A_120 = arith.shrsi %get3A_117, %shift_right_arithmetic3A_119 : vector<16xi32>
        %swap3A_121 = arith.constant 96 : index
        %swap3A_122 = tpu.vector_load %arg8[%swap3A_121] {strides = array<i32>} : memref<128xi32, #tpu.memory_space<vmem>>, vector<16xi32>,
        tpu.vector_store %arg8[%swap3A_121], %shift_right_arithmetic3A_120 {strides = array<i32>} : memref<128xi32, #tpu.memory_space<vmem>>, vector<16xi32>,
        %and3A_123 = arith.constant 511 : i32
        %and3A_124 = vector.broadcast %and3A_123 : i32 to vector<16xi32>
        %and3A_125 = arith.andi %get3A_117, %and3A_124 : vector<16xi32>
        %swap3A_126 = arith.constant 96 : index
        %swap3A_127 = tpu.vector_load %arg9[%swap3A_126] {strides = array<i32>} : memref<128xi32, #tpu.memory_space<vmem>>, vector<16xi32>,
        tpu.vector_store %arg9[%swap3A_126], %and3A_125 {strides = array<i32>} : memref<128xi32, #tpu.memory_space<vmem>>, vector<16xi32>,
        %get3A_128 = arith.constant 112 : index
        %get3A_129 = tpu.vector_load %arg7[%get3A_128] {strides = array<i32>} : memref<128xi32, #tpu.memory_space<vmem>>, vector<16xi32>,
        %shift_right_arithmetic3A_130 = arith.constant 9 : i32
        %shift_right_arithmetic3A_131 = vector.broadcast %shift_right_arithmetic3A_130 : i32 to vector<16xi32>
        %shift_right_arithmetic3A_132 = arith.shrsi %get3A_129, %shift_right_arithmetic3A_131 : vector<16xi32>
        %swap3A_133 = arith.constant 112 : index
        %swap3A_134 = tpu.vector_load %arg8[%swap3A_133] {strides = array<i32>} : memref<128xi32, #tpu.memory_space<vmem>>, vector<16xi32>,
        tpu.vector_store %arg8[%swap3A_133], %shift_right_arithmetic3A_132 {strides = array<i32>} : memref<128xi32, #tpu.memory_space<vmem>>, vector<16xi32>,
        %and3A_135 = arith.constant 511 : i32
        %and3A_136 = vector.broadcast %and3A_135 : i32 to vector<16xi32>
        %and3A_137 = arith.andi %get3A_129, %and3A_136 : vector<16xi32>
        %swap3A_138 = arith.constant 112 : index
        %swap3A_139 = tpu.vector_load %arg9[%swap3A_138] {strides = array<i32>} : memref<128xi32, #tpu.memory_space<vmem>>, vector<16xi32>,
        tpu.vector_store %arg9[%swap3A_138], %and3A_137 {strides = array<i32>} : memref<128xi32, #tpu.memory_space<vmem>>, vector<16xi32>,
        %dma_start3A = arith.constant 0 : i32
        %dma_start3A_140 = arith.constant 0 : i32
        %dma_start3A_141 = tpu.memref_slice %arg2[%dma_start3A, %dma_start3A_140] : memref<320000x128xf32, #tpu.memory_space<hbm>> -> memref<320000x128xf32, #tpu.memory_space<hbm>>
        tpu.enqueue_indirect_dma source(%dma_start3A_141 : memref<320000x128xf32, #tpu.memory_space<hbm>>) target(%arg10 : memref<128x128xf32, #tpu.memory_space<vmem>>) offsets(%arg8 : memref<128xi32, #tpu.memory_space<vmem>>) semaphore(%arg12 : memref<!tpu.dma_semaphore, #tpu.memory_space<semaphore_mem>>)
        %dma_wait3A = arith.constant 0 : i32
        %dma_wait3A_142 = arith.constant 0 : i32
        %dma_wait3A_143 = tpu.memref_slice %arg2[%dma_wait3A, %dma_wait3A_142] : memref<320000x128xf32, #tpu.memory_space<hbm>> -> memref<320000x128xf32, #tpu.memory_space<hbm>>
        tpu.wait_indirect_dma semaphore(%arg12 : memref<!tpu.dma_semaphore, #tpu.memory_space<semaphore_mem>>) src(%dma_wait3A_143 : memref<320000x128xf32, #tpu.memory_space<hbm>>) dst(%arg10 : memref<128x128xf32, #tpu.memory_space<vmem>>)
        %mul3A_144 = arith.constant 128 : i32
        %mul3A_145 = arith.muli %while3A_41, %mul3A_144 : i32
        %sub3A_146 = arith.subi %squeeze3A, %mul3A_145 : i32
        %min3A = arith.constant 128 : i32
        %min3A_147 = arith.minsi %sub3A_146, %min3A : i32
        %while3A_148 = arith.constant 0 : i32
        %while3A_149 = arith.constant 0 : i32
        %while3A_150 = arith.subi %min3A_147, %while3A_149 : i32
        %while3A_151 = arith.addi %while3A_149, %while3A_150 : i32
        %while3A_152 = arith.constant 1 : i32
        %while3A_153 = arith.divsi %while3A_150, %while3A_152 : i32
        %while3A_154 = arith.muli %while3A_153, %while3A_152 : i32
        %while3A_155 = arith.addi %while3A_149, %while3A_154 : i32
        %while3A_156 = arith.constant 1 : i32
        scf.for %while3A_158 = %while3A_149 to %while3A_155 step %while3A_156  : i32 {
          %shift_right_arithmetic3A_159 = arith.constant 4 : i32
          %shift_right_arithmetic3A_160 = arith.shrsi %while3A_158, %shift_right_arithmetic3A_159 : i32
          %shift_left3A_161 = arith.constant 4 : i32
          %shift_left3A_162 = arith.shli %shift_right_arithmetic3A_160, %shift_left3A_161 : i32
          %multiple_of3A_163 = tpu.assume_multiple %shift_left3A_162, 16 : i32
          %get3A_164 = arith.index_cast %multiple_of3A_163 : i32 to index
          %get3A_165 = tpu.vector_load %arg9[%get3A_164] {strides = array<i32>} : memref<128xi32, #tpu.memory_space<vmem>>, vector<16xi32>,
          %and3A_166 = arith.constant 15 : i32
          %and3A_167 = arith.andi %while3A_158, %and3A_166 : i32
          %broadcast_in_dim3A_168 = vector.broadcast %and3A_167 : i32 to vector<16xi32>
          %broadcast_in_dim3A_169 = vector.shape_cast %broadcast_in_dim3A_168 : vector<16xi32> to vector<16x1xi32>
          %gather3A_170 = vector.shape_cast %broadcast_in_dim3A_169 : vector<16x1xi32> to vector<16xi32>
          %gather3A_171 = tpu.dynamic_gather %get3A_165[%gather3A_170] in [0] : vector<16xi32>, vector<16xi32> -> vector<16xi32>
          %mul3A_172 = arith.constant 64 : i32
          %mul3A_173 = vector.broadcast %mul3A_172 : i32 to vector<16xi32>
          %mul3A_174 = arith.muli %gather3A_171, %mul3A_173 : vector<16xi32>
          %iota3A = tpu.iota {dimensions = array<i32: 0>} : vector<16xi32>
          %add3A_175 = arith.constant 0 : i32
          %add3A_176 = vector.broadcast %add3A_175 : i32 to vector<16xi32>
          %add3A_177 = arith.addi %add3A_176, %iota3A : vector<16xi32>
          %add3A_178 = arith.addi %mul3A_174, %add3A_177 : vector<16xi32>
          %gather3A_179 = tpu.vector_load_idx %arg11[%add3A_178] : memref<20480xf32, #tpu.memory_space<vmem>>[vector<16xi32>], vector<16xf32>,
          %get3A_180 = arith.index_cast %while3A_158 : i32 to index
          %get3A_181 = arith.constant 0 : index
          %get3A_182 = tpu.vector_load %arg10[%get3A_180, %get3A_181] {strides = array<i32>} : memref<128x128xf32, #tpu.memory_space<vmem>>, vector<16xf32>,
          %add3A_183 = arith.addi %mul3A_174, %add3A_177 : vector<16xi32>
          %max3A = arith.maximumf %gather3A_179, %get3A_182 : vector<16xf32>
          tpu.vector_store_idx %arg11[%add3A_183], %max3A : memref<20480xf32, #tpu.memory_space<vmem>>[vector<16xi32>], vector<16xf32>,
          %iota3A_184 = tpu.iota {dimensions = array<i32: 0>} : vector<16xi32>
          %add3A_185 = arith.constant 16 : i32
          %add3A_186 = vector.broadcast %add3A_185 : i32 to vector<16xi32>
          %add3A_187 = arith.addi %add3A_186, %iota3A_184 : vector<16xi32>
          %add3A_188 = arith.addi %mul3A_174, %add3A_187 : vector<16xi32>
          %gather3A_189 = tpu.vector_load_idx %arg11[%add3A_188] : memref<20480xf32, #tpu.memory_space<vmem>>[vector<16xi32>], vector<16xf32>,
          %get3A_190 = arith.index_cast %while3A_158 : i32 to index
          %get3A_191 = arith.constant 16 : index
          %get3A_192 = tpu.vector_load %arg10[%get3A_190, %get3A_191] {strides = array<i32>} : memref<128x128xf32, #tpu.memory_space<vmem>>, vector<16xf32>,
          %add3A_193 = arith.addi %mul3A_174, %add3A_187 : vector<16xi32>
          %max3A_194 = arith.maximumf %gather3A_189, %get3A_192 : vector<16xf32>
          tpu.vector_store_idx %arg11[%add3A_193], %max3A_194 : memref<20480xf32, #tpu.memory_space<vmem>>[vector<16xi32>], vector<16xf32>,
          %iota3A_195 = tpu.iota {dimensions = array<i32: 0>} : vector<16xi32>
          %add3A_196 = arith.constant 32 : i32
          %add3A_197 = vector.broadcast %add3A_196 : i32 to vector<16xi32>
          %add3A_198 = arith.addi %add3A_197, %iota3A_195 : vector<16xi32>
          %add3A_199 = arith.addi %mul3A_174, %add3A_198 : vector<16xi32>
          %gather3A_200 = tpu.vector_load_idx %arg11[%add3A_199] : memref<20480xf32, #tpu.memory_space<vmem>>[vector<16xi32>], vector<16xf32>,
          %get3A_201 = arith.index_cast %while3A_158 : i32 to index
          %get3A_202 = arith.constant 32 : index
          %get3A_203 = tpu.vector_load %arg10[%get3A_201, %get3A_202] {strides = array<i32>} : memref<128x128xf32, #tpu.memory_space<vmem>>, vector<16xf32>,
          %add3A_204 = arith.addi %mul3A_174, %add3A_198 : vector<16xi32>
          %max3A_205 = arith.maximumf %gather3A_200, %get3A_203 : vector<16xf32>
          tpu.vector_store_idx %arg11[%add3A_204], %max3A_205 : memref<20480xf32, #tpu.memory_space<vmem>>[vector<16xi32>], vector<16xf32>,
          %iota3A_206 = tpu.iota {dimensions = array<i32: 0>} : vector<16xi32>
          %add3A_207 = arith.constant 48 : i32
          %add3A_208 = vector.broadcast %add3A_207 : i32 to vector<16xi32>
          %add3A_209 = arith.addi %add3A_208, %iota3A_206 : vector<16xi32>
          %add3A_210 = arith.addi %mul3A_174, %add3A_209 : vector<16xi32>
          %gather3A_211 = tpu.vector_load_idx %arg11[%add3A_210] : memref<20480xf32, #tpu.memory_space<vmem>>[vector<16xi32>], vector<16xf32>,
          %get3A_212 = arith.index_cast %while3A_158 : i32 to index
          %get3A_213 = arith.constant 48 : index
          %get3A_214 = tpu.vector_load %arg10[%get3A_212, %get3A_213] {strides = array<i32>} : memref<128x128xf32, #tpu.memory_space<vmem>>, vector<16xf32>,
          %add3A_215 = arith.addi %mul3A_174, %add3A_209 : vector<16xi32>
          %max3A_216 = arith.maximumf %gather3A_211, %get3A_214 : vector<16xf32>
          tpu.vector_store_idx %arg11[%add3A_215], %max3A_216 : memref<20480xf32, #tpu.memory_space<vmem>>[vector<16xi32>], vector<16xf32>,
        }
        %while3A_157 = arith.constant 1 : i32
        scf.for %while3A_158 = %while3A_155 to %while3A_151 step %while3A_157  : i32 {
          %shift_right_arithmetic3A_159 = arith.constant 4 : i32
          %shift_right_arithmetic3A_160 = arith.shrsi %while3A_158, %shift_right_arithmetic3A_159 : i32
          %shift_left3A_161 = arith.constant 4 : i32
          %shift_left3A_162 = arith.shli %shift_right_arithmetic3A_160, %shift_left3A_161 : i32
          %multiple_of3A_163 = tpu.assume_multiple %shift_left3A_162, 16 : i32
          %get3A_164 = arith.index_cast %multiple_of3A_163 : i32 to index
          %get3A_165 = tpu.vector_load %arg9[%get3A_164] {strides = array<i32>} : memref<128xi32, #tpu.memory_space<vmem>>, vector<16xi32>,
          %and3A_166 = arith.constant 15 : i32
          %and3A_167 = arith.andi %while3A_158, %and3A_166 : i32
          %broadcast_in_dim3A_168 = vector.broadcast %and3A_167 : i32 to vector<16xi32>
          %broadcast_in_dim3A_169 = vector.shape_cast %broadcast_in_dim3A_168 : vector<16xi32> to vector<16x1xi32>
          %gather3A_170 = vector.shape_cast %broadcast_in_dim3A_169 : vector<16x1xi32> to vector<16xi32>
          %gather3A_171 = tpu.dynamic_gather %get3A_165[%gather3A_170] in [0] : vector<16xi32>, vector<16xi32> -> vector<16xi32>
          %mul3A_172 = arith.constant 64 : i32
          %mul3A_173 = vector.broadcast %mul3A_172 : i32 to vector<16xi32>
          %mul3A_174 = arith.muli %gather3A_171, %mul3A_173 : vector<16xi32>
          %iota3A = tpu.iota {dimensions = array<i32: 0>} : vector<16xi32>
          %add3A_175 = arith.constant 0 : i32
          %add3A_176 = vector.broadcast %add3A_175 : i32 to vector<16xi32>
          %add3A_177 = arith.addi %add3A_176, %iota3A : vector<16xi32>
          %add3A_178 = arith.addi %mul3A_174, %add3A_177 : vector<16xi32>
          %gather3A_179 = tpu.vector_load_idx %arg11[%add3A_178] : memref<20480xf32, #tpu.memory_space<vmem>>[vector<16xi32>], vector<16xf32>,
          %get3A_180 = arith.index_cast %while3A_158 : i32 to index
          %get3A_181 = arith.constant 0 : index
          %get3A_182 = tpu.vector_load %arg10[%get3A_180, %get3A_181] {strides = array<i32>} : memref<128x128xf32, #tpu.memory_space<vmem>>, vector<16xf32>,
          %add3A_183 = arith.addi %mul3A_174, %add3A_177 : vector<16xi32>
          %max3A = arith.maximumf %gather3A_179, %get3A_182 : vector<16xf32>
          tpu.vector_store_idx %arg11[%add3A_183], %max3A : memref<20480xf32, #tpu.memory_space<vmem>>[vector<16xi32>], vector<16xf32>,
          %iota3A_184 = tpu.iota {dimensions = array<i32: 0>} : vector<16xi32>
          %add3A_185 = arith.constant 16 : i32
          %add3A_186 = vector.broadcast %add3A_185 : i32 to vector<16xi32>
          %add3A_187 = arith.addi %add3A_186, %iota3A_184 : vector<16xi32>
          %add3A_188 = arith.addi %mul3A_174, %add3A_187 : vector<16xi32>
          %gather3A_189 = tpu.vector_load_idx %arg11[%add3A_188] : memref<20480xf32, #tpu.memory_space<vmem>>[vector<16xi32>], vector<16xf32>,
          %get3A_190 = arith.index_cast %while3A_158 : i32 to index
          %get3A_191 = arith.constant 16 : index
          %get3A_192 = tpu.vector_load %arg10[%get3A_190, %get3A_191] {strides = array<i32>} : memref<128x128xf32, #tpu.memory_space<vmem>>, vector<16xf32>,
          %add3A_193 = arith.addi %mul3A_174, %add3A_187 : vector<16xi32>
          %max3A_194 = arith.maximumf %gather3A_189, %get3A_192 : vector<16xf32>
          tpu.vector_store_idx %arg11[%add3A_193], %max3A_194 : memref<20480xf32, #tpu.memory_space<vmem>>[vector<16xi32>], vector<16xf32>,
          %iota3A_195 = tpu.iota {dimensions = array<i32: 0>} : vector<16xi32>
          %add3A_196 = arith.constant 32 : i32
          %add3A_197 = vector.broadcast %add3A_196 : i32 to vector<16xi32>
          %add3A_198 = arith.addi %add3A_197, %iota3A_195 : vector<16xi32>
          %add3A_199 = arith.addi %mul3A_174, %add3A_198 : vector<16xi32>
          %gather3A_200 = tpu.vector_load_idx %arg11[%add3A_199] : memref<20480xf32, #tpu.memory_space<vmem>>[vector<16xi32>], vector<16xf32>,
          %get3A_201 = arith.index_cast %while3A_158 : i32 to index
          %get3A_202 = arith.constant 32 : index
          %get3A_203 = tpu.vector_load %arg10[%get3A_201, %get3A_202] {strides = array<i32>} : memref<128x128xf32, #tpu.memory_space<vmem>>, vector<16xf32>,
          %add3A_204 = arith.addi %mul3A_174, %add3A_198 : vector<16xi32>
          %max3A_205 = arith.maximumf %gather3A_200, %get3A_203 : vector<16xf32>
          tpu.vector_store_idx %arg11[%add3A_204], %max3A_205 : memref<20480xf32, #tpu.memory_space<vmem>>[vector<16xi32>], vector<16xf32>,
          %iota3A_206 = tpu.iota {dimensions = array<i32: 0>} : vector<16xi32>
          %add3A_207 = arith.constant 48 : i32
          %add3A_208 = vector.broadcast %add3A_207 : i32 to vector<16xi32>
          %add3A_209 = arith.addi %add3A_208, %iota3A_206 : vector<16xi32>
          %add3A_210 = arith.addi %mul3A_174, %add3A_209 : vector<16xi32>
          %gather3A_211 = tpu.vector_load_idx %arg11[%add3A_210] : memref<20480xf32, #tpu.memory_space<vmem>>[vector<16xi32>], vector<16xf32>,
          %get3A_212 = arith.index_cast %while3A_158 : i32 to index
          %get3A_213 = arith.constant 48 : index
          %get3A_214 = tpu.vector_load %arg10[%get3A_212, %get3A_213] {strides = array<i32>} : memref<128x128xf32, #tpu.memory_space<vmem>>, vector<16xf32>,
          %add3A_215 = arith.addi %mul3A_174, %add3A_209 : vector<16xi32>
          %max3A_216 = arith.maximumf %gather3A_211, %get3A_214 : vector<16xf32>
          tpu.vector_store_idx %arg11[%add3A_215], %max3A_216 : memref<20480xf32, #tpu.memory_space<vmem>>[vector<16xi32>], vector<16xf32>,
        }
      }
    }
    %scan3A_12 = arith.constant 32 : i32
    %mul3A_13 = arith.constant 320 : i32
    %mul3A_14 = arith.muli %add3A, %mul3A_13 : i32
    %mul3A_15 = arith.constant 64 : i32
    %mul3A_16 = arith.muli %mul3A_14, %mul3A_15 : i32
    %multiple_of3A = tpu.assume_multiple %mul3A_16, 20480 : i32
    "tpu.region"() ({
      %run_scoped3A = tpu.sem_alloc : memref<!tpu.dma_semaphore, #tpu.memory_space<semaphore_mem>>
      %dma_start3A = tpu.memref_slice %arg5[%multiple_of3A] : memref<655360xf32, #tpu.memory_space<hbm>> -> memref<20480xf32, #tpu.memory_space<hbm>>
      %dma_start3A_17 = tpu.memref_slice %arg5[%multiple_of3A] : memref<655360xf32, #tpu.memory_space<hbm>> -> memref<20480xf32, #tpu.memory_space<hbm>>
      tpu.enqueue_dma source(%arg11 : memref<20480xf32, #tpu.memory_space<vmem>>) target(%dma_start3A_17 : memref<20480xf32, #tpu.memory_space<hbm>>) target_semaphore(%run_scoped3A : memref<!tpu.dma_semaphore, #tpu.memory_space<semaphore_mem>>)
      %dma_wait3A = tpu.memref_slice %arg5[%multiple_of3A] : memref<655360xf32, #tpu.memory_space<hbm>> -> memref<20480xf32, #tpu.memory_space<hbm>>
      %dma_wait3A_18 = tpu.memref_slice %arg5[%multiple_of3A] : memref<655360xf32, #tpu.memory_space<hbm>> -> memref<20480xf32, #tpu.memory_space<hbm>>
      tpu.wait_dma2 semaphore(%run_scoped3A : memref<!tpu.dma_semaphore, #tpu.memory_space<semaphore_mem>>) src(%arg11 : memref<20480xf32, #tpu.memory_space<vmem>>) dst(%dma_wait3A_18 : memref<20480xf32, #tpu.memory_space<hbm>>)
      tpu.yield
    }) : () -> ()
    return
  }
}

#map = affine_map<(d0, d1) -> (0, 0)>
#map1 = affine_map<(d0, d1) -> (0)>
module attributes {stable_mosaic.version = 14 : i64} {
  func.func @_g_body(%arg0: i32, %arg1: i32, %arg2: memref<10000x128xf32, #tpu.memory_space<hbm>>, %arg3: memref<320000xi32, #tpu.memory_space<hbm>>, %arg4: memref<320000xi32, #tpu.memory_space<hbm>>, %arg5: memref<160000x128xf32, #tpu.memory_space<hbm>>, %arg6: memref<80xi32, #tpu.memory_space<vmem>>, %arg7: memref<80xi32, #tpu.memory_space<vmem>>, %arg8: memref<80x128xf32, #tpu.memory_space<vmem>>, %arg9: memref<80x128xf32, #tpu.memory_space<vmem>>, %arg10: memref<40x128xf32, #tpu.memory_space<vmem>>, %arg11: memref<!tpu.dma_semaphore, #tpu.memory_space<semaphore_mem>>, %arg12: memref<!tpu.dma_semaphore, #tpu.memory_space<semaphore_mem>>) attributes {dimension_semantics = [#tpu.dimension_semantics<core_parallel>, #tpu.dimension_semantics<subcore_parallel>], iteration_bounds = array<i64: 2, 16>, scalar_prefetch = 0 : i64, scratch_operands = 7 : i64, tpu.core_type = #tpu.core_type<sc_vector_subcore>, window_params = [{transform_indices = #map}, {transform_indices = #map1}, {transform_indices = #map1}, {transform_indices = #map}]} {
    %mul3A = arith.constant 2 : i32
    %mul3A_0 = arith.muli %arg1, %mul3A : i32
    %add3A = arith.addi %mul3A_0, %arg0 : i32
    %scan3A = arith.constant 0 : i32
    %scan3A_1 = arith.constant 0 : i32
    %scan3A_2 = arith.constant 125 : i32
    %scan3A_3 = arith.addi %scan3A_1, %scan3A_2 : i32
    %scan3A_4 = arith.constant 1 : i32
    scf.for %scan3A_6 = %scan3A_1 to %scan3A_3 step %scan3A_4  : i32 {
      %mul3A_7 = arith.constant 10000 : i32
      %mul3A_8 = arith.muli %add3A, %mul3A_7 : i32
      %mul3A_9 = arith.constant 80 : i32
      %mul3A_10 = arith.muli %scan3A_6, %mul3A_9 : i32
      %add3A_11 = arith.addi %mul3A_8, %mul3A_10 : i32
      %multiple_of3A = tpu.assume_multiple %add3A_11, 80 : i32
      %mul3A_12 = arith.constant 5000 : i32
      %mul3A_13 = arith.muli %add3A, %mul3A_12 : i32
      %mul3A_14 = arith.constant 40 : i32
      %mul3A_15 = arith.muli %scan3A_6, %mul3A_14 : i32
      %add3A_16 = arith.addi %mul3A_13, %mul3A_15 : i32
      %multiple_of3A_17 = tpu.assume_multiple %add3A_16, 40 : i32
      "tpu.region"() ({
        %run_scoped3A = tpu.sem_alloc : memref<!tpu.dma_semaphore, #tpu.memory_space<semaphore_mem>>
        %dma_start3A_34 = tpu.memref_slice %arg3[%multiple_of3A] : memref<320000xi32, #tpu.memory_space<hbm>> -> memref<80xi32, #tpu.memory_space<hbm>>
        %dma_start3A_35 = tpu.memref_slice %arg3[%multiple_of3A] : memref<320000xi32, #tpu.memory_space<hbm>> -> memref<80xi32, #tpu.memory_space<hbm>>
        tpu.enqueue_dma source(%dma_start3A_35 : memref<80xi32, #tpu.memory_space<hbm>>) target(%arg6 : memref<80xi32, #tpu.memory_space<vmem>>) target_semaphore(%run_scoped3A : memref<!tpu.dma_semaphore, #tpu.memory_space<semaphore_mem>>)
        %dma_wait3A_36 = tpu.memref_slice %arg3[%multiple_of3A] : memref<320000xi32, #tpu.memory_space<hbm>> -> memref<80xi32, #tpu.memory_space<hbm>>
        %dma_wait3A_37 = tpu.memref_slice %arg3[%multiple_of3A] : memref<320000xi32, #tpu.memory_space<hbm>> -> memref<80xi32, #tpu.memory_space<hbm>>
        tpu.wait_dma2 semaphore(%run_scoped3A : memref<!tpu.dma_semaphore, #tpu.memory_space<semaphore_mem>>) src(%dma_wait3A_37 : memref<80xi32, #tpu.memory_space<hbm>>) dst(%arg6 : memref<80xi32, #tpu.memory_space<vmem>>)
        tpu.yield
      }) : () -> ()
      "tpu.region"() ({
        %run_scoped3A = tpu.sem_alloc : memref<!tpu.dma_semaphore, #tpu.memory_space<semaphore_mem>>
        %dma_start3A_34 = tpu.memref_slice %arg4[%multiple_of3A] : memref<320000xi32, #tpu.memory_space<hbm>> -> memref<80xi32, #tpu.memory_space<hbm>>
        %dma_start3A_35 = tpu.memref_slice %arg4[%multiple_of3A] : memref<320000xi32, #tpu.memory_space<hbm>> -> memref<80xi32, #tpu.memory_space<hbm>>
        tpu.enqueue_dma source(%dma_start3A_35 : memref<80xi32, #tpu.memory_space<hbm>>) target(%arg7 : memref<80xi32, #tpu.memory_space<vmem>>) target_semaphore(%run_scoped3A : memref<!tpu.dma_semaphore, #tpu.memory_space<semaphore_mem>>)
        %dma_wait3A_36 = tpu.memref_slice %arg4[%multiple_of3A] : memref<320000xi32, #tpu.memory_space<hbm>> -> memref<80xi32, #tpu.memory_space<hbm>>
        %dma_wait3A_37 = tpu.memref_slice %arg4[%multiple_of3A] : memref<320000xi32, #tpu.memory_space<hbm>> -> memref<80xi32, #tpu.memory_space<hbm>>
        tpu.wait_dma2 semaphore(%run_scoped3A : memref<!tpu.dma_semaphore, #tpu.memory_space<semaphore_mem>>) src(%dma_wait3A_37 : memref<80xi32, #tpu.memory_space<hbm>>) dst(%arg7 : memref<80xi32, #tpu.memory_space<vmem>>)
        tpu.yield
      }) : () -> ()
      %dma_start3A = arith.constant 0 : i32
      %dma_start3A_18 = arith.constant 0 : i32
      %dma_start3A_19 = tpu.memref_slice %arg2[%dma_start3A, %dma_start3A_18] : memref<10000x128xf32, #tpu.memory_space<hbm>> -> memref<10000x128xf32, #tpu.memory_space<hbm>>
      tpu.enqueue_indirect_dma source(%dma_start3A_19 : memref<10000x128xf32, #tpu.memory_space<hbm>>) target(%arg8 : memref<80x128xf32, #tpu.memory_space<vmem>>) offsets(%arg6 : memref<80xi32, #tpu.memory_space<vmem>>) semaphore(%arg11 : memref<!tpu.dma_semaphore, #tpu.memory_space<semaphore_mem>>)
      %dma_start3A_20 = arith.constant 0 : i32
      %dma_start3A_21 = arith.constant 0 : i32
      %dma_start3A_22 = tpu.memref_slice %arg2[%dma_start3A_20, %dma_start3A_21] : memref<10000x128xf32, #tpu.memory_space<hbm>> -> memref<10000x128xf32, #tpu.memory_space<hbm>>
      tpu.enqueue_indirect_dma source(%dma_start3A_22 : memref<10000x128xf32, #tpu.memory_space<hbm>>) target(%arg9 : memref<80x128xf32, #tpu.memory_space<vmem>>) offsets(%arg7 : memref<80xi32, #tpu.memory_space<vmem>>) semaphore(%arg12 : memref<!tpu.dma_semaphore, #tpu.memory_space<semaphore_mem>>)
      %dma_wait3A = arith.constant 0 : i32
      %dma_wait3A_23 = arith.constant 0 : i32
      %dma_wait3A_24 = tpu.memref_slice %arg2[%dma_wait3A, %dma_wait3A_23] : memref<10000x128xf32, #tpu.memory_space<hbm>> -> memref<10000x128xf32, #tpu.memory_space<hbm>>
      tpu.wait_indirect_dma semaphore(%arg11 : memref<!tpu.dma_semaphore, #tpu.memory_space<semaphore_mem>>) src(%dma_wait3A_24 : memref<10000x128xf32, #tpu.memory_space<hbm>>) dst(%arg8 : memref<80x128xf32, #tpu.memory_space<vmem>>)
      %dma_wait3A_25 = arith.constant 0 : i32
      %dma_wait3A_26 = arith.constant 0 : i32
      %dma_wait3A_27 = tpu.memref_slice %arg2[%dma_wait3A_25, %dma_wait3A_26] : memref<10000x128xf32, #tpu.memory_space<hbm>> -> memref<10000x128xf32, #tpu.memory_space<hbm>>
      tpu.wait_indirect_dma semaphore(%arg12 : memref<!tpu.dma_semaphore, #tpu.memory_space<semaphore_mem>>) src(%dma_wait3A_27 : memref<10000x128xf32, #tpu.memory_space<hbm>>) dst(%arg9 : memref<80x128xf32, #tpu.memory_space<vmem>>)
      %scan3A_28 = arith.constant 0 : i32
      %scan3A_29 = arith.constant 0 : i32
      %scan3A_30 = arith.constant 40 : i32
      %scan3A_31 = arith.addi %scan3A_29, %scan3A_30 : i32
      %scan3A_32 = arith.constant 1 : i32
      scf.for %scan3A_34 = %scan3A_29 to %scan3A_31 step %scan3A_32  : i32 {
        %mul3A_35 = arith.constant 2 : i32
        %mul3A_36 = arith.muli %mul3A_35, %scan3A_34 : i32
        %get3A = arith.index_cast %mul3A_36 : i32 to index
        %get3A_37 = arith.constant 0 : index
        %get3A_38 = tpu.vector_load %arg8[%get3A, %get3A_37] {strides = array<i32>} : memref<80x128xf32, #tpu.memory_space<vmem>>, vector<1x16xf32>,
        %get3A_39 = vector.shape_cast %get3A_38 : vector<1x16xf32> to vector<16xf32>
        %mul3A_40 = arith.constant 2 : i32
        %mul3A_41 = arith.muli %mul3A_40, %scan3A_34 : i32
        %get3A_42 = arith.index_cast %mul3A_41 : i32 to index
        %get3A_43 = arith.constant 64 : index
        %get3A_44 = tpu.vector_load %arg9[%get3A_42, %get3A_43] {strides = array<i32>} : memref<80x128xf32, #tpu.memory_space<vmem>>, vector<1x16xf32>,
        %get3A_45 = vector.shape_cast %get3A_44 : vector<1x16xf32> to vector<16xf32>
        %add3A_46 = arith.addf %get3A_39, %get3A_45 : vector<16xf32>
        %swap3A = arith.index_cast %scan3A_34 : i32 to index
        %swap3A_47 = arith.constant 0 : index
        %swap3A_48 = tpu.vector_load %arg10[%swap3A, %swap3A_47] {strides = array<i32>} : memref<40x128xf32, #tpu.memory_space<vmem>>, vector<1x16xf32>,
        %swap3A_49 = vector.shape_cast %swap3A_48 : vector<1x16xf32> to vector<16xf32>
        %swap3A_50 = vector.shape_cast %add3A_46 : vector<16xf32> to vector<1x16xf32>
        tpu.vector_store %arg10[%swap3A, %swap3A_47], %swap3A_50 {strides = array<i32>} : memref<40x128xf32, #tpu.memory_space<vmem>>, vector<1x16xf32>,
        %mul3A_51 = arith.constant 2 : i32
        %mul3A_52 = arith.muli %mul3A_51, %scan3A_34 : i32
        %add3A_53 = arith.constant 1 : i32
        %add3A_54 = arith.addi %mul3A_52, %add3A_53 : i32
        %get3A_55 = arith.index_cast %add3A_54 : i32 to index
        %get3A_56 = arith.constant 0 : index
        %get3A_57 = tpu.vector_load %arg8[%get3A_55, %get3A_56] {strides = array<i32>} : memref<80x128xf32, #tpu.memory_space<vmem>>, vector<1x16xf32>,
        %get3A_58 = vector.shape_cast %get3A_57 : vector<1x16xf32> to vector<16xf32>
        %mul3A_59 = arith.constant 2 : i32
        %mul3A_60 = arith.muli %mul3A_59, %scan3A_34 : i32
        %add3A_61 = arith.constant 1 : i32
        %add3A_62 = arith.addi %mul3A_60, %add3A_61 : i32
        %get3A_63 = arith.index_cast %add3A_62 : i32 to index
        %get3A_64 = arith.constant 64 : index
        %get3A_65 = tpu.vector_load %arg9[%get3A_63, %get3A_64] {strides = array<i32>} : memref<80x128xf32, #tpu.memory_space<vmem>>, vector<1x16xf32>,
        %get3A_66 = vector.shape_cast %get3A_65 : vector<1x16xf32> to vector<16xf32>
        %add3A_67 = arith.addf %get3A_58, %get3A_66 : vector<16xf32>
        %swap3A_68 = arith.index_cast %scan3A_34 : i32 to index
        %swap3A_69 = arith.constant 64 : index
        %swap3A_70 = tpu.vector_load %arg10[%swap3A_68, %swap3A_69] {strides = array<i32>} : memref<40x128xf32, #tpu.memory_space<vmem>>, vector<1x16xf32>,
        %swap3A_71 = vector.shape_cast %swap3A_70 : vector<1x16xf32> to vector<16xf32>
        %swap3A_72 = vector.shape_cast %add3A_67 : vector<16xf32> to vector<1x16xf32>
        tpu.vector_store %arg10[%swap3A_68, %swap3A_69], %swap3A_72 {strides = array<i32>} : memref<40x128xf32, #tpu.memory_space<vmem>>, vector<1x16xf32>,
        %mul3A_73 = arith.constant 2 : i32
        %mul3A_74 = arith.muli %mul3A_73, %scan3A_34 : i32
        %get3A_75 = arith.index_cast %mul3A_74 : i32 to index
        %get3A_76 = arith.constant 16 : index
        %get3A_77 = tpu.vector_load %arg8[%get3A_75, %get3A_76] {strides = array<i32>} : memref<80x128xf32, #tpu.memory_space<vmem>>, vector<1x16xf32>,
        %get3A_78 = vector.shape_cast %get3A_77 : vector<1x16xf32> to vector<16xf32>
        %mul3A_79 = arith.constant 2 : i32
        %mul3A_80 = arith.muli %mul3A_79, %scan3A_34 : i32
        %get3A_81 = arith.index_cast %mul3A_80 : i32 to index
        %get3A_82 = arith.constant 80 : index
        %get3A_83 = tpu.vector_load %arg9[%get3A_81, %get3A_82] {strides = array<i32>} : memref<80x128xf32, #tpu.memory_space<vmem>>, vector<1x16xf32>,
        %get3A_84 = vector.shape_cast %get3A_83 : vector<1x16xf32> to vector<16xf32>
        %add3A_85 = arith.addf %get3A_78, %get3A_84 : vector<16xf32>
        %swap3A_86 = arith.index_cast %scan3A_34 : i32 to index
        %swap3A_87 = arith.constant 16 : index
        %swap3A_88 = tpu.vector_load %arg10[%swap3A_86, %swap3A_87] {strides = array<i32>} : memref<40x128xf32, #tpu.memory_space<vmem>>, vector<1x16xf32>,
        %swap3A_89 = vector.shape_cast %swap3A_88 : vector<1x16xf32> to vector<16xf32>
        %swap3A_90 = vector.shape_cast %add3A_85 : vector<16xf32> to vector<1x16xf32>
        tpu.vector_store %arg10[%swap3A_86, %swap3A_87], %swap3A_90 {strides = array<i32>} : memref<40x128xf32, #tpu.memory_space<vmem>>, vector<1x16xf32>,
        %mul3A_91 = arith.constant 2 : i32
        %mul3A_92 = arith.muli %mul3A_91, %scan3A_34 : i32
        %add3A_93 = arith.constant 1 : i32
        %add3A_94 = arith.addi %mul3A_92, %add3A_93 : i32
        %get3A_95 = arith.index_cast %add3A_94 : i32 to index
        %get3A_96 = arith.constant 16 : index
        %get3A_97 = tpu.vector_load %arg8[%get3A_95, %get3A_96] {strides = array<i32>} : memref<80x128xf32, #tpu.memory_space<vmem>>, vector<1x16xf32>,
        %get3A_98 = vector.shape_cast %get3A_97 : vector<1x16xf32> to vector<16xf32>
        %mul3A_99 = arith.constant 2 : i32
        %mul3A_100 = arith.muli %mul3A_99, %scan3A_34 : i32
        %add3A_101 = arith.constant 1 : i32
        %add3A_102 = arith.addi %mul3A_100, %add3A_101 : i32
        %get3A_103 = arith.index_cast %add3A_102 : i32 to index
        %get3A_104 = arith.constant 80 : index
        %get3A_105 = tpu.vector_load %arg9[%get3A_103, %get3A_104] {strides = array<i32>} : memref<80x128xf32, #tpu.memory_space<vmem>>, vector<1x16xf32>,
        %get3A_106 = vector.shape_cast %get3A_105 : vector<1x16xf32> to vector<16xf32>
        %add3A_107 = arith.addf %get3A_98, %get3A_106 : vector<16xf32>
        %swap3A_108 = arith.index_cast %scan3A_34 : i32 to index
        %swap3A_109 = arith.constant 80 : index
        %swap3A_110 = tpu.vector_load %arg10[%swap3A_108, %swap3A_109] {strides = array<i32>} : memref<40x128xf32, #tpu.memory_space<vmem>>, vector<1x16xf32>,
        %swap3A_111 = vector.shape_cast %swap3A_110 : vector<1x16xf32> to vector<16xf32>
        %swap3A_112 = vector.shape_cast %add3A_107 : vector<16xf32> to vector<1x16xf32>
        tpu.vector_store %arg10[%swap3A_108, %swap3A_109], %swap3A_112 {strides = array<i32>} : memref<40x128xf32, #tpu.memory_space<vmem>>, vector<1x16xf32>,
        %mul3A_113 = arith.constant 2 : i32
        %mul3A_114 = arith.muli %mul3A_113, %scan3A_34 : i32
        %get3A_115 = arith.index_cast %mul3A_114 : i32 to index
        %get3A_116 = arith.constant 32 : index
        %get3A_117 = tpu.vector_load %arg8[%get3A_115, %get3A_116] {strides = array<i32>} : memref<80x128xf32, #tpu.memory_space<vmem>>, vector<1x16xf32>,
        %get3A_118 = vector.shape_cast %get3A_117 : vector<1x16xf32> to vector<16xf32>
        %mul3A_119 = arith.constant 2 : i32
        %mul3A_120 = arith.muli %mul3A_119, %scan3A_34 : i32
        %get3A_121 = arith.index_cast %mul3A_120 : i32 to index
        %get3A_122 = arith.constant 96 : index
        %get3A_123 = tpu.vector_load %arg9[%get3A_121, %get3A_122] {strides = array<i32>} : memref<80x128xf32, #tpu.memory_space<vmem>>, vector<1x16xf32>,
        %get3A_124 = vector.shape_cast %get3A_123 : vector<1x16xf32> to vector<16xf32>
        %add3A_125 = arith.addf %get3A_118, %get3A_124 : vector<16xf32>
        %swap3A_126 = arith.index_cast %scan3A_34 : i32 to index
        %swap3A_127 = arith.constant 32 : index
        %swap3A_128 = tpu.vector_load %arg10[%swap3A_126, %swap3A_127] {strides = array<i32>} : memref<40x128xf32, #tpu.memory_space<vmem>>, vector<1x16xf32>,
        %swap3A_129 = vector.shape_cast %swap3A_128 : vector<1x16xf32> to vector<16xf32>
        %swap3A_130 = vector.shape_cast %add3A_125 : vector<16xf32> to vector<1x16xf32>
        tpu.vector_store %arg10[%swap3A_126, %swap3A_127], %swap3A_130 {strides = array<i32>} : memref<40x128xf32, #tpu.memory_space<vmem>>, vector<1x16xf32>,
        %mul3A_131 = arith.constant 2 : i32
        %mul3A_132 = arith.muli %mul3A_131, %scan3A_34 : i32
        %add3A_133 = arith.constant 1 : i32
        %add3A_134 = arith.addi %mul3A_132, %add3A_133 : i32
        %get3A_135 = arith.index_cast %add3A_134 : i32 to index
        %get3A_136 = arith.constant 32 : index
        %get3A_137 = tpu.vector_load %arg8[%get3A_135, %get3A_136] {strides = array<i32>} : memref<80x128xf32, #tpu.memory_space<vmem>>, vector<1x16xf32>,
        %get3A_138 = vector.shape_cast %get3A_137 : vector<1x16xf32> to vector<16xf32>
        %mul3A_139 = arith.constant 2 : i32
        %mul3A_140 = arith.muli %mul3A_139, %scan3A_34 : i32
        %add3A_141 = arith.constant 1 : i32
        %add3A_142 = arith.addi %mul3A_140, %add3A_141 : i32
        %get3A_143 = arith.index_cast %add3A_142 : i32 to index
        %get3A_144 = arith.constant 96 : index
        %get3A_145 = tpu.vector_load %arg9[%get3A_143, %get3A_144] {strides = array<i32>} : memref<80x128xf32, #tpu.memory_space<vmem>>, vector<1x16xf32>,
        %get3A_146 = vector.shape_cast %get3A_145 : vector<1x16xf32> to vector<16xf32>
        %add3A_147 = arith.addf %get3A_138, %get3A_146 : vector<16xf32>
        %swap3A_148 = arith.index_cast %scan3A_34 : i32 to index
        %swap3A_149 = arith.constant 96 : index
        %swap3A_150 = tpu.vector_load %arg10[%swap3A_148, %swap3A_149] {strides = array<i32>} : memref<40x128xf32, #tpu.memory_space<vmem>>, vector<1x16xf32>,
        %swap3A_151 = vector.shape_cast %swap3A_150 : vector<1x16xf32> to vector<16xf32>
        %swap3A_152 = vector.shape_cast %add3A_147 : vector<16xf32> to vector<1x16xf32>
        tpu.vector_store %arg10[%swap3A_148, %swap3A_149], %swap3A_152 {strides = array<i32>} : memref<40x128xf32, #tpu.memory_space<vmem>>, vector<1x16xf32>,
        %mul3A_153 = arith.constant 2 : i32
        %mul3A_154 = arith.muli %mul3A_153, %scan3A_34 : i32
        %get3A_155 = arith.index_cast %mul3A_154 : i32 to index
        %get3A_156 = arith.constant 48 : index
        %get3A_157 = tpu.vector_load %arg8[%get3A_155, %get3A_156] {strides = array<i32>} : memref<80x128xf32, #tpu.memory_space<vmem>>, vector<1x16xf32>,
        %get3A_158 = vector.shape_cast %get3A_157 : vector<1x16xf32> to vector<16xf32>
        %mul3A_159 = arith.constant 2 : i32
        %mul3A_160 = arith.muli %mul3A_159, %scan3A_34 : i32
        %get3A_161 = arith.index_cast %mul3A_160 : i32 to index
        %get3A_162 = arith.constant 112 : index
        %get3A_163 = tpu.vector_load %arg9[%get3A_161, %get3A_162] {strides = array<i32>} : memref<80x128xf32, #tpu.memory_space<vmem>>, vector<1x16xf32>,
        %get3A_164 = vector.shape_cast %get3A_163 : vector<1x16xf32> to vector<16xf32>
        %add3A_165 = arith.addf %get3A_158, %get3A_164 : vector<16xf32>
        %swap3A_166 = arith.index_cast %scan3A_34 : i32 to index
        %swap3A_167 = arith.constant 48 : index
        %swap3A_168 = tpu.vector_load %arg10[%swap3A_166, %swap3A_167] {strides = array<i32>} : memref<40x128xf32, #tpu.memory_space<vmem>>, vector<1x16xf32>,
        %swap3A_169 = vector.shape_cast %swap3A_168 : vector<1x16xf32> to vector<16xf32>
        %swap3A_170 = vector.shape_cast %add3A_165 : vector<16xf32> to vector<1x16xf32>
        tpu.vector_store %arg10[%swap3A_166, %swap3A_167], %swap3A_170 {strides = array<i32>} : memref<40x128xf32, #tpu.memory_space<vmem>>, vector<1x16xf32>,
        %mul3A_171 = arith.constant 2 : i32
        %mul3A_172 = arith.muli %mul3A_171, %scan3A_34 : i32
        %add3A_173 = arith.constant 1 : i32
        %add3A_174 = arith.addi %mul3A_172, %add3A_173 : i32
        %get3A_175 = arith.index_cast %add3A_174 : i32 to index
        %get3A_176 = arith.constant 48 : index
        %get3A_177 = tpu.vector_load %arg8[%get3A_175, %get3A_176] {strides = array<i32>} : memref<80x128xf32, #tpu.memory_space<vmem>>, vector<1x16xf32>,
        %get3A_178 = vector.shape_cast %get3A_177 : vector<1x16xf32> to vector<16xf32>
        %mul3A_179 = arith.constant 2 : i32
        %mul3A_180 = arith.muli %mul3A_179, %scan3A_34 : i32
        %add3A_181 = arith.constant 1 : i32
        %add3A_182 = arith.addi %mul3A_180, %add3A_181 : i32
        %get3A_183 = arith.index_cast %add3A_182 : i32 to index
        %get3A_184 = arith.constant 112 : index
        %get3A_185 = tpu.vector_load %arg9[%get3A_183, %get3A_184] {strides = array<i32>} : memref<80x128xf32, #tpu.memory_space<vmem>>, vector<1x16xf32>,
        %get3A_186 = vector.shape_cast %get3A_185 : vector<1x16xf32> to vector<16xf32>
        %add3A_187 = arith.addf %get3A_178, %get3A_186 : vector<16xf32>
        %swap3A_188 = arith.index_cast %scan3A_34 : i32 to index
        %swap3A_189 = arith.constant 112 : index
        %swap3A_190 = tpu.vector_load %arg10[%swap3A_188, %swap3A_189] {strides = array<i32>} : memref<40x128xf32, #tpu.memory_space<vmem>>, vector<1x16xf32>,
        %swap3A_191 = vector.shape_cast %swap3A_190 : vector<1x16xf32> to vector<16xf32>
        %swap3A_192 = vector.shape_cast %add3A_187 : vector<16xf32> to vector<1x16xf32>
        tpu.vector_store %arg10[%swap3A_188, %swap3A_189], %swap3A_192 {strides = array<i32>} : memref<40x128xf32, #tpu.memory_space<vmem>>, vector<1x16xf32>,
      }
      %scan3A_33 = arith.constant 40 : i32
      "tpu.region"() ({
        %run_scoped3A = tpu.sem_alloc : memref<!tpu.dma_semaphore, #tpu.memory_space<semaphore_mem>>
        %dma_start3A_34 = arith.constant 0 : i32
        %dma_start3A_35 = tpu.memref_slice %arg5[%multiple_of3A_17, %dma_start3A_34] : memref<160000x128xf32, #tpu.memory_space<hbm>> -> memref<40x128xf32, #tpu.memory_space<hbm>>
        %dma_start3A_36 = arith.constant 0 : i32
        %dma_start3A_37 = tpu.memref_slice %arg5[%multiple_of3A_17, %dma_start3A_36] : memref<160000x128xf32, #tpu.memory_space<hbm>> -> memref<40x128xf32, #tpu.memory_space<hbm>>
        tpu.enqueue_dma source(%arg10 : memref<40x128xf32, #tpu.memory_space<vmem>>) target(%dma_start3A_37 : memref<40x128xf32, #tpu.memory_space<hbm>>) target_semaphore(%run_scoped3A : memref<!tpu.dma_semaphore, #tpu.memory_space<semaphore_mem>>)
        %dma_wait3A_38 = arith.constant 0 : i32
        %dma_wait3A_39 = tpu.memref_slice %arg5[%multiple_of3A_17, %dma_wait3A_38] : memref<160000x128xf32, #tpu.memory_space<hbm>> -> memref<40x128xf32, #tpu.memory_space<hbm>>
        %dma_wait3A_40 = arith.constant 0 : i32
        %dma_wait3A_41 = tpu.memref_slice %arg5[%multiple_of3A_17, %dma_wait3A_40] : memref<160000x128xf32, #tpu.memory_space<hbm>> -> memref<40x128xf32, #tpu.memory_space<hbm>>
        tpu.wait_dma2 semaphore(%run_scoped3A : memref<!tpu.dma_semaphore, #tpu.memory_space<semaphore_mem>>) src(%arg10 : memref<40x128xf32, #tpu.memory_space<vmem>>) dst(%dma_wait3A_41 : memref<40x128xf32, #tpu.memory_space<hbm>>)
        tpu.yield
      }) : () -> ()
    }
    %scan3A_5 = arith.constant 125 : i32
    return
  }
}

#map = affine_map<(d0, d1) -> (0, 0)>
#map1 = affine_map<(d0, d1) -> (0, 0, 0)>
#map2 = affine_map<(d0, d1) -> (0)>
module attributes {stable_mosaic.version = 14 : i64} {
  func.func @_s_body(%arg0: i32, %arg1: i32, %arg2: memref<320000x128xf32, #tpu.memory_space<hbm>>, %arg3: memref<32x32x10240xi32, #tpu.memory_space<hbm>>, %arg4: memref<32x32xi32, #tpu.memory_space<hbm>>, %arg5: memref<655360xf32, #tpu.memory_space<hbm>>, %arg6: memref<32x32xi32, #tpu.memory_space<vmem>>, %arg7: memref<128xi32, #tpu.memory_space<vmem>>, %arg8: memref<128xi32, #tpu.memory_space<vmem>>, %arg9: memref<128xi32, #tpu.memory_space<vmem>>, %arg10: memref<128x128xf32, #tpu.memory_space<vmem>>, %arg11: memref<20480xf32, #tpu.memory_space<vmem>>, %arg12: memref<!tpu.dma_semaphore, #tpu.memory_space<semaphore_mem>>) attributes {dimension_semantics = [#tpu.dimension_semantics<core_parallel>, #tpu.dimension_semantics<subcore_parallel>], iteration_bounds = array<i64: 2, 16>, scalar_prefetch = 0 : i64, scratch_operands = 7 : i64, tpu.core_type = #tpu.core_type<sc_vector_subcore>, window_params = [{transform_indices = #map}, {transform_indices = #map1}, {transform_indices = #map}, {transform_indices = #map2}]} {
    %mul3A = arith.constant 2 : i32
    %mul3A_0 = arith.muli %arg1, %mul3A : i32
    %add3A = arith.addi %mul3A_0, %arg0 : i32
    %broadcast_in_dim3A = arith.constant 0.000000e+00 : f32
    %broadcast_in_dim3A_1 = vector.broadcast %broadcast_in_dim3A : f32 to vector<16xf32>
    %scan3A = arith.constant 0 : i32
    %scan3A_2 = arith.constant 0 : i32
    %scan3A_3 = arith.constant 1280 : i32
    %scan3A_4 = arith.addi %scan3A_2, %scan3A_3 : i32
    %scan3A_5 = arith.constant 1 : i32
    scf.for %scan3A_17 = %scan3A_2 to %scan3A_4 step %scan3A_5  : i32 {
      %mul3A_18 = arith.constant 16 : i32
      %mul3A_19 = arith.muli %scan3A_17, %mul3A_18 : i32
      %swap3A = arith.index_cast %mul3A_19 : i32 to index
      %swap3A_20 = tpu.vector_load %arg11[%swap3A] {strides = array<i32>} : memref<20480xf32, #tpu.memory_space<vmem>>, vector<16xf32>,
      tpu.vector_store %arg11[%swap3A], %broadcast_in_dim3A_1 {strides = array<i32>} : memref<20480xf32, #tpu.memory_space<vmem>>, vector<16xf32>,
    }
    %scan3A_6 = arith.constant 1280 : i32
    "tpu.region"() ({
      %run_scoped3A = tpu.sem_alloc : memref<!tpu.dma_semaphore, #tpu.memory_space<semaphore_mem>>
      tpu.enqueue_dma source(%arg4 : memref<32x32xi32, #tpu.memory_space<hbm>>) target(%arg6 : memref<32x32xi32, #tpu.memory_space<vmem>>) target_semaphore(%run_scoped3A : memref<!tpu.dma_semaphore, #tpu.memory_space<semaphore_mem>>)
      tpu.wait_dma2 semaphore(%run_scoped3A : memref<!tpu.dma_semaphore, #tpu.memory_space<semaphore_mem>>) src(%arg4 : memref<32x32xi32, #tpu.memory_space<hbm>>) dst(%arg6 : memref<32x32xi32, #tpu.memory_space<vmem>>)
      tpu.yield
    }) : () -> ()
    %scan3A_7 = arith.constant 0 : i32
    %scan3A_8 = arith.constant 0 : i32
    %scan3A_9 = arith.constant 32 : i32
    %scan3A_10 = arith.addi %scan3A_8, %scan3A_9 : i32
    %scan3A_11 = arith.constant 1 : i32
    scf.for %scan3A_17 = %scan3A_8 to %scan3A_10 step %scan3A_11  : i32 {
      %shift_right_arithmetic3A = arith.constant 4 : i32
      %shift_right_arithmetic3A_18 = arith.shrsi %add3A, %shift_right_arithmetic3A : i32
      %shift_left3A = arith.constant 4 : i32
      %shift_left3A_19 = arith.shli %shift_right_arithmetic3A_18, %shift_left3A : i32
      %multiple_of3A_20 = tpu.assume_multiple %shift_left3A_19, 16 : i32
      %get3A = arith.index_cast %scan3A_17 : i32 to index
      %get3A_21 = arith.index_cast %multiple_of3A_20 : i32 to index
      %get3A_22 = tpu.vector_load %arg6[%get3A, %get3A_21] {strides = array<i32>} : memref<32x32xi32, #tpu.memory_space<vmem>>, vector<16xi32>,
      %and3A = arith.constant 15 : i32
      %and3A_23 = arith.andi %add3A, %and3A : i32
      %broadcast_in_dim3A_24 = vector.broadcast %and3A_23 : i32 to vector<16xi32>
      %broadcast_in_dim3A_25 = vector.shape_cast %broadcast_in_dim3A_24 : vector<16xi32> to vector<16x1xi32>
      %gather3A = vector.shape_cast %broadcast_in_dim3A_25 : vector<16x1xi32> to vector<16xi32>
      %gather3A_26 = tpu.dynamic_gather %get3A_22[%gather3A] in [0] : vector<16xi32>, vector<16xi32> -> vector<16xi32>
      %slice3A = vector.extract_strided_slice %gather3A_26 {offsets = [0], sizes = [1], strides = [1]} : vector<16xi32> to vector<1xi32>
      %squeeze3A = vector.extract %slice3A[0] : i32 from vector<1xi32>
      %add3A_27 = arith.constant 128 : i32
      %add3A_28 = arith.addi %squeeze3A, %add3A_27 : i32
      %sub3A = arith.constant 1 : i32
      %sub3A_29 = arith.subi %add3A_28, %sub3A : i32
      %shift_right_arithmetic3A_30 = arith.constant 7 : i32
      %shift_right_arithmetic3A_31 = arith.shrsi %sub3A_29, %shift_right_arithmetic3A_30 : i32
      %while3A = arith.constant 0 : i32
      %while3A_32 = arith.constant 0 : i32
      %while3A_33 = arith.subi %shift_right_arithmetic3A_31, %while3A_32 : i32
      %while3A_34 = arith.addi %while3A_32, %while3A_33 : i32
      %while3A_35 = arith.constant 1 : i32
      %while3A_36 = arith.divsi %while3A_33, %while3A_35 : i32
      %while3A_37 = arith.muli %while3A_36, %while3A_35 : i32
      %while3A_38 = arith.addi %while3A_32, %while3A_37 : i32
      %while3A_39 = arith.constant 1 : i32
      scf.for %while3A_41 = %while3A_32 to %while3A_38 step %while3A_39  : i32 {
        %mul3A_42 = arith.constant 128 : i32
        %mul3A_43 = arith.muli %while3A_41, %mul3A_42 : i32
        %multiple_of3A_44 = tpu.assume_multiple %mul3A_43, 128 : i32
        "tpu.region"() ({
          %run_scoped3A = tpu.sem_alloc : memref<!tpu.dma_semaphore, #tpu.memory_space<semaphore_mem>>
          %dma_start3A_158 = tpu.memref_slice %arg3[%scan3A_17, %add3A, %multiple_of3A_44] : memref<32x32x10240xi32, #tpu.memory_space<hbm>> -> memref<1x1x128xi32, #tpu.memory_space<hbm>>
          %dma_start3A_159 = tpu.memref_squeeze %dma_start3A_158 : memref<1x1x128xi32, #tpu.memory_space<hbm>> -> memref<128xi32, #tpu.memory_space<hbm>>
          %dma_start3A_160 = tpu.memref_slice %arg3[%scan3A_17, %add3A, %multiple_of3A_44] : memref<32x32x10240xi32, #tpu.memory_space<hbm>> -> memref<1x1x128xi32, #tpu.memory_space<hbm>>
          %dma_start3A_161 = tpu.memref_squeeze %dma_start3A_160 : memref<1x1x128xi32, #tpu.memory_space<hbm>> -> memref<128xi32, #tpu.memory_space<hbm>>
          tpu.enqueue_dma source(%dma_start3A_161 : memref<128xi32, #tpu.memory_space<hbm>>) target(%arg7 : memref<128xi32, #tpu.memory_space<vmem>>) target_semaphore(%run_scoped3A : memref<!tpu.dma_semaphore, #tpu.memory_space<semaphore_mem>>)
          %dma_wait3A_162 = tpu.memref_slice %arg3[%scan3A_17, %add3A, %multiple_of3A_44] : memref<32x32x10240xi32, #tpu.memory_space<hbm>> -> memref<1x1x128xi32, #tpu.memory_space<hbm>>
          %dma_wait3A_163 = tpu.memref_squeeze %dma_wait3A_162 : memref<1x1x128xi32, #tpu.memory_space<hbm>> -> memref<128xi32, #tpu.memory_space<hbm>>
          %dma_wait3A_164 = tpu.memref_slice %arg3[%scan3A_17, %add3A, %multiple_of3A_44] : memref<32x32x10240xi32, #tpu.memory_space<hbm>> -> memref<1x1x128xi32, #tpu.memory_space<hbm>>
          %dma_wait3A_165 = tpu.memref_squeeze %dma_wait3A_164 : memref<1x1x128xi32, #tpu.memory_space<hbm>> -> memref<128xi32, #tpu.memory_space<hbm>>
          tpu.wait_dma2 semaphore(%run_scoped3A : memref<!tpu.dma_semaphore, #tpu.memory_space<semaphore_mem>>) src(%dma_wait3A_165 : memref<128xi32, #tpu.memory_space<hbm>>) dst(%arg7 : memref<128xi32, #tpu.memory_space<vmem>>)
          tpu.yield
        }) : () -> ()
        %get3A_45 = arith.constant 0 : index
        %get3A_46 = tpu.vector_load %arg7[%get3A_45] {strides = array<i32>} : memref<128xi32, #tpu.memory_space<vmem>>, vector<16xi32>,
        %shift_right_arithmetic3A_47 = arith.constant 9 : i32
        %shift_right_arithmetic3A_48 = vector.broadcast %shift_right_arithmetic3A_47 : i32 to vector<16xi32>
        %shift_right_arithmetic3A_49 = arith.shrsi %get3A_46, %shift_right_arithmetic3A_48 : vector<16xi32>
        %swap3A = arith.constant 0 : index
        %swap3A_50 = tpu.vector_load %arg8[%swap3A] {strides = array<i32>} : memref<128xi32, #tpu.memory_space<vmem>>, vector<16xi32>,
        tpu.vector_store %arg8[%swap3A], %shift_right_arithmetic3A_49 {strides = array<i32>} : memref<128xi32, #tpu.memory_space<vmem>>, vector<16xi32>,
        %and3A_51 = arith.constant 511 : i32
        %and3A_52 = vector.broadcast %and3A_51 : i32 to vector<16xi32>
        %and3A_53 = arith.andi %get3A_46, %and3A_52 : vector<16xi32>
        %swap3A_54 = arith.constant 0 : index
        %swap3A_55 = tpu.vector_load %arg9[%swap3A_54] {strides = array<i32>} : memref<128xi32, #tpu.memory_space<vmem>>, vector<16xi32>,
        tpu.vector_store %arg9[%swap3A_54], %and3A_53 {strides = array<i32>} : memref<128xi32, #tpu.memory_space<vmem>>, vector<16xi32>,
        %get3A_56 = arith.constant 16 : index
        %get3A_57 = tpu.vector_load %arg7[%get3A_56] {strides = array<i32>} : memref<128xi32, #tpu.memory_space<vmem>>, vector<16xi32>,
        %shift_right_arithmetic3A_58 = arith.constant 9 : i32
        %shift_right_arithmetic3A_59 = vector.broadcast %shift_right_arithmetic3A_58 : i32 to vector<16xi32>
        %shift_right_arithmetic3A_60 = arith.shrsi %get3A_57, %shift_right_arithmetic3A_59 : vector<16xi32>
        %swap3A_61 = arith.constant 16 : index
        %swap3A_62 = tpu.vector_load %arg8[%swap3A_61] {strides = array<i32>} : memref<128xi32, #tpu.memory_space<vmem>>, vector<16xi32>,
        tpu.vector_store %arg8[%swap3A_61], %shift_right_arithmetic3A_60 {strides = array<i32>} : memref<128xi32, #tpu.memory_space<vmem>>, vector<16xi32>,
        %and3A_63 = arith.constant 511 : i32
        %and3A_64 = vector.broadcast %and3A_63 : i32 to vector<16xi32>
        %and3A_65 = arith.andi %get3A_57, %and3A_64 : vector<16xi32>
        %swap3A_66 = arith.constant 16 : index
        %swap3A_67 = tpu.vector_load %arg9[%swap3A_66] {strides = array<i32>} : memref<128xi32, #tpu.memory_space<vmem>>, vector<16xi32>,
        tpu.vector_store %arg9[%swap3A_66], %and3A_65 {strides = array<i32>} : memref<128xi32, #tpu.memory_space<vmem>>, vector<16xi32>,
        %get3A_68 = arith.constant 32 : index
        %get3A_69 = tpu.vector_load %arg7[%get3A_68] {strides = array<i32>} : memref<128xi32, #tpu.memory_space<vmem>>, vector<16xi32>,
        %shift_right_arithmetic3A_70 = arith.constant 9 : i32
        %shift_right_arithmetic3A_71 = vector.broadcast %shift_right_arithmetic3A_70 : i32 to vector<16xi32>
        %shift_right_arithmetic3A_72 = arith.shrsi %get3A_69, %shift_right_arithmetic3A_71 : vector<16xi32>
        %swap3A_73 = arith.constant 32 : index
        %swap3A_74 = tpu.vector_load %arg8[%swap3A_73] {strides = array<i32>} : memref<128xi32, #tpu.memory_space<vmem>>, vector<16xi32>,
        tpu.vector_store %arg8[%swap3A_73], %shift_right_arithmetic3A_72 {strides = array<i32>} : memref<128xi32, #tpu.memory_space<vmem>>, vector<16xi32>,
        %and3A_75 = arith.constant 511 : i32
        %and3A_76 = vector.broadcast %and3A_75 : i32 to vector<16xi32>
        %and3A_77 = arith.andi %get3A_69, %and3A_76 : vector<16xi32>
        %swap3A_78 = arith.constant 32 : index
        %swap3A_79 = tpu.vector_load %arg9[%swap3A_78] {strides = array<i32>} : memref<128xi32, #tpu.memory_space<vmem>>, vector<16xi32>,
        tpu.vector_store %arg9[%swap3A_78], %and3A_77 {strides = array<i32>} : memref<128xi32, #tpu.memory_space<vmem>>, vector<16xi32>,
        %get3A_80 = arith.constant 48 : index
        %get3A_81 = tpu.vector_load %arg7[%get3A_80] {strides = array<i32>} : memref<128xi32, #tpu.memory_space<vmem>>, vector<16xi32>,
        %shift_right_arithmetic3A_82 = arith.constant 9 : i32
        %shift_right_arithmetic3A_83 = vector.broadcast %shift_right_arithmetic3A_82 : i32 to vector<16xi32>
        %shift_right_arithmetic3A_84 = arith.shrsi %get3A_81, %shift_right_arithmetic3A_83 : vector<16xi32>
        %swap3A_85 = arith.constant 48 : index
        %swap3A_86 = tpu.vector_load %arg8[%swap3A_85] {strides = array<i32>} : memref<128xi32, #tpu.memory_space<vmem>>, vector<16xi32>,
        tpu.vector_store %arg8[%swap3A_85], %shift_right_arithmetic3A_84 {strides = array<i32>} : memref<128xi32, #tpu.memory_space<vmem>>, vector<16xi32>,
        %and3A_87 = arith.constant 511 : i32
        %and3A_88 = vector.broadcast %and3A_87 : i32 to vector<16xi32>
        %and3A_89 = arith.andi %get3A_81, %and3A_88 : vector<16xi32>
        %swap3A_90 = arith.constant 48 : index
        %swap3A_91 = tpu.vector_load %arg9[%swap3A_90] {strides = array<i32>} : memref<128xi32, #tpu.memory_space<vmem>>, vector<16xi32>,
        tpu.vector_store %arg9[%swap3A_90], %and3A_89 {strides = array<i32>} : memref<128xi32, #tpu.memory_space<vmem>>, vector<16xi32>,
        %get3A_92 = arith.constant 64 : index
        %get3A_93 = tpu.vector_load %arg7[%get3A_92] {strides = array<i32>} : memref<128xi32, #tpu.memory_space<vmem>>, vector<16xi32>,
        %shift_right_arithmetic3A_94 = arith.constant 9 : i32
        %shift_right_arithmetic3A_95 = vector.broadcast %shift_right_arithmetic3A_94 : i32 to vector<16xi32>
        %shift_right_arithmetic3A_96 = arith.shrsi %get3A_93, %shift_right_arithmetic3A_95 : vector<16xi32>
        %swap3A_97 = arith.constant 64 : index
        %swap3A_98 = tpu.vector_load %arg8[%swap3A_97] {strides = array<i32>} : memref<128xi32, #tpu.memory_space<vmem>>, vector<16xi32>,
        tpu.vector_store %arg8[%swap3A_97], %shift_right_arithmetic3A_96 {strides = array<i32>} : memref<128xi32, #tpu.memory_space<vmem>>, vector<16xi32>,
        %and3A_99 = arith.constant 511 : i32
        %and3A_100 = vector.broadcast %and3A_99 : i32 to vector<16xi32>
        %and3A_101 = arith.andi %get3A_93, %and3A_100 : vector<16xi32>
        %swap3A_102 = arith.constant 64 : index
        %swap3A_103 = tpu.vector_load %arg9[%swap3A_102] {strides = array<i32>} : memref<128xi32, #tpu.memory_space<vmem>>, vector<16xi32>,
        tpu.vector_store %arg9[%swap3A_102], %and3A_101 {strides = array<i32>} : memref<128xi32, #tpu.memory_space<vmem>>, vector<16xi32>,
        %get3A_104 = arith.constant 80 : index
        %get3A_105 = tpu.vector_load %arg7[%get3A_104] {strides = array<i32>} : memref<128xi32, #tpu.memory_space<vmem>>, vector<16xi32>,
        %shift_right_arithmetic3A_106 = arith.constant 9 : i32
        %shift_right_arithmetic3A_107 = vector.broadcast %shift_right_arithmetic3A_106 : i32 to vector<16xi32>
        %shift_right_arithmetic3A_108 = arith.shrsi %get3A_105, %shift_right_arithmetic3A_107 : vector<16xi32>
        %swap3A_109 = arith.constant 80 : index
        %swap3A_110 = tpu.vector_load %arg8[%swap3A_109] {strides = array<i32>} : memref<128xi32, #tpu.memory_space<vmem>>, vector<16xi32>,
        tpu.vector_store %arg8[%swap3A_109], %shift_right_arithmetic3A_108 {strides = array<i32>} : memref<128xi32, #tpu.memory_space<vmem>>, vector<16xi32>,
        %and3A_111 = arith.constant 511 : i32
        %and3A_112 = vector.broadcast %and3A_111 : i32 to vector<16xi32>
        %and3A_113 = arith.andi %get3A_105, %and3A_112 : vector<16xi32>
        %swap3A_114 = arith.constant 80 : index
        %swap3A_115 = tpu.vector_load %arg9[%swap3A_114] {strides = array<i32>} : memref<128xi32, #tpu.memory_space<vmem>>, vector<16xi32>,
        tpu.vector_store %arg9[%swap3A_114], %and3A_113 {strides = array<i32>} : memref<128xi32, #tpu.memory_space<vmem>>, vector<16xi32>,
        %get3A_116 = arith.constant 96 : index
        %get3A_117 = tpu.vector_load %arg7[%get3A_116] {strides = array<i32>} : memref<128xi32, #tpu.memory_space<vmem>>, vector<16xi32>,
        %shift_right_arithmetic3A_118 = arith.constant 9 : i32
        %shift_right_arithmetic3A_119 = vector.broadcast %shift_right_arithmetic3A_118 : i32 to vector<16xi32>
        %shift_right_arithmetic3A_120 = arith.shrsi %get3A_117, %shift_right_arithmetic3A_119 : vector<16xi32>
        %swap3A_121 = arith.constant 96 : index
        %swap3A_122 = tpu.vector_load %arg8[%swap3A_121] {strides = array<i32>} : memref<128xi32, #tpu.memory_space<vmem>>, vector<16xi32>,
        tpu.vector_store %arg8[%swap3A_121], %shift_right_arithmetic3A_120 {strides = array<i32>} : memref<128xi32, #tpu.memory_space<vmem>>, vector<16xi32>,
        %and3A_123 = arith.constant 511 : i32
        %and3A_124 = vector.broadcast %and3A_123 : i32 to vector<16xi32>
        %and3A_125 = arith.andi %get3A_117, %and3A_124 : vector<16xi32>
        %swap3A_126 = arith.constant 96 : index
        %swap3A_127 = tpu.vector_load %arg9[%swap3A_126] {strides = array<i32>} : memref<128xi32, #tpu.memory_space<vmem>>, vector<16xi32>,
        tpu.vector_store %arg9[%swap3A_126], %and3A_125 {strides = array<i32>} : memref<128xi32, #tpu.memory_space<vmem>>, vector<16xi32>,
        %get3A_128 = arith.constant 112 : index
        %get3A_129 = tpu.vector_load %arg7[%get3A_128] {strides = array<i32>} : memref<128xi32, #tpu.memory_space<vmem>>, vector<16xi32>,
        %shift_right_arithmetic3A_130 = arith.constant 9 : i32
        %shift_right_arithmetic3A_131 = vector.broadcast %shift_right_arithmetic3A_130 : i32 to vector<16xi32>
        %shift_right_arithmetic3A_132 = arith.shrsi %get3A_129, %shift_right_arithmetic3A_131 : vector<16xi32>
        %swap3A_133 = arith.constant 112 : index
        %swap3A_134 = tpu.vector_load %arg8[%swap3A_133] {strides = array<i32>} : memref<128xi32, #tpu.memory_space<vmem>>, vector<16xi32>,
        tpu.vector_store %arg8[%swap3A_133], %shift_right_arithmetic3A_132 {strides = array<i32>} : memref<128xi32, #tpu.memory_space<vmem>>, vector<16xi32>,
        %and3A_135 = arith.constant 511 : i32
        %and3A_136 = vector.broadcast %and3A_135 : i32 to vector<16xi32>
        %and3A_137 = arith.andi %get3A_129, %and3A_136 : vector<16xi32>
        %swap3A_138 = arith.constant 112 : index
        %swap3A_139 = tpu.vector_load %arg9[%swap3A_138] {strides = array<i32>} : memref<128xi32, #tpu.memory_space<vmem>>, vector<16xi32>,
        tpu.vector_store %arg9[%swap3A_138], %and3A_137 {strides = array<i32>} : memref<128xi32, #tpu.memory_space<vmem>>, vector<16xi32>,
        %dma_start3A = arith.constant 0 : i32
        %dma_start3A_140 = arith.constant 0 : i32
        %dma_start3A_141 = tpu.memref_slice %arg2[%dma_start3A, %dma_start3A_140] : memref<320000x128xf32, #tpu.memory_space<hbm>> -> memref<320000x128xf32, #tpu.memory_space<hbm>>
        tpu.enqueue_indirect_dma source(%dma_start3A_141 : memref<320000x128xf32, #tpu.memory_space<hbm>>) target(%arg10 : memref<128x128xf32, #tpu.memory_space<vmem>>) offsets(%arg8 : memref<128xi32, #tpu.memory_space<vmem>>) semaphore(%arg12 : memref<!tpu.dma_semaphore, #tpu.memory_space<semaphore_mem>>)
        %dma_wait3A = arith.constant 0 : i32
        %dma_wait3A_142 = arith.constant 0 : i32
        %dma_wait3A_143 = tpu.memref_slice %arg2[%dma_wait3A, %dma_wait3A_142] : memref<320000x128xf32, #tpu.memory_space<hbm>> -> memref<320000x128xf32, #tpu.memory_space<hbm>>
        tpu.wait_indirect_dma semaphore(%arg12 : memref<!tpu.dma_semaphore, #tpu.memory_space<semaphore_mem>>) src(%dma_wait3A_143 : memref<320000x128xf32, #tpu.memory_space<hbm>>) dst(%arg10 : memref<128x128xf32, #tpu.memory_space<vmem>>)
        %mul3A_144 = arith.constant 128 : i32
        %mul3A_145 = arith.muli %while3A_41, %mul3A_144 : i32
        %sub3A_146 = arith.subi %squeeze3A, %mul3A_145 : i32
        %min3A = arith.constant 128 : i32
        %min3A_147 = arith.minsi %sub3A_146, %min3A : i32
        %while3A_148 = arith.constant 0 : i32
        %while3A_149 = arith.constant 0 : i32
        %while3A_150 = arith.subi %min3A_147, %while3A_149 : i32
        %while3A_151 = arith.addi %while3A_149, %while3A_150 : i32
        %while3A_152 = arith.constant 1 : i32
        %while3A_153 = arith.divsi %while3A_150, %while3A_152 : i32
        %while3A_154 = arith.muli %while3A_153, %while3A_152 : i32
        %while3A_155 = arith.addi %while3A_149, %while3A_154 : i32
        %while3A_156 = arith.constant 1 : i32
        scf.for %while3A_158 = %while3A_149 to %while3A_155 step %while3A_156  : i32 {
          %shift_right_arithmetic3A_159 = arith.constant 4 : i32
          %shift_right_arithmetic3A_160 = arith.shrsi %while3A_158, %shift_right_arithmetic3A_159 : i32
          %shift_left3A_161 = arith.constant 4 : i32
          %shift_left3A_162 = arith.shli %shift_right_arithmetic3A_160, %shift_left3A_161 : i32
          %multiple_of3A_163 = tpu.assume_multiple %shift_left3A_162, 16 : i32
          %get3A_164 = arith.index_cast %multiple_of3A_163 : i32 to index
          %get3A_165 = tpu.vector_load %arg9[%get3A_164] {strides = array<i32>} : memref<128xi32, #tpu.memory_space<vmem>>, vector<16xi32>,
          %and3A_166 = arith.constant 15 : i32
          %and3A_167 = arith.andi %while3A_158, %and3A_166 : i32
          %broadcast_in_dim3A_168 = vector.broadcast %and3A_167 : i32 to vector<16xi32>
          %broadcast_in_dim3A_169 = vector.shape_cast %broadcast_in_dim3A_168 : vector<16xi32> to vector<16x1xi32>
          %gather3A_170 = vector.shape_cast %broadcast_in_dim3A_169 : vector<16x1xi32> to vector<16xi32>
          %gather3A_171 = tpu.dynamic_gather %get3A_165[%gather3A_170] in [0] : vector<16xi32>, vector<16xi32> -> vector<16xi32>
          %mul3A_172 = arith.constant 64 : i32
          %mul3A_173 = vector.broadcast %mul3A_172 : i32 to vector<16xi32>
          %mul3A_174 = arith.muli %gather3A_171, %mul3A_173 : vector<16xi32>
          %iota3A = tpu.iota {dimensions = array<i32: 0>} : vector<16xi32>
          %add3A_175 = arith.constant 0 : i32
          %add3A_176 = vector.broadcast %add3A_175 : i32 to vector<16xi32>
          %add3A_177 = arith.addi %add3A_176, %iota3A : vector<16xi32>
          %add3A_178 = arith.addi %mul3A_174, %add3A_177 : vector<16xi32>
          %gather3A_179 = tpu.vector_load_idx %arg11[%add3A_178] : memref<20480xf32, #tpu.memory_space<vmem>>[vector<16xi32>], vector<16xf32>,
          %get3A_180 = arith.index_cast %while3A_158 : i32 to index
          %get3A_181 = arith.constant 0 : index
          %get3A_182 = tpu.vector_load %arg10[%get3A_180, %get3A_181] {strides = array<i32>} : memref<128x128xf32, #tpu.memory_space<vmem>>, vector<16xf32>,
          %add3A_183 = arith.addi %mul3A_174, %add3A_177 : vector<16xi32>
          %max3A = arith.maximumf %gather3A_179, %get3A_182 : vector<16xf32>
          tpu.vector_store_idx %arg11[%add3A_183], %max3A : memref<20480xf32, #tpu.memory_space<vmem>>[vector<16xi32>], vector<16xf32>,
          %iota3A_184 = tpu.iota {dimensions = array<i32: 0>} : vector<16xi32>
          %add3A_185 = arith.constant 16 : i32
          %add3A_186 = vector.broadcast %add3A_185 : i32 to vector<16xi32>
          %add3A_187 = arith.addi %add3A_186, %iota3A_184 : vector<16xi32>
          %add3A_188 = arith.addi %mul3A_174, %add3A_187 : vector<16xi32>
          %gather3A_189 = tpu.vector_load_idx %arg11[%add3A_188] : memref<20480xf32, #tpu.memory_space<vmem>>[vector<16xi32>], vector<16xf32>,
          %get3A_190 = arith.index_cast %while3A_158 : i32 to index
          %get3A_191 = arith.constant 16 : index
          %get3A_192 = tpu.vector_load %arg10[%get3A_190, %get3A_191] {strides = array<i32>} : memref<128x128xf32, #tpu.memory_space<vmem>>, vector<16xf32>,
          %add3A_193 = arith.addi %mul3A_174, %add3A_187 : vector<16xi32>
          %max3A_194 = arith.maximumf %gather3A_189, %get3A_192 : vector<16xf32>
          tpu.vector_store_idx %arg11[%add3A_193], %max3A_194 : memref<20480xf32, #tpu.memory_space<vmem>>[vector<16xi32>], vector<16xf32>,
          %iota3A_195 = tpu.iota {dimensions = array<i32: 0>} : vector<16xi32>
          %add3A_196 = arith.constant 32 : i32
          %add3A_197 = vector.broadcast %add3A_196 : i32 to vector<16xi32>
          %add3A_198 = arith.addi %add3A_197, %iota3A_195 : vector<16xi32>
          %add3A_199 = arith.addi %mul3A_174, %add3A_198 : vector<16xi32>
          %gather3A_200 = tpu.vector_load_idx %arg11[%add3A_199] : memref<20480xf32, #tpu.memory_space<vmem>>[vector<16xi32>], vector<16xf32>,
          %get3A_201 = arith.index_cast %while3A_158 : i32 to index
          %get3A_202 = arith.constant 32 : index
          %get3A_203 = tpu.vector_load %arg10[%get3A_201, %get3A_202] {strides = array<i32>} : memref<128x128xf32, #tpu.memory_space<vmem>>, vector<16xf32>,
          %add3A_204 = arith.addi %mul3A_174, %add3A_198 : vector<16xi32>
          %max3A_205 = arith.maximumf %gather3A_200, %get3A_203 : vector<16xf32>
          tpu.vector_store_idx %arg11[%add3A_204], %max3A_205 : memref<20480xf32, #tpu.memory_space<vmem>>[vector<16xi32>], vector<16xf32>,
          %iota3A_206 = tpu.iota {dimensions = array<i32: 0>} : vector<16xi32>
          %add3A_207 = arith.constant 48 : i32
          %add3A_208 = vector.broadcast %add3A_207 : i32 to vector<16xi32>
          %add3A_209 = arith.addi %add3A_208, %iota3A_206 : vector<16xi32>
          %add3A_210 = arith.addi %mul3A_174, %add3A_209 : vector<16xi32>
          %gather3A_211 = tpu.vector_load_idx %arg11[%add3A_210] : memref<20480xf32, #tpu.memory_space<vmem>>[vector<16xi32>], vector<16xf32>,
          %get3A_212 = arith.index_cast %while3A_158 : i32 to index
          %get3A_213 = arith.constant 48 : index
          %get3A_214 = tpu.vector_load %arg10[%get3A_212, %get3A_213] {strides = array<i32>} : memref<128x128xf32, #tpu.memory_space<vmem>>, vector<16xf32>,
          %add3A_215 = arith.addi %mul3A_174, %add3A_209 : vector<16xi32>
          %max3A_216 = arith.maximumf %gather3A_211, %get3A_214 : vector<16xf32>
          tpu.vector_store_idx %arg11[%add3A_215], %max3A_216 : memref<20480xf32, #tpu.memory_space<vmem>>[vector<16xi32>], vector<16xf32>,
        }
        %while3A_157 = arith.constant 1 : i32
        scf.for %while3A_158 = %while3A_155 to %while3A_151 step %while3A_157  : i32 {
          %shift_right_arithmetic3A_159 = arith.constant 4 : i32
          %shift_right_arithmetic3A_160 = arith.shrsi %while3A_158, %shift_right_arithmetic3A_159 : i32
          %shift_left3A_161 = arith.constant 4 : i32
          %shift_left3A_162 = arith.shli %shift_right_arithmetic3A_160, %shift_left3A_161 : i32
          %multiple_of3A_163 = tpu.assume_multiple %shift_left3A_162, 16 : i32
          %get3A_164 = arith.index_cast %multiple_of3A_163 : i32 to index
          %get3A_165 = tpu.vector_load %arg9[%get3A_164] {strides = array<i32>} : memref<128xi32, #tpu.memory_space<vmem>>, vector<16xi32>,
          %and3A_166 = arith.constant 15 : i32
          %and3A_167 = arith.andi %while3A_158, %and3A_166 : i32
          %broadcast_in_dim3A_168 = vector.broadcast %and3A_167 : i32 to vector<16xi32>
          %broadcast_in_dim3A_169 = vector.shape_cast %broadcast_in_dim3A_168 : vector<16xi32> to vector<16x1xi32>
          %gather3A_170 = vector.shape_cast %broadcast_in_dim3A_169 : vector<16x1xi32> to vector<16xi32>
          %gather3A_171 = tpu.dynamic_gather %get3A_165[%gather3A_170] in [0] : vector<16xi32>, vector<16xi32> -> vector<16xi32>
          %mul3A_172 = arith.constant 64 : i32
          %mul3A_173 = vector.broadcast %mul3A_172 : i32 to vector<16xi32>
          %mul3A_174 = arith.muli %gather3A_171, %mul3A_173 : vector<16xi32>
          %iota3A = tpu.iota {dimensions = array<i32: 0>} : vector<16xi32>
          %add3A_175 = arith.constant 0 : i32
          %add3A_176 = vector.broadcast %add3A_175 : i32 to vector<16xi32>
          %add3A_177 = arith.addi %add3A_176, %iota3A : vector<16xi32>
          %add3A_178 = arith.addi %mul3A_174, %add3A_177 : vector<16xi32>
          %gather3A_179 = tpu.vector_load_idx %arg11[%add3A_178] : memref<20480xf32, #tpu.memory_space<vmem>>[vector<16xi32>], vector<16xf32>,
          %get3A_180 = arith.index_cast %while3A_158 : i32 to index
          %get3A_181 = arith.constant 0 : index
          %get3A_182 = tpu.vector_load %arg10[%get3A_180, %get3A_181] {strides = array<i32>} : memref<128x128xf32, #tpu.memory_space<vmem>>, vector<16xf32>,
          %add3A_183 = arith.addi %mul3A_174, %add3A_177 : vector<16xi32>
          %max3A = arith.maximumf %gather3A_179, %get3A_182 : vector<16xf32>
          tpu.vector_store_idx %arg11[%add3A_183], %max3A : memref<20480xf32, #tpu.memory_space<vmem>>[vector<16xi32>], vector<16xf32>,
          %iota3A_184 = tpu.iota {dimensions = array<i32: 0>} : vector<16xi32>
          %add3A_185 = arith.constant 16 : i32
          %add3A_186 = vector.broadcast %add3A_185 : i32 to vector<16xi32>
          %add3A_187 = arith.addi %add3A_186, %iota3A_184 : vector<16xi32>
          %add3A_188 = arith.addi %mul3A_174, %add3A_187 : vector<16xi32>
          %gather3A_189 = tpu.vector_load_idx %arg11[%add3A_188] : memref<20480xf32, #tpu.memory_space<vmem>>[vector<16xi32>], vector<16xf32>,
          %get3A_190 = arith.index_cast %while3A_158 : i32 to index
          %get3A_191 = arith.constant 16 : index
          %get3A_192 = tpu.vector_load %arg10[%get3A_190, %get3A_191] {strides = array<i32>} : memref<128x128xf32, #tpu.memory_space<vmem>>, vector<16xf32>,
          %add3A_193 = arith.addi %mul3A_174, %add3A_187 : vector<16xi32>
          %max3A_194 = arith.maximumf %gather3A_189, %get3A_192 : vector<16xf32>
          tpu.vector_store_idx %arg11[%add3A_193], %max3A_194 : memref<20480xf32, #tpu.memory_space<vmem>>[vector<16xi32>], vector<16xf32>,
          %iota3A_195 = tpu.iota {dimensions = array<i32: 0>} : vector<16xi32>
          %add3A_196 = arith.constant 32 : i32
          %add3A_197 = vector.broadcast %add3A_196 : i32 to vector<16xi32>
          %add3A_198 = arith.addi %add3A_197, %iota3A_195 : vector<16xi32>
          %add3A_199 = arith.addi %mul3A_174, %add3A_198 : vector<16xi32>
          %gather3A_200 = tpu.vector_load_idx %arg11[%add3A_199] : memref<20480xf32, #tpu.memory_space<vmem>>[vector<16xi32>], vector<16xf32>,
          %get3A_201 = arith.index_cast %while3A_158 : i32 to index
          %get3A_202 = arith.constant 32 : index
          %get3A_203 = tpu.vector_load %arg10[%get3A_201, %get3A_202] {strides = array<i32>} : memref<128x128xf32, #tpu.memory_space<vmem>>, vector<16xf32>,
          %add3A_204 = arith.addi %mul3A_174, %add3A_198 : vector<16xi32>
          %max3A_205 = arith.maximumf %gather3A_200, %get3A_203 : vector<16xf32>
          tpu.vector_store_idx %arg11[%add3A_204], %max3A_205 : memref<20480xf32, #tpu.memory_space<vmem>>[vector<16xi32>], vector<16xf32>,
          %iota3A_206 = tpu.iota {dimensions = array<i32: 0>} : vector<16xi32>
          %add3A_207 = arith.constant 48 : i32
          %add3A_208 = vector.broadcast %add3A_207 : i32 to vector<16xi32>
          %add3A_209 = arith.addi %add3A_208, %iota3A_206 : vector<16xi32>
          %add3A_210 = arith.addi %mul3A_174, %add3A_209 : vector<16xi32>
          %gather3A_211 = tpu.vector_load_idx %arg11[%add3A_210] : memref<20480xf32, #tpu.memory_space<vmem>>[vector<16xi32>], vector<16xf32>,
          %get3A_212 = arith.index_cast %while3A_158 : i32 to index
          %get3A_213 = arith.constant 48 : index
          %get3A_214 = tpu.vector_load %arg10[%get3A_212, %get3A_213] {strides = array<i32>} : memref<128x128xf32, #tpu.memory_space<vmem>>, vector<16xf32>,
          %add3A_215 = arith.addi %mul3A_174, %add3A_209 : vector<16xi32>
          %max3A_216 = arith.maximumf %gather3A_211, %get3A_214 : vector<16xf32>
          tpu.vector_store_idx %arg11[%add3A_215], %max3A_216 : memref<20480xf32, #tpu.memory_space<vmem>>[vector<16xi32>], vector<16xf32>,
        }
      }
      %while3A_40 = arith.constant 1 : i32
      scf.for %while3A_41 = %while3A_38 to %while3A_34 step %while3A_40  : i32 {
        %mul3A_42 = arith.constant 128 : i32
        %mul3A_43 = arith.muli %while3A_41, %mul3A_42 : i32
        %multiple_of3A_44 = tpu.assume_multiple %mul3A_43, 128 : i32
        "tpu.region"() ({
          %run_scoped3A = tpu.sem_alloc : memref<!tpu.dma_semaphore, #tpu.memory_space<semaphore_mem>>
          %dma_start3A_158 = tpu.memref_slice %arg3[%scan3A_17, %add3A, %multiple_of3A_44] : memref<32x32x10240xi32, #tpu.memory_space<hbm>> -> memref<1x1x128xi32, #tpu.memory_space<hbm>>
          %dma_start3A_159 = tpu.memref_squeeze %dma_start3A_158 : memref<1x1x128xi32, #tpu.memory_space<hbm>> -> memref<128xi32, #tpu.memory_space<hbm>>
          %dma_start3A_160 = tpu.memref_slice %arg3[%scan3A_17, %add3A, %multiple_of3A_44] : memref<32x32x10240xi32, #tpu.memory_space<hbm>> -> memref<1x1x128xi32, #tpu.memory_space<hbm>>
          %dma_start3A_161 = tpu.memref_squeeze %dma_start3A_160 : memref<1x1x128xi32, #tpu.memory_space<hbm>> -> memref<128xi32, #tpu.memory_space<hbm>>
          tpu.enqueue_dma source(%dma_start3A_161 : memref<128xi32, #tpu.memory_space<hbm>>) target(%arg7 : memref<128xi32, #tpu.memory_space<vmem>>) target_semaphore(%run_scoped3A : memref<!tpu.dma_semaphore, #tpu.memory_space<semaphore_mem>>)
          %dma_wait3A_162 = tpu.memref_slice %arg3[%scan3A_17, %add3A, %multiple_of3A_44] : memref<32x32x10240xi32, #tpu.memory_space<hbm>> -> memref<1x1x128xi32, #tpu.memory_space<hbm>>
          %dma_wait3A_163 = tpu.memref_squeeze %dma_wait3A_162 : memref<1x1x128xi32, #tpu.memory_space<hbm>> -> memref<128xi32, #tpu.memory_space<hbm>>
          %dma_wait3A_164 = tpu.memref_slice %arg3[%scan3A_17, %add3A, %multiple_of3A_44] : memref<32x32x10240xi32, #tpu.memory_space<hbm>> -> memref<1x1x128xi32, #tpu.memory_space<hbm>>
          %dma_wait3A_165 = tpu.memref_squeeze %dma_wait3A_164 : memref<1x1x128xi32, #tpu.memory_space<hbm>> -> memref<128xi32, #tpu.memory_space<hbm>>
          tpu.wait_dma2 semaphore(%run_scoped3A : memref<!tpu.dma_semaphore, #tpu.memory_space<semaphore_mem>>) src(%dma_wait3A_165 : memref<128xi32, #tpu.memory_space<hbm>>) dst(%arg7 : memref<128xi32, #tpu.memory_space<vmem>>)
          tpu.yield
        }) : () -> ()
        %get3A_45 = arith.constant 0 : index
        %get3A_46 = tpu.vector_load %arg7[%get3A_45] {strides = array<i32>} : memref<128xi32, #tpu.memory_space<vmem>>, vector<16xi32>,
        %shift_right_arithmetic3A_47 = arith.constant 9 : i32
        %shift_right_arithmetic3A_48 = vector.broadcast %shift_right_arithmetic3A_47 : i32 to vector<16xi32>
        %shift_right_arithmetic3A_49 = arith.shrsi %get3A_46, %shift_right_arithmetic3A_48 : vector<16xi32>
        %swap3A = arith.constant 0 : index
        %swap3A_50 = tpu.vector_load %arg8[%swap3A] {strides = array<i32>} : memref<128xi32, #tpu.memory_space<vmem>>, vector<16xi32>,
        tpu.vector_store %arg8[%swap3A], %shift_right_arithmetic3A_49 {strides = array<i32>} : memref<128xi32, #tpu.memory_space<vmem>>, vector<16xi32>,
        %and3A_51 = arith.constant 511 : i32
        %and3A_52 = vector.broadcast %and3A_51 : i32 to vector<16xi32>
        %and3A_53 = arith.andi %get3A_46, %and3A_52 : vector<16xi32>
        %swap3A_54 = arith.constant 0 : index
        %swap3A_55 = tpu.vector_load %arg9[%swap3A_54] {strides = array<i32>} : memref<128xi32, #tpu.memory_space<vmem>>, vector<16xi32>,
        tpu.vector_store %arg9[%swap3A_54], %and3A_53 {strides = array<i32>} : memref<128xi32, #tpu.memory_space<vmem>>, vector<16xi32>,
        %get3A_56 = arith.constant 16 : index
        %get3A_57 = tpu.vector_load %arg7[%get3A_56] {strides = array<i32>} : memref<128xi32, #tpu.memory_space<vmem>>, vector<16xi32>,
        %shift_right_arithmetic3A_58 = arith.constant 9 : i32
        %shift_right_arithmetic3A_59 = vector.broadcast %shift_right_arithmetic3A_58 : i32 to vector<16xi32>
        %shift_right_arithmetic3A_60 = arith.shrsi %get3A_57, %shift_right_arithmetic3A_59 : vector<16xi32>
        %swap3A_61 = arith.constant 16 : index
        %swap3A_62 = tpu.vector_load %arg8[%swap3A_61] {strides = array<i32>} : memref<128xi32, #tpu.memory_space<vmem>>, vector<16xi32>,
        tpu.vector_store %arg8[%swap3A_61], %shift_right_arithmetic3A_60 {strides = array<i32>} : memref<128xi32, #tpu.memory_space<vmem>>, vector<16xi32>,
        %and3A_63 = arith.constant 511 : i32
        %and3A_64 = vector.broadcast %and3A_63 : i32 to vector<16xi32>
        %and3A_65 = arith.andi %get3A_57, %and3A_64 : vector<16xi32>
        %swap3A_66 = arith.constant 16 : index
        %swap3A_67 = tpu.vector_load %arg9[%swap3A_66] {strides = array<i32>} : memref<128xi32, #tpu.memory_space<vmem>>, vector<16xi32>,
        tpu.vector_store %arg9[%swap3A_66], %and3A_65 {strides = array<i32>} : memref<128xi32, #tpu.memory_space<vmem>>, vector<16xi32>,
        %get3A_68 = arith.constant 32 : index
        %get3A_69 = tpu.vector_load %arg7[%get3A_68] {strides = array<i32>} : memref<128xi32, #tpu.memory_space<vmem>>, vector<16xi32>,
        %shift_right_arithmetic3A_70 = arith.constant 9 : i32
        %shift_right_arithmetic3A_71 = vector.broadcast %shift_right_arithmetic3A_70 : i32 to vector<16xi32>
        %shift_right_arithmetic3A_72 = arith.shrsi %get3A_69, %shift_right_arithmetic3A_71 : vector<16xi32>
        %swap3A_73 = arith.constant 32 : index
        %swap3A_74 = tpu.vector_load %arg8[%swap3A_73] {strides = array<i32>} : memref<128xi32, #tpu.memory_space<vmem>>, vector<16xi32>,
        tpu.vector_store %arg8[%swap3A_73], %shift_right_arithmetic3A_72 {strides = array<i32>} : memref<128xi32, #tpu.memory_space<vmem>>, vector<16xi32>,
        %and3A_75 = arith.constant 511 : i32
        %and3A_76 = vector.broadcast %and3A_75 : i32 to vector<16xi32>
        %and3A_77 = arith.andi %get3A_69, %and3A_76 : vector<16xi32>
        %swap3A_78 = arith.constant 32 : index
        %swap3A_79 = tpu.vector_load %arg9[%swap3A_78] {strides = array<i32>} : memref<128xi32, #tpu.memory_space<vmem>>, vector<16xi32>,
        tpu.vector_store %arg9[%swap3A_78], %and3A_77 {strides = array<i32>} : memref<128xi32, #tpu.memory_space<vmem>>, vector<16xi32>,
        %get3A_80 = arith.constant 48 : index
        %get3A_81 = tpu.vector_load %arg7[%get3A_80] {strides = array<i32>} : memref<128xi32, #tpu.memory_space<vmem>>, vector<16xi32>,
        %shift_right_arithmetic3A_82 = arith.constant 9 : i32
        %shift_right_arithmetic3A_83 = vector.broadcast %shift_right_arithmetic3A_82 : i32 to vector<16xi32>
        %shift_right_arithmetic3A_84 = arith.shrsi %get3A_81, %shift_right_arithmetic3A_83 : vector<16xi32>
        %swap3A_85 = arith.constant 48 : index
        %swap3A_86 = tpu.vector_load %arg8[%swap3A_85] {strides = array<i32>} : memref<128xi32, #tpu.memory_space<vmem>>, vector<16xi32>,
        tpu.vector_store %arg8[%swap3A_85], %shift_right_arithmetic3A_84 {strides = array<i32>} : memref<128xi32, #tpu.memory_space<vmem>>, vector<16xi32>,
        %and3A_87 = arith.constant 511 : i32
        %and3A_88 = vector.broadcast %and3A_87 : i32 to vector<16xi32>
        %and3A_89 = arith.andi %get3A_81, %and3A_88 : vector<16xi32>
        %swap3A_90 = arith.constant 48 : index
        %swap3A_91 = tpu.vector_load %arg9[%swap3A_90] {strides = array<i32>} : memref<128xi32, #tpu.memory_space<vmem>>, vector<16xi32>,
        tpu.vector_store %arg9[%swap3A_90], %and3A_89 {strides = array<i32>} : memref<128xi32, #tpu.memory_space<vmem>>, vector<16xi32>,
        %get3A_92 = arith.constant 64 : index
        %get3A_93 = tpu.vector_load %arg7[%get3A_92] {strides = array<i32>} : memref<128xi32, #tpu.memory_space<vmem>>, vector<16xi32>,
        %shift_right_arithmetic3A_94 = arith.constant 9 : i32
        %shift_right_arithmetic3A_95 = vector.broadcast %shift_right_arithmetic3A_94 : i32 to vector<16xi32>
        %shift_right_arithmetic3A_96 = arith.shrsi %get3A_93, %shift_right_arithmetic3A_95 : vector<16xi32>
        %swap3A_97 = arith.constant 64 : index
        %swap3A_98 = tpu.vector_load %arg8[%swap3A_97] {strides = array<i32>} : memref<128xi32, #tpu.memory_space<vmem>>, vector<16xi32>,
        tpu.vector_store %arg8[%swap3A_97], %shift_right_arithmetic3A_96 {strides = array<i32>} : memref<128xi32, #tpu.memory_space<vmem>>, vector<16xi32>,
        %and3A_99 = arith.constant 511 : i32
        %and3A_100 = vector.broadcast %and3A_99 : i32 to vector<16xi32>
        %and3A_101 = arith.andi %get3A_93, %and3A_100 : vector<16xi32>
        %swap3A_102 = arith.constant 64 : index
        %swap3A_103 = tpu.vector_load %arg9[%swap3A_102] {strides = array<i32>} : memref<128xi32, #tpu.memory_space<vmem>>, vector<16xi32>,
        tpu.vector_store %arg9[%swap3A_102], %and3A_101 {strides = array<i32>} : memref<128xi32, #tpu.memory_space<vmem>>, vector<16xi32>,
        %get3A_104 = arith.constant 80 : index
        %get3A_105 = tpu.vector_load %arg7[%get3A_104] {strides = array<i32>} : memref<128xi32, #tpu.memory_space<vmem>>, vector<16xi32>,
        %shift_right_arithmetic3A_106 = arith.constant 9 : i32
        %shift_right_arithmetic3A_107 = vector.broadcast %shift_right_arithmetic3A_106 : i32 to vector<16xi32>
        %shift_right_arithmetic3A_108 = arith.shrsi %get3A_105, %shift_right_arithmetic3A_107 : vector<16xi32>
        %swap3A_109 = arith.constant 80 : index
        %swap3A_110 = tpu.vector_load %arg8[%swap3A_109] {strides = array<i32>} : memref<128xi32, #tpu.memory_space<vmem>>, vector<16xi32>,
        tpu.vector_store %arg8[%swap3A_109], %shift_right_arithmetic3A_108 {strides = array<i32>} : memref<128xi32, #tpu.memory_space<vmem>>, vector<16xi32>,
        %and3A_111 = arith.constant 511 : i32
        %and3A_112 = vector.broadcast %and3A_111 : i32 to vector<16xi32>
        %and3A_113 = arith.andi %get3A_105, %and3A_112 : vector<16xi32>
        %swap3A_114 = arith.constant 80 : index
        %swap3A_115 = tpu.vector_load %arg9[%swap3A_114] {strides = array<i32>} : memref<128xi32, #tpu.memory_space<vmem>>, vector<16xi32>,
        tpu.vector_store %arg9[%swap3A_114], %and3A_113 {strides = array<i32>} : memref<128xi32, #tpu.memory_space<vmem>>, vector<16xi32>,
        %get3A_116 = arith.constant 96 : index
        %get3A_117 = tpu.vector_load %arg7[%get3A_116] {strides = array<i32>} : memref<128xi32, #tpu.memory_space<vmem>>, vector<16xi32>,
        %shift_right_arithmetic3A_118 = arith.constant 9 : i32
        %shift_right_arithmetic3A_119 = vector.broadcast %shift_right_arithmetic3A_118 : i32 to vector<16xi32>
        %shift_right_arithmetic3A_120 = arith.shrsi %get3A_117, %shift_right_arithmetic3A_119 : vector<16xi32>
        %swap3A_121 = arith.constant 96 : index
        %swap3A_122 = tpu.vector_load %arg8[%swap3A_121] {strides = array<i32>} : memref<128xi32, #tpu.memory_space<vmem>>, vector<16xi32>,
        tpu.vector_store %arg8[%swap3A_121], %shift_right_arithmetic3A_120 {strides = array<i32>} : memref<128xi32, #tpu.memory_space<vmem>>, vector<16xi32>,
        %and3A_123 = arith.constant 511 : i32
        %and3A_124 = vector.broadcast %and3A_123 : i32 to vector<16xi32>
        %and3A_125 = arith.andi %get3A_117, %and3A_124 : vector<16xi32>
        %swap3A_126 = arith.constant 96 : index
        %swap3A_127 = tpu.vector_load %arg9[%swap3A_126] {strides = array<i32>} : memref<128xi32, #tpu.memory_space<vmem>>, vector<16xi32>,
        tpu.vector_store %arg9[%swap3A_126], %and3A_125 {strides = array<i32>} : memref<128xi32, #tpu.memory_space<vmem>>, vector<16xi32>,
        %get3A_128 = arith.constant 112 : index
        %get3A_129 = tpu.vector_load %arg7[%get3A_128] {strides = array<i32>} : memref<128xi32, #tpu.memory_space<vmem>>, vector<16xi32>,
        %shift_right_arithmetic3A_130 = arith.constant 9 : i32
        %shift_right_arithmetic3A_131 = vector.broadcast %shift_right_arithmetic3A_130 : i32 to vector<16xi32>
        %shift_right_arithmetic3A_132 = arith.shrsi %get3A_129, %shift_right_arithmetic3A_131 : vector<16xi32>
        %swap3A_133 = arith.constant 112 : index
        %swap3A_134 = tpu.vector_load %arg8[%swap3A_133] {strides = array<i32>} : memref<128xi32, #tpu.memory_space<vmem>>, vector<16xi32>,
        tpu.vector_store %arg8[%swap3A_133], %shift_right_arithmetic3A_132 {strides = array<i32>} : memref<128xi32, #tpu.memory_space<vmem>>, vector<16xi32>,
        %and3A_135 = arith.constant 511 : i32
        %and3A_136 = vector.broadcast %and3A_135 : i32 to vector<16xi32>
        %and3A_137 = arith.andi %get3A_129, %and3A_136 : vector<16xi32>
        %swap3A_138 = arith.constant 112 : index
        %swap3A_139 = tpu.vector_load %arg9[%swap3A_138] {strides = array<i32>} : memref<128xi32, #tpu.memory_space<vmem>>, vector<16xi32>,
        tpu.vector_store %arg9[%swap3A_138], %and3A_137 {strides = array<i32>} : memref<128xi32, #tpu.memory_space<vmem>>, vector<16xi32>,
        %dma_start3A = arith.constant 0 : i32
        %dma_start3A_140 = arith.constant 0 : i32
        %dma_start3A_141 = tpu.memref_slice %arg2[%dma_start3A, %dma_start3A_140] : memref<320000x128xf32, #tpu.memory_space<hbm>> -> memref<320000x128xf32, #tpu.memory_space<hbm>>
        tpu.enqueue_indirect_dma source(%dma_start3A_141 : memref<320000x128xf32, #tpu.memory_space<hbm>>) target(%arg10 : memref<128x128xf32, #tpu.memory_space<vmem>>) offsets(%arg8 : memref<128xi32, #tpu.memory_space<vmem>>) semaphore(%arg12 : memref<!tpu.dma_semaphore, #tpu.memory_space<semaphore_mem>>)
        %dma_wait3A = arith.constant 0 : i32
        %dma_wait3A_142 = arith.constant 0 : i32
        %dma_wait3A_143 = tpu.memref_slice %arg2[%dma_wait3A, %dma_wait3A_142] : memref<320000x128xf32, #tpu.memory_space<hbm>> -> memref<320000x128xf32, #tpu.memory_space<hbm>>
        tpu.wait_indirect_dma semaphore(%arg12 : memref<!tpu.dma_semaphore, #tpu.memory_space<semaphore_mem>>) src(%dma_wait3A_143 : memref<320000x128xf32, #tpu.memory_space<hbm>>) dst(%arg10 : memref<128x128xf32, #tpu.memory_space<vmem>>)
        %mul3A_144 = arith.constant 128 : i32
        %mul3A_145 = arith.muli %while3A_41, %mul3A_144 : i32
        %sub3A_146 = arith.subi %squeeze3A, %mul3A_145 : i32
        %min3A = arith.constant 128 : i32
        %min3A_147 = arith.minsi %sub3A_146, %min3A : i32
        %while3A_148 = arith.constant 0 : i32
        %while3A_149 = arith.constant 0 : i32
        %while3A_150 = arith.subi %min3A_147, %while3A_149 : i32
        %while3A_151 = arith.addi %while3A_149, %while3A_150 : i32
        %while3A_152 = arith.constant 1 : i32
        %while3A_153 = arith.divsi %while3A_150, %while3A_152 : i32
        %while3A_154 = arith.muli %while3A_153, %while3A_152 : i32
        %while3A_155 = arith.addi %while3A_149, %while3A_154 : i32
        %while3A_156 = arith.constant 1 : i32
        scf.for %while3A_158 = %while3A_149 to %while3A_155 step %while3A_156  : i32 {
          %shift_right_arithmetic3A_159 = arith.constant 4 : i32
          %shift_right_arithmetic3A_160 = arith.shrsi %while3A_158, %shift_right_arithmetic3A_159 : i32
          %shift_left3A_161 = arith.constant 4 : i32
          %shift_left3A_162 = arith.shli %shift_right_arithmetic3A_160, %shift_left3A_161 : i32
          %multiple_of3A_163 = tpu.assume_multiple %shift_left3A_162, 16 : i32
          %get3A_164 = arith.index_cast %multiple_of3A_163 : i32 to index
          %get3A_165 = tpu.vector_load %arg9[%get3A_164] {strides = array<i32>} : memref<128xi32, #tpu.memory_space<vmem>>, vector<16xi32>,
          %and3A_166 = arith.constant 15 : i32
          %and3A_167 = arith.andi %while3A_158, %and3A_166 : i32
          %broadcast_in_dim3A_168 = vector.broadcast %and3A_167 : i32 to vector<16xi32>
          %broadcast_in_dim3A_169 = vector.shape_cast %broadcast_in_dim3A_168 : vector<16xi32> to vector<16x1xi32>
          %gather3A_170 = vector.shape_cast %broadcast_in_dim3A_169 : vector<16x1xi32> to vector<16xi32>
          %gather3A_171 = tpu.dynamic_gather %get3A_165[%gather3A_170] in [0] : vector<16xi32>, vector<16xi32> -> vector<16xi32>
          %mul3A_172 = arith.constant 64 : i32
          %mul3A_173 = vector.broadcast %mul3A_172 : i32 to vector<16xi32>
          %mul3A_174 = arith.muli %gather3A_171, %mul3A_173 : vector<16xi32>
          %iota3A = tpu.iota {dimensions = array<i32: 0>} : vector<16xi32>
          %add3A_175 = arith.constant 0 : i32
          %add3A_176 = vector.broadcast %add3A_175 : i32 to vector<16xi32>
          %add3A_177 = arith.addi %add3A_176, %iota3A : vector<16xi32>
          %add3A_178 = arith.addi %mul3A_174, %add3A_177 : vector<16xi32>
          %gather3A_179 = tpu.vector_load_idx %arg11[%add3A_178] : memref<20480xf32, #tpu.memory_space<vmem>>[vector<16xi32>], vector<16xf32>,
          %get3A_180 = arith.index_cast %while3A_158 : i32 to index
          %get3A_181 = arith.constant 0 : index
          %get3A_182 = tpu.vector_load %arg10[%get3A_180, %get3A_181] {strides = array<i32>} : memref<128x128xf32, #tpu.memory_space<vmem>>, vector<16xf32>,
          %add3A_183 = arith.addi %mul3A_174, %add3A_177 : vector<16xi32>
          %max3A = arith.maximumf %gather3A_179, %get3A_182 : vector<16xf32>
          tpu.vector_store_idx %arg11[%add3A_183], %max3A : memref<20480xf32, #tpu.memory_space<vmem>>[vector<16xi32>], vector<16xf32>,
          %iota3A_184 = tpu.iota {dimensions = array<i32: 0>} : vector<16xi32>
          %add3A_185 = arith.constant 16 : i32
          %add3A_186 = vector.broadcast %add3A_185 : i32 to vector<16xi32>
          %add3A_187 = arith.addi %add3A_186, %iota3A_184 : vector<16xi32>
          %add3A_188 = arith.addi %mul3A_174, %add3A_187 : vector<16xi32>
          %gather3A_189 = tpu.vector_load_idx %arg11[%add3A_188] : memref<20480xf32, #tpu.memory_space<vmem>>[vector<16xi32>], vector<16xf32>,
          %get3A_190 = arith.index_cast %while3A_158 : i32 to index
          %get3A_191 = arith.constant 16 : index
          %get3A_192 = tpu.vector_load %arg10[%get3A_190, %get3A_191] {strides = array<i32>} : memref<128x128xf32, #tpu.memory_space<vmem>>, vector<16xf32>,
          %add3A_193 = arith.addi %mul3A_174, %add3A_187 : vector<16xi32>
          %max3A_194 = arith.maximumf %gather3A_189, %get3A_192 : vector<16xf32>
          tpu.vector_store_idx %arg11[%add3A_193], %max3A_194 : memref<20480xf32, #tpu.memory_space<vmem>>[vector<16xi32>], vector<16xf32>,
          %iota3A_195 = tpu.iota {dimensions = array<i32: 0>} : vector<16xi32>
          %add3A_196 = arith.constant 32 : i32
          %add3A_197 = vector.broadcast %add3A_196 : i32 to vector<16xi32>
          %add3A_198 = arith.addi %add3A_197, %iota3A_195 : vector<16xi32>
          %add3A_199 = arith.addi %mul3A_174, %add3A_198 : vector<16xi32>
          %gather3A_200 = tpu.vector_load_idx %arg11[%add3A_199] : memref<20480xf32, #tpu.memory_space<vmem>>[vector<16xi32>], vector<16xf32>,
          %get3A_201 = arith.index_cast %while3A_158 : i32 to index
          %get3A_202 = arith.constant 32 : index
          %get3A_203 = tpu.vector_load %arg10[%get3A_201, %get3A_202] {strides = array<i32>} : memref<128x128xf32, #tpu.memory_space<vmem>>, vector<16xf32>,
          %add3A_204 = arith.addi %mul3A_174, %add3A_198 : vector<16xi32>
          %max3A_205 = arith.maximumf %gather3A_200, %get3A_203 : vector<16xf32>
          tpu.vector_store_idx %arg11[%add3A_204], %max3A_205 : memref<20480xf32, #tpu.memory_space<vmem>>[vector<16xi32>], vector<16xf32>,
          %iota3A_206 = tpu.iota {dimensions = array<i32: 0>} : vector<16xi32>
          %add3A_207 = arith.constant 48 : i32
          %add3A_208 = vector.broadcast %add3A_207 : i32 to vector<16xi32>
          %add3A_209 = arith.addi %add3A_208, %iota3A_206 : vector<16xi32>
          %add3A_210 = arith.addi %mul3A_174, %add3A_209 : vector<16xi32>
          %gather3A_211 = tpu.vector_load_idx %arg11[%add3A_210] : memref<20480xf32, #tpu.memory_space<vmem>>[vector<16xi32>], vector<16xf32>,
          %get3A_212 = arith.index_cast %while3A_158 : i32 to index
          %get3A_213 = arith.constant 48 : index
          %get3A_214 = tpu.vector_load %arg10[%get3A_212, %get3A_213] {strides = array<i32>} : memref<128x128xf32, #tpu.memory_space<vmem>>, vector<16xf32>,
          %add3A_215 = arith.addi %mul3A_174, %add3A_209 : vector<16xi32>
          %max3A_216 = arith.maximumf %gather3A_211, %get3A_214 : vector<16xf32>
          tpu.vector_store_idx %arg11[%add3A_215], %max3A_216 : memref<20480xf32, #tpu.memory_space<vmem>>[vector<16xi32>], vector<16xf32>,
        }
        %while3A_157 = arith.constant 1 : i32
        scf.for %while3A_158 = %while3A_155 to %while3A_151 step %while3A_157  : i32 {
          %shift_right_arithmetic3A_159 = arith.constant 4 : i32
          %shift_right_arithmetic3A_160 = arith.shrsi %while3A_158, %shift_right_arithmetic3A_159 : i32
          %shift_left3A_161 = arith.constant 4 : i32
          %shift_left3A_162 = arith.shli %shift_right_arithmetic3A_160, %shift_left3A_161 : i32
          %multiple_of3A_163 = tpu.assume_multiple %shift_left3A_162, 16 : i32
          %get3A_164 = arith.index_cast %multiple_of3A_163 : i32 to index
          %get3A_165 = tpu.vector_load %arg9[%get3A_164] {strides = array<i32>} : memref<128xi32, #tpu.memory_space<vmem>>, vector<16xi32>,
          %and3A_166 = arith.constant 15 : i32
          %and3A_167 = arith.andi %while3A_158, %and3A_166 : i32
          %broadcast_in_dim3A_168 = vector.broadcast %and3A_167 : i32 to vector<16xi32>
          %broadcast_in_dim3A_169 = vector.shape_cast %broadcast_in_dim3A_168 : vector<16xi32> to vector<16x1xi32>
          %gather3A_170 = vector.shape_cast %broadcast_in_dim3A_169 : vector<16x1xi32> to vector<16xi32>
          %gather3A_171 = tpu.dynamic_gather %get3A_165[%gather3A_170] in [0] : vector<16xi32>, vector<16xi32> -> vector<16xi32>
          %mul3A_172 = arith.constant 64 : i32
          %mul3A_173 = vector.broadcast %mul3A_172 : i32 to vector<16xi32>
          %mul3A_174 = arith.muli %gather3A_171, %mul3A_173 : vector<16xi32>
          %iota3A = tpu.iota {dimensions = array<i32: 0>} : vector<16xi32>
          %add3A_175 = arith.constant 0 : i32
          %add3A_176 = vector.broadcast %add3A_175 : i32 to vector<16xi32>
          %add3A_177 = arith.addi %add3A_176, %iota3A : vector<16xi32>
          %add3A_178 = arith.addi %mul3A_174, %add3A_177 : vector<16xi32>
          %gather3A_179 = tpu.vector_load_idx %arg11[%add3A_178] : memref<20480xf32, #tpu.memory_space<vmem>>[vector<16xi32>], vector<16xf32>,
          %get3A_180 = arith.index_cast %while3A_158 : i32 to index
          %get3A_181 = arith.constant 0 : index
          %get3A_182 = tpu.vector_load %arg10[%get3A_180, %get3A_181] {strides = array<i32>} : memref<128x128xf32, #tpu.memory_space<vmem>>, vector<16xf32>,
          %add3A_183 = arith.addi %mul3A_174, %add3A_177 : vector<16xi32>
          %max3A = arith.maximumf %gather3A_179, %get3A_182 : vector<16xf32>
          tpu.vector_store_idx %arg11[%add3A_183], %max3A : memref<20480xf32, #tpu.memory_space<vmem>>[vector<16xi32>], vector<16xf32>,
          %iota3A_184 = tpu.iota {dimensions = array<i32: 0>} : vector<16xi32>
          %add3A_185 = arith.constant 16 : i32
          %add3A_186 = vector.broadcast %add3A_185 : i32 to vector<16xi32>
          %add3A_187 = arith.addi %add3A_186, %iota3A_184 : vector<16xi32>
          %add3A_188 = arith.addi %mul3A_174, %add3A_187 : vector<16xi32>
          %gather3A_189 = tpu.vector_load_idx %arg11[%add3A_188] : memref<20480xf32, #tpu.memory_space<vmem>>[vector<16xi32>], vector<16xf32>,
          %get3A_190 = arith.index_cast %while3A_158 : i32 to index
          %get3A_191 = arith.constant 16 : index
          %get3A_192 = tpu.vector_load %arg10[%get3A_190, %get3A_191] {strides = array<i32>} : memref<128x128xf32, #tpu.memory_space<vmem>>, vector<16xf32>,
          %add3A_193 = arith.addi %mul3A_174, %add3A_187 : vector<16xi32>
          %max3A_194 = arith.maximumf %gather3A_189, %get3A_192 : vector<16xf32>
          tpu.vector_store_idx %arg11[%add3A_193], %max3A_194 : memref<20480xf32, #tpu.memory_space<vmem>>[vector<16xi32>], vector<16xf32>,
          %iota3A_195 = tpu.iota {dimensions = array<i32: 0>} : vector<16xi32>
          %add3A_196 = arith.constant 32 : i32
          %add3A_197 = vector.broadcast %add3A_196 : i32 to vector<16xi32>
          %add3A_198 = arith.addi %add3A_197, %iota3A_195 : vector<16xi32>
          %add3A_199 = arith.addi %mul3A_174, %add3A_198 : vector<16xi32>
          %gather3A_200 = tpu.vector_load_idx %arg11[%add3A_199] : memref<20480xf32, #tpu.memory_space<vmem>>[vector<16xi32>], vector<16xf32>,
          %get3A_201 = arith.index_cast %while3A_158 : i32 to index
          %get3A_202 = arith.constant 32 : index
          %get3A_203 = tpu.vector_load %arg10[%get3A_201, %get3A_202] {strides = array<i32>} : memref<128x128xf32, #tpu.memory_space<vmem>>, vector<16xf32>,
          %add3A_204 = arith.addi %mul3A_174, %add3A_198 : vector<16xi32>
          %max3A_205 = arith.maximumf %gather3A_200, %get3A_203 : vector<16xf32>
          tpu.vector_store_idx %arg11[%add3A_204], %max3A_205 : memref<20480xf32, #tpu.memory_space<vmem>>[vector<16xi32>], vector<16xf32>,
          %iota3A_206 = tpu.iota {dimensions = array<i32: 0>} : vector<16xi32>
          %add3A_207 = arith.constant 48 : i32
          %add3A_208 = vector.broadcast %add3A_207 : i32 to vector<16xi32>
          %add3A_209 = arith.addi %add3A_208, %iota3A_206 : vector<16xi32>
          %add3A_210 = arith.addi %mul3A_174, %add3A_209 : vector<16xi32>
          %gather3A_211 = tpu.vector_load_idx %arg11[%add3A_210] : memref<20480xf32, #tpu.memory_space<vmem>>[vector<16xi32>], vector<16xf32>,
          %get3A_212 = arith.index_cast %while3A_158 : i32 to index
          %get3A_213 = arith.constant 48 : index
          %get3A_214 = tpu.vector_load %arg10[%get3A_212, %get3A_213] {strides = array<i32>} : memref<128x128xf32, #tpu.memory_space<vmem>>, vector<16xf32>,
          %add3A_215 = arith.addi %mul3A_174, %add3A_209 : vector<16xi32>
          %max3A_216 = arith.maximumf %gather3A_211, %get3A_214 : vector<16xf32>
          tpu.vector_store_idx %arg11[%add3A_215], %max3A_216 : memref<20480xf32, #tpu.memory_space<vmem>>[vector<16xi32>], vector<16xf32>,
        }
      }
    }
    %scan3A_12 = arith.constant 32 : i32
    %mul3A_13 = arith.constant 320 : i32
    %mul3A_14 = arith.muli %add3A, %mul3A_13 : i32
    %mul3A_15 = arith.constant 64 : i32
    %mul3A_16 = arith.muli %mul3A_14, %mul3A_15 : i32
    %multiple_of3A = tpu.assume_multiple %mul3A_16, 20480 : i32
    "tpu.region"() ({
      %run_scoped3A = tpu.sem_alloc : memref<!tpu.dma_semaphore, #tpu.memory_space<semaphore_mem>>
      %dma_start3A = tpu.memref_slice %arg5[%multiple_of3A] : memref<655360xf32, #tpu.memory_space<hbm>> -> memref<20480xf32, #tpu.memory_space<hbm>>
      %dma_start3A_17 = tpu.memref_slice %arg5[%multiple_of3A] : memref<655360xf32, #tpu.memory_space<hbm>> -> memref<20480xf32, #tpu.memory_space<hbm>>
      tpu.enqueue_dma source(%arg11 : memref<20480xf32, #tpu.memory_space<vmem>>) target(%dma_start3A_17 : memref<20480xf32, #tpu.memory_space<hbm>>) target_semaphore(%run_scoped3A : memref<!tpu.dma_semaphore, #tpu.memory_space<semaphore_mem>>)
      %dma_wait3A = tpu.memref_slice %arg5[%multiple_of3A] : memref<655360xf32, #tpu.memory_space<hbm>> -> memref<20480xf32, #tpu.memory_space<hbm>>
      %dma_wait3A_18 = tpu.memref_slice %arg5[%multiple_of3A] : memref<655360xf32, #tpu.memory_space<hbm>> -> memref<20480xf32, #tpu.memory_space<hbm>>
      tpu.wait_dma2 semaphore(%run_scoped3A : memref<!tpu.dma_semaphore, #tpu.memory_space<semaphore_mem>>) src(%arg11 : memref<20480xf32, #tpu.memory_space<vmem>>) dst(%dma_wait3A_18 : memref<20480xf32, #tpu.memory_space<hbm>>)
      tpu.yield
    }) : () -> ()
    return
  }
}

module attributes {stable_mosaic.version = 14 : i64} {
  func.func @_init_kernel(%arg0: i32, %arg1: memref<1000x128xf32, #tpu.memory_space<vmem>>, %arg2: memref<128x64xf32, #tpu.memory_space<vmem>>, %arg3: memref<1x64xf32, #tpu.memory_space<vmem>>, %arg4: memref<64x128xf32, #tpu.memory_space<vmem>>, %arg5: memref<1x128xf32, #tpu.memory_space<vmem>>, %arg6: memref<1000x64xf32, #tpu.memory_space<vmem>>, %arg7: memref<1000x128xf32, #tpu.memory_space<vmem>>) attributes {dimension_semantics = [#tpu.dimension_semantics<arbitrary>], iteration_bounds = array<i64: 10>, scalar_prefetch = 0 : i64, scratch_operands = 0 : i64, tpu.core_type = #tpu.core_type<tc>, window_params = [{transform_indices = @transform_0, window_bounds = array<i64: 1000, 128>}, {pipeline_mode = #tpu.pipeline_mode<synchronous>, transform_indices = @transform_1, window_bounds = array<i64: 128, 64>}, {pipeline_mode = #tpu.pipeline_mode<synchronous>, transform_indices = @transform_2, window_bounds = array<i64: 1, 64>}, {pipeline_mode = #tpu.pipeline_mode<synchronous>, transform_indices = @transform_3, window_bounds = array<i64: 64, 128>}, {pipeline_mode = #tpu.pipeline_mode<synchronous>, transform_indices = @transform_4, window_bounds = array<i64: 1, 128>}, {transform_indices = @transform_5, window_bounds = array<i64: 1000, 64>}, {transform_indices = @transform_6, window_bounds = array<i64: 1000, 128>}]} {
    %get3A = arith.constant 0 : index
    %get3A_0 = arith.constant 0 : index
    %get3A_1 = vector.load %arg1[%get3A, %get3A_0] : memref<1000x128xf32, #tpu.memory_space<vmem>>, vector<1000x128xf32>
    %get3A_2 = arith.constant 0 : index
    %get3A_3 = arith.constant 0 : index
    %get3A_4 = vector.load %arg2[%get3A_2, %get3A_3] : memref<128x64xf32, #tpu.memory_space<vmem>>, vector<128x64xf32>
    %dot_general3A = arith.constant dense<0.000000e+00> : vector<1000x64xf32>
    %dot_general3A_5 = tpu.matmul %get3A_1, %get3A_4, %dot_general3A {dimension_numbers = #tpu.dot_dimension_numbers<[1], [0], [0], [1], [0, 0, 1, 1], [], []>, transpose_lhs_hint = false} : vector<1000x128xf32>, vector<128x64xf32>, vector<1000x64xf32> -> vector<1000x64xf32>
    %get3A_6 = arith.constant 0 : index
    %get3A_7 = arith.constant 0 : index
    %get3A_8 = vector.load %arg3[%get3A_6, %get3A_7] : memref<1x64xf32, #tpu.memory_space<vmem>>, vector<1x64xf32>
    %add3A = vector.broadcast %get3A_8 : vector<1x64xf32> to vector<1000x64xf32>
    %add3A_9 = arith.addf %dot_general3A_5, %add3A : vector<1000x64xf32>
    %max3A = arith.constant 0.000000e+00 : f32
    %max3A_10 = vector.broadcast %max3A : f32 to vector<1000x64xf32>
    %max3A_11 = arith.maximumf %add3A_9, %max3A_10 : vector<1000x64xf32>
    %swap3A = arith.constant 0 : index
    %swap3A_12 = arith.constant 0 : index
    %swap3A_13 = vector.load %arg6[%swap3A, %swap3A_12] : memref<1000x64xf32, #tpu.memory_space<vmem>>, vector<1000x64xf32>
    tpu.vector_store %arg6[%swap3A, %swap3A_12], %max3A_11 {strides = array<i32>} : memref<1000x64xf32, #tpu.memory_space<vmem>>, vector<1000x64xf32>,
    %get3A_14 = arith.constant 0 : index
    %get3A_15 = arith.constant 0 : index
    %get3A_16 = vector.load %arg4[%get3A_14, %get3A_15] : memref<64x128xf32, #tpu.memory_space<vmem>>, vector<64x128xf32>
    %dot_general3A_17 = arith.constant dense<0.000000e+00> : vector<1000x128xf32>
    %dot_general3A_18 = tpu.matmul %max3A_11, %get3A_16, %dot_general3A_17 {dimension_numbers = #tpu.dot_dimension_numbers<[1], [0], [0], [1], [0, 0, 1, 1], [], []>, transpose_lhs_hint = false} : vector<1000x64xf32>, vector<64x128xf32>, vector<1000x128xf32> -> vector<1000x128xf32>
    %get3A_19 = arith.constant 0 : index
    %get3A_20 = arith.constant 0 : index
    %get3A_21 = vector.load %arg5[%get3A_19, %get3A_20] : memref<1x128xf32, #tpu.memory_space<vmem>>, vector<1x128xf32>
    %add3A_22 = vector.broadcast %get3A_21 : vector<1x128xf32> to vector<1000x128xf32>
    %add3A_23 = arith.addf %dot_general3A_18, %add3A_22 : vector<1000x128xf32>
    %swap3A_24 = arith.constant 0 : index
    %swap3A_25 = arith.constant 0 : index
    %swap3A_26 = vector.load %arg7[%swap3A_24, %swap3A_25] : memref<1000x128xf32, #tpu.memory_space<vmem>>, vector<1000x128xf32>
    tpu.vector_store %arg7[%swap3A_24, %swap3A_25], %add3A_23 {strides = array<i32>} : memref<1000x128xf32, #tpu.memory_space<vmem>>, vector<1000x128xf32>,
    return
  }
  func.func @transform_0(%arg0: i32) -> (i32, i32) {
    %c0_i32 = arith.constant 0 : i32
    %c0_i32_0 = arith.constant 0 : i32
    return %arg0, %c0_i32 : i32, i32
  }
  func.func @transform_1(%arg0: i32) -> (i32, i32) {
    %c0_i32 = arith.constant 0 : i32
    %c0_i32_0 = arith.constant 0 : i32
    %c0_i32_1 = arith.constant 0 : i32
    return %c0_i32, %c0_i32_0 : i32, i32
  }
  func.func @transform_2(%arg0: i32) -> (i32, i32) {
    %c0_i32 = arith.constant 0 : i32
    %c0_i32_0 = arith.constant 0 : i32
    %c0_i32_1 = arith.constant 0 : i32
    return %c0_i32, %c0_i32_0 : i32, i32
  }
  func.func @transform_3(%arg0: i32) -> (i32, i32) {
    %c0_i32 = arith.constant 0 : i32
    %c0_i32_0 = arith.constant 0 : i32
    %c0_i32_1 = arith.constant 0 : i32
    return %c0_i32, %c0_i32_0 : i32, i32
  }
  func.func @transform_4(%arg0: i32) -> (i32, i32) {
    %c0_i32 = arith.constant 0 : i32
    %c0_i32_0 = arith.constant 0 : i32
    %c0_i32_1 = arith.constant 0 : i32
    return %c0_i32, %c0_i32_0 : i32, i32
  }
  func.func @transform_5(%arg0: i32) -> (i32, i32) {
    %c0_i32 = arith.constant 0 : i32
    %c0_i32_0 = arith.constant 0 : i32
    return %arg0, %c0_i32 : i32, i32
  }
  func.func @transform_6(%arg0: i32) -> (i32, i32) {
    %c0_i32 = arith.constant 0 : i32
    %c0_i32_0 = arith.constant 0 : i32
    return %arg0, %c0_i32 : i32, i32
  }
}

module attributes {stable_mosaic.version = 14 : i64} {
  func.func @_medge_kernel(%arg0: i32, %arg1: memref<4000x128xf32, #tpu.memory_space<vmem>>, %arg2: memref<128x128xf32, #tpu.memory_space<vmem>>, %arg3: memref<1x128xf32, #tpu.memory_space<vmem>>, %arg4: memref<8000x128xf32, #tpu.memory_space<vmem>>) attributes {dimension_semantics = [#tpu.dimension_semantics<arbitrary>], iteration_bounds = array<i64: 40>, scalar_prefetch = 0 : i64, scratch_operands = 0 : i64, tpu.core_type = #tpu.core_type<tc>, window_params = [{transform_indices = @transform_0, window_bounds = array<i64: 4000, 128>}, {pipeline_mode = #tpu.pipeline_mode<synchronous>, transform_indices = @transform_1, window_bounds = array<i64: 128, 128>}, {pipeline_mode = #tpu.pipeline_mode<synchronous>, transform_indices = @transform_2, window_bounds = array<i64: 1, 128>}, {transform_indices = @transform_3, window_bounds = array<i64: 8000, 128>}]} {
    %get3A = arith.constant 0 : index
    %get3A_0 = arith.constant 0 : index
    %get3A_1 = vector.load %arg1[%get3A, %get3A_0] : memref<4000x128xf32, #tpu.memory_space<vmem>>, vector<4000x128xf32>
    %max3A = arith.constant 0.000000e+00 : f32
    %max3A_2 = vector.broadcast %max3A : f32 to vector<4000x128xf32>
    %max3A_3 = arith.maximumf %get3A_1, %max3A_2 : vector<4000x128xf32>
    %get3A_4 = arith.constant 0 : index
    %get3A_5 = arith.constant 0 : index
    %get3A_6 = vector.load %arg2[%get3A_4, %get3A_5] : memref<128x128xf32, #tpu.memory_space<vmem>>, vector<128x128xf32>
    %dot_general3A = arith.constant dense<0.000000e+00> : vector<4000x128xf32>
    %dot_general3A_7 = tpu.matmul %max3A_3, %get3A_6, %dot_general3A {dimension_numbers = #tpu.dot_dimension_numbers<[1], [0], [0], [1], [0, 0, 1, 1], [], []>, transpose_lhs_hint = false} : vector<4000x128xf32>, vector<128x128xf32>, vector<4000x128xf32> -> vector<4000x128xf32>
    %get3A_8 = arith.constant 0 : index
    %get3A_9 = arith.constant 0 : index
    %get3A_10 = vector.load %arg3[%get3A_8, %get3A_9] : memref<1x128xf32, #tpu.memory_space<vmem>>, vector<1x128xf32>
    %add3A = vector.broadcast %get3A_10 : vector<1x128xf32> to vector<4000x128xf32>
    %add3A_11 = arith.addf %dot_general3A_7, %add3A : vector<4000x128xf32>
    %slice3A = vector.extract_strided_slice %add3A_11 {offsets = [0, 0], sizes = [4000, 64], strides = [1, 1]} : vector<4000x128xf32> to vector<4000x64xf32>
    %slice3A_12 = vector.extract_strided_slice %add3A_11 {offsets = [0, 64], sizes = [4000, 64], strides = [1, 1]} : vector<4000x128xf32> to vector<4000x64xf32>
    %concatenate3A = tpu.concatenate %slice3A, %slice3A, %slice3A_12, %slice3A_12 in 1 : vector<4000x64xf32>, vector<4000x64xf32>, vector<4000x64xf32>, vector<4000x64xf32> -> vector<4000x256xf32>
    %reshape3A = vector.shape_cast %concatenate3A : vector<4000x256xf32> to vector<8000x128xf32>
    %swap3A = arith.constant 0 : index
    %swap3A_13 = arith.constant 0 : index
    %swap3A_14 = vector.load %arg4[%swap3A, %swap3A_13] : memref<8000x128xf32, #tpu.memory_space<vmem>>, vector<8000x128xf32>
    tpu.vector_store %arg4[%swap3A, %swap3A_13], %reshape3A {strides = array<i32>} : memref<8000x128xf32, #tpu.memory_space<vmem>>, vector<8000x128xf32>,
    return
  }
  func.func @transform_0(%arg0: i32) -> (i32, i32) {
    %c0_i32 = arith.constant 0 : i32
    %c0_i32_0 = arith.constant 0 : i32
    return %arg0, %c0_i32 : i32, i32
  }
  func.func @transform_1(%arg0: i32) -> (i32, i32) {
    %c0_i32 = arith.constant 0 : i32
    %c0_i32_0 = arith.constant 0 : i32
    %c0_i32_1 = arith.constant 0 : i32
    return %c0_i32, %c0_i32_0 : i32, i32
  }
  func.func @transform_2(%arg0: i32) -> (i32, i32) {
    %c0_i32 = arith.constant 0 : i32
    %c0_i32_0 = arith.constant 0 : i32
    %c0_i32_1 = arith.constant 0 : i32
    return %c0_i32, %c0_i32_0 : i32, i32
  }
  func.func @transform_3(%arg0: i32) -> (i32, i32) {
    %c0_i32 = arith.constant 0 : i32
    %c0_i32_0 = arith.constant 0 : i32
    return %arg0, %c0_i32 : i32, i32
  }
}

module attributes {stable_mosaic.version = 14 : i64} {
  func.func @_head_kernel(%arg0: i32, %arg1: memref<1000x64xf32, #tpu.memory_space<vmem>>, %arg2: memref<1000x64xf32, #tpu.memory_space<vmem>>, %arg3: memref<64x128xf32, #tpu.memory_space<vmem>>, %arg4: memref<1x128xf32, #tpu.memory_space<vmem>>, %arg5: memref<1000x64xf32, #tpu.memory_space<vmem>>, %arg6: memref<1000x128xf32, #tpu.memory_space<vmem>>) attributes {dimension_semantics = [#tpu.dimension_semantics<arbitrary>], iteration_bounds = array<i64: 10>, scalar_prefetch = 0 : i64, scratch_operands = 0 : i64, tpu.core_type = #tpu.core_type<tc>, window_params = [{transform_indices = @transform_0, window_bounds = array<i64: 1000, 64>}, {transform_indices = @transform_1, window_bounds = array<i64: 1000, 64>}, {pipeline_mode = #tpu.pipeline_mode<synchronous>, transform_indices = @transform_2, window_bounds = array<i64: 64, 128>}, {pipeline_mode = #tpu.pipeline_mode<synchronous>, transform_indices = @transform_3, window_bounds = array<i64: 1, 128>}, {transform_indices = @transform_4, window_bounds = array<i64: 1000, 64>}, {transform_indices = @transform_5, window_bounds = array<i64: 1000, 128>}]} {
    %get3A = arith.constant 0 : index
    %get3A_0 = arith.constant 0 : index
    %get3A_1 = vector.load %arg1[%get3A, %get3A_0] : memref<1000x64xf32, #tpu.memory_space<vmem>>, vector<1000x64xf32>
    %get3A_2 = arith.constant 0 : index
    %get3A_3 = arith.constant 0 : index
    %get3A_4 = vector.load %arg2[%get3A_2, %get3A_3] : memref<1000x64xf32, #tpu.memory_space<vmem>>, vector<1000x64xf32>
    %add3A = arith.addf %get3A_1, %get3A_4 : vector<1000x64xf32>
    %swap3A = arith.constant 0 : index
    %swap3A_5 = arith.constant 0 : index
    %swap3A_6 = vector.load %arg5[%swap3A, %swap3A_5] : memref<1000x64xf32, #tpu.memory_space<vmem>>, vector<1000x64xf32>
    tpu.vector_store %arg5[%swap3A, %swap3A_5], %add3A {strides = array<i32>} : memref<1000x64xf32, #tpu.memory_space<vmem>>, vector<1000x64xf32>,
    %get3A_7 = arith.constant 0 : index
    %get3A_8 = arith.constant 0 : index
    %get3A_9 = vector.load %arg3[%get3A_7, %get3A_8] : memref<64x128xf32, #tpu.memory_space<vmem>>, vector<64x128xf32>
    %dot_general3A = arith.constant dense<0.000000e+00> : vector<1000x128xf32>
    %dot_general3A_10 = tpu.matmul %add3A, %get3A_9, %dot_general3A {dimension_numbers = #tpu.dot_dimension_numbers<[1], [0], [0], [1], [0, 0, 1, 1], [], []>, transpose_lhs_hint = false} : vector<1000x64xf32>, vector<64x128xf32>, vector<1000x128xf32> -> vector<1000x128xf32>
    %get3A_11 = arith.constant 0 : index
    %get3A_12 = arith.constant 0 : index
    %get3A_13 = vector.load %arg4[%get3A_11, %get3A_12] : memref<1x128xf32, #tpu.memory_space<vmem>>, vector<1x128xf32>
    %add3A_14 = vector.broadcast %get3A_13 : vector<1x128xf32> to vector<1000x128xf32>
    %add3A_15 = arith.addf %dot_general3A_10, %add3A_14 : vector<1000x128xf32>
    %swap3A_16 = arith.constant 0 : index
    %swap3A_17 = arith.constant 0 : index
    %swap3A_18 = vector.load %arg6[%swap3A_16, %swap3A_17] : memref<1000x128xf32, #tpu.memory_space<vmem>>, vector<1000x128xf32>
    tpu.vector_store %arg6[%swap3A_16, %swap3A_17], %add3A_15 {strides = array<i32>} : memref<1000x128xf32, #tpu.memory_space<vmem>>, vector<1000x128xf32>,
    return
  }
  func.func @transform_0(%arg0: i32) -> (i32, i32) {
    %c0_i32 = arith.constant 0 : i32
    %c0_i32_0 = arith.constant 0 : i32
    return %arg0, %c0_i32 : i32, i32
  }
  func.func @transform_1(%arg0: i32) -> (i32, i32) {
    %c0_i32 = arith.constant 0 : i32
    %c0_i32_0 = arith.constant 0 : i32
    return %arg0, %c0_i32 : i32, i32
  }
  func.func @transform_2(%arg0: i32) -> (i32, i32) {
    %c0_i32 = arith.constant 0 : i32
    %c0_i32_0 = arith.constant 0 : i32
    %c0_i32_1 = arith.constant 0 : i32
    return %c0_i32, %c0_i32_0 : i32, i32
  }
  func.func @transform_3(%arg0: i32) -> (i32, i32) {
    %c0_i32 = arith.constant 0 : i32
    %c0_i32_0 = arith.constant 0 : i32
    %c0_i32_1 = arith.constant 0 : i32
    return %c0_i32, %c0_i32_0 : i32, i32
  }
  func.func @transform_4(%arg0: i32) -> (i32, i32) {
    %c0_i32 = arith.constant 0 : i32
    %c0_i32_0 = arith.constant 0 : i32
    return %arg0, %c0_i32 : i32, i32
  }
  func.func @transform_5(%arg0: i32) -> (i32, i32) {
    %c0_i32 = arith.constant 0 : i32
    %c0_i32_0 = arith.constant 0 : i32
    return %arg0, %c0_i32 : i32, i32
  }
}

module attributes {stable_mosaic.version = 14 : i64} {
  func.func @_out_kernel(%arg0: i32, %arg1: memref<1000x64xf32, #tpu.memory_space<vmem>>, %arg2: memref<1000x64xf32, #tpu.memory_space<vmem>>, %arg3: memref<64x32xf32, #tpu.memory_space<vmem>>, %arg4: memref<1x32xf32, #tpu.memory_space<vmem>>, %arg5: memref<32x1xf32, #tpu.memory_space<vmem>>, %arg6: memref<1x1xf32, #tpu.memory_space<vmem>>, %arg7: memref<1000x1xf32, #tpu.memory_space<vmem>>) attributes {dimension_semantics = [#tpu.dimension_semantics<arbitrary>], iteration_bounds = array<i64: 10>, scalar_prefetch = 0 : i64, scratch_operands = 0 : i64, tpu.core_type = #tpu.core_type<tc>, window_params = [{transform_indices = @transform_0, window_bounds = array<i64: 1000, 64>}, {transform_indices = @transform_1, window_bounds = array<i64: 1000, 64>}, {pipeline_mode = #tpu.pipeline_mode<synchronous>, transform_indices = @transform_2, window_bounds = array<i64: 64, 32>}, {pipeline_mode = #tpu.pipeline_mode<synchronous>, transform_indices = @transform_3, window_bounds = array<i64: 1, 32>}, {pipeline_mode = #tpu.pipeline_mode<synchronous>, transform_indices = @transform_4, window_bounds = array<i64: 32, 1>}, {pipeline_mode = #tpu.pipeline_mode<synchronous>, transform_indices = @transform_5, window_bounds = array<i64: 1, 1>}, {transform_indices = @transform_6, window_bounds = array<i64: 1000, 1>}]} {
    %get3A = arith.constant 0 : index
    %get3A_0 = arith.constant 0 : index
    %get3A_1 = vector.load %arg1[%get3A, %get3A_0] : memref<1000x64xf32, #tpu.memory_space<vmem>>, vector<1000x64xf32>
    %get3A_2 = arith.constant 0 : index
    %get3A_3 = arith.constant 0 : index
    %get3A_4 = vector.load %arg2[%get3A_2, %get3A_3] : memref<1000x64xf32, #tpu.memory_space<vmem>>, vector<1000x64xf32>
    %add3A = arith.addf %get3A_1, %get3A_4 : vector<1000x64xf32>
    %get3A_5 = arith.constant 0 : index
    %get3A_6 = arith.constant 0 : index
    %get3A_7 = vector.load %arg3[%get3A_5, %get3A_6] : memref<64x32xf32, #tpu.memory_space<vmem>>, vector<64x32xf32>
    %dot_general3A = arith.constant dense<0.000000e+00> : vector<1000x32xf32>
    %dot_general3A_8 = tpu.matmul %add3A, %get3A_7, %dot_general3A {dimension_numbers = #tpu.dot_dimension_numbers<[1], [0], [0], [1], [0, 0, 1, 1], [], []>, transpose_lhs_hint = false} : vector<1000x64xf32>, vector<64x32xf32>, vector<1000x32xf32> -> vector<1000x32xf32>
    %get3A_9 = arith.constant 0 : index
    %get3A_10 = arith.constant 0 : index
    %get3A_11 = vector.load %arg4[%get3A_9, %get3A_10] : memref<1x32xf32, #tpu.memory_space<vmem>>, vector<1x32xf32>
    %add3A_12 = vector.broadcast %get3A_11 : vector<1x32xf32> to vector<1000x32xf32>
    %add3A_13 = arith.addf %dot_general3A_8, %add3A_12 : vector<1000x32xf32>
    %max3A = arith.constant 0.000000e+00 : f32
    %max3A_14 = vector.broadcast %max3A : f32 to vector<1000x32xf32>
    %max3A_15 = arith.maximumf %add3A_13, %max3A_14 : vector<1000x32xf32>
    %get3A_16 = arith.constant 0 : index
    %get3A_17 = arith.constant 0 : index
    %get3A_18 = vector.load %arg5[%get3A_16, %get3A_17] : memref<32x1xf32, #tpu.memory_space<vmem>>, vector<32x1xf32>
    %dot_general3A_19 = arith.constant dense<0.000000e+00> : vector<1000x1xf32>
    %dot_general3A_20 = tpu.matmul %max3A_15, %get3A_18, %dot_general3A_19 {dimension_numbers = #tpu.dot_dimension_numbers<[1], [0], [0], [1], [0, 0, 1, 1], [], []>, transpose_lhs_hint = false} : vector<1000x32xf32>, vector<32x1xf32>, vector<1000x1xf32> -> vector<1000x1xf32>
    %get3A_21 = arith.constant 0 : index
    %get3A_22 = arith.constant 0 : index
    %get3A_23 = vector.load %arg6[%get3A_21, %get3A_22] : memref<1x1xf32, #tpu.memory_space<vmem>>, vector<1x1xf32>
    %add3A_24 = vector.broadcast %get3A_23 : vector<1x1xf32> to vector<1000x1xf32>
    %add3A_25 = arith.addf %dot_general3A_20, %add3A_24 : vector<1000x1xf32>
    %swap3A = arith.constant 0 : index
    %swap3A_26 = arith.constant 0 : index
    %swap3A_27 = vector.load %arg7[%swap3A, %swap3A_26] : memref<1000x1xf32, #tpu.memory_space<vmem>>, vector<1000x1xf32>
    tpu.vector_store %arg7[%swap3A, %swap3A_26], %add3A_25 {strides = array<i32>} : memref<1000x1xf32, #tpu.memory_space<vmem>>, vector<1000x1xf32>,
    return
  }
  func.func @transform_0(%arg0: i32) -> (i32, i32) {
    %c0_i32 = arith.constant 0 : i32
    %c0_i32_0 = arith.constant 0 : i32
    return %arg0, %c0_i32 : i32, i32
  }
  func.func @transform_1(%arg0: i32) -> (i32, i32) {
    %c0_i32 = arith.constant 0 : i32
    %c0_i32_0 = arith.constant 0 : i32
    return %arg0, %c0_i32 : i32, i32
  }
  func.func @transform_2(%arg0: i32) -> (i32, i32) {
    %c0_i32 = arith.constant 0 : i32
    %c0_i32_0 = arith.constant 0 : i32
    %c0_i32_1 = arith.constant 0 : i32
    return %c0_i32, %c0_i32_0 : i32, i32
  }
  func.func @transform_3(%arg0: i32) -> (i32, i32) {
    %c0_i32 = arith.constant 0 : i32
    %c0_i32_0 = arith.constant 0 : i32
    %c0_i32_1 = arith.constant 0 : i32
    return %c0_i32, %c0_i32_0 : i32, i32
  }
  func.func @transform_4(%arg0: i32) -> (i32, i32) {
    %c0_i32 = arith.constant 0 : i32
    %c0_i32_0 = arith.constant 0 : i32
    %c0_i32_1 = arith.constant 0 : i32
    return %c0_i32, %c0_i32_0 : i32, i32
  }
  func.func @transform_5(%arg0: i32) -> (i32, i32) {
    %c0_i32 = arith.constant 0 : i32
    %c0_i32_0 = arith.constant 0 : i32
    %c0_i32_1 = arith.constant 0 : i32
    return %c0_i32, %c0_i32_0 : i32, i32
  }
  func.func @transform_6(%arg0: i32) -> (i32, i32) {
    %c0_i32 = arith.constant 0 : i32
    %c0_i32_0 = arith.constant 0 : i32
    return %arg0, %c0_i32 : i32, i32
  }
}

</mosaic_0001>

<sc_bundles>
// kernel: kernel.16.cloned.1.call-start
scs
__scs_entry_jumppad:
0x0: {  	(pc) =	sbr.rel $0x88, $3  }
0x1: {  	(tag) =	ssettag $0x0;
	lr =	simm.s32 $0x1  }
0x2: {  	[smem:$0x3F81] =	sst lr;
	_ =	strace $0xD0000000  }
0x3: {  	_ = 	snop  }
0x4: {  	_ = 	snop  }
0x5: {  	_ = 	snop  }
0x6: {  	_ = 	snop  }
0x7: {  	_ = 	snop  }
__scs_overlays_trampoline_lowered:
0x8: {  	[smem:$0x3F90] =	sst s0  }
0x9: {  	[smem:$0x3F91] =	sst s1  }
0xa: {  	[smem:$0x3F92] =	sst s2  }
0xb: {  	[smem:$0x3F93] =	sst s3  }
0xc: {  	[smem:$0x3F94] =	sst s4  }
0xd: {  	[smem:$0x3F95] =	sst s5  }
0xe: {  	[smem:$0x3F96] =	sst s6  }
0xf: {  	[smem:$0x3F97] =	sst s7  }
0x10: {  	[smem:$0x3F98] =	sst s8  }
0x11: {  	[smem:$0x3F99] =	sst s9;
	s0 =	simm.s32 @!p0 $0x0  }
0x12: {  	s1 =	sld [smem:$0x3F7F];
	s0 =	simm.s32 @p0 $0x1  }
0x13: {  	[smem:$0x3F9A] =	sst s0;
	s0 =	simm.s32 @!p1 $0x0  }
0x14: {  	s2 =	sld [smem:$0x3F7E];
	s0 =	simm.s32 @p1 $0x1  }
0x15: {  	[smem:$0x3F9B] =	sst s0;
	s0 =	simm.s32 @!p2 $0x0  }
0x16: {  	s3 =	sld [smem:$0x3FDB];
	s0 =	simm.s32 @p2 $0x1  }
0x17: {  	s4 =	simm.s32 $0x1BF5;
	[smem:$0x3F9D] =	sst s0  }
0x18: {  	s0 =	sld [smem:$0x3F80];
	_ =	swait.ge [sflag:s4], $0x0  }
0x19: {  	s7 =	sld [smem:$0x3F81]  }
0x1a: {  	s8 =	sadd.s32 $0xFFFFE003, lr  }
0x1b: {  	s9 =	sadd.s32 $0xFFFFFEF7, lr;
	s5 =	simm.s32 $0xFFFFFFFF;
	p2 =	slt.u32 s8, $0xFFFFF086  }
0x1c: {  	p1 =	slt.u32 s9, $0xF7A;
	s5 =	simm.s32 @!p2 $0x0  }
0x1d: {  	s5 =	simm.s32 @p1 $0x1;
	p0 =	seq.s32 s7, s2  }
0x1e: {  	s7 =	smul.u32 @!p0 $0xF7A, s2;
	p2 =	seq.s32 @!p0 s5, $0x0  }
0x1f: {  	s9 =	smul.u32 $0xF7A, s1;
	s8 =	simm.s32 @!p0 $0x1BF5;
	p2 =	por !p2, p0  }
0x20: {  	[sflag:s8] =	ssyncset.s32 @!p0 $0xFFFFF086;
	s6 =	sadd.s32 @!p0 s3, s7;
	s7 =	simm.s32 @!p0 $0x108  }
0x21: {  	s3 =	sadd.s32 s3, s9;
	s6 =	sadd.s32 @!p0 $0x88, s6;
	s7 =	simm.s32 @p2 $0x1082  }
0x22: {  	[simem:s7], [sflag:s8] =	dma.local @!p0 [hbm:s6], $0xF7A  }
0x23: {  	s9 =	sor.u32 $0xD0000000, s2;
	s6 =	simm.s32 $0x108;
	_ =	swait.ge @!p0 [sflag:s8], $0x0  }
0x24: {  	s3 =	sadd.s32 $0x88, s3;
	s6 =	simm.s32 @!p1 $0x1082;
	[sflag:s4] =	ssyncset.s32 $0xFFFFF086  }
0x25: {  	[simem:s6], [sflag:s4] =	dma.local [hbm:s3], $0xF7A  }
0x26: {  	[smem:$0x3F81] =	sst s1;
	(tag) =	ssettag s2;
	_ =	strace s9  }
0x27: {  	s1 =	sld [smem:$0x3F91]  }
0x28: {  	s2 =	sld [smem:$0x3F92]  }
0x29: {  	s4 =	sld [smem:$0x3F94]  }
0x2a: {  	p0 =	seq.s32 s5, $0x0;
	s5 =	sld [smem:$0x3F95]  }
0x2b: {  	s6 =	sld [smem:$0x3F96]  }
0x2c: {  	s7 =	sld [smem:$0x3F97]  }
0x2d: {  	s3 =	simm.s32 $0x108;
	s8 =	sld [smem:$0x3F98]  }
0x2e: {  	s3 =	simm.s32 @!p0 $0x1082;
	s9 =	sld [smem:$0x3F99]  }
0x2f: {  	lr =	sadd.s32 s0, s3;
	s0 =	sld [smem:$0x3F90]  }
0x30: {  	s3 =	sld [smem:$0x3F93]  }
0x31: {  	[smem:$0x3F9C] =	sst s10  }
0x32: {  	s10 =	sld [smem:$0x3F9A];
	_ =	sdelay $0x3  }
0x33: {  	p0 =	seq.s32 s10, $0x1;
	s10 =	sld [smem:$0x3F9C];
	_ =	sdelay $0x3  }
0x34: {  	[smem:$0x3F9C] =	sst s10  }
0x35: {  	s10 =	sld [smem:$0x3F9B];
	_ =	sdelay $0x3  }
0x36: {  	p1 =	seq.s32 s10, $0x1;
	s10 =	sld [smem:$0x3F9C];
	_ =	sdelay $0x3  }
0x37: {  	[smem:$0x3F9C] =	sst s10  }
0x38: {  	s10 =	sld [smem:$0x3F9D]  }
0x39: {  	_ = 	snop;
	(pc) =	sbr.ind lr, $3  }
0x3a: {  	_ = 	snop  }
0x3b: {  	_ = 	snop  }
0x3c: {  	p2 =	seq.s32 s10, $0x1;
	s10 =	sld [smem:$0x3F9C]  }
0x3d: {  	_ =	shalt  }
0x3e: {  	_ =	shalt  }
0x3f: {  	_ =	shalt  }
0x40: {  	_ =	shalt  }
0x41: {  	_ =	shalt  }
0x42: {  	_ =	shalt  }
0x43: {  	_ =	shalt  }
0x44: {  	_ =	shalt  }
0x45: {  	_ =	shalt  }
0x46: {  	_ =	shalt  }
0x47: {  	_ =	shalt  }
0x48: {  	_ =	shalt  }
0x49: {  	_ =	shalt  }
0x4a: {  	_ =	shalt  }
0x4b: {  	_ =	shalt  }
0x4c: {  	_ =	shalt  }
0x4d: {  	_ =	shalt  }
0x4e: {  	_ =	shalt  }
0x4f: {  	_ =	shalt  }
0x50: {  	_ =	shalt  }
0x51: {  	_ =	shalt  }
0x52: {  	_ =	shalt  }
0x53: {  	_ =	shalt  }
0x54: {  	_ =	shalt  }
0x55: {  	_ =	shalt  }
0x56: {  	_ =	shalt  }
0x57: {  	_ =	shalt  }
0x58: {  	_ =	shalt  }
0x59: {  	_ =	shalt  }
0x5a: {  	_ =	shalt  }
0x5b: {  	_ =	shalt  }
0x5c: {  	_ =	shalt  }
0x5d: {  	_ =	shalt  }
0x5e: {  	_ =	shalt  }
0x5f: {  	_ =	shalt  }
0x60: {  	_ =	shalt  }
0x61: {  	_ =	shalt  }
0x62: {  	_ =	shalt  }
0x63: {  	_ =	shalt  }
0x64: {  	_ =	shalt  }
0x65: {  	_ =	shalt  }
0x66: {  	_ =	shalt  }
0x67: {  	_ =	shalt  }
0x68: {  	_ =	shalt  }
0x69: {  	_ =	shalt  }
0x6a: {  	_ =	shalt  }
0x6b: {  	_ =	shalt  }
0x6c: {  	_ =	shalt  }
0x6d: {  	_ =	shalt  }
0x6e: {  	_ =	shalt  }
0x6f: {  	_ =	shalt  }
0x70: {  	_ =	shalt  }
0x71: {  	_ =	shalt  }
0x72: {  	_ =	shalt  }
0x73: {  	_ =	shalt  }
0x74: {  	_ =	shalt  }
0x75: {  	_ =	shalt  }
0x76: {  	_ =	shalt  }
0x77: {  	_ =	shalt  }
0x78: {  	_ =	shalt  }
0x79: {  	_ =	shalt  }
0x7a: {  	_ =	shalt  }
0x7b: {  	_ =	shalt  }
0x7c: {  	_ =	shalt  }
0x7d: {  	_ =	shalt  }
0x7e: {  	_ =	shalt  }
0x7f: {  	_ =	shalt  }
0x80: {  	_ =	shalt  }
0x81: {  	_ =	shalt  }
0x82: {  	_ =	shalt  }
0x83: {  	_ =	shalt  }
0x84: {  	_ =	shalt  }
0x85: {  	_ =	shalt  }
0x86: {  	_ =	shalt  }
0x87: {  	_ =	shalt  }
.Lfunc_end0:
.L_simem_size_0:
called_computation_lowered:
.L_overlay_start_0:
0x88: {  	s2 =	sld [smem:$0x3FD9]  }
0x89: {  	s3 =	sld [smem:$0x3FFE];
	_ =	sdelay $0x1  }
0x8a: {  	s1 =	srdreg.scid  }
0x8b: {  	s0 =	sand.u32 $0x1, s1  }
0x8c: {  	s17 =	sshll.u32 s0, $0xA;
	s2 =	sadd.s32 s3, s2  }
0x8d: {  	s2 =	sadd.s32 s2, s17  }
0x8e: {  	[smem:$0x3FA8] =	sst s2  }
0x8f: {  	_ = 	snop  }
0x90: {  	s18 =	sld [smem:$0x3FD0];
	(tm) =	ssettm $0x1  }
0x91: {  	s19 =	sld [smem:$0x3FFB];
	_ =	sdelay $0x3  }
0x92: {  	_ =	strace s19  }
0x93: {  	s2 =	sld [smem:$0x3FFC];
	_ =	sdelay $0x3  }
0x94: {  	_ =	strace s2  }
0x95: {  	s2 =	sld [smem:$0x3FFD];
	_ =	sdelay $0x3  }
0x96: {  	_ =	strace s2  }
0x97: {  	_ =	strace $0x8FFFFFFF  }
0x98: {  	s20 =	sld [smem:$0x3FDB];
	_ =	sdelay $0x1  }
0x99: {  	s4 =	simm.s32 $_scs_section_size  }
0x9a: {  	s5 =	simm.s32 $_size__tile_overlayer_lowered;
	s6 =	simm.s32 $_tile_overlayer_lowered  }
0x9b: {  	s7 =	simm.s32 $0x1BFF;
	s21 =	sshll.u32 s6, $0x1;
	s4 =	sadd.s32 s4, s20  }
0x9c: {  	s22 =	simm.s32 $0x0;
	s5 =	sshll.u32 s5, $0x1;
	s6 =	sadd.s32 s21, s4  }
0x9d: {  	[timem:s22], [sflag:s7] =	dma.local [hbm:s6], s5  }
0x9e: {  	_ =	swait.ge [sflag:s7], s5  }
0x9f: {  	s5 =	ssub.s32 $0x0, s5;
	[sflag:s7] =	ssyncset.done $0x0  }
0xa0: {  	[sflag:s7] =	ssyncadd.s32 s5;
	_ =	sdelay $0x1  }
0xa1: {  	s23 =	simm.s32 $0x1B8B  }
0xa2: {  	_ =	swait.ge [sflag:s23], $0x1  }
0xa3: {  	[sflag:s23] =	ssyncset.done $0x0  }
0xa4: {  	[sflag:s23] =	ssyncadd.s32 $0xFFFFFFFF  }
0xa5: {  	s5 =	sld [smem:$0x0]  }
0xa6: {  	s6 =	sand.u32 $0xFFFFFFFE, s1  }
0xa7: {  	p0 =	sne.s32 s1, s6  }
0xa8: {  	s6 =	sshll.u32 @p0 s6, $0xE  }
0xa9: {  	s6 =	sadd.s32 @p0 $0x11B8D, s6;
	s7 =	sshll.u32 @p0 s5, $0x11  }
0xaa: {  	s6 =	sor.u32 @p0 s7, s6  }
0xab: {  	[sflag:s6] =	ssyncadd.remote.s32 @p0 $0x1;
	_ =	sdelay $0x1  }
0xac: {  	s6 =	simm.s32 @p0 $0x1B8D  }
0xad: {  	_ =	swait.eq @p0 [sflag:s6], $0x1  }
0xae: {  	[sflag:s6] =	ssyncadd.s32 @p0 $0xFFFFFFFF  }
0xaf: {  	s7 =	sshll.u32 @!p0 s1, $0xE  }
0xb0: {  	s7 =	sor.u32 @!p0 $0x4000, s7;
	s6 =	simm.s32 @!p0 $0x1B8D  }
0xb1: {  	s5 =	sshll.u32 @!p0 s5, $0x11;
	s7 =	sadd.s32 @!p0 $0x11B8D, s7;
	_ =	swait.eq @!p0 [sflag:s6], $0x1  }
0xb2: {  	s5 =	sor.u32 @!p0 s5, s7;
	[sflag:s6] =	ssyncadd.s32 @!p0 $0xFFFFFFFF  }
0xb3: {  	s25 =	simm.s32 $0x1B8E;
	s24 =	sld [smem:$0x3FFE];
	[sflag:s5] =	ssyncadd.remote.s32 @!p0 $0x1  }
0xb4: {  	s26 =	simm.s32 $execute0_lowered;
	[smem:$0x3FD2] =	sst s25  }
0xb5: {  	s6 =	sshll.u32 s26, $0x1;
	_ =	strace $0x80000049;
	[dreg:$0x1] =	wrdreg $0xFFFFFFFF  }
0xb6: {  	s28 =	simm.s32 $_size_execute0_lowered;
	s4 =	sadd.s32 s4, s6;
	[dreg:$0x0] =	wrdreg $0x0  }
0xb7: {  	s6 =	sshll.u32 s28, $0x1;
	[dreg:$0x2] =	wrdreg s4  }
0xb8: {  	[dreg:$0x3] =	wrdreg s6  }
0xb9: {  	[dreg:$0x4] =	wrdreg $0xC0  }
0xba: {  	_ =	task [dreg:s22], $0x5FFFF  }
0xbb: {  	[dreg:$0x1] =	wrdreg $0xFFFFFFFF  }
0xbc: {  	[dreg:$0x0] =	wrdreg $0x60  }
0xbd: {  	[dreg:$0x2] =	wrdreg s24  }
0xbe: {  	[dreg:$0x3] =	wrdreg s18  }
0xbf: {  	[dreg:$0x4] =	wrdreg $0x9  }
0xc0: {  	_ =	task.clear_ibuf [dreg:s22], $0x5FFFF;
	_ =	strace $0x90000049  }
0xc1: {  	s29 =	simm.s32 $0x9;
	_ =	strace $0x8000004B  }
0xc2: {  	_ =	swait.ge [sflag:s29], $0x1  }
0xc3: {  	[sflag:s29] =	ssyncadd.s32 $0xFFFFFFFF  }
0xc4: {  	_ =	strace $0x9000004B  }
0xc5: {  	_ =	sfence  }
0xc6: {  	s30 =	sld [smem:$0x0];
	_ =	sdelay $0x2  }
0xc7: {  	s31 =	sshll.u32 s1, $0xD;
	s1 =	sshrl.u32 s1, $0x2  }
0xc8: {  	s4 =	sand.u32 $0x4000, s31;
	s1 =	sadd.s32 s1, s30  }
0xc9: {  	s0 =	sor.u32 s4, s0;
	s1 =	sshll.u32 s1, $0x11  }
0xca: {  	s0 =	sor.u32 s1, s0  }
0xcb: {  	s0 =	sadd.s32 $0x8F2B, s0  }
0xcc: {  	[sflag:s0] =	ssyncadd.remote.s32 $0x1  }
0xcd: {  	_ =	sfence.sel $0xFFFF  }
0xce: {  	[dreg:$0x0] =	wrdreg $0xFFFFFFFF;
	(pc) =	sbr.abs _section_cstart, $3  }
0xcf: {  	[dreg:$0x1] =	wrdreg $0xFFFFFFFF  }
0xd0: {  	_ =	task.clear_ibuf [dreg:s22], $0x2FFFF;
	_ =	strace $0x9FFFFFFF  }
0xd1: {  	(tm) =	ssettm $0x7FFFFFFF  }
tec
execute0_lowered:
.L_overlay_start_1:
0x0: {  	(tag) =	ssettag $0x1  }
0x1: {  	s0 =	rddreg [dreg:$0x0]  }
0x2: {  	s1 =	rddreg [dreg:$0x1]  }
0x3: {  	s3 =	srdreg.scid;
	s4 =	stileid.u32  }
0x4: {  	s2 =	simm.s32 $0x0;
	s31 =	simm.s32 $0x400;
	s6 =	sand.u32 $0x1, s3  }
0x5: {  	v0 =	vimm.s32 $0xECA86420;
	vm0 =	vcmask $0xB08;
	s22 =	sshll.u32 s4, $0x1;
	[smem:$0x7FF] =	sst s2;
	s9 =	smul.u32 $0x4E20, s4  }
0x6: {  	v1 =	vimm.s32 $0x0;
	vm1 =	vcmask $0x1310;
	vm2 =	vcmask $0x1B18;
	s12 =	sadd.s32 $0x11A00, s0;
	s5 =	sadd.s32 $0x2DAC00, s0;
	s11 =	smul.u32 $0xA0000, s4  }
0x7: {  	vm3 =	vcmask $0x300;
	vm4 =	vcmask $0x2320;
	vm5 =	vcmask $0x2B28;
	s7 =	sor.u32 s6, s22;
	_ =	strace $0x8000004A;
	s10 =	smul.u32 $0x2710, s6  }
0x8: {  	vm6 =	vcmask $0x3330;
	vm7 =	vcmask $0x3B38;
	v4 =	vimm.s32 $0xEDCBA987;
	s8 =	ssub.s32 $0x2, s6;
	[dreg:$0xd] =	wrdreg s12;
	s3 =	smul.u32 $0x2710, s7  }
0x9: {  	v3 =	vlaneseq.u32;
	v5 =	vimm.s32 $0x65432100;
	vm8 =	vmmov $0xff;
	s25 =	smul.u32 $0x50000, s6;
	[dreg:$0x3] =	wrdreg s31;
	s7 =	sshll.u32 s7, $0x4  }
0xa: {  	vm10 =	vcmask $0x704;
	vm11 =	vcmask $0xF0C;
	vm12 =	vcmask $0x1714;
	s23 =	sshrl.u32 s8, $0x1;
	s1 =	sadd.s32 s1, s7;
	[dreg:$0xc] =	wrdreg s3  }
0xb: {  	vm13 =	vcmask $0x1F1C;
	vm14 =	vcmask $0x2724;
	v6 =	vunpack.c.l.s4.s8 v4;
	s0 =	ssub.s32 s8, s23;
	s28 =	sadd.s32 s10, s9;
	[dreg:$0xf] =	wrdreg s1  }
.Ltmp0:
0xc: {  	vm15 =	vcmask $0x2F2C;
	vm9 =	vcmask $0x3734;
	v5 =	vunpack.c.l.s4.s8 v5;
	s29 =	sadd.s32 s25, s11;
	[dreg:$0x10] =	wrdreg s28;
	(pc) =	sbr.rel .LBB2_1-.Ltmp0, $4  }
0xd: {  	v9 =	vimm.s32 $0x1;
	v2 =	vunpack.c.l.s4.s8 v0;
	v6 =	vunpack.c.0.s8.s32 v6;
	s24 =	sshrl.u32 s3, $0x3;
	s0 =	smax.u32 s0, $0x1;
	[dreg:$0x12] =	wrdreg s29  }
0xe: {  	v0 =	vimm.s32 $0x140;
	v4 =	vmul.u32 $0x2, v3;
	v7 =	vunpack.c.0.s8.s32 v5;
	s30 =	sadd.s32 $0x2400, s28;
	s8 =	sadd.s32 s12, s24;
	[dreg:$0x11] =	wrdreg s0  }
0xf: {  	v8 =	vadd.s32 $0x1, v3;
	v2 =	vunpack.c.0.s8.s32 v2;
	v6 =	vand.u32 $0xF, v6;
	[dreg:$0x13] =	wrdreg s30;
	s26 =	sadd.s32 $0x480, s8  }
0x10: {  	v5 =	vmul.u32 $0x200, v3;
	s1 =	simm.s32 $0x0;
	s12 =	simm.s32 $0x1;
	v6 =	vcombine.low v7, v6;
	v7 =	vor.u32 $0x80000000, v3;
	[dreg:$0xe] =	wrdreg s26  }
.LBB2_21:
0x11: {  	s0 =	rddreg [dreg:$0xf];
	s1 =	simm.s32 $0x9500  }
0x12: {  	[hbm4b:s0+s2] =	stream.linear.scatter [tilespmem:s1], [sflag:$0x1], $0x80, $0x38;
	[tilespmem:$0x9580] =	vst v63  }
0x13: {  	_ =	swait.ge [sflag:s12], $0x80  }
0x14: {  	s30 =	rddreg [dreg:$0x14]  }
0x15: {  	s31 =	rddreg [dreg:$0x11];
	s1 =	sadd.s32 $0x1, s30  }
0x16: {  	p0 =	sne.s32 s1, s31  }
.Ltmp1:
0x17: {  	_ = 	snop;
	(pc) =	sbr.rel @!p0 .LBB2_22-.Ltmp1, $3  }
0x18: {  	_ =	sdelay $0x1  }
0x19: {  	[sflag:s12] =	ssyncset.done $0x0  }
0x1a: {  	[sflag:s12] =	ssyncadd.s32 $0xFFFFFF80  }
.LBB2_1:
0x1b: {  	[dreg:$0x14] =	wrdreg s1;
	s0 =	simm.s32 $0x40;
	s1 =	simm.s32 $0x0  }
.LBB2_2:
0x1c: {  	p0 =	sne.s32 s0, $0x23FC0;
	[tilespmem:s1+$0x400] =	vst v0;
	s1 =	smov.u32 s0;
	s0 =	sadd.s32 $0x40, s0  }
.Ltmp2:
0x1d: {  	(pc) =	sbr.rel @p0 .LBB2_2-.Ltmp2, $2  }
0x1e: {  	_ =	sdelay $0x2  }
0x1f: {  	s1 =	sshra.s32 s1, $0x2  }
.Ltmp3:
0x20: {  	[tilespmem:s1+$0x400] =	vst v0;
	(pc) =	sbr.rel .LBB2_4-.Ltmp3, $4  }
0x21: {  	[tilespmem:$0x9400] =	vst v1  }
0x22: {  	[tilespmem:$0x9410] =	vst v1  }
0x23: {  	[tilespmem:$0x9480] =	vst v1  }
0x24: {  	s19 =	rddreg [dreg:$0x10];
	s0 =	simm.s32 $0x0;
	[tilespmem:$0x9490] =	vst v1  }
.LBB2_12:
0x25: {  	s0 =	rddreg [dreg:$0x16]  }
0x26: {  	s0 =	sadd.s32 $0x1, s0  }
0x27: {  	p0 =	sne.s32 s0, $0x9  }
.Ltmp4:
0x28: {  	_ = 	snop;
	(pc) =	sbr.rel @!p0 .LBB2_13-.Ltmp4, $3  }
0x29: {  	_ =	sdelay $0x1  }
0x2a: {  	s19 =	rddreg [dreg:$0x15]  }
0x2b: {  	s19 =	sadd.s32 $0x400, s19  }
.LBB2_4:
0x2c: {  	s29 =	sshll.u32 s0, $0xA;
	s1 =	rddreg [dreg:$0xc]  }
0x2d: {  	[dreg:$0x16] =	wrdreg s0;
	s0 =	sadd.s32 s1, s29  }
0x2e: {  	s30 =	rddreg [dreg:$0xd];
	s0 =	sshrl.u32 s0, $0x3  }
0x2f: {  	s31 =	simm.s32 $0x0;
	s0 =	sadd.s32 s30, s0  }
0x30: {  	[tilespmem:s31], [sflag:$0x1] =	stream.linear.gather [hbm4b:s0+s31], $0x400, $0x38;
	[tilespmem:$0x9580] =	vst v63  }
0x31: {  	_ =	swait.ge [sflag:s12], $0x400  }
0x32: {  	[sflag:s12] =	ssyncset.done $0x0  }
0x33: {  	s20 =	simm.s32 $0x0;
	[dreg:$0x15] =	wrdreg s19;
	[sflag:s12] =	ssyncadd.s32 $0xFFFFFC00  }
.LBB2_5:
0x34: {  	s0 =	sshra.s32 s20, $0x2  }
0x35: {  	v10 =	vld [tilespmem:s0+$0x0];
	_ =	sdelay $0x4  }
0x36: {  	(v2sf) =	vpush v10, $0xD;
	_ =	sdelay $0x1  }
0x37: {  	(v2sf) =	vpush v10, $0xC;
	_ =	sdelay $0x1  }
0x38: {  	(v2sf) =	vpush v10, $0xE;
	_ =	sdelay $0x1  }
0x39: {  	(v2sf) =	vpush v10, $0xF;
	_ =	sdelay $0x1  }
0x3a: {  	(v2sf) =	vpush v10, $0x9;
	_ =	sdelay $0x1  }
0x3b: {  	(v2sf) =	vpush v10, $0x8;
	_ =	sdelay $0x1  }
0x3c: {  	(v2sf) =	vpush v10, $0xA;
	_ =	sdelay $0x1  }
0x3d: {  	(v2sf) =	vpush v10, $0xB  }
0x3e: {  	(v2sf) =	vpush v10, $0x0;
	s7 =	spop (v2sf)  }
0x3f: {  	(v2sf) =	vpush v10, $0x1;
	s1 =	smulhi.u32 $0x66666667, s7;
	s0 =	sshra.s32 s7, $0x1F  }
0x40: {  	s21 =	spop (v2sf);
	s22 =	smul.u32 $0x66666667, s0  }
0x41: {  	s23 =	smulhi.u32 $0x66666667, s21;
	s8 =	sshra.s32 s21, $0x1F  }
0x42: {  	(v2sf) =	vpush v10, $0x2;
	s9 =	spop (v2sf);
	s24 =	smul.u32 $0x66666667, s8  }
0x43: {  	s25 =	smulhi.u32 $0x66666667, s9;
	s21 =	sshra.s32 s9, $0x1F  }
0x44: {  	(v2sf) =	vpush v10, $0x3;
	s10 =	spop (v2sf);
	s21 =	smul.u32 $0x66666667, s21  }
0x45: {  	(v2sf) =	vpush v10, $0x4;
	s29 =	smulhi.u32 $0x66666667, s10;
	s0 =	sshra.s32 s10, $0x1F  }
0x46: {  	(v2sf) =	vpush v10, $0x5;
	s26 =	spop (v2sf);
	s31 =	smul.u32 $0x66666667, s0  }
0x47: {  	(v2sf) =	vpush v10, $0x6;
	s14 =	smulhi.u32 $0x66666667, s26;
	s11 =	sshra.s32 s26, $0x1F  }
0x48: {  	(v2sf) =	vpush v10, $0x7;
	s28 =	spop (v2sf);
	s7 =	smul.u32 $0x66666667, s11  }
0x49: {  	s8 =	smulhi.u32 $0x66666667, s28;
	s18 =	sshra.s32 s28, $0x1F  }
0x4a: {  	s24 =	sadd.s32 s24, s23;
	s30 =	spop (v2sf);
	s11 =	smul.u32 $0x66666667, s18  }
0x4b: {  	s23 =	sshrl.u32 s24, $0x1F;
	s3 =	smulhi.u32 $0x66666667, s30;
	s30 =	sshra.s32 s30, $0x1F  }
0x4c: {  	s13 =	spop (v2sf);
	s31 =	sadd.s32 s31, s29;
	s16 =	smul.u32 $0x66666667, s30  }
0x4d: {  	s6 =	spop (v2sf);
	s10 =	smulhi.u32 $0x66666667, s13;
	s26 =	sshra.s32 s13, $0x1F  }
0x4e: {  	s13 =	sadd.s32 s22, s1;
	s22 =	sadd.s32 s21, s25;
	s9 =	spop (v2sf)  }
0x4f: {  	s29 =	sadd.s32 s7, s14;
	[dreg:$0x17] =	wrdreg s13;
	s1 =	smul.u32 $0x66666667, s26  }
0x50: {  	s18 =	smulhi.u32 $0x66666667, s6;
	s6 =	sshra.s32 s6, $0x1F;
	s13 =	sshrl.u32 s13, $0x1F  }
0x51: {  	s30 =	sadd.s32 s11, s8;
	s28 =	spop (v2sf);
	s26 =	smul.u32 $0x66666667, s6  }
0x52: {  	s21 =	smulhi.u32 $0x66666667, s9;
	s6 =	sshra.s32 s9, $0x1F;
	s9 =	sshrl.u32 s22, $0x1F  }
0x53: {  	s3 =	sadd.s32 s16, s3;
	s15 =	spop (v2sf);
	s25 =	smul.u32 $0x66666667, s6  }
0x54: {  	s7 =	smulhi.u32 $0x66666667, s28;
	s28 =	sshra.s32 s28, $0x1F;
	s4 =	spop (v2sf)  }
0x55: {  	s6 =	sshrl.u32 s31, $0x1F;
	s8 =	smul.u32 $0x66666667, s28;
	s17 =	spop (v2sf)  }
0x56: {  	s11 =	smulhi.u32 $0x66666667, s15;
	s15 =	sshra.s32 s15, $0x1F;
	s0 =	spop (v2sf)  }
0x57: {  	s1 =	sadd.s32 s1, s10;
	s10 =	smul.u32 $0x66666667, s15;
	s16 =	spop (v2sf)  }
0x58: {  	s15 =	sadd.s32 s26, s18;
	s28 =	smulhi.u32 $0x66666667, s16;
	s14 =	sshra.s32 s16, $0x1F  }
0x59: {  	s18 =	sshrl.u32 s29, $0x1F;
	s21 =	sadd.s32 s25, s21;
	s14 =	smul.u32 $0x66666667, s14  }
0x5a: {  	s7 =	sadd.s32 s8, s7;
	s8 =	smulhi.u32 $0x66666667, s4;
	s4 =	sshra.s32 s4, $0x1F  }
0x5b: {  	s25 =	sshrl.u32 s30, $0x1F;
	s4 =	smul.u32 $0x66666667, s4;
	s28 =	sadd.s32 s14, s28  }
0x5c: {  	v12 =	vmov s23;
	v14 =	vmov s25;
	s10 =	sadd.s32 s10, s11;
	s11 =	sshrl.u32 s21, $0x1F;
	s26 =	sshra.s32 s28, $0x1F  }
0x5d: {  	v12 =	vsel vm0, s13, v12;
	v14 =	vsel vm0, s18, v14;
	s18 =	sshra.s32 s29, $0x7;
	s13 =	smulhi.u32 $0x66666667, s17;
	s16 =	sshra.s32 s15, $0x7;
	v11 =	vmov s26  }
0x5e: {  	s23 =	sshra.s32 s17, $0x1F;
	s26 =	sshrl.u32 s15, $0x1F;
	s15 =	sshra.s32 s15, $0x1F;
	v11 =	vsel vm3, s16, v11  }
0x5f: {  	s4 =	sadd.s32 s4, s8;
	s14 =	sshrl.u32 s3, $0x1F;
	v13 =	vmov s26;
	s26 =	sshra.s32 s21, $0x7;
	v11 =	vsel vm10, s15, v11  }
0x60: {  	v12 =	vsel vm1, s9, v12;
	s8 =	sshrl.u32 s1, $0x1F;
	s23 =	smul.u32 $0x66666667, s23;
	v14 =	vsel vm1, s14, v14;
	v11 =	vsel vm0, s26, v11;
	s26 =	sshra.s32 s21, $0x1F  }
0x61: {  	v12 =	vsel vm2, s6, v12;
	s17 =	sshra.s32 s7, $0x7;
	s6 =	smulhi.u32 $0x66666667, s0;
	s0 =	sshra.s32 s0, $0x1F;
	v14 =	vsel vm2, s8, v14;
	v11 =	vsel vm11, s26, v11  }
0x62: {  	v56 =	vsub.s32 $0x0, v10;
	v12 =	vcombine.low v14, v12;
	s16 =	sshra.s32 s30, $0x7;
	s15 =	sshrl.u32 s7, $0x1F;
	s7 =	sshra.s32 s7, $0x1F;
	v11 =	vsel vm1, s17, v11  }
0x63: {  	s25 =	sshra.s32 s10, $0x7;
	s1 =	sshra.s32 s1, $0x7;
	s0 =	smul.u32 $0x66666667, s0;
	v13 =	vnsel vm3, $0x0, v13;
	v15 =	vmov s16;
	v11 =	vsel vm12, s7, v11  }
0x64: {  	s9 =	sadd.s32 s23, s13;
	v13 =	vsel vm0, s11, v13;
	s21 =	sshrl.u32 s10, $0x1F;
	s10 =	sshra.s32 s10, $0x1F;
	v15 =	vsel vm0, s18, v15;
	v11 =	vsel vm2, s25, v11  }
0x65: {  	s23 =	sshrl.u32 s4, $0x1F;
	s3 =	sshra.s32 s3, $0x7;
	s14 =	sshra.s32 s4, $0x7;
	v12 =	vperm.xlane v12, v2;
	v13 =	vsel vm1, s15, v13;
	v11 =	vsel vm13, s10, v11  }
0x66: {  	s4 =	sshra.s32 s4, $0x1F;
	s15 =	sshra.s32 s24, $0x7;
	v15 =	vsel vm1, s3, v15;
	v13 =	vsel vm2, s21, v13;
	s17 =	rddreg [dreg:$0x17];
	v11 =	vsel vm4, s14, v11  }
0x67: {  	s0 =	sadd.s32 s0, s6;
	v55 =	vmov s15;
	s21 =	sshra.s32 s9, $0x7;
	v15 =	vsel vm2, s1, v15;
	s6 =	sshra.s32 s17, $0x7;
	v11 =	vsel vm14, s4, v11  }
0x68: {  	s26 =	sshrl.u32 s9, $0x1F;
	s24 =	sshra.s32 s9, $0x1F;
	v13 =	vsel vm4, s23, v13;
	s23 =	sshra.s32 s22, $0x7;
	v14 =	vsel vm0, s6, v55;
	v11 =	vsel vm5, s21, v11  }
0x69: {  	s13 =	sshrl.u32 s0, $0x1F;
	v13 =	vsel vm5, s26, v13;
	s25 =	sshra.s32 s31, $0x7;
	s26 =	sshra.s32 s0, $0x7;
	v14 =	vsel vm1, s23, v14;
	v11 =	vsel vm15, s24, v11  }
0x6a: {  	s29 =	sshrl.u32 s28, $0x1F;
	s0 =	sshra.s32 s0, $0x1F;
	v13 =	vsel vm6, s13, v13;
	v14 =	vsel vm2, s25, v14;
	v11 =	vsel vm6, s26, v11  }
0x6b: {  	s30 =	sshra.s32 s28, $0x7;
	v13 =	vsel vm7, s29, v13;
	v14 =	vcombine.low v15, v14;
	v11 =	vsel vm9, s0, v11  }
0x6c: {  	vm2 =	vmmov vm1;
	v13 =	vperm.xlane v13, v4;
	v11 =	vsel vm7, s30, v11  }
0x6d: {  	vm1 =	vmmov vm0;
	v14 =	vperm.xlane v14, v2;
	v11 =	vperm.xlane v11, v4  }
0x6e: {  	vm0 =	vmmov vm8;
	v12 =	vsel vm8, v13, v12;
	vm9 =	vlt.s32 v10, $0x1  }
0x6f: {  	v11 =	vsel vm8, v11, v14;
	vm8 =	vmmov vm7;
	vm7 =	vmmov vm6  }
0x70: {  	vm6 =	vmmov vm5;
	vm5 =	vmmov vm4;
	v11 =	vadd.s32 v12, v11  }
0x71: {  	vm4 =	vmmov vm3;
	vm3 =	vmmov vm15;
	v12 =	vmul.u32 $0xFFFFFEC0, v11  }
0x72: {  	vm15 =	vmmov vm14;
	vm14 =	vmmov vm13;
	vm13 =	vmmov vm12  }
0x73: {  	vm12 =	vmmov vm11;
	vm11 =	vmmov vm10;
	vm10 =	vne.s32 v12, v56  }
0x74: {  	vm9 =	vmand vm9, vm10  }
0x75: {  	v57 =	vsel vm9, $0xFFFFFFFF, v1  }
0x76: {  	v11 =	vadd.s32 v57, v11  }
0x77: {  	v12 =	vxor.u32 $0x80000000, v11  }
0x78: {  	(xrf1) =	vsort.ascd.msk.u32 $0xffff, v12, v3;
	_ =	sdelay $0xd  }
0x79: {  	v12, v58, _ =	vpop (xrf1)  }
0x7a: {  	v12 =	vxor.u32 $0x80000000, v12  }
0x7b: {  	v59 =	vperm.xlane v12, v6;
	_ =	sdelay $0x1  }
0x7c: {  	vm9 =	veq.s32 v12, v59  }
0x7d: {  	v14 =	vsel vm9, $0x80000000, v7  }
0x7e: {  	(xrf0) =	vmax.scan.msk.u32 $0xffff, v14  }
0x7f: {  	s31 =	simm.s32 $0x9400  }
0x80: {  	v60 =	vld.idx.msk [tilespmem:v12+s31+$0x0], $0xffff;
	_ =	sdelay $0x2  }
0x81: {  	v61 =	vmul.u32 $0x480, v12  }
0x82: {  	v16, _, _ =	vpop (xrf0)  }
0x83: {  	v63 =	vmov s19;
	v14 =	vadd.s32 v61, v60;
	v62 =	vxor.u32 $0x7FFFFFFF, v16  }
0x84: {  	v15 =	vshll.u32 v63, $0x9;
	v11 =	vmul.u32 $0xFFFFFEC0, v11;
	v14 =	vadd.s32 v62, v14  }
0x85: {  	vm10 =	vmmov vm11;
	vm11 =	vmmov vm12;
	v14 =	vadd.s32 v8, v14  }
0x86: {  	p0 =	sne.s32 s20, $0xFC0;
	vm12 =	vmmov vm13;
	v10 =	vadd.s32 v10, v11;
	v11 =	vor.u32 v5, v15  }
.Ltmp5:
0x87: {  	vm13 =	vmmov vm14;
	vm14 =	vmmov vm15;
	v10 =	vor.u32 v11, v10;
	(pc) =	sbr.rel @p0 .LBB2_5-.Ltmp5, $4  }
0x88: {  	vm15 =	vmmov vm3;
	vm3 =	vmmov vm4;
	v10 =	vperm.xlane v10, v58  }
0x89: {  	s21 =	simm.s32 $0x400;
	vm4 =	vmmov vm5;
	vm5 =	vmmov vm6;
	vm6 =	vmmov vm7  }
0x8a: {  	vm7 =	vmmov vm8;
	vm8 =	vmmov vm0;
	vm0 =	vmmov vm1;
	[tilespmem:v14+s21+$0x0] =	vst.idx.msk $0xffff, v10  }
0x8b: {  	s19 =	sadd.s32 $0x10, s19;
	s20 =	sadd.s32 $0x40, s20;
	vm1 =	vmmov vm2;
	vm2 =	vcmask $0x1B18;
	vm9 =	vcmask $0x3734;
	[tilespmem:v12+s31+$0x0] =	vst.idx.add.s32.msk $0xffff, v9  }
.Ltmp6:
0x8c: {  	(pc) =	sbr.rel .LBB2_7-.Ltmp6, $2  }
0x8d: {  	_ =	sdelay $0x2  }
0x8e: {  	s19 =	simm.s32 $0x0;
	s20 =	simm.s32 $0x0;
	s6 =	rddreg [dreg:$0x12]  }
.LBB2_10:
0x8f: {  	s1 =	smul.u32 $0x1200, s20;
	_ =	sdelay $0x1  }
0x90: {  	s1 =	sshra.s32 s1, $0x2  }
0x91: {  	[sflag:s12] =	ssyncset.done $0x0;
	s3 =	sand.u32 $0xFFFFFF80, s24;
	s4 =	sadd.s32 $0x400, s1  }
0x92: {  	[sflag:s12] =	ssyncadd.s32 $0xFFFFFF80;
	s3 =	sadd.s32 s3, s4  }
0x93: {  	v11 =	vld [tilespmem:s3+$0x0];
	_ =	sdelay $0x4  }
0x94: {  	[tilespmem:s1+$0x400] =	vst v11  }
0x95: {  	v11 =	vld [tilespmem:s3+$0x10];
	_ =	sdelay $0x4  }
0x96: {  	[tilespmem:s1+$0x410] =	vst v11  }
0x97: {  	v11 =	vld [tilespmem:s3+$0x20];
	_ =	sdelay $0x4  }
0x98: {  	[tilespmem:s1+$0x420] =	vst v11  }
0x99: {  	v11 =	vld [tilespmem:s3+$0x30];
	_ =	sdelay $0x4  }
0x9a: {  	[tilespmem:s1+$0x430] =	vst v11  }
0x9b: {  	v11 =	vld [tilespmem:s3+$0x40];
	_ =	sdelay $0x4  }
0x9c: {  	[tilespmem:s1+$0x440] =	vst v11  }
0x9d: {  	v11 =	vld [tilespmem:s3+$0x50];
	_ =	sdelay $0x4  }
0x9e: {  	[tilespmem:s1+$0x450] =	vst v11  }
0x9f: {  	v11 =	vld [tilespmem:s3+$0x60];
	_ =	sdelay $0x4  }
0xa0: {  	[tilespmem:s1+$0x460] =	vst v11  }
0xa1: {  	v11 =	vld [tilespmem:s3+$0x70];
	_ =	sdelay $0x4  }
0xa2: {  	[tilespmem:s1+$0x470] =	vst v11  }
0xa3: {  	v11 =	vld [tilespmem:s22+$0x9400]  }
0xa4: {  	v12 =	vld [tilespmem:s22+$0x9480];
	_ =	sdelay $0x2  }
0xa5: {  	vm9 =	veq.s32 v10, v3;
	s31 =	sand.u32 $0x7F, s24  }
0xa6: {  	s0 =	sadd.s32 s23, s0;
	v10 =	vsel vm9, s31, v11  }
0xa7: {  	[tilespmem:s22+$0x9400] =	vst v10;
	v10 =	vsel vm9, s0, v12  }
0xa8: {  	vm9 =	vcmask $0x3734;
	[tilespmem:s22+$0x9480] =	vst v10  }
.LBB2_11:
0xa9: {  	s20 =	sadd.s32 $0x1, s20  }
0xaa: {  	p0 =	sne.s32 s20, $0x20  }
.Ltmp7:
0xab: {  	_ = 	snop;
	(pc) =	sbr.rel @!p0 .LBB2_12-.Ltmp7, $2  }
0xac: {  	_ =	sdelay $0x2  }
0xad: {  	s21 =	sadd.s32 $0x480, s21;
	s19 =	sadd.s32 $0x1, s19  }
.LBB2_7:
0xae: {  	s22 =	sand.u32 $0x10, s20  }
0xaf: {  	v11 =	vld [tilespmem:s22+$0x9400];
	_ =	sdelay $0x2  }
0xb0: {  	s0 =	sand.u32 $0xF, s20  }
0xb1: {  	v10 =	vmov s0  }
0xb2: {  	v11 =	vperm.xlane v11, v10;
	_ =	sdelay $0x1  }
0xb3: {  	v12 =	vld [tilespmem:s22+$0x9480];
	(v2sf) =	vpush v11, $0x0;
	_ =	sdelay $0x4  }
0xb4: {  	v11 =	vperm.xlane v12, v10;
	_ =	sdelay $0x1  }
0xb5: {  	(v2sf) =	vpush v11, $0x0;
	_ =	sdelay $0x7  }
0xb6: {  	s24 =	spop (v2sf)  }
0xb7: {  	s23 =	sshra.s32 s24, $0x7  }
0xb8: {  	p0 =	slt.s32 s23, $0x1  }
.Ltmp8:
0xb9: {  	_ = 	snop;
	(pc) =	sbr.rel @p0 .LBB2_11-.Ltmp8, $2  }
0xba: {  	_ =	sdelay $0x2  }
0xbb: {  	s0 =	spop (v2sf)  }
0xbc: {  	s1 =	sshrl.u32 s20, $0x3  }
0xbd: {  	s1 =	smul.u32 $0x14000, s1;
	_ =	sdelay $0x1  }
0xbe: {  	s3 =	sand.u32 $0x7, s19;
	s4 =	sshll.u32 s0, $0xA;
	s1 =	sadd.s32 s1, s6  }
0xbf: {  	p0 =	sne.s32 s23, $0x1;
	s3 =	sshll.u32 s3, $0x7;
	s1 =	sadd.s32 s4, s1  }
.Ltmp9:
0xc0: {  	s3 =	sadd.s32 s3, s1;
	(pc) =	sbr.rel @!p0 .LBB2_10-.Ltmp9, $4  }
0xc1: {  	s1 =	sshrl.u32 s3, $0x3  }
0xc2: {  	s26 =	smov.u32 s21;
	s1 =	sadd.s32 s5, s1  }
0xc3: {  	[hbm4b:s1+s2] =	stream.linear.scatter [tilespmem:s21], [sflag:$0x1], $0x80, $0x38;
	[tilespmem:$0x9580] =	vst v63  }
0xc4: {  	s25 =	sadd.s32 $0x400, s3;
	s1 =	sadd.s32 $0xFFFFFFFF, s23;
	_ =	swait.ge [sflag:s12], $0x80  }
.LBB2_9:
0xc5: {  	s3 =	sshrl.u32 s25, $0x3  }
0xc6: {  	[sflag:s12] =	ssyncset.done $0x0;
	s26 =	sadd.s32 $0x80, s26;
	p0 =	sne.s32 s1, $0x1  }
.Ltmp10:
0xc7: {  	s3 =	sadd.s32 s5, s3;
	[sflag:s12] =	ssyncadd.s32 $0xFFFFFF80;
	(pc) =	sbr.rel @p0 .LBB2_9-.Ltmp10, $3  }
0xc8: {  	[hbm4b:s3+s2] =	stream.linear.scatter [tilespmem:s26], [sflag:$0x1], $0x80, $0x38;
	[tilespmem:$0x9580] =	vst v63  }
0xc9: {  	s1 =	sadd.s32 $0xFFFFFFFF, s1;
	_ =	sdelay $0x1  }
0xca: {  	s25 =	sadd.s32 $0x400, s25;
	_ =	swait.ge [sflag:s12], $0x80  }
.Ltmp11:
0xcb: {  	_ = 	snop;
	(pc) =	sbr.rel .LBB2_10-.Ltmp11, $1  }
0xcc: {  	_ =	sdelay $0x3  }
.LBB2_13:
0xcd: {  	s0 =	simm.s32 $0x0;
	s1 =	rddreg [dreg:$0xe]  }
0xce: {  	[tilespmem:s0], [sflag:$0x1] =	stream.linear.gather [hbm4b:s1+s0], $0x310, $0x38;
	[tilespmem:$0x9580] =	vst v63  }
0xcf: {  	_ =	swait.ge [sflag:s12], $0x310  }
0xd0: {  	[sflag:s12] =	ssyncset.done $0x0  }
0xd1: {  	s25 =	simm.s32 $0x0;
	[sflag:s12] =	ssyncadd.s32 $0xFFFFFCF0  }
0xd2: {  	v11 =	vld [tilespmem:s25+$0x0];
	_ =	sdelay $0x4  }
0xd3: {  	(v2sf) =	vpush v11, $0x3  }
0xd4: {  	(v2sf) =	vpush v11, $0x5;
	_ =	sdelay $0x1  }
0xd5: {  	(v2sf) =	vpush v11, $0x2;
	_ =	sdelay $0x2  }
0xd6: {  	(v2sf) =	vpush v11, $0x0  }
0xd7: {  	(v2sf) =	vpush v11, $0x7;
	_ =	sdelay $0x2  }
0xd8: {  	(v2sf) =	vpush v11, $0x4  }
0xd9: {  	(v2sf) =	vpush v11, $0x1;
	_ =	sdelay $0x1  }
0xda: {  	(v2sf) =	vpush v11, $0xC;
	_ =	sdelay $0x1  }
0xdb: {  	(v2sf) =	vpush v11, $0xD;
	s26 =	spop (v2sf)  }
0xdc: {  	s28 =	spop (v2sf);
	s3 =	smulhi.u32 $0x66666667, s26  }
0xdd: {  	(v2sf) =	vpush v11, $0xE;
	s13 =	sshra.s32 s26, $0x1F;
	s9 =	smulhi.u32 $0x66666667, s28  }
0xde: {  	s4 =	spop (v2sf);
	s13 =	smul.u32 $0x66666667, s13  }
0xdf: {  	(v2sf) =	vpush v11, $0x8;
	s1 =	sshra.s32 s28, $0x1F;
	s6 =	smulhi.u32 $0x66666667, s4  }
0xe0: {  	(v2sf) =	vpush v11, $0x9;
	s4 =	sshra.s32 s4, $0x1F;
	s1 =	smul.u32 $0x66666667, s1  }
0xe1: {  	s7 =	spop (v2sf);
	s4 =	smul.u32 $0x66666667, s4  }
0xe2: {  	s8 =	spop (v2sf);
	s21 =	smulhi.u32 $0x66666667, s7  }
0xe3: {  	s7 =	sshra.s32 s7, $0x1F;
	s11 =	smulhi.u32 $0x66666667, s8  }
0xe4: {  	s8 =	sshra.s32 s8, $0x1F;
	s7 =	smul.u32 $0x66666667, s7  }
0xe5: {  	s3 =	sadd.s32 s13, s3;
	s10 =	spop (v2sf);
	s8 =	smul.u32 $0x66666667, s8  }
0xe6: {  	(v2sf) =	vpush v11, $0xF;
	s29 =	spop (v2sf);
	s14 =	sshra.s32 s10, $0x1F;
	s10 =	smulhi.u32 $0x66666667, s10  }
0xe7: {  	(v2sf) =	vpush v11, $0xA;
	s1 =	sadd.s32 s1, s9;
	s19 =	sadd.s32 s4, s6;
	s0 =	smulhi.u32 $0x66666667, s29  }
0xe8: {  	(v2sf) =	vpush v11, $0xB;
	s15 =	sshra.s32 s29, $0x1F;
	s16 =	spop (v2sf);
	s4 =	smul.u32 $0x66666667, s14  }
0xe9: {  	(v2sf) =	vpush v11, $0x6;
	s20 =	sshrl.u32 s19, $0x1F;
	s7 =	sadd.s32 s7, s21;
	s15 =	smul.u32 $0x66666667, s15  }
0xea: {  	s17 =	spop (v2sf);
	s18 =	sshra.s32 s16, $0x1F;
	s28 =	smulhi.u32 $0x66666667, s16  }
0xeb: {  	s16 =	sadd.s32 s8, s11;
	s9 =	sshrl.u32 s7, $0x1F;
	s14 =	smulhi.u32 $0x66666667, s17  }
0xec: {  	s22 =	sshra.s32 s17, $0x1F;
	s23 =	spop (v2sf);
	s17 =	smul.u32 $0x66666667, s18  }
0xed: {  	s4 =	sadd.s32 s4, s10;
	s6 =	sadd.s32 s15, s0;
	s15 =	sshra.s32 s19, $0x7  }
0xee: {  	s0 =	spop (v2sf);
	s24 =	sshra.s32 s23, $0x1F;
	s22 =	smul.u32 $0x66666667, s22  }
0xef: {  	s8 =	smulhi.u32 $0x66666667, s23;
	s23 =	sshra.s32 s16, $0x1F;
	s30 =	spop (v2sf)  }
0xf0: {  	s25 =	sshra.s32 s0, $0x1F;
	s28 =	sadd.s32 s17, s28;
	v10 =	vmov s23;
	s23 =	sshra.s32 s7, $0x7  }
0xf1: {  	s7 =	sshra.s32 s7, $0x1F;
	s31 =	sshra.s32 s6, $0x7;
	s0 =	smulhi.u32 $0x66666667, s0  }
0xf2: {  	s26 =	sshra.s32 s30, $0x1F;
	s14 =	sadd.s32 s22, s14;
	s18 =	smulhi.u32 $0x66666667, s30  }
0xf3: {  	s13 =	sshrl.u32 s28, $0x1F;
	v10 =	vsel vm3, s23, v10;
	s23 =	sshrl.u32 s3, $0x1F;
	s21 =	smul.u32 $0x66666667, s26  }
0xf4: {  	s17 =	sshra.s32 s14, $0x7;
	s14 =	sshrl.u32 s14, $0x1F;
	v10 =	vsel vm10, s7, v10;
	s7 =	smul.u32 $0x66666667, s25  }
0xf5: {  	s25 =	sshra.s32 s3, $0x7;
	s3 =	sshra.s32 s3, $0x1F;
	s29 =	spop (v2sf)  }
0xf6: {  	s11 =	sshra.s32 s29, $0x1F;
	s22 =	spop (v2sf);
	s26 =	smulhi.u32 $0x66666667, s29  }
0xf7: {  	s30 =	sshra.s32 s22, $0x1F;
	s10 =	spop (v2sf);
	s22 =	smulhi.u32 $0x66666667, s22  }
0xf8: {  	s18 =	sadd.s32 s21, s18;
	s11 =	smul.u32 $0x66666667, s11;
	s21 =	spop (v2sf)  }
0xf9: {  	s0 =	sadd.s32 s7, s0;
	s29 =	smulhi.u32 $0x66666667, s21;
	s21 =	sshra.s32 s21, $0x1F  }
0xfa: {  	v12 =	vmov s9;
	v10 =	vsel vm0, s31, v10;
	s9 =	smul.u32 $0x66666667, s21;
	s21 =	sshra.s32 s6, $0x1F;
	s6 =	sshrl.u32 s6, $0x1F  }
0xfb: {  	v12 =	vnsel vm3, $0x0, v12;
	v10 =	vsel vm11, s21, v10;
	s21 =	sshra.s32 s28, $0x7;
	s28 =	smulhi.u32 $0x66666667, s10;
	s10 =	sshra.s32 s10, $0x1F  }
0xfc: {  	v13 =	vmov s13;
	v12 =	vsel vm0, s6, v12;
	s6 =	sshra.s32 s18, $0x7;
	s18 =	sshrl.u32 s18, $0x1F;
	v10 =	vsel vm1, s15, v10;
	s15 =	sshra.s32 s19, $0x1F  }
0xfd: {  	v13 =	vsel vm0, s14, v13;
	s19 =	smul.u32 $0x66666667, s24;
	v12 =	vsel vm1, s20, v12;
	s9 =	sadd.s32 s9, s29;
	s20 =	sshrl.u32 s4, $0x1F  }
0xfe: {  	s24 =	sshrl.u32 s1, $0x1F;
	s29 =	sshra.s32 s1, $0x7;
	v14 =	vmov s21;
	s14 =	smul.u32 $0x66666667, s10;
	v10 =	vsel vm12, s15, v10;
	v12 =	vsel vm2, s23, v12  }
0xff: {  	s23 =	sshra.s32 s4, $0x7;
	s15 =	sshra.s32 s0, $0x7;
	s0 =	sshrl.u32 s0, $0x1F;
	v14 =	vsel vm0, s17, v14;
	v10 =	vsel vm2, s25, v10;
	v12 =	vsel vm4, s20, v12  }
0x100: {  	s8 =	sadd.s32 s19, s8;
	s25 =	smul.u32 $0x66666667, s30;
	v15 =	vmov s15;
	v16 =	vmov s0;
	v10 =	vsel vm13, s3, v10;
	s3 =	sadd.s32 s11, s26  }
0x101: {  	v12 =	vsel vm5, s24, v12;
	s26 =	sshrl.u32 s9, $0x1F;
	s13 =	sshrl.u32 s8, $0x1F;
	s8 =	sshra.s32 s8, $0x7;
	v15 =	vsel vm0, s6, v15;
	v16 =	vsel vm0, s18, v16  }
0x102: {  	s4 =	sshra.s32 s4, $0x1F;
	v10 =	vsel vm4, s23, v10;
	v12 =	vsel vm6, s26, v12;
	s30 =	sadd.s32 s25, s22;
	v14 =	vsel vm1, s8, v14;
	s23 =	sshra.s32 s3, $0x7  }
0x103: {  	s20 =	sadd.s32 s14, s28;
	v13 =	vsel vm1, s13, v13;
	s25 =	sshrl.u32 s3, $0x1F;
	v10 =	vsel vm14, s4, v10;
	s21 =	sshra.s32 s30, $0x7;
	v14 =	vsel vm2, s23, v14  }
0x104: {  	s17 =	sshra.s32 s1, $0x1F;
	s24 =	sshra.s32 s20, $0x7;
	s22 =	sshrl.u32 s30, $0x1F;
	v13 =	vsel vm2, s25, v13;
	v10 =	vsel vm5, s29, v10;
	v15 =	vsel vm1, s21, v15  }
0x105: {  	s19 =	sshra.s32 s9, $0x7;
	s1 =	sshrl.u32 s20, $0x1F;
	v16 =	vsel vm1, s22, v16;
	v10 =	vsel vm15, s17, v10;
	v15 =	vsel vm2, s24, v15  }
0x106: {  	s28 =	sshra.s32 s9, $0x1F;
	s26 =	sshrl.u32 s16, $0x1F;
	v16 =	vsel vm2, s1, v16;
	v10 =	vsel vm6, s19, v10;
	v14 =	vcombine.low v15, v14  }
0x107: {  	v12 =	vsel vm7, s26, v12;
	s29 =	sshra.s32 s16, $0x7;
	v13 =	vcombine.low v16, v13;
	v10 =	vsel vm9, s28, v10  }
0x108: {  	v12 =	vperm.xlane v12, v4;
	v10 =	vsel vm7, s29, v10;
	v14 =	vperm.xlane v14, v2  }
0x109: {  	v13 =	vperm.xlane v13, v2;
	v10 =	vperm.xlane v10, v4;
	_ =	sdelay $0x1  }
0x10a: {  	v12 =	vsel vm8, v12, v13;
	v10 =	vsel vm8, v10, v14  }
0x10b: {  	v10 =	vadd.s32 v12, v10  }
0x10c: {  	v60 =	vsub.s32 $0x0, v11;
	vm15 =	vmmov vm14;
	v12 =	vmul.u32 $0xFFFFFEC0, v10  }
0x10d: {  	vm14 =	vmmov vm13;
	vm13 =	vmmov vm12;
	vm12 =	vmmov vm11  }
0x10e: {  	vm11 =	vmmov vm10;
	vm9 =	vlt.s32 v11, $0x1;
	vm10 =	vne.s32 v12, v60  }
0x10f: {  	vm9 =	vmand vm9, vm10  }
0x110: {  	v61 =	vsel vm9, $0xFFFFFFFF, v1  }
0x111: {  	v10 =	vadd.s32 v61, v10  }
0x112: {  	s30 =	rddreg [dreg:$0x13];
	v12 =	vmul.u32 $0xFFFFFEC0, v10  }
0x113: {  	v62 =	vmov s30;
	v63 =	vxor.u32 $0x80000000, v10  }
0x114: {  	s31 =	simm.s32 $0x40;
	s1 =	smov.u32 s30;
	v10 =	vshll.u32 v62, $0x9;
	(xrf1) =	vsort.ascd.msk.u32 $0xffff, v63, v3;
	v11 =	vadd.s32 v11, v12  }
.LBB2_14:
0x115: {  	_ =	sdelay $0xc  }
0x116: {  	v13, v14, _ =	vpop (xrf1)  }
0x117: {  	v13 =	vxor.u32 $0x80000000, v13  }
0x118: {  	v15 =	vperm.xlane v13, v6;
	_ =	sdelay $0x1  }
0x119: {  	vm9 =	veq.s32 v13, v15  }
0x11a: {  	v15 =	vsel vm9, $0x80000000, v7  }
0x11b: {  	(xrf0) =	vmax.scan.msk.u32 $0xffff, v15  }
0x11c: {  	s3 =	simm.s32 $0x9400  }
0x11d: {  	v54 =	vld.idx.msk [tilespmem:v13+s3+$0x0], $0xffff;
	_ =	sdelay $0x2  }
0x11e: {  	v16 =	vmul.u32 $0x480, v13  }
0x11f: {  	v17, _, _ =	vpop (xrf0)  }
0x120: {  	v15 =	vadd.s32 v16, v54;
	v17 =	vxor.u32 $0x7FFFFFFF, v17  }
0x121: {  	v15 =	vadd.s32 v17, v15  }
0x122: {  	v15 =	vadd.s32 v8, v15  }
0x123: {  	v55 =	vor.u32 v5, v10  }
0x124: {  	v11 =	vor.u32 v55, v11  }
0x125: {  	v11 =	vperm.xlane v11, v14  }
0x126: {  	s17 =	rddreg [dreg:$0x3]  }
0x127: {  	s0 =	smov.u32 s31;
	[tilespmem:v15+s17+$0x0] =	vst.idx.msk $0xffff, v11  }
0x128: {  	s0 =	sshra.s32 s0, $0x2;
	[tilespmem:v13+s3+$0x0] =	vst.idx.add.s32.msk $0xffff, v9  }
0x129: {  	v11 =	vld [tilespmem:s0+$0x0];
	_ =	sdelay $0x4  }
0x12a: {  	(v2sf) =	vpush v11, $0x3  }
0x12b: {  	(v2sf) =	vpush v11, $0x5  }
0x12c: {  	(v2sf) =	vpush v11, $0x2;
	_ =	sdelay $0x2  }
0x12d: {  	(v2sf) =	vpush v11, $0x0  }
0x12e: {  	(v2sf) =	vpush v11, $0x7;
	_ =	sdelay $0x1  }
0x12f: {  	(v2sf) =	vpush v11, $0x4  }
0x130: {  	(v2sf) =	vpush v11, $0x1;
	_ =	sdelay $0x2  }
0x131: {  	(v2sf) =	vpush v11, $0xC  }
0x132: {  	(v2sf) =	vpush v11, $0xD;
	_ =	sdelay $0x1  }
0x133: {  	s18 =	spop (v2sf)  }
0x134: {  	(v2sf) =	vpush v11, $0xE;
	s19 =	spop (v2sf);
	s23 =	smulhi.u32 $0x66666667, s18  }
0x135: {  	s20 =	spop (v2sf);
	s21 =	smulhi.u32 $0x66666667, s19  }
0x136: {  	s1 =	sadd.s32 $0x10, s1;
	(v2sf) =	vpush v11, $0x8;
	s7 =	sshra.s32 s19, $0x1F;
	s4 =	smulhi.u32 $0x66666667, s20  }
0x137: {  	[dreg:$0x4] =	wrdreg s1;
	s3 =	sshra.s32 s20, $0x1F;
	s7 =	smul.u32 $0x66666667, s7  }
0x138: {  	(v2sf) =	vpush v11, $0x9;
	s6 =	spop (v2sf);
	s3 =	smul.u32 $0x66666667, s3  }
0x139: {  	s8 =	spop (v2sf);
	s15 =	sshra.s32 s6, $0x1F;
	s6 =	smulhi.u32 $0x66666667, s6  }
0x13a: {  	(v2sf) =	vpush v11, $0xF;
	[dreg:$0x5] =	wrdreg s21;
	s10 =	smulhi.u32 $0x66666667, s8  }
0x13b: {  	s30 =	spop (v2sf);
	s8 =	sshra.s32 s8, $0x1F;
	s15 =	smul.u32 $0x66666667, s15  }
0x13c: {  	s9 =	sshra.s32 s18, $0x1F;
	s24 =	spop (v2sf);
	s25 =	smul.u32 $0x66666667, s8  }
0x13d: {  	[dreg:$0x6] =	wrdreg s7;
	s22 =	sshra.s32 s30, $0x1F;
	s0 =	smulhi.u32 $0x66666667, s24  }
0x13e: {  	s3 =	sadd.s32 s3, s4;
	s11 =	sshra.s32 s24, $0x1F;
	s8 =	smul.u32 $0x66666667, s22  }
0x13f: {  	s7 =	spop (v2sf);
	s26 =	sshrl.u32 s3, $0x1F;
	s11 =	smul.u32 $0x66666667, s11  }
0x140: {  	s13 =	spop (v2sf);
	s14 =	sshra.s32 s7, $0x1F;
	s7 =	smulhi.u32 $0x66666667, s7  }
0x141: {  	s28 =	sshra.s32 s3, $0x7;
	[dreg:$0xa] =	wrdreg s26;
	s26 =	smul.u32 $0x66666667, s9  }
0x142: {  	s6 =	sadd.s32 s15, s6;
	[dreg:$0x9] =	wrdreg s28;
	s29 =	smulhi.u32 $0x66666667, s13  }
0x143: {  	(v2sf) =	vpush v11, $0xA;
	s18 =	sshra.s32 s13, $0x1F;
	s21 =	spop (v2sf);
	s16 =	smul.u32 $0x66666667, s14  }
0x144: {  	s0 =	sadd.s32 s11, s0;
	s13 =	sshra.s32 s21, $0x1F;
	s20 =	smul.u32 $0x66666667, s18  }
0x145: {  	s22 =	spop (v2sf);
	s18 =	sadd.s32 s25, s10;
	s25 =	smulhi.u32 $0x66666667, s21  }
0x146: {  	(v2sf) =	vpush v11, $0xB;
	s14 =	sadd.s32 s26, s23;
	s26 =	smulhi.u32 $0x66666667, s30;
	[dreg:$0x8] =	wrdreg s13  }
0x147: {  	s17 =	sshra.s32 s22, $0x1F;
	s19 =	spop (v2sf);
	s10 =	sshra.s32 s18, $0x1F  }
0x148: {  	s11 =	sadd.s32 s16, s7;
	s4 =	sshrl.u32 s14, $0x1F;
	s22 =	smulhi.u32 $0x66666667, s22  }
0x149: {  	(v2sf) =	vpush v11, $0x6;
	[dreg:$0xb] =	wrdreg s17;
	s24 =	sshra.s32 s19, $0x1F;
	s28 =	spop (v2sf)  }
0x14a: {  	v12 =	vmov s1;
	[dreg:$0x7] =	wrdreg s25;
	s1 =	sadd.s32 s20, s29;
	v56 =	vmov s10;
	s10 =	smulhi.u32 $0x66666667, s19  }
0x14b: {  	s13 =	sshrl.u32 s11, $0x1F;
	s19 =	sshra.s32 s0, $0x1F;
	s20 =	sshra.s32 s14, $0x7  }
0x14c: {  	s14 =	sshra.s32 s14, $0x1F;
	s30 =	sshra.s32 s11, $0x7;
	s29 =	sshra.s32 s6, $0x7  }
0x14d: {  	s8 =	sadd.s32 s8, s26;
	s26 =	rddreg [dreg:$0x8];
	s17 =	sshra.s32 s28, $0x1F  }
0x14e: {  	v12 =	vshll.u32 v12, $0x9;
	s9 =	sshra.s32 s1, $0x7;
	s25 =	sshrl.u32 s1, $0x1F;
	s1 =	smulhi.u32 $0x66666667, s28  }
0x14f: {  	v10 =	vmov v12;
	s28 =	sshrl.u32 s6, $0x1F;
	v12 =	vsel vm3, s29, v56;
	s6 =	sshra.s32 s6, $0x1F;
	s24 =	smul.u32 $0x66666667, s24  }
0x150: {  	s29 =	rddreg [dreg:$0xa];
	v57 =	vmov s28;
	s28 =	sshrl.u32 s0, $0x1F;
	v12 =	vsel vm11, s6, v12;
	s0 =	sshra.s32 s0, $0x7  }
0x151: {  	v13 =	vnsel vm3, $0x0, v57;
	v12 =	vsel vm0, s0, v12;
	s0 =	smul.u32 $0x66666667, s17;
	s10 =	sadd.s32 s24, s10;
	s24 =	rddreg [dreg:$0x9]  }
0x152: {  	s11 =	sshra.s32 s3, $0x1F;
	s21 =	spop (v2sf);
	v13 =	vsel vm0, s28, v13;
	s28 =	rddreg [dreg:$0x5]  }
0x153: {  	v12 =	vsel vm12, s19, v12;
	s7 =	sshra.s32 s21, $0x1F;
	s6 =	smulhi.u32 $0x66666667, s21;
	s21 =	sshrl.u32 s18, $0x1F  }
0x154: {  	v13 =	vsel vm1, s29, v13;
	v12 =	vsel vm1, s24, v12;
	s24 =	sshrl.u32 s8, $0x1F;
	s29 =	rddreg [dreg:$0x6];
	s0 =	sadd.s32 s0, s1  }
0x155: {  	v12 =	vsel vm13, s11, v12;
	s11 =	sshra.s32 s8, $0x1F;
	s7 =	smul.u32 $0x66666667, s7;
	s23 =	spop (v2sf)  }
0x156: {  	v58 =	vmov s13;
	s3 =	smulhi.u32 $0x66666667, s23;
	s17 =	sshra.s32 s23, $0x1F;
	s23 =	rddreg [dreg:$0xb]  }
0x157: {  	v14 =	vsel vm0, s25, v58;
	s25 =	sadd.s32 s29, s28;
	v13 =	vsel vm2, s4, v13;
	s8 =	sshra.s32 s8, $0x7;
	s13 =	smul.u32 $0x66666667, s23  }
0x158: {  	v12 =	vsel vm2, s20, v12;
	v13 =	vsel vm4, s24, v13;
	s24 =	sshrl.u32 s25, $0x1F;
	s23 =	smul.u32 $0x66666667, s26;
	s15 =	spop (v2sf)  }
0x159: {  	s28 =	sshra.s32 s25, $0x7;
	v12 =	vsel vm14, s14, v12;
	s16 =	smulhi.u32 $0x66666667, s15;
	s15 =	sshra.s32 s15, $0x1F  }
0x15a: {  	s20 =	sshra.s32 s25, $0x1F;
	v12 =	vsel vm4, s8, v12;
	s26 =	rddreg [dreg:$0x7];
	s15 =	smul.u32 $0x66666667, s15  }
0x15b: {  	vm9 =	vcmask $0x2F2C;
	v59 =	vmov s30;
	s14 =	sshrl.u32 s0, $0x1F;
	s6 =	sadd.s32 s7, s6;
	v12 =	vsel vm15, s11, v12;
	s8 =	sadd.s32 s23, s26  }
0x15c: {  	v15 =	vsel vm0, s9, v59;
	v13 =	vsel vm5, s24, v13;
	s13 =	sadd.s32 s13, s22;
	v12 =	vsel vm5, s28, v12;
	s29 =	sshrl.u32 s8, $0x1F;
	s4 =	sadd.s32 s15, s16  }
0x15d: {  	s1 =	sshrl.u32 s13, $0x1F;
	s22 =	sshra.s32 s8, $0x7;
	v12 =	vsel vm9, s20, v12;
	vm9 =	vcmask $0x3734;
	v14 =	vsel vm1, s29, v14;
	s16 =	sshrl.u32 s4, $0x1F  }
0x15e: {  	s0 =	sshra.s32 s0, $0x7;
	s17 =	smul.u32 $0x66666667, s17;
	v61 =	vmov s1;
	v15 =	vsel vm1, s22, v15;
	v13 =	vsel vm6, s16, v13;
	s16 =	sshra.s32 s13, $0x7  }
0x15f: {  	s19 =	sshra.s32 s10, $0x7;
	s24 =	sshrl.u32 s6, $0x1F;
	v15 =	vsel vm2, s0, v15;
	v13 =	vsel vm7, s21, v13;
	v60 =	vmov s16;
	s21 =	sshrl.u32 s10, $0x1F  }
0x160: {  	s3 =	sadd.s32 s17, s3;
	s26 =	sshra.s32 s6, $0x7;
	v14 =	vsel vm2, s14, v14;
	s23 =	sshra.s32 s4, $0x7;
	v16 =	vsel vm0, s19, v60;
	v17 =	vsel vm0, s21, v61  }
0x161: {  	s30 =	sshrl.u32 s3, $0x1F;
	s29 =	sshra.s32 s3, $0x7;
	s25 =	sshra.s32 s4, $0x1F;
	v12 =	vsel vm6, s23, v12;
	v17 =	vsel vm1, s24, v17;
	v16 =	vsel vm1, s26, v16  }
0x162: {  	s28 =	sshra.s32 s18, $0x7;
	v12 =	vsel vm9, s25, v12;
	v16 =	vsel vm2, s29, v16;
	v17 =	vsel vm2, s30, v17  }
0x163: {  	v12 =	vsel vm7, s28, v12;
	v15 =	vcombine.low v16, v15;
	v14 =	vcombine.low v17, v14  }
0x164: {  	v13 =	vperm.xlane v13, v4;
	v12 =	vperm.xlane v12, v4  }
0x165: {  	v15 =	vperm.xlane v15, v2;
	v14 =	vperm.xlane v14, v2;
	_ =	sdelay $0x1  }
0x166: {  	v13 =	vsel vm8, v13, v14;
	v12 =	vsel vm8, v12, v15  }
0x167: {  	v12 =	vadd.s32 v13, v12  }
0x168: {  	v13 =	vmul.u32 $0xFFFFFEC0, v12  }
0x169: {  	v62 =	vsub.s32 $0x0, v11  }
0x16a: {  	vm9 =	vlt.s32 v11, $0x1;
	vm10 =	vne.s32 v13, v62  }
0x16b: {  	p0 =	sne.s32 s31, $0xC00;
	vm9 =	vmand vm9, vm10  }
.Ltmp12:
0x16c: {  	v63 =	vsel vm9, $0xFFFFFFFF, v1;
	(pc) =	sbr.rel @p0 .LBB2_14-.Ltmp12, $4  }
0x16d: {  	v12 =	vadd.s32 v63, v12  }
0x16e: {  	v13 =	vmul.u32 $0xFFFFFEC0, v12  }
0x16f: {  	v12 =	vxor.u32 $0x80000000, v12  }
0x170: {  	s31 =	sadd.s32 $0x40, s31;
	s1 =	rddreg [dreg:$0x4];
	(xrf1) =	vsort.ascd.msk.u32 $0xffff, v12, v3;
	v11 =	vadd.s32 v11, v13  }
0x171: {  	_ =	sdelay $0xc  }
0x172: {  	v12, v13, _ =	vpop (xrf1)  }
0x173: {  	v12 =	vxor.u32 $0x80000000, v12  }
0x174: {  	v14 =	vperm.xlane v12, v6;
	_ =	sdelay $0x1  }
0x175: {  	vm9 =	veq.s32 v12, v14  }
0x176: {  	v14 =	vsel vm9, $0x80000000, v7  }
0x177: {  	(xrf0) =	vmax.scan.msk.u32 $0xffff, v14  }
0x178: {  	s1 =	simm.s32 $0x9400  }
0x179: {  	v62 =	vld.idx.msk [tilespmem:v12+s1+$0x0], $0xffff;
	_ =	sdelay $0x2  }
0x17a: {  	v15 =	vmul.u32 $0x480, v12  }
0x17b: {  	v16, _, _ =	vpop (xrf0)  }
0x17c: {  	v14 =	vadd.s32 v15, v62;
	v16 =	vxor.u32 $0x7FFFFFFF, v16  }
0x17d: {  	v14 =	vadd.s32 v16, v14  }
0x17e: {  	v14 =	vadd.s32 v8, v14  }
0x17f: {  	v10 =	vor.u32 v5, v10  }
0x180: {  	v10 =	vor.u32 v10, v11  }
0x181: {  	v10 =	vperm.xlane v10, v13  }
0x182: {  	s0 =	rddreg [dreg:$0x3]  }
0x183: {  	[tilespmem:v14+s0+$0x0] =	vst.idx.msk $0xffff, v10  }
0x184: {  	[tilespmem:v12+s1+$0x0] =	vst.idx.add.s32.msk $0xffff, v9  }
0x185: {  	v10 =	vld [tilespmem:$0x9480]  }
0x186: {  	v11 =	vld [tilespmem:$0x9400]  }
0x187: {  	v12 =	vld [tilespmem:$0x9490]  }
0x188: {  	v63 =	vld [tilespmem:$0x9410];
	_ =	sdelay $0x1  }
.Ltmp13:
0x189: {  	_ = 	snop;
	(pc) =	sbr.rel .LBB2_16-.Ltmp13, $4  }
0x18a: {  	vm10 =	vmmov vm11;
	v10 =	vshll.u32 v10, $0x7  }
0x18b: {  	vm11 =	vmmov vm12;
	v10 =	vadd.s32 v11, v10;
	v11 =	vshll.u32 v12, $0x7  }
0x18c: {  	s16 =	simm.s32 $0x400;
	vm12 =	vmmov vm13;
	vm13 =	vmmov vm14;
	[tilespmem:$0x9500] =	vst v10;
	v10 =	vadd.s32 v63, v11  }
0x18d: {  	s17 =	simm.s32 $0x0;
	s7 =	rddreg [dreg:$0x12];
	vm14 =	vmmov vm15;
	vm15 =	vcmask $0x2F2C;
	vm9 =	vcmask $0x3734;
	s0 =	simm.s32 $0x0;
	[tilespmem:$0x9510] =	vst v10  }
.LBB2_19:
0x18e: {  	[sflag:s12] =	ssyncset.done $0x0  }
0x18f: {  	[sflag:s12] =	ssyncadd.s32 $0xFFFFFF80  }
.LBB2_20:
0x190: {  	s17 =	sadd.s32 $0x1, s17  }
0x191: {  	p0 =	sne.s32 s17, $0x20  }
.Ltmp14:
0x192: {  	_ = 	snop;
	(pc) =	sbr.rel @!p0 .LBB2_21-.Ltmp14, $2  }
0x193: {  	_ =	sdelay $0x2  }
0x194: {  	s16 =	sadd.s32 $0x480, s16;
	s0 =	sadd.s32 $0x1, s0  }
.LBB2_16:
0x195: {  	s1 =	sand.u32 $0x10, s17  }
0x196: {  	v10 =	vld [tilespmem:s1+$0x9400];
	_ =	sdelay $0x2  }
0x197: {  	s3 =	sand.u32 $0xF, s17  }
0x198: {  	v11 =	vmov s3  }
0x199: {  	v10 =	vperm.xlane v10, v11;
	_ =	sdelay $0x1  }
0x19a: {  	(v2sf) =	vpush v10, $0x0  }
0x19b: {  	v12 =	vld [tilespmem:s1+$0x9480];
	_ =	sdelay $0x4  }
0x19c: {  	v10 =	vperm.xlane v12, v11;
	_ =	sdelay $0x1  }
0x19d: {  	(v2sf) =	vpush v10, $0x0;
	_ =	sdelay $0x6  }
0x19e: {  	s31 =	spop (v2sf)  }
0x19f: {  	s1 =	sadd.s32 $0x7F, s31  }
0x1a0: {  	s1 =	sshra.s32 s1, $0x7  }
0x1a1: {  	p0 =	slt.s32 s1, $0x1  }
.Ltmp15:
0x1a2: {  	_ = 	snop;
	(pc) =	sbr.rel @p0 .LBB2_20-.Ltmp15, $2  }
0x1a3: {  	_ =	sdelay $0x2  }
0x1a4: {  	s18 =	spop (v2sf)  }
0x1a5: {  	s3 =	sshrl.u32 s17, $0x3  }
0x1a6: {  	s3 =	smul.u32 $0x14000, s3;
	_ =	sdelay $0x1  }
0x1a7: {  	s4 =	sand.u32 $0x7, s0;
	s6 =	sshll.u32 s18, $0xA;
	s3 =	sadd.s32 s3, s7  }
0x1a8: {  	p0 =	sne.s32 s1, $0x1;
	s4 =	sshll.u32 s4, $0x7;
	s3 =	sadd.s32 s6, s3  }
.Ltmp16:
0x1a9: {  	s3 =	sadd.s32 s4, s3;
	(pc) =	sbr.rel @!p0 .LBB2_19-.Ltmp16, $4  }
0x1aa: {  	s4 =	sshrl.u32 s3, $0x3  }
0x1ab: {  	s1 =	sadd.s32 $0xFFFFFFFF, s1;
	s4 =	sadd.s32 s5, s4  }
0x1ac: {  	[hbm4b:s4+s2] =	stream.linear.scatter [tilespmem:s16], [sflag:$0x1], $0x80, $0x38;
	[tilespmem:$0x9580] =	vst v63  }
0x1ad: {  	s19 =	smov.u32 s16;
	s18 =	sadd.s32 $0x400, s3;
	_ =	swait.ge [sflag:s12], $0x80  }
.LBB2_18:
0x1ae: {  	s3 =	sshrl.u32 s18, $0x3  }
0x1af: {  	[sflag:s12] =	ssyncset.done $0x0;
	s19 =	sadd.s32 $0x80, s19;
	p0 =	sne.s32 s1, $0x1  }
.Ltmp17:
0x1b0: {  	s3 =	sadd.s32 s5, s3;
	[sflag:s12] =	ssyncadd.s32 $0xFFFFFF80;
	(pc) =	sbr.rel @p0 .LBB2_18-.Ltmp17, $3  }
0x1b1: {  	[hbm4b:s3+s2] =	stream.linear.scatter [tilespmem:s19], [sflag:$0x1], $0x80, $0x38;
	[tilespmem:$0x9580] =	vst v63  }
0x1b2: {  	s1 =	sadd.s32 $0xFFFFFFFF, s1;
	_ =	sdelay $0x1  }
0x1b3: {  	s18 =	sadd.s32 $0x400, s18;
	_ =	swait.ge [sflag:s12], $0x80  }
.Ltmp18:
0x1b4: {  	_ = 	snop;
	(pc) =	sbr.rel .LBB2_19-.Ltmp18, $1  }
0x1b5: {  	_ =	sdelay $0x3  }
.LBB2_22:
0x1b6: {  	_ =	sfence.sel $0x180000  }
0x1b7: {  	[bflag:$0x0] =	sbarrier.arrive $0xFFFF  }
0x1b8: {  	_ =	strace $0x9000004A  }
0x1b9: {  	s0 =	stileid.u32;
	[bflag:$0x2] =	sbarrier.arrive $0xFFFF  }
0x1ba: {  	p0 =	sne.s32 s0, $0x0;
	s0 =	rddreg [dreg:$0x2]  }
0x1bb: {  	s0 =	sadd.s32 @!p0 $0x100000, s0  }
0x1bc: {  	[sflag:s0] =	ssyncadd.tile.s32 @!p0 $0x1;
	_ =	shalt  }
.Lfunc_end2:
_tile_overlayer_lowered:
.L_overlay_start_2:
0x1bd: {  	(tag) =	ssettag $0x2  }
0x1be: {  	s0 =	rddreg [dreg:$0x0];
	s2 =	stileid.u32  }
0x1bf: {  	s1 =	rddreg [dreg:$0x1];
	p0 =	sne.s32 s2, $0x0  }
0x1c0: {  	s3 =	rddreg [dreg:$0x2];
	[bflag:$0x3] =	sbarrier.arrive $0xFFFF;
	s2 =	simm.s32 @!p0 $0x1C01  }
0x1c1: {  	[timem:s3], [sflag:s2] =	dma.local @!p0 [hbm:s0], s1  }
0x1c2: {  	s0 =	simm.s32 @!p0 $0x1  }
0x1c3: {  	_ =	swait.ge @!p0 [sflag:s0], s1  }
0x1c4: {  	s1 =	ssub.s32 @!p0 $0x0, s1;
	[sflag:s0] =	ssyncset.done @!p0 $0x0  }
0x1c5: {  	[sflag:s0] =	ssyncadd.s32 @!p0 s1  }
0x1c6: {  	[bflag:$0x3] =	sbarrier.arrive $0xFFFF  }
0x1c7: {  	_ =	shalt  }

// kernel: kernel.19.cloned.1.call-start
scs
__scs_entry_jumppad:
0x0: {  	(pc) =	sbr.rel $0x88, $3  }
0x1: {  	(tag) =	ssettag $0x0;
	lr =	simm.s32 $0x1  }
0x2: {  	[smem:$0x3F81] =	sst lr;
	_ =	strace $0xD0000000  }
0x3: {  	_ = 	snop  }
0x4: {  	_ = 	snop  }
0x5: {  	_ = 	snop  }
0x6: {  	_ = 	snop  }
0x7: {  	_ = 	snop  }
__scs_overlays_trampoline_lowered:
0x8: {  	[smem:$0x3F90] =	sst s0  }
0x9: {  	[smem:$0x3F91] =	sst s1  }
0xa: {  	[smem:$0x3F92] =	sst s2  }
0xb: {  	[smem:$0x3F93] =	sst s3  }
0xc: {  	[smem:$0x3F94] =	sst s4  }
0xd: {  	[smem:$0x3F95] =	sst s5  }
0xe: {  	[smem:$0x3F96] =	sst s6  }
0xf: {  	[smem:$0x3F97] =	sst s7  }
0x10: {  	[smem:$0x3F98] =	sst s8  }
0x11: {  	[smem:$0x3F99] =	sst s9;
	s0 =	simm.s32 @!p0 $0x0  }
0x12: {  	s1 =	sld [smem:$0x3F7F];
	s0 =	simm.s32 @p0 $0x1  }
0x13: {  	[smem:$0x3F9A] =	sst s0;
	s0 =	simm.s32 @!p1 $0x0  }
0x14: {  	s2 =	sld [smem:$0x3F7E];
	s0 =	simm.s32 @p1 $0x1  }
0x15: {  	[smem:$0x3F9B] =	sst s0;
	s0 =	simm.s32 @!p2 $0x0  }
0x16: {  	s3 =	sld [smem:$0x3FDB];
	s0 =	simm.s32 @p2 $0x1  }
0x17: {  	s4 =	simm.s32 $0x1BF5;
	[smem:$0x3F9D] =	sst s0  }
0x18: {  	s0 =	sld [smem:$0x3F80];
	_ =	swait.ge [sflag:s4], $0x0  }
0x19: {  	s7 =	sld [smem:$0x3F81]  }
0x1a: {  	s8 =	sadd.s32 $0xFFFFE003, lr  }
0x1b: {  	s9 =	sadd.s32 $0xFFFFFEF7, lr;
	s5 =	simm.s32 $0xFFFFFFFF;
	p2 =	slt.u32 s8, $0xFFFFF086  }
0x1c: {  	p1 =	slt.u32 s9, $0xF7A;
	s5 =	simm.s32 @!p2 $0x0  }
0x1d: {  	s5 =	simm.s32 @p1 $0x1;
	p0 =	seq.s32 s7, s2  }
0x1e: {  	s7 =	smul.u32 @!p0 $0xF7A, s2;
	p2 =	seq.s32 @!p0 s5, $0x0  }
0x1f: {  	s9 =	smul.u32 $0xF7A, s1;
	s8 =	simm.s32 @!p0 $0x1BF5;
	p2 =	por !p2, p0  }
0x20: {  	[sflag:s8] =	ssyncset.s32 @!p0 $0xFFFFF086;
	s6 =	sadd.s32 @!p0 s3, s7;
	s7 =	simm.s32 @!p0 $0x108  }
0x21: {  	s3 =	sadd.s32 s3, s9;
	s6 =	sadd.s32 @!p0 $0x88, s6;
	s7 =	simm.s32 @p2 $0x1082  }
0x22: {  	[simem:s7], [sflag:s8] =	dma.local @!p0 [hbm:s6], $0xF7A  }
0x23: {  	s9 =	sor.u32 $0xD0000000, s2;
	s6 =	simm.s32 $0x108;
	_ =	swait.ge @!p0 [sflag:s8], $0x0  }
0x24: {  	s3 =	sadd.s32 $0x88, s3;
	s6 =	simm.s32 @!p1 $0x1082;
	[sflag:s4] =	ssyncset.s32 $0xFFFFF086  }
0x25: {  	[simem:s6], [sflag:s4] =	dma.local [hbm:s3], $0xF7A  }
0x26: {  	[smem:$0x3F81] =	sst s1;
	(tag) =	ssettag s2;
	_ =	strace s9  }
0x27: {  	s1 =	sld [smem:$0x3F91]  }
0x28: {  	s2 =	sld [smem:$0x3F92]  }
0x29: {  	s4 =	sld [smem:$0x3F94]  }
0x2a: {  	p0 =	seq.s32 s5, $0x0;
	s5 =	sld [smem:$0x3F95]  }
0x2b: {  	s6 =	sld [smem:$0x3F96]  }
0x2c: {  	s7 =	sld [smem:$0x3F97]  }
0x2d: {  	s3 =	simm.s32 $0x108;
	s8 =	sld [smem:$0x3F98]  }
0x2e: {  	s3 =	simm.s32 @!p0 $0x1082;
	s9 =	sld [smem:$0x3F99]  }
0x2f: {  	lr =	sadd.s32 s0, s3;
	s0 =	sld [smem:$0x3F90]  }
0x30: {  	s3 =	sld [smem:$0x3F93]  }
0x31: {  	[smem:$0x3F9C] =	sst s10  }
0x32: {  	s10 =	sld [smem:$0x3F9A];
	_ =	sdelay $0x3  }
0x33: {  	p0 =	seq.s32 s10, $0x1;
	s10 =	sld [smem:$0x3F9C];
	_ =	sdelay $0x3  }
0x34: {  	[smem:$0x3F9C] =	sst s10  }
0x35: {  	s10 =	sld [smem:$0x3F9B];
	_ =	sdelay $0x3  }
0x36: {  	p1 =	seq.s32 s10, $0x1;
	s10 =	sld [smem:$0x3F9C];
	_ =	sdelay $0x3  }
0x37: {  	[smem:$0x3F9C] =	sst s10  }
0x38: {  	s10 =	sld [smem:$0x3F9D]  }
0x39: {  	_ = 	snop;
	(pc) =	sbr.ind lr, $3  }
0x3a: {  	_ = 	snop  }
0x3b: {  	_ = 	snop  }
0x3c: {  	p2 =	seq.s32 s10, $0x1;
	s10 =	sld [smem:$0x3F9C]  }
0x3d: {  	_ =	shalt  }
0x3e: {  	_ =	shalt  }
0x3f: {  	_ =	shalt  }
0x40: {  	_ =	shalt  }
0x41: {  	_ =	shalt  }
0x42: {  	_ =	shalt  }
0x43: {  	_ =	shalt  }
0x44: {  	_ =	shalt  }
0x45: {  	_ =	shalt  }
0x46: {  	_ =	shalt  }
0x47: {  	_ =	shalt  }
0x48: {  	_ =	shalt  }
0x49: {  	_ =	shalt  }
0x4a: {  	_ =	shalt  }
0x4b: {  	_ =	shalt  }
0x4c: {  	_ =	shalt  }
0x4d: {  	_ =	shalt  }
0x4e: {  	_ =	shalt  }
0x4f: {  	_ =	shalt  }
0x50: {  	_ =	shalt  }
0x51: {  	_ =	shalt  }
0x52: {  	_ =	shalt  }
0x53: {  	_ =	shalt  }
0x54: {  	_ =	shalt  }
0x55: {  	_ =	shalt  }
0x56: {  	_ =	shalt  }
0x57: {  	_ =	shalt  }
0x58: {  	_ =	shalt  }
0x59: {  	_ =	shalt  }
0x5a: {  	_ =	shalt  }
0x5b: {  	_ =	shalt  }
0x5c: {  	_ =	shalt  }
0x5d: {  	_ =	shalt  }
0x5e: {  	_ =	shalt  }
0x5f: {  	_ =	shalt  }
0x60: {  	_ =	shalt  }
0x61: {  	_ =	shalt  }
0x62: {  	_ =	shalt  }
0x63: {  	_ =	shalt  }
0x64: {  	_ =	shalt  }
0x65: {  	_ =	shalt  }
0x66: {  	_ =	shalt  }
0x67: {  	_ =	shalt  }
0x68: {  	_ =	shalt  }
0x69: {  	_ =	shalt  }
0x6a: {  	_ =	shalt  }
0x6b: {  	_ =	shalt  }
0x6c: {  	_ =	shalt  }
0x6d: {  	_ =	shalt  }
0x6e: {  	_ =	shalt  }
0x6f: {  	_ =	shalt  }
0x70: {  	_ =	shalt  }
0x71: {  	_ =	shalt  }
0x72: {  	_ =	shalt  }
0x73: {  	_ =	shalt  }
0x74: {  	_ =	shalt  }
0x75: {  	_ =	shalt  }
0x76: {  	_ =	shalt  }
0x77: {  	_ =	shalt  }
0x78: {  	_ =	shalt  }
0x79: {  	_ =	shalt  }
0x7a: {  	_ =	shalt  }
0x7b: {  	_ =	shalt  }
0x7c: {  	_ =	shalt  }
0x7d: {  	_ =	shalt  }
0x7e: {  	_ =	shalt  }
0x7f: {  	_ =	shalt  }
0x80: {  	_ =	shalt  }
0x81: {  	_ =	shalt  }
0x82: {  	_ =	shalt  }
0x83: {  	_ =	shalt  }
0x84: {  	_ =	shalt  }
0x85: {  	_ =	shalt  }
0x86: {  	_ =	shalt  }
0x87: {  	_ =	shalt  }
.Lfunc_end0:
.L_simem_size_0:
called_computation.1_lowered:
.L_overlay_start_0:
0x88: {  	s2 =	sld [smem:$0x3FD9]  }
0x89: {  	s3 =	sld [smem:$0x3FFE];
	_ =	sdelay $0x1  }
0x8a: {  	s1 =	srdreg.scid  }
0x8b: {  	s0 =	sand.u32 $0x1, s1  }
0x8c: {  	s16 =	sshll.u32 s0, $0xA;
	s2 =	sadd.s32 s3, s2  }
0x8d: {  	s2 =	sadd.s32 s2, s16  }
0x8e: {  	[smem:$0x3FA8] =	sst s2  }
0x8f: {  	_ = 	snop  }
0x90: {  	(tm) =	ssettm $0x1  }
0x91: {  	s17 =	sld [smem:$0x3FFB];
	_ =	sdelay $0x3  }
0x92: {  	_ =	strace s17  }
0x93: {  	s2 =	sld [smem:$0x3FFC];
	_ =	sdelay $0x3  }
0x94: {  	_ =	strace s2  }
0x95: {  	s2 =	sld [smem:$0x3FFD];
	_ =	sdelay $0x3  }
0x96: {  	_ =	strace s2  }
0x97: {  	_ =	strace $0x8FFFFFFF  }
0x98: {  	s18 =	sld [smem:$0x3FDB];
	_ =	sdelay $0x1  }
0x99: {  	s19 =	simm.s32 $_scs_section_size  }
0x9a: {  	s4 =	simm.s32 $_size__tile_overlayer_lowered;
	s5 =	simm.s32 $_tile_overlayer_lowered  }
0x9b: {  	s22 =	simm.s32 $0x1BFF;
	s21 =	sshll.u32 s5, $0x1;
	s2 =	sadd.s32 s19, s18  }
0x9c: {  	s6 =	simm.s32 $0x0;
	s20 =	sshll.u32 s4, $0x1;
	s4 =	sadd.s32 s21, s2  }
0x9d: {  	[timem:s6], [sflag:s22] =	dma.local [hbm:s4], s20  }
0x9e: {  	_ =	swait.ge [sflag:s22], s20  }
0x9f: {  	s3 =	ssub.s32 $0x0, s20;
	[sflag:s22] =	ssyncset.done $0x0  }
0xa0: {  	[sflag:s22] =	ssyncadd.s32 s3;
	_ =	sdelay $0x1  }
0xa1: {  	s23 =	simm.s32 $0x1B8B  }
0xa2: {  	_ =	swait.ge [sflag:s23], $0x1  }
0xa3: {  	[sflag:s23] =	ssyncset.done $0x0  }
0xa4: {  	s25 =	simm.s32 $0x1B8E;
	s24 =	sld [smem:$0x3FFE];
	[sflag:s23] =	ssyncadd.s32 $0xFFFFFFFF  }
0xa5: {  	s26 =	simm.s32 $execute0_lowered;
	[smem:$0x3FD2] =	sst s25  }
0xa6: {  	s4 =	sshll.u32 s26, $0x1;
	_ =	strace $0x80000046;
	[dreg:$0x1] =	wrdreg $0xFFFFFFFF  }
0xa7: {  	s28 =	simm.s32 $_size_execute0_lowered;
	s2 =	sadd.s32 s2, s4;
	[dreg:$0x0] =	wrdreg $0x0  }
0xa8: {  	s4 =	sshll.u32 s28, $0x1;
	[dreg:$0x2] =	wrdreg s2  }
0xa9: {  	[dreg:$0x3] =	wrdreg s4  }
0xaa: {  	[dreg:$0x4] =	wrdreg $0xC0  }
0xab: {  	_ =	task [dreg:s6], $0x5FFFF  }
0xac: {  	[dreg:$0x1] =	wrdreg $0xFFFFFFFF  }
0xad: {  	[dreg:$0x0] =	wrdreg $0x60  }
0xae: {  	[dreg:$0x2] =	wrdreg s24  }
0xaf: {  	[dreg:$0x3] =	wrdreg $0xA  }
0xb0: {  	_ =	task.clear_ibuf [dreg:s6], $0x4FFFF;
	_ =	strace $0x90000046  }
0xb1: {  	s29 =	simm.s32 $0xA;
	_ =	strace $0x80000048  }
0xb2: {  	_ =	swait.ge [sflag:s29], $0x1  }
0xb3: {  	[sflag:s29] =	ssyncadd.s32 $0xFFFFFFFF  }
0xb4: {  	_ =	strace $0x90000048  }
0xb5: {  	_ =	sfence  }
0xb6: {  	s30 =	sld [smem:$0x0];
	_ =	sdelay $0x2  }
0xb7: {  	s31 =	sshll.u32 s1, $0xD;
	s1 =	sshrl.u32 s1, $0x2  }
0xb8: {  	s3 =	sand.u32 $0x4000, s31;
	s1 =	sadd.s32 s1, s30  }
0xb9: {  	s0 =	sor.u32 s3, s0;
	s1 =	sshll.u32 s1, $0x11  }
0xba: {  	s0 =	sor.u32 s1, s0  }
0xbb: {  	s0 =	sadd.s32 $0x8F2B, s0  }
0xbc: {  	[sflag:s0] =	ssyncadd.remote.s32 $0x1  }
0xbd: {  	_ =	sfence.sel $0xFFFF  }
0xbe: {  	[dreg:$0x0] =	wrdreg $0xFFFFFFFF;
	(pc) =	sbr.abs _section_cstart, $3  }
0xbf: {  	[dreg:$0x1] =	wrdreg $0xFFFFFFFF  }
0xc0: {  	_ =	task.clear_ibuf [dreg:s6], $0x2FFFF;
	_ =	strace $0x9FFFFFFF  }
0xc1: {  	(tm) =	ssettm $0x7FFFFFFF  }
tec
execute0_lowered:
.L_overlay_start_1:
0x0: {  	(tag) =	ssettag $0x1  }
0x1: {  	s7 =	rddreg [dreg:$0x0]  }
0x2: {  	s0 =	rddreg [dreg:$0x1]  }
0x3: {  	s2 =	simm.s32 $0x0;
	s3 =	srdreg.scid;
	s1 =	stileid.u32  }
0x4: {  	s10 =	simm.s32 $0x3;
	s11 =	simm.s32 $0x80;
	s12 =	simm.s32 $0x50  }
0x5: {  	s13 =	simm.s32 $0x100;
	s14 =	simm.s32 $0x2900;
	s15 =	simm.s32 $0x1  }
0x6: {  	s16 =	simm.s32 $0x2;
	s17 =	simm.s32 $0x5100;
	s18 =	simm.s32 $0x0  }
0x7: {  	[smem:$0x7FF] =	sst s2;
	s5 =	sand.u32 $0x1, s3;
	s3 =	sadd.s32 $0x1B800, s7  }
0x8: {  	s8 =	sshll.u32 s1, $0x1;
	s4 =	sadd.s32 $0x11A00, s7;
	s6 =	ssub.s32 $0x2, s5  }
0x9: {  	_ =	strace $0x80000047;
	s8 =	sor.u32 s5, s8;
	s9 =	sshrl.u32 s6, $0x1  }
0xa: {  	s5 =	sadd.s32 $0x7C00, s7;
	s9 =	ssub.s32 s6, s9;
	s6 =	smul.u32 $0x2710, s8  }
0xb: {  	s7 =	sadd.s32 $0x69C00, s7;
	s8 =	smul.u32 $0x1388, s8;
	s9 =	smax.u32 s9, $0x1  }
.LBB2_1:
0xc: {  	s19 =	simm.s32 $0x0  }
.LBB2_2:
0xd: {  	s20 =	smul.u32 $0x50, s19;
	_ =	sdelay $0x1  }
0xe: {  	s20 =	sadd.s32 s6, s20  }
0xf: {  	s20 =	sshrl.u32 s20, $0x3  }
0x10: {  	s22 =	simm.s32 $0x0;
	s21 =	sadd.s32 s4, s20  }
0x11: {  	[tilespmem:s22], [sflag:$0x3] =	stream.linear.gather [hbm4b:s21+s22], $0x50, $0x38;
	[tilespmem:$0x6500] =	vst v63  }
0x12: {  	_ =	swait.ge [sflag:s10], $0x50  }
0x13: {  	[sflag:s10] =	ssyncset.done $0x0  }
0x14: {  	s20 =	sadd.s32 s5, s20;
	[sflag:s10] =	ssyncadd.s32 $0xFFFFFFB0  }
0x15: {  	[tilespmem:s11], [sflag:$0x3] =	stream.linear.gather [hbm4b:s20+s22], $0x50, $0x38;
	[tilespmem:$0x6500] =	vst v63  }
0x16: {  	_ =	swait.ge [sflag:s10], $0x50  }
0x17: {  	[sflag:s10] =	ssyncset.done $0x0  }
0x18: {  	[sflag:s10] =	ssyncadd.s32 $0xFFFFFFB0  }
0x19: {  	[tilespmem:s13], [sflag:$0x1] =	stream.indirect.gather [hbm4b:s3+s12], $0x80, s22, s12, $0xb8;
	[tilespmem:$0x6500] =	vst v63  }
0x1a: {  	_ = 	snop  }
0x1b: {  	[tilespmem:s14], [sflag:$0x2] =	stream.indirect.gather [hbm4b:s3+s12], $0x80, s11, s12, $0xb8;
	[tilespmem:$0x6500] =	vst v63  }
0x1c: {  	_ =	swait.ge [sflag:s15], $0x2800  }
0x1d: {  	[sflag:s15] =	ssyncset.done $0x0  }
0x1e: {  	[sflag:s15] =	ssyncadd.s32 $0xFFFFD800  }
0x1f: {  	_ =	swait.ge [sflag:s16], $0x2800  }
0x20: {  	[sflag:s16] =	ssyncset.done $0x0  }
0x21: {  	s21 =	simm.s32 $0x0;
	[sflag:s16] =	ssyncadd.s32 $0xFFFFD800  }
0x22: {  	v0 =	vld [tilespmem:s21+$0x100]  }
0x23: {  	v1 =	vld [tilespmem:s21+$0x2940];
	_ =	sdelay $0x4  }
0x24: {  	v0 =	vadd.f32 v1, v0  }
0x25: {  	s20 =	simm.s32 $0x5140  }
0x26: {  	[tilespmem:s20+$0xFFFFFFC0] =	vst v0  }
0x27: {  	v0 =	vld [tilespmem:s21+$0x180]  }
0x28: {  	v58 =	vld [tilespmem:s21+$0x29C0];
	_ =	sdelay $0x4  }
0x29: {  	v0 =	vadd.f32 v58, v0;
	_ =	sdelay $0x1  }
0x2a: {  	[tilespmem:s20+$0x0] =	vst v0  }
0x2b: {  	v0 =	vld [tilespmem:s21+$0x110]  }
0x2c: {  	v59 =	vld [tilespmem:s21+$0x2950];
	_ =	sdelay $0x4  }
0x2d: {  	v0 =	vadd.f32 v59, v0;
	_ =	sdelay $0x1  }
0x2e: {  	[tilespmem:s20+$0xFFFFFFD0] =	vst v0  }
0x2f: {  	v0 =	vld [tilespmem:s21+$0x190]  }
0x30: {  	v60 =	vld [tilespmem:s21+$0x29D0];
	_ =	sdelay $0x4  }
0x31: {  	v0 =	vadd.f32 v60, v0;
	_ =	sdelay $0x1  }
0x32: {  	[tilespmem:s20+$0x10] =	vst v0  }
0x33: {  	v0 =	vld [tilespmem:s21+$0x120]  }
0x34: {  	v61 =	vld [tilespmem:s21+$0x2960];
	_ =	sdelay $0x4  }
0x35: {  	v0 =	vadd.f32 v61, v0;
	_ =	sdelay $0x1  }
0x36: {  	[tilespmem:s20+$0xFFFFFFE0] =	vst v0  }
0x37: {  	v0 =	vld [tilespmem:s21+$0x1A0]  }
0x38: {  	v62 =	vld [tilespmem:s21+$0x29E0];
	_ =	sdelay $0x4  }
0x39: {  	v0 =	vadd.f32 v62, v0;
	_ =	sdelay $0x1  }
0x3a: {  	[tilespmem:s20+$0x20] =	vst v0  }
0x3b: {  	v0 =	vld [tilespmem:s21+$0x130]  }
0x3c: {  	v63 =	vld [tilespmem:s21+$0x2970];
	_ =	sdelay $0x4  }
0x3d: {  	s31 =	smul.u32 $0x28, s19;
	v0 =	vadd.f32 v63, v0;
	_ =	sdelay $0x1  }
0x3e: {  	s24 =	simm.s32 $0x400;
	s23 =	simm.s32 $0x5140;
	s22 =	sadd.s32 s8, s31;
	[tilespmem:s20+$0xFFFFFFF0] =	vst v0  }
.LBB2_3:
0x3f: {  	p0 =	sne.s32 s24, $0x9C00  }
0x40: {  	v0 =	vld [tilespmem:s21+$0x1B0];
	s20 =	sadd.s32 $0x80, s20;
	s25 =	smov.u32 s24;
	s24 =	sadd.s32 $0x400, s24  }
0x41: {  	v1 =	vld [tilespmem:s21+$0x29F0];
	_ =	sdelay $0x4  }
0x42: {  	v0 =	vadd.f32 v1, v0;
	_ =	sdelay $0x1  }
0x43: {  	s21 =	sshra.s32 s25, $0x2;
	[tilespmem:s23+$0x30] =	vst v0;
	s23 =	smov.u32 s20  }
0x44: {  	v0 =	vld [tilespmem:s21+$0x100]  }
0x45: {  	v1 =	vld [tilespmem:s21+$0x2940];
	_ =	sdelay $0x4  }
0x46: {  	v0 =	vadd.f32 v1, v0;
	_ =	sdelay $0x1  }
0x47: {  	[tilespmem:s20+$0xFFFFFFC0] =	vst v0  }
0x48: {  	v0 =	vld [tilespmem:s21+$0x180]  }
0x49: {  	v1 =	vld [tilespmem:s21+$0x29C0];
	_ =	sdelay $0x4  }
0x4a: {  	v0 =	vadd.f32 v1, v0;
	_ =	sdelay $0x1  }
0x4b: {  	[tilespmem:s20+$0x0] =	vst v0  }
0x4c: {  	v0 =	vld [tilespmem:s21+$0x110]  }
0x4d: {  	v1 =	vld [tilespmem:s21+$0x2950];
	_ =	sdelay $0x4  }
0x4e: {  	v0 =	vadd.f32 v1, v0;
	_ =	sdelay $0x1  }
0x4f: {  	[tilespmem:s20+$0xFFFFFFD0] =	vst v0  }
0x50: {  	v0 =	vld [tilespmem:s21+$0x190]  }
0x51: {  	v1 =	vld [tilespmem:s21+$0x29D0];
	_ =	sdelay $0x4  }
0x52: {  	v0 =	vadd.f32 v1, v0;
	_ =	sdelay $0x1  }
0x53: {  	[tilespmem:s20+$0x10] =	vst v0  }
0x54: {  	v0 =	vld [tilespmem:s21+$0x120]  }
0x55: {  	v1 =	vld [tilespmem:s21+$0x2960];
	_ =	sdelay $0x4  }
0x56: {  	v0 =	vadd.f32 v1, v0;
	_ =	sdelay $0x1  }
0x57: {  	[tilespmem:s20+$0xFFFFFFE0] =	vst v0  }
0x58: {  	v0 =	vld [tilespmem:s21+$0x1A0]  }
0x59: {  	v1 =	vld [tilespmem:s21+$0x29E0];
	_ =	sdelay $0x4  }
0x5a: {  	v0 =	vadd.f32 v1, v0;
	_ =	sdelay $0x1  }
0x5b: {  	[tilespmem:s20+$0x20] =	vst v0  }
0x5c: {  	v0 =	vld [tilespmem:s21+$0x130]  }
0x5d: {  	v1 =	vld [tilespmem:s21+$0x2970];
	_ =	sdelay $0x2  }
.Ltmp0:
0x5e: {  	(pc) =	sbr.rel @p0 .LBB2_3-.Ltmp0, $3  }
0x5f: {  	_ = 	snop  }
0x60: {  	v0 =	vadd.f32 v1, v0;
	_ =	sdelay $0x1  }
0x61: {  	[tilespmem:s20+$0xFFFFFFF0] =	vst v0  }
0x62: {  	v0 =	vld [tilespmem:s21+$0x1B0]  }
0x63: {  	v1 =	vld [tilespmem:s21+$0x29F0];
	_ =	sdelay $0x4  }
0x64: {  	s19 =	sadd.s32 $0x1, s19;
	v0 =	vadd.f32 v1, v0  }
0x65: {  	s20 =	sshll.u32 s22, $0x4;
	p0 =	sne.s32 s19, $0x7D  }
.Ltmp1:
0x66: {  	s20 =	sadd.s32 s7, s20;
	[tilespmem:s23+$0x30] =	vst v0;
	(pc) =	sbr.rel @p0 .LBB2_2-.Ltmp1, $4  }
0x67: {  	[hbm4b:s20+s2] =	stream.linear.scatter [tilespmem:s17], [sflag:$0x3], $0x1400, $0x38;
	[tilespmem:$0x6500] =	vst v63  }
0x68: {  	_ =	swait.ge [sflag:s10], $0x1400  }
0x69: {  	[sflag:s10] =	ssyncset.done $0x0  }
0x6a: {  	[sflag:s10] =	ssyncadd.s32 $0xFFFFEC00  }
0x6b: {  	s18 =	sadd.s32 $0x1, s18  }
0x6c: {  	p0 =	sne.s32 s18, s9  }
.Ltmp2:
0x6d: {  	_ = 	snop;
	(pc) =	sbr.rel @p0 .LBB2_1-.Ltmp2, $1  }
0x6e: {  	_ =	sdelay $0x3  }
0x6f: {  	_ =	sfence.sel $0x180000  }
0x70: {  	[bflag:$0x0] =	sbarrier.arrive $0xFFFF  }
0x71: {  	p0 =	sne.s32 s1, $0x0;
	_ =	strace $0x90000047  }
0x72: {  	s0 =	sadd.s32 @!p0 $0x100000, s0;
	[bflag:$0x2] =	sbarrier.arrive $0xFFFF  }
0x73: {  	[sflag:s0] =	ssyncadd.tile.s32 @!p0 $0x1;
	_ =	shalt  }
.Lfunc_end2:
_tile_overlayer_lowered:
.L_overlay_start_2:
0x74: {  	(tag) =	ssettag $0x2  }
0x75: {  	s0 =	rddreg [dreg:$0x0];
	s2 =	stileid.u32  }
0x76: {  	s1 =	rddreg [dreg:$0x1];
	p0 =	sne.s32 s2, $0x0  }
0x77: {  	s3 =	rddreg [dreg:$0x2];
	[bflag:$0x3] =	sbarrier.arrive $0xFFFF;
	s2 =	simm.s32 @!p0 $0x1C03  }
0x78: {  	[timem:s3], [sflag:s2] =	dma.local @!p0 [hbm:s0], s1  }
0x79: {  	s0 =	simm.s32 @!p0 $0x3  }
0x7a: {  	_ =	swait.ge @!p0 [sflag:s0], s1  }
0x7b: {  	s1 =	ssub.s32 @!p0 $0x0, s1;
	[sflag:s0] =	ssyncset.done @!p0 $0x0  }
0x7c: {  	[sflag:s0] =	ssyncadd.s32 @!p0 s1  }
0x7d: {  	[bflag:$0x3] =	sbarrier.arrive $0xFFFF  }
0x7e: {  	_ =	shalt  }

// kernel: kernel.22.cloned.1.call-start
scs
__scs_entry_jumppad:
0x0: {  	(pc) =	sbr.rel $0x88, $3  }
0x1: {  	(tag) =	ssettag $0x0;
	lr =	simm.s32 $0x1  }
0x2: {  	[smem:$0x3F81] =	sst lr;
	_ =	strace $0xD0000000  }
0x3: {  	_ = 	snop  }
0x4: {  	_ = 	snop  }
0x5: {  	_ = 	snop  }
0x6: {  	_ = 	snop  }
0x7: {  	_ = 	snop  }
__scs_overlays_trampoline_lowered:
0x8: {  	[smem:$0x3F90] =	sst s0  }
0x9: {  	[smem:$0x3F91] =	sst s1  }
0xa: {  	[smem:$0x3F92] =	sst s2  }
0xb: {  	[smem:$0x3F93] =	sst s3  }
0xc: {  	[smem:$0x3F94] =	sst s4  }
0xd: {  	[smem:$0x3F95] =	sst s5  }
0xe: {  	[smem:$0x3F96] =	sst s6  }
0xf: {  	[smem:$0x3F97] =	sst s7  }
0x10: {  	[smem:$0x3F98] =	sst s8  }
0x11: {  	[smem:$0x3F99] =	sst s9;
	s0 =	simm.s32 @!p0 $0x0  }
0x12: {  	s1 =	sld [smem:$0x3F7F];
	s0 =	simm.s32 @p0 $0x1  }
0x13: {  	[smem:$0x3F9A] =	sst s0;
	s0 =	simm.s32 @!p1 $0x0  }
0x14: {  	s2 =	sld [smem:$0x3F7E];
	s0 =	simm.s32 @p1 $0x1  }
0x15: {  	[smem:$0x3F9B] =	sst s0;
	s0 =	simm.s32 @!p2 $0x0  }
0x16: {  	s3 =	sld [smem:$0x3FDB];
	s0 =	simm.s32 @p2 $0x1  }
0x17: {  	s4 =	simm.s32 $0x1BF5;
	[smem:$0x3F9D] =	sst s0  }
0x18: {  	s0 =	sld [smem:$0x3F80];
	_ =	swait.ge [sflag:s4], $0x0  }
0x19: {  	s7 =	sld [smem:$0x3F81]  }
0x1a: {  	s8 =	sadd.s32 $0xFFFFE003, lr  }
0x1b: {  	s9 =	sadd.s32 $0xFFFFFEF7, lr;
	s5 =	simm.s32 $0xFFFFFFFF;
	p2 =	slt.u32 s8, $0xFFFFF086  }
0x1c: {  	p1 =	slt.u32 s9, $0xF7A;
	s5 =	simm.s32 @!p2 $0x0  }
0x1d: {  	s5 =	simm.s32 @p1 $0x1;
	p0 =	seq.s32 s7, s2  }
0x1e: {  	s7 =	smul.u32 @!p0 $0xF7A, s2;
	p2 =	seq.s32 @!p0 s5, $0x0  }
0x1f: {  	s9 =	smul.u32 $0xF7A, s1;
	s8 =	simm.s32 @!p0 $0x1BF5;
	p2 =	por !p2, p0  }
0x20: {  	[sflag:s8] =	ssyncset.s32 @!p0 $0xFFFFF086;
	s6 =	sadd.s32 @!p0 s3, s7;
	s7 =	simm.s32 @!p0 $0x108  }
0x21: {  	s3 =	sadd.s32 s3, s9;
	s6 =	sadd.s32 @!p0 $0x88, s6;
	s7 =	simm.s32 @p2 $0x1082  }
0x22: {  	[simem:s7], [sflag:s8] =	dma.local @!p0 [hbm:s6], $0xF7A  }
0x23: {  	s9 =	sor.u32 $0xD0000000, s2;
	s6 =	simm.s32 $0x108;
	_ =	swait.ge @!p0 [sflag:s8], $0x0  }
0x24: {  	s3 =	sadd.s32 $0x88, s3;
	s6 =	simm.s32 @!p1 $0x1082;
	[sflag:s4] =	ssyncset.s32 $0xFFFFF086  }
0x25: {  	[simem:s6], [sflag:s4] =	dma.local [hbm:s3], $0xF7A  }
0x26: {  	[smem:$0x3F81] =	sst s1;
	(tag) =	ssettag s2;
	_ =	strace s9  }
0x27: {  	s1 =	sld [smem:$0x3F91]  }
0x28: {  	s2 =	sld [smem:$0x3F92]  }
0x29: {  	s4 =	sld [smem:$0x3F94]  }
0x2a: {  	p0 =	seq.s32 s5, $0x0;
	s5 =	sld [smem:$0x3F95]  }
0x2b: {  	s6 =	sld [smem:$0x3F96]  }
0x2c: {  	s7 =	sld [smem:$0x3F97]  }
0x2d: {  	s3 =	simm.s32 $0x108;
	s8 =	sld [smem:$0x3F98]  }
0x2e: {  	s3 =	simm.s32 @!p0 $0x1082;
	s9 =	sld [smem:$0x3F99]  }
0x2f: {  	lr =	sadd.s32 s0, s3;
	s0 =	sld [smem:$0x3F90]  }
0x30: {  	s3 =	sld [smem:$0x3F93]  }
0x31: {  	[smem:$0x3F9C] =	sst s10  }
0x32: {  	s10 =	sld [smem:$0x3F9A];
	_ =	sdelay $0x3  }
0x33: {  	p0 =	seq.s32 s10, $0x1;
	s10 =	sld [smem:$0x3F9C];
	_ =	sdelay $0x3  }
0x34: {  	[smem:$0x3F9C] =	sst s10  }
0x35: {  	s10 =	sld [smem:$0x3F9B];
	_ =	sdelay $0x3  }
0x36: {  	p1 =	seq.s32 s10, $0x1;
	s10 =	sld [smem:$0x3F9C];
	_ =	sdelay $0x3  }
0x37: {  	[smem:$0x3F9C] =	sst s10  }
0x38: {  	s10 =	sld [smem:$0x3F9D]  }
0x39: {  	_ = 	snop;
	(pc) =	sbr.ind lr, $3  }
0x3a: {  	_ = 	snop  }
0x3b: {  	_ = 	snop  }
0x3c: {  	p2 =	seq.s32 s10, $0x1;
	s10 =	sld [smem:$0x3F9C]  }
0x3d: {  	_ =	shalt  }
0x3e: {  	_ =	shalt  }
0x3f: {  	_ =	shalt  }
0x40: {  	_ =	shalt  }
0x41: {  	_ =	shalt  }
0x42: {  	_ =	shalt  }
0x43: {  	_ =	shalt  }
0x44: {  	_ =	shalt  }
0x45: {  	_ =	shalt  }
0x46: {  	_ =	shalt  }
0x47: {  	_ =	shalt  }
0x48: {  	_ =	shalt  }
0x49: {  	_ =	shalt  }
0x4a: {  	_ =	shalt  }
0x4b: {  	_ =	shalt  }
0x4c: {  	_ =	shalt  }
0x4d: {  	_ =	shalt  }
0x4e: {  	_ =	shalt  }
0x4f: {  	_ =	shalt  }
0x50: {  	_ =	shalt  }
0x51: {  	_ =	shalt  }
0x52: {  	_ =	shalt  }
0x53: {  	_ =	shalt  }
0x54: {  	_ =	shalt  }
0x55: {  	_ =	shalt  }
0x56: {  	_ =	shalt  }
0x57: {  	_ =	shalt  }
0x58: {  	_ =	shalt  }
0x59: {  	_ =	shalt  }
0x5a: {  	_ =	shalt  }
0x5b: {  	_ =	shalt  }
0x5c: {  	_ =	shalt  }
0x5d: {  	_ =	shalt  }
0x5e: {  	_ =	shalt  }
0x5f: {  	_ =	shalt  }
0x60: {  	_ =	shalt  }
0x61: {  	_ =	shalt  }
0x62: {  	_ =	shalt  }
0x63: {  	_ =	shalt  }
0x64: {  	_ =	shalt  }
0x65: {  	_ =	shalt  }
0x66: {  	_ =	shalt  }
0x67: {  	_ =	shalt  }
0x68: {  	_ =	shalt  }
0x69: {  	_ =	shalt  }
0x6a: {  	_ =	shalt  }
0x6b: {  	_ =	shalt  }
0x6c: {  	_ =	shalt  }
0x6d: {  	_ =	shalt  }
0x6e: {  	_ =	shalt  }
0x6f: {  	_ =	shalt  }
0x70: {  	_ =	shalt  }
0x71: {  	_ =	shalt  }
0x72: {  	_ =	shalt  }
0x73: {  	_ =	shalt  }
0x74: {  	_ =	shalt  }
0x75: {  	_ =	shalt  }
0x76: {  	_ =	shalt  }
0x77: {  	_ =	shalt  }
0x78: {  	_ =	shalt  }
0x79: {  	_ =	shalt  }
0x7a: {  	_ =	shalt  }
0x7b: {  	_ =	shalt  }
0x7c: {  	_ =	shalt  }
0x7d: {  	_ =	shalt  }
0x7e: {  	_ =	shalt  }
0x7f: {  	_ =	shalt  }
0x80: {  	_ =	shalt  }
0x81: {  	_ =	shalt  }
0x82: {  	_ =	shalt  }
0x83: {  	_ =	shalt  }
0x84: {  	_ =	shalt  }
0x85: {  	_ =	shalt  }
0x86: {  	_ =	shalt  }
0x87: {  	_ =	shalt  }
.Lfunc_end0:
.L_simem_size_0:
called_computation.2_lowered:
.L_overlay_start_0:
0x88: {  	s2 =	sld [smem:$0x3FD9]  }
0x89: {  	s3 =	sld [smem:$0x3FFE];
	_ =	sdelay $0x1  }
0x8a: {  	s1 =	srdreg.scid  }
0x8b: {  	s0 =	sand.u32 $0x1, s1  }
0x8c: {  	s17 =	sshll.u32 s0, $0xA;
	s2 =	sadd.s32 s3, s2  }
0x8d: {  	s2 =	sadd.s32 s2, s17  }
0x8e: {  	[smem:$0x3FA8] =	sst s2  }
0x8f: {  	_ = 	snop  }
0x90: {  	s2 =	sld [smem:$0x3FD0];
	(tm) =	ssettm $0x1  }
0x91: {  	s18 =	sld [smem:$0x3FFB];
	_ =	sdelay $0x3  }
0x92: {  	_ =	strace s18  }
0x93: {  	s3 =	sld [smem:$0x3FFC];
	_ =	sdelay $0x3  }
0x94: {  	_ =	strace s3  }
0x95: {  	s3 =	sld [smem:$0x3FFD];
	_ =	sdelay $0x3  }
0x96: {  	_ =	strace s3  }
0x97: {  	_ =	strace $0x8FFFFFFF  }
0x98: {  	s19 =	sld [smem:$0x3FDB];
	_ =	sdelay $0x1  }
0x99: {  	s4 =	simm.s32 $_scs_section_size  }
0x9a: {  	s5 =	simm.s32 $_size__tile_overlayer_lowered;
	s6 =	simm.s32 $_tile_overlayer_lowered  }
0x9b: {  	s22 =	simm.s32 $0x1BFF;
	s21 =	sshll.u32 s6, $0x1;
	s3 =	sadd.s32 s4, s19  }
0x9c: {  	s7 =	simm.s32 $0x0;
	s20 =	sshll.u32 s5, $0x1;
	s5 =	sadd.s32 s21, s3  }
0x9d: {  	[timem:s7], [sflag:s22] =	dma.local [hbm:s5], s20  }
0x9e: {  	_ =	swait.ge [sflag:s22], s20  }
0x9f: {  	s4 =	ssub.s32 $0x0, s20;
	[sflag:s22] =	ssyncset.done $0x0  }
0xa0: {  	[sflag:s22] =	ssyncadd.s32 s4;
	_ =	sdelay $0x1  }
0xa1: {  	s23 =	simm.s32 $0x1B8B  }
0xa2: {  	_ =	swait.ge [sflag:s23], $0x1  }
0xa3: {  	[sflag:s23] =	ssyncset.done $0x0  }
0xa4: {  	s25 =	simm.s32 $0x1B8E;
	s24 =	sld [smem:$0x3FFE];
	[sflag:s23] =	ssyncadd.s32 $0xFFFFFFFF  }
0xa5: {  	s26 =	simm.s32 $execute0_lowered;
	[smem:$0x3FD2] =	sst s25  }
0xa6: {  	s5 =	sshll.u32 s26, $0x1;
	_ =	strace $0x8000004C;
	[dreg:$0x1] =	wrdreg $0xFFFFFFFF  }
0xa7: {  	s28 =	simm.s32 $_size_execute0_lowered;
	s3 =	sadd.s32 s3, s5;
	[dreg:$0x0] =	wrdreg $0x0  }
0xa8: {  	s5 =	sshll.u32 s28, $0x1;
	[dreg:$0x2] =	wrdreg s3  }
0xa9: {  	[dreg:$0x3] =	wrdreg s5  }
0xaa: {  	[dreg:$0x4] =	wrdreg $0xC0  }
0xab: {  	_ =	task [dreg:s7], $0x5FFFF  }
0xac: {  	[dreg:$0x1] =	wrdreg $0xFFFFFFFF  }
0xad: {  	[dreg:$0x0] =	wrdreg $0x60  }
0xae: {  	[dreg:$0x2] =	wrdreg s24  }
0xaf: {  	[dreg:$0x3] =	wrdreg s2  }
0xb0: {  	[dreg:$0x4] =	wrdreg $0x9  }
0xb1: {  	_ =	task.clear_ibuf [dreg:s7], $0x5FFFF;
	_ =	strace $0x9000004C  }
0xb2: {  	s29 =	simm.s32 $0x9;
	_ =	strace $0x8000004E  }
0xb3: {  	_ =	swait.ge [sflag:s29], $0x1  }
0xb4: {  	[sflag:s29] =	ssyncadd.s32 $0xFFFFFFFF  }
0xb5: {  	_ =	strace $0x9000004E  }
0xb6: {  	_ =	sfence  }
0xb7: {  	s30 =	sld [smem:$0x0];
	_ =	sdelay $0x2  }
0xb8: {  	s31 =	sshll.u32 s1, $0xD;
	s1 =	sshrl.u32 s1, $0x2  }
0xb9: {  	s3 =	sand.u32 $0x4000, s31;
	s1 =	sadd.s32 s1, s30  }
0xba: {  	s0 =	sor.u32 s3, s0;
	s1 =	sshll.u32 s1, $0x11  }
0xbb: {  	s0 =	sor.u32 s1, s0  }
0xbc: {  	s0 =	sadd.s32 $0x8F2B, s0  }
0xbd: {  	[sflag:s0] =	ssyncadd.remote.s32 $0x1  }
0xbe: {  	_ =	sfence.sel $0xFFFF  }
0xbf: {  	[dreg:$0x0] =	wrdreg $0xFFFFFFFF;
	(pc) =	sbr.abs _section_cstart, $3  }
0xc0: {  	[dreg:$0x1] =	wrdreg $0xFFFFFFFF  }
0xc1: {  	_ =	task.clear_ibuf [dreg:s7], $0x2FFFF;
	_ =	strace $0x9FFFFFFF  }
0xc2: {  	(tm) =	ssettm $0x7FFFFFFF  }
0xc3: {  	_ =	shalt  }
tec
execute0_lowered:
.L_overlay_start_1:
0x0: {  	(tag) =	ssettag $0x1  }
0x1: {  	s6 =	rddreg [dreg:$0x0]  }
0x2: {  	s2 =	rddreg [dreg:$0x1];
	s4 =	srdreg.scid  }
0x3: {  	s1 =	stileid.u32;
	s3 =	simm.s32 $0x0;
	s13 =	simm.s32 $0x1080  }
0x4: {  	s14 =	simm.s32 $0x1180;
	s15 =	simm.s32 $0x1;
	s16 =	simm.s32 $0x5180  }
0x5: {  	s17 =	simm.s32 $0x0;
	s22 =	simm.s32 $0x0;
	s7 =	sand.u32 $0x1, s4  }
0x6: {  	s8 =	sshll.u32 s1, $0x1;
	s4 =	sadd.s32 $0x41AC00, s6;
	s29 =	sshrl.u32 s1, $0x2  }
0x7: {  	s9 =	sor.u32 s7, s8;
	s28 =	ssub.s32 $0x2, s7;
	s7 =	smul.u32 $0x14000, s29  }
0x8: {  	[smem:$0x7FF] =	sst s3;
	s5 =	sadd.s32 $0x2DAC00, s6;
	s10 =	smul.u32 $0xA00, s9  }
.Ltmp0:
0x9: {  	_ =	strace $0x8000004D;
	s11 =	sshrl.u32 s28, $0x1;
	(pc) =	sbr.rel .LBB2_1-.Ltmp0, $4  }
0xa: {  	s12 =	sshll.u32 s9, $0x7;
	s31 =	sand.u32 $0xF, s9;
	s11 =	ssub.s32 s28, s11  }
0xb: {  	v2 =	vlaneseq.u32;
	s30 =	sand.u32 $0x380, s12;
	s12 =	simm.s32 $0x80;
	s10 =	sadd.s32 s10, s6  }
0xc: {  	v1 =	vimm.f32 $0.0e+00;
	v3 =	vor.u32 $0x10, v2;
	s6 =	sand.u32 $0x10, s8;
	s7 =	sor.u32 s7, s30;
	s9 =	smax.u32 s11, $0x1  }
0xd: {  	v4 =	vor.u32 $0x20, v2;
	v5 =	vor.u32 $0x30, v2;
	v0 =	vmov s31;
	s11 =	simm.s32 $0x1000;
	s8 =	sadd.s32 $0x1B800, s10;
	s10 =	simm.s32 $0x2  }
.LBB2_15:
0xe: {  	s17 =	sadd.s32 $0x1, s17  }
0xf: {  	p0 =	sne.s32 s17, s9  }
.Ltmp1:
0x10: {  	_ = 	snop;
	(pc) =	sbr.rel @!p0 .LBB2_16-.Ltmp1, $4  }
0x11: {  	[hbm4b:s8+s3] =	stream.linear.scatter [tilespmem:s16], [sflag:$0x2], $0x5000, $0x38;
	[tilespmem:$0xA180] =	vst v63  }
0x12: {  	_ =	swait.ge [sflag:s10], $0x5000  }
0x13: {  	[sflag:s10] =	ssyncset.done $0x0  }
0x14: {  	[sflag:s10] =	ssyncadd.s32 $0xFFFFB000  }
.LBB2_1:
0x15: {  	s18 =	simm.s32 $0x40;
	s19 =	simm.s32 $0x0  }
.LBB2_2:
0x16: {  	p0 =	sne.s32 s18, $0x13FC0;
	[tilespmem:s19+$0x5180] =	vst v1;
	s19 =	smov.u32 s18;
	s18 =	sadd.s32 $0x40, s18  }
.Ltmp2:
0x17: {  	(pc) =	sbr.rel @p0 .LBB2_2-.Ltmp2, $2  }
0x18: {  	_ =	sdelay $0x2  }
0x19: {  	s19 =	sshra.s32 s19, $0x2  }
.Ltmp3:
0x1a: {  	[tilespmem:s19+$0x5180] =	vst v1;
	s18 =	simm.s32 $0x0;
	(pc) =	sbr.rel .LBB2_4-.Ltmp3, $4  }
0x1b: {  	[tilespmem:s18], [sflag:$0x2] =	stream.linear.gather [hbm4b:s2+s18], $0x1000, $0x38;
	[tilespmem:$0xA180] =	vst v63  }
0x1c: {  	_ =	swait.ge [sflag:s10], $0x1000  }
0x1d: {  	[sflag:s10] =	ssyncset.done $0x0  }
0x1e: {  	[sflag:s10] =	ssyncadd.s32 $0xFFFFF000  }
.LBB2_14:
0x1f: {  	s18 =	sadd.s32 $0x1, s18  }
0x20: {  	p0 =	sne.s32 s18, $0x20  }
.Ltmp4:
0x21: {  	_ = 	snop;
	(pc) =	sbr.rel @!p0 .LBB2_15-.Ltmp4, $1  }
0x22: {  	_ =	sdelay $0x3  }
.LBB2_4:
0x23: {  	s19 =	sshll.u32 s18, $0x7  }
0x24: {  	s19 =	sand.u32 $0x3FFFFF80, s19  }
0x25: {  	s19 =	sor.u32 s19, s6  }
0x26: {  	v6 =	vld [tilespmem:s19+$0x0];
	_ =	sdelay $0x4  }
0x27: {  	v6 =	vperm.xlane v6, v0;
	_ =	sdelay $0x1  }
0x28: {  	(v2sf) =	vpush v6, $0x0;
	_ =	sdelay $0xe  }
0x29: {  	s19 =	spop (v2sf)  }
0x2a: {  	s20 =	sadd.s32 $0x7F, s19  }
0x2b: {  	s20 =	sshra.s32 s20, $0x7  }
0x2c: {  	p0 =	slt.s32 s20, $0x1  }
.Ltmp5:
0x2d: {  	_ = 	snop;
	(pc) =	sbr.rel @p0 .LBB2_14-.Ltmp5, $1  }
0x2e: {  	_ =	sdelay $0x3  }
.Ltmp6:
0x2f: {  	(pc) =	sbr.rel .LBB2_6-.Ltmp6, $3  }
0x30: {  	_ = 	snop  }
0x31: {  	s21 =	smul.u32 $0x50000, s18;
	_ =	sdelay $0x1  }
0x32: {  	s23 =	smov.u32 s19;
	s24 =	simm.s32 $0x0;
	s21 =	sadd.s32 s21, s7  }
.LBB2_9:
0x33: {  	s30 =	simm.s32 $0x1;
	s29 =	simm.s32 $0x11A0  }
.LBB2_12:
0x34: {  	_ =	sdelay $0x3  }
0x35: {  	s0 =	sand.u32 $0x7FFFFFF0, s30;
	[tilespmem:v6+s16+$0x0] =	vst.idx.msk @p0 $0xffff, v7  }
0x36: {  	v6 =	vld [tilespmem:s0+$0x1100];
	_ =	sdelay $0x3  }
0x37: {  	v7 =	vmov s30  }
0x38: {  	v6 =	vperm.xlane v6, v7;
	_ =	sdelay $0x1  }
0x39: {  	v6 =	vshll.u32 v6, $0x6  }
0x3a: {  	v7 =	vor.u32 v2, v6;
	_ =	sdelay $0x1  }
0x3b: {  	s0 =	sadd.s32 @p0 $0x80, s29  }
0x3c: {  	s25 =	smov.u32 @p0 s0  }
0x3d: {  	v9 =	vld [tilespmem:s25+$0xFFFFFFE0]  }
0x3e: {  	v8 =	vld.idx.msk [tilespmem:v7+s16+$0x0], $0xffff;
	_ =	sdelay $0x1  }
0x3f: {  	v10 =	vor.u32 v3, v6;
	_ =	sdelay $0x2  }
0x40: {  	v8 =	vmax.f32 v8, v9  }
0x41: {  	[tilespmem:v7+s16+$0x0] =	vst.idx.msk $0xffff, v8  }
0x42: {  	v7 =	vld.idx.msk [tilespmem:v10+s16+$0x0], $0xffff  }
0x43: {  	v8 =	vld [tilespmem:s25+$0xFFFFFFF0];
	_ =	sdelay $0x1  }
0x44: {  	v61 =	vor.u32 v4, v6;
	_ =	sdelay $0x2  }
0x45: {  	v7 =	vmax.f32 v7, v8  }
0x46: {  	[tilespmem:v10+s16+$0x0] =	vst.idx.msk $0xffff, v7  }
0x47: {  	v7 =	vld.idx.msk [tilespmem:v61+s16+$0x0], $0xffff  }
0x48: {  	v62 =	vld [tilespmem:s25+$0x0];
	_ =	sdelay $0x1  }
0x49: {  	v6 =	vor.u32 v5, v6;
	_ =	sdelay $0x2  }
0x4a: {  	v7 =	vmax.f32 v7, v62  }
0x4b: {  	[tilespmem:v61+s16+$0x0] =	vst.idx.msk $0xffff, v7  }
0x4c: {  	v7 =	vld.idx.msk [tilespmem:v6+s16+$0x0], $0xffff  }
0x4d: {  	v63 =	vld [tilespmem:s25+$0x10];
	_ =	sdelay $0x4  }
0x4e: {  	v7 =	vmax.f32 v7, v63  }
0x4f: {  	[tilespmem:v6+s16+$0x0] =	vst.idx.msk $0xffff, v7  }
.LBB2_13:
0x50: {  	s24 =	sadd.s32 $0x1, s24  }
0x51: {  	p0 =	sne.s32 s24, s20  }
.Ltmp7:
0x52: {  	_ = 	snop;
	(pc) =	sbr.rel @!p0 .LBB2_14-.Ltmp7, $2  }
0x53: {  	_ =	sdelay $0x2  }
0x54: {  	s23 =	sadd.s32 $0xFFFFFF80, s23  }
.LBB2_6:
0x55: {  	s25 =	sshll.u32 s24, $0xA  }
0x56: {  	s25 =	sadd.s32 s25, s21  }
0x57: {  	s25 =	sshrl.u32 s25, $0x3  }
0x58: {  	s25 =	sadd.s32 s5, s25  }
0x59: {  	[tilespmem:s11], [sflag:$0x2] =	stream.linear.gather [hbm4b:s25+s22], $0x80, $0x38;
	[tilespmem:$0xA180] =	vst v63  }
0x5a: {  	_ =	swait.ge [sflag:s10], $0x80  }
0x5b: {  	[sflag:s10] =	ssyncset.done $0x0  }
0x5c: {  	[sflag:s10] =	ssyncadd.s32 $0xFFFFFF80  }
0x5d: {  	v6 =	vld [tilespmem:$0x1000];
	_ =	sdelay $0x1  }
0x5e: {  	v7 =	vld [tilespmem:$0x1010];
	_ =	sdelay $0x1  }
0x5f: {  	v8 =	vld [tilespmem:$0x1020]  }
0x60: {  	v9 =	vshra.s32 v6, $0x9  }
0x61: {  	v61 =	vld [tilespmem:$0x1030];
	v6 =	vand.u32 $0x1FF, v6;
	[tilespmem:$0x1080] =	vst v9  }
0x62: {  	[tilespmem:$0x1100] =	vst v6;
	v6 =	vshra.s32 v7, $0x9  }
0x63: {  	[tilespmem:$0x1090] =	vst v6;
	v6 =	vand.u32 $0x1FF, v7;
	v7 =	vld [tilespmem:$0x1040]  }
0x64: {  	[tilespmem:$0x1110] =	vst v6;
	v6 =	vshra.s32 v8, $0x9  }
0x65: {  	v62 =	vld [tilespmem:$0x1050];
	[tilespmem:$0x10A0] =	vst v6;
	v6 =	vand.u32 $0x1FF, v8  }
0x66: {  	[tilespmem:$0x1120] =	vst v6;
	v6 =	vshra.s32 v61, $0x9  }
0x67: {  	v63 =	vld [tilespmem:$0x1060];
	[tilespmem:$0x10B0] =	vst v6;
	v6 =	vand.u32 $0x1FF, v61  }
0x68: {  	[tilespmem:$0x1130] =	vst v6;
	v6 =	vshra.s32 v7, $0x9  }
0x69: {  	[tilespmem:$0x10C0] =	vst v6;
	v6 =	vand.u32 $0x1FF, v7;
	v7 =	vld [tilespmem:$0x1070]  }
0x6a: {  	[tilespmem:$0x1140] =	vst v6;
	v6 =	vshra.s32 v62, $0x9  }
0x6b: {  	[tilespmem:$0x10D0] =	vst v6;
	v6 =	vand.u32 $0x1FF, v62  }
0x6c: {  	[tilespmem:$0x1150] =	vst v6;
	v6 =	vshra.s32 v63, $0x9  }
0x6d: {  	s31 =	sshll.u32 s24, $0x7;
	[tilespmem:$0x10E0] =	vst v6;
	v6 =	vand.u32 $0x1FF, v63  }
0x6e: {  	s25 =	ssub.s32 s19, s31;
	[tilespmem:$0x1160] =	vst v6;
	v6 =	vshra.s32 v7, $0x9  }
0x6f: {  	p0 =	slt.s32 s25, $0x1;
	[tilespmem:$0x10F0] =	vst v6;
	v6 =	vand.u32 $0x1FF, v7  }
.Ltmp8:
0x70: {  	[tilespmem:$0x1170] =	vst v6;
	(pc) =	sbr.rel @p0 .LBB2_13-.Ltmp8, $4  }
0x71: {  	[tilespmem:s14], [sflag:$0x1] =	stream.indirect.gather [hbm4b:s4+s12], $0x80, s13, s12, $0xb8;
	[tilespmem:$0xA180] =	vst v63  }
0x72: {  	_ =	swait.ge [sflag:s15], $0x4000  }
0x73: {  	[sflag:s15] =	ssyncset.done $0x0  }
0x74: {  	[sflag:s15] =	ssyncadd.s32 $0xFFFFC000  }
0x75: {  	p0 =	sgt.s32 s23, $0x1;
	s25 =	smov.u32 s23  }
0x76: {  	s25 =	simm.s32 @!p0 $0x1  }
0x77: {  	s26 =	smin.u32 s25, $0x80  }
0x78: {  	p1 =	sne.s32 s26, $0x1  }
.Ltmp9:
0x79: {  	_ = 	snop;
	(pc) =	sbr.rel @!p1 .LBB2_12-.Ltmp9, $3  }
0x7a: {  	_ =	sdelay $0x1  }
0x7b: {  	s28 =	simm.s32 $0x1;
	s30 =	simm.s32 $0x0  }
0x7c: {  	s29 =	simm.s32 $0x11A0;
	p0 =	por $0x0, $0x0;
	s25 =	simm.s32 $0x11A0  }
0x7d: {  	s29 =	sand.u32 $0x7FFFFFF0, s22  }
0x7e: {  	v6 =	vld [tilespmem:s29+$0x1100];
	_ =	sdelay $0x3  }
0x7f: {  	v7 =	vmov s22  }
0x80: {  	v6 =	vperm.xlane v6, v7;
	_ =	sdelay $0x1  }
0x81: {  	v6 =	vshll.u32 v6, $0x6  }
0x82: {  	v7 =	vor.u32 v2, v6;
	_ =	sdelay $0x3  }
0x83: {  	v9 =	vld [tilespmem:s25+$0xFFFFFFE0]  }
0x84: {  	v8 =	vld.idx.msk [tilespmem:v7+s16+$0x0], $0xffff;
	_ =	sdelay $0x1  }
0x85: {  	v10 =	vor.u32 v3, v6;
	_ =	sdelay $0x2  }
0x86: {  	v8 =	vmax.f32 v8, v9  }
0x87: {  	[tilespmem:v7+s16+$0x0] =	vst.idx.msk $0xffff, v8  }
0x88: {  	v7 =	vld.idx.msk [tilespmem:v10+s16+$0x0], $0xffff  }
0x89: {  	v8 =	vld [tilespmem:s25+$0xFFFFFFF0];
	_ =	sdelay $0x1  }
0x8a: {  	v63 =	vor.u32 v4, v6;
	_ =	sdelay $0x2  }
0x8b: {  	v7 =	vmax.f32 v7, v8  }
0x8c: {  	[tilespmem:v10+s16+$0x0] =	vst.idx.msk $0xffff, v7  }
0x8d: {  	v7 =	vld.idx.msk [tilespmem:v63+s16+$0x0], $0xffff  }
0x8e: {  	v8 =	vld [tilespmem:s25+$0x0];
	_ =	sdelay $0x1  }
0x8f: {  	v6 =	vor.u32 v5, v6;
	_ =	sdelay $0x2  }
0x90: {  	v7 =	vmax.f32 v7, v8  }
0x91: {  	[tilespmem:v63+s16+$0x0] =	vst.idx.msk $0xffff, v7  }
0x92: {  	v7 =	vld.idx.msk [tilespmem:v6+s16+$0x0], $0xffff  }
0x93: {  	p1 =	sne.s32 s26, $0x2;
	v8 =	vld [tilespmem:s25+$0x10]  }
.Ltmp10:
0x94: {  	_ = 	snop;
	(pc) =	sbr.rel @!p1 .LBB2_9-.Ltmp10, $2  }
0x95: {  	_ =	sdelay $0x2  }
0x96: {  	s30 =	simm.s32 $0x2;
	p0 =	por $0x1, $0x1;
	s29 =	simm.s32 $0x11A0;
	v7 =	vmax.f32 v7, v8  }
.LBB2_10:
0x97: {  	s31 =	sand.u32 $0x7FFFFFF0, s28  }
0x98: {  	[tilespmem:v6+s16+$0x0] =	vst.idx.msk $0xffff, v7;
	s29 =	sadd.s32 $0x80, s29;
	s0 =	smov.u32 s30;
	s30 =	sadd.s32 $0x1, s30  }
0x99: {  	p1 =	sne.s32 s26, s30;
	v6 =	vld [tilespmem:s31+$0x1100];
	_ =	sdelay $0x3  }
0x9a: {  	v7 =	vmov s28;
	s28 =	smov.u32 s0  }
0x9b: {  	v6 =	vperm.xlane v6, v7;
	_ =	sdelay $0x1  }
0x9c: {  	v6 =	vshll.u32 v6, $0x6  }
0x9d: {  	v7 =	vor.u32 v2, v6;
	_ =	sdelay $0x4  }
0x9e: {  	v8 =	vld.idx.msk [tilespmem:v7+s16+$0x0], $0xffff  }
0x9f: {  	v9 =	vld [tilespmem:s29+$0xFFFFFFE0];
	_ =	sdelay $0x1  }
0xa0: {  	v10 =	vor.u32 v3, v6;
	_ =	sdelay $0x2  }
0xa1: {  	v8 =	vmax.f32 v8, v9  }
0xa2: {  	[tilespmem:v7+s16+$0x0] =	vst.idx.msk $0xffff, v8  }
0xa3: {  	v7 =	vld.idx.msk [tilespmem:v10+s16+$0x0], $0xffff  }
0xa4: {  	v8 =	vld [tilespmem:s29+$0xFFFFFFF0];
	_ =	sdelay $0x1  }
0xa5: {  	v9 =	vor.u32 v4, v6;
	_ =	sdelay $0x2  }
0xa6: {  	v7 =	vmax.f32 v7, v8  }
0xa7: {  	[tilespmem:v10+s16+$0x0] =	vst.idx.msk $0xffff, v7  }
0xa8: {  	v7 =	vld.idx.msk [tilespmem:v9+s16+$0x0], $0xffff  }
0xa9: {  	v8 =	vld [tilespmem:s29+$0x0];
	_ =	sdelay $0x1  }
0xaa: {  	v6 =	vor.u32 v5, v6;
	_ =	sdelay $0x2  }
0xab: {  	v7 =	vmax.f32 v7, v8  }
0xac: {  	[tilespmem:v9+s16+$0x0] =	vst.idx.msk $0xffff, v7  }
0xad: {  	v7 =	vld.idx.msk [tilespmem:v6+s16+$0x0], $0xffff  }
0xae: {  	v8 =	vld [tilespmem:s29+$0x10]  }
.Ltmp11:
0xaf: {  	(pc) =	sbr.rel @p1 .LBB2_10-.Ltmp11, $2  }
0xb0: {  	_ =	sdelay $0x2  }
0xb1: {  	v7 =	vmax.f32 v7, v8  }
.Ltmp12:
0xb2: {  	(pc) =	sbr.rel .LBB2_12-.Ltmp12, $2  }
0xb3: {  	_ =	sdelay $0x2  }
0xb4: {  	s30 =	smov.u32 s28  }
.LBB2_16:
0xb5: {  	_ =	sfence.sel $0x180000  }
0xb6: {  	[bflag:$0x0] =	sbarrier.arrive $0xFFFF  }
0xb7: {  	_ =	strace $0x9000004D  }
0xb8: {  	[bflag:$0x2] =	sbarrier.arrive $0xFFFF  }
0xb9: {  	p0 =	sne.s32 s1, $0x0;
	s0 =	rddreg [dreg:$0x2]  }
0xba: {  	s0 =	sadd.s32 @!p0 $0x100000, s0  }
0xbb: {  	[sflag:s0] =	ssyncadd.tile.s32 @!p0 $0x1;
	_ =	shalt  }
.Lfunc_end2:
_tile_overlayer_lowered:
.L_overlay_start_2:
0xbc: {  	(tag) =	ssettag $0x2  }
0xbd: {  	s0 =	rddreg [dreg:$0x0];
	s2 =	stileid.u32  }
0xbe: {  	s1 =	rddreg [dreg:$0x1];
	p0 =	sne.s32 s2, $0x0  }
0xbf: {  	s3 =	rddreg [dreg:$0x2];
	[bflag:$0x3] =	sbarrier.arrive $0xFFFF;
	s2 =	simm.s32 @!p0 $0x1C02  }
0xc0: {  	[timem:s3], [sflag:s2] =	dma.local @!p0 [hbm:s0], s1  }
0xc1: {  	s0 =	simm.s32 @!p0 $0x2  }
0xc2: {  	_ =	swait.ge @!p0 [sflag:s0], s1  }
0xc3: {  	s1 =	ssub.s32 @!p0 $0x0, s1;
	[sflag:s0] =	ssyncset.done @!p0 $0x0  }
0xc4: {  	[sflag:s0] =	ssyncadd.s32 @!p0 s1  }
0xc5: {  	[bflag:$0x3] =	sbarrier.arrive $0xFFFF  }
0xc6: {  	_ =	shalt  }

// kernel: kernel.25.cloned.1.call-start
scs
__scs_entry_jumppad:
0x0: {  	(pc) =	sbr.rel $0x88, $3  }
0x1: {  	(tag) =	ssettag $0x0;
	lr =	simm.s32 $0x1  }
0x2: {  	[smem:$0x3F81] =	sst lr;
	_ =	strace $0xD0000000  }
0x3: {  	_ = 	snop  }
0x4: {  	_ = 	snop  }
0x5: {  	_ = 	snop  }
0x6: {  	_ = 	snop  }
0x7: {  	_ = 	snop  }
__scs_overlays_trampoline_lowered:
0x8: {  	[smem:$0x3F90] =	sst s0  }
0x9: {  	[smem:$0x3F91] =	sst s1  }
0xa: {  	[smem:$0x3F92] =	sst s2  }
0xb: {  	[smem:$0x3F93] =	sst s3  }
0xc: {  	[smem:$0x3F94] =	sst s4  }
0xd: {  	[smem:$0x3F95] =	sst s5  }
0xe: {  	[smem:$0x3F96] =	sst s6  }
0xf: {  	[smem:$0x3F97] =	sst s7  }
0x10: {  	[smem:$0x3F98] =	sst s8  }
0x11: {  	[smem:$0x3F99] =	sst s9;
	s0 =	simm.s32 @!p0 $0x0  }
0x12: {  	s1 =	sld [smem:$0x3F7F];
	s0 =	simm.s32 @p0 $0x1  }
0x13: {  	[smem:$0x3F9A] =	sst s0;
	s0 =	simm.s32 @!p1 $0x0  }
0x14: {  	s2 =	sld [smem:$0x3F7E];
	s0 =	simm.s32 @p1 $0x1  }
0x15: {  	[smem:$0x3F9B] =	sst s0;
	s0 =	simm.s32 @!p2 $0x0  }
0x16: {  	s3 =	sld [smem:$0x3FDB];
	s0 =	simm.s32 @p2 $0x1  }
0x17: {  	s4 =	simm.s32 $0x1BF5;
	[smem:$0x3F9D] =	sst s0  }
0x18: {  	s0 =	sld [smem:$0x3F80];
	_ =	swait.ge [sflag:s4], $0x0  }
0x19: {  	s7 =	sld [smem:$0x3F81]  }
0x1a: {  	s8 =	sadd.s32 $0xFFFFE003, lr  }
0x1b: {  	s9 =	sadd.s32 $0xFFFFFEF7, lr;
	s5 =	simm.s32 $0xFFFFFFFF;
	p2 =	slt.u32 s8, $0xFFFFF086  }
0x1c: {  	p1 =	slt.u32 s9, $0xF7A;
	s5 =	simm.s32 @!p2 $0x0  }
0x1d: {  	s5 =	simm.s32 @p1 $0x1;
	p0 =	seq.s32 s7, s2  }
0x1e: {  	s7 =	smul.u32 @!p0 $0xF7A, s2;
	p2 =	seq.s32 @!p0 s5, $0x0  }
0x1f: {  	s9 =	smul.u32 $0xF7A, s1;
	s8 =	simm.s32 @!p0 $0x1BF5;
	p2 =	por !p2, p0  }
0x20: {  	[sflag:s8] =	ssyncset.s32 @!p0 $0xFFFFF086;
	s6 =	sadd.s32 @!p0 s3, s7;
	s7 =	simm.s32 @!p0 $0x108  }
0x21: {  	s3 =	sadd.s32 s3, s9;
	s6 =	sadd.s32 @!p0 $0x88, s6;
	s7 =	simm.s32 @p2 $0x1082  }
0x22: {  	[simem:s7], [sflag:s8] =	dma.local @!p0 [hbm:s6], $0xF7A  }
0x23: {  	s9 =	sor.u32 $0xD0000000, s2;
	s6 =	simm.s32 $0x108;
	_ =	swait.ge @!p0 [sflag:s8], $0x0  }
0x24: {  	s3 =	sadd.s32 $0x88, s3;
	s6 =	simm.s32 @!p1 $0x1082;
	[sflag:s4] =	ssyncset.s32 $0xFFFFF086  }
0x25: {  	[simem:s6], [sflag:s4] =	dma.local [hbm:s3], $0xF7A  }
0x26: {  	[smem:$0x3F81] =	sst s1;
	(tag) =	ssettag s2;
	_ =	strace s9  }
0x27: {  	s1 =	sld [smem:$0x3F91]  }
0x28: {  	s2 =	sld [smem:$0x3F92]  }
0x29: {  	s4 =	sld [smem:$0x3F94]  }
0x2a: {  	p0 =	seq.s32 s5, $0x0;
	s5 =	sld [smem:$0x3F95]  }
0x2b: {  	s6 =	sld [smem:$0x3F96]  }
0x2c: {  	s7 =	sld [smem:$0x3F97]  }
0x2d: {  	s3 =	simm.s32 $0x108;
	s8 =	sld [smem:$0x3F98]  }
0x2e: {  	s3 =	simm.s32 @!p0 $0x1082;
	s9 =	sld [smem:$0x3F99]  }
0x2f: {  	lr =	sadd.s32 s0, s3;
	s0 =	sld [smem:$0x3F90]  }
0x30: {  	s3 =	sld [smem:$0x3F93]  }
0x31: {  	[smem:$0x3F9C] =	sst s10  }
0x32: {  	s10 =	sld [smem:$0x3F9A];
	_ =	sdelay $0x3  }
0x33: {  	p0 =	seq.s32 s10, $0x1;
	s10 =	sld [smem:$0x3F9C];
	_ =	sdelay $0x3  }
0x34: {  	[smem:$0x3F9C] =	sst s10  }
0x35: {  	s10 =	sld [smem:$0x3F9B];
	_ =	sdelay $0x3  }
0x36: {  	p1 =	seq.s32 s10, $0x1;
	s10 =	sld [smem:$0x3F9C];
	_ =	sdelay $0x3  }
0x37: {  	[smem:$0x3F9C] =	sst s10  }
0x38: {  	s10 =	sld [smem:$0x3F9D]  }
0x39: {  	_ = 	snop;
	(pc) =	sbr.ind lr, $3  }
0x3a: {  	_ = 	snop  }
0x3b: {  	_ = 	snop  }
0x3c: {  	p2 =	seq.s32 s10, $0x1;
	s10 =	sld [smem:$0x3F9C]  }
0x3d: {  	_ =	shalt  }
0x3e: {  	_ =	shalt  }
0x3f: {  	_ =	shalt  }
0x40: {  	_ =	shalt  }
0x41: {  	_ =	shalt  }
0x42: {  	_ =	shalt  }
0x43: {  	_ =	shalt  }
0x44: {  	_ =	shalt  }
0x45: {  	_ =	shalt  }
0x46: {  	_ =	shalt  }
0x47: {  	_ =	shalt  }
0x48: {  	_ =	shalt  }
0x49: {  	_ =	shalt  }
0x4a: {  	_ =	shalt  }
0x4b: {  	_ =	shalt  }
0x4c: {  	_ =	shalt  }
0x4d: {  	_ =	shalt  }
0x4e: {  	_ =	shalt  }
0x4f: {  	_ =	shalt  }
0x50: {  	_ =	shalt  }
0x51: {  	_ =	shalt  }
0x52: {  	_ =	shalt  }
0x53: {  	_ =	shalt  }
0x54: {  	_ =	shalt  }
0x55: {  	_ =	shalt  }
0x56: {  	_ =	shalt  }
0x57: {  	_ =	shalt  }
0x58: {  	_ =	shalt  }
0x59: {  	_ =	shalt  }
0x5a: {  	_ =	shalt  }
0x5b: {  	_ =	shalt  }
0x5c: {  	_ =	shalt  }
0x5d: {  	_ =	shalt  }
0x5e: {  	_ =	shalt  }
0x5f: {  	_ =	shalt  }
0x60: {  	_ =	shalt  }
0x61: {  	_ =	shalt  }
0x62: {  	_ =	shalt  }
0x63: {  	_ =	shalt  }
0x64: {  	_ =	shalt  }
0x65: {  	_ =	shalt  }
0x66: {  	_ =	shalt  }
0x67: {  	_ =	shalt  }
0x68: {  	_ =	shalt  }
0x69: {  	_ =	shalt  }
0x6a: {  	_ =	shalt  }
0x6b: {  	_ =	shalt  }
0x6c: {  	_ =	shalt  }
0x6d: {  	_ =	shalt  }
0x6e: {  	_ =	shalt  }
0x6f: {  	_ =	shalt  }
0x70: {  	_ =	shalt  }
0x71: {  	_ =	shalt  }
0x72: {  	_ =	shalt  }
0x73: {  	_ =	shalt  }
0x74: {  	_ =	shalt  }
0x75: {  	_ =	shalt  }
0x76: {  	_ =	shalt  }
0x77: {  	_ =	shalt  }
0x78: {  	_ =	shalt  }
0x79: {  	_ =	shalt  }
0x7a: {  	_ =	shalt  }
0x7b: {  	_ =	shalt  }
0x7c: {  	_ =	shalt  }
0x7d: {  	_ =	shalt  }
0x7e: {  	_ =	shalt  }
0x7f: {  	_ =	shalt  }
0x80: {  	_ =	shalt  }
0x81: {  	_ =	shalt  }
0x82: {  	_ =	shalt  }
0x83: {  	_ =	shalt  }
0x84: {  	_ =	shalt  }
0x85: {  	_ =	shalt  }
0x86: {  	_ =	shalt  }
0x87: {  	_ =	shalt  }
.Lfunc_end0:
.L_simem_size_0:
called_computation.3_lowered:
.L_overlay_start_0:
0x88: {  	s2 =	sld [smem:$0x3FD9]  }
0x89: {  	s3 =	sld [smem:$0x3FFE];
	_ =	sdelay $0x1  }
0x8a: {  	s1 =	srdreg.scid  }
0x8b: {  	s0 =	sand.u32 $0x1, s1  }
0x8c: {  	s16 =	sshll.u32 s0, $0xA;
	s2 =	sadd.s32 s3, s2  }
0x8d: {  	s2 =	sadd.s32 s2, s16  }
0x8e: {  	[smem:$0x3FA8] =	sst s2  }
0x8f: {  	_ = 	snop  }
0x90: {  	(tm) =	ssettm $0x1  }
0x91: {  	s17 =	sld [smem:$0x3FFB];
	_ =	sdelay $0x3  }
0x92: {  	_ =	strace s17  }
0x93: {  	s2 =	sld [smem:$0x3FFC];
	_ =	sdelay $0x3  }
0x94: {  	_ =	strace s2  }
0x95: {  	s2 =	sld [smem:$0x3FFD];
	_ =	sdelay $0x3  }
0x96: {  	_ =	strace s2  }
0x97: {  	_ =	strace $0x8FFFFFFF  }
0x98: {  	s18 =	sld [smem:$0x3FDB];
	_ =	sdelay $0x1  }
0x99: {  	s19 =	simm.s32 $_scs_section_size  }
0x9a: {  	s4 =	simm.s32 $_size__tile_overlayer_lowered;
	s5 =	simm.s32 $_tile_overlayer_lowered  }
0x9b: {  	s22 =	simm.s32 $0x1BFF;
	s21 =	sshll.u32 s5, $0x1;
	s2 =	sadd.s32 s19, s18  }
0x9c: {  	s6 =	simm.s32 $0x0;
	s20 =	sshll.u32 s4, $0x1;
	s4 =	sadd.s32 s21, s2  }
0x9d: {  	[timem:s6], [sflag:s22] =	dma.local [hbm:s4], s20  }
0x9e: {  	_ =	swait.ge [sflag:s22], s20  }
0x9f: {  	s3 =	ssub.s32 $0x0, s20;
	[sflag:s22] =	ssyncset.done $0x0  }
0xa0: {  	[sflag:s22] =	ssyncadd.s32 s3;
	_ =	sdelay $0x1  }
0xa1: {  	s23 =	simm.s32 $0x1B8B  }
0xa2: {  	_ =	swait.ge [sflag:s23], $0x1  }
0xa3: {  	[sflag:s23] =	ssyncset.done $0x0  }
0xa4: {  	s25 =	simm.s32 $0x1B8E;
	s24 =	sld [smem:$0x3FFE];
	[sflag:s23] =	ssyncadd.s32 $0xFFFFFFFF  }
0xa5: {  	s26 =	simm.s32 $execute0_lowered;
	[smem:$0x3FD2] =	sst s25  }
0xa6: {  	s4 =	sshll.u32 s26, $0x1;
	_ =	strace $0x8000004F;
	[dreg:$0x1] =	wrdreg $0xFFFFFFFF  }
0xa7: {  	s28 =	simm.s32 $_size_execute0_lowered;
	s2 =	sadd.s32 s2, s4;
	[dreg:$0x0] =	wrdreg $0x0  }
0xa8: {  	s4 =	sshll.u32 s28, $0x1;
	[dreg:$0x2] =	wrdreg s2  }
0xa9: {  	[dreg:$0x3] =	wrdreg s4  }
0xaa: {  	[dreg:$0x4] =	wrdreg $0xC0  }
0xab: {  	_ =	task [dreg:s6], $0x5FFFF  }
0xac: {  	[dreg:$0x1] =	wrdreg $0xFFFFFFFF  }
0xad: {  	[dreg:$0x0] =	wrdreg $0x60  }
0xae: {  	[dreg:$0x2] =	wrdreg s24  }
0xaf: {  	[dreg:$0x3] =	wrdreg $0x9  }
0xb0: {  	_ =	task.clear_ibuf [dreg:s6], $0x4FFFF;
	_ =	strace $0x9000004F  }
0xb1: {  	s29 =	simm.s32 $0x9;
	_ =	strace $0x80000051  }
0xb2: {  	_ =	swait.ge [sflag:s29], $0x1  }
0xb3: {  	[sflag:s29] =	ssyncadd.s32 $0xFFFFFFFF  }
0xb4: {  	_ =	strace $0x90000051  }
0xb5: {  	_ =	sfence  }
0xb6: {  	s30 =	sld [smem:$0x0];
	_ =	sdelay $0x2  }
0xb7: {  	s31 =	sshll.u32 s1, $0xD;
	s1 =	sshrl.u32 s1, $0x2  }
0xb8: {  	s3 =	sand.u32 $0x4000, s31;
	s1 =	sadd.s32 s1, s30  }
0xb9: {  	s0 =	sor.u32 s3, s0;
	s1 =	sshll.u32 s1, $0x11  }
0xba: {  	s0 =	sor.u32 s1, s0  }
0xbb: {  	s0 =	sadd.s32 $0x8F2B, s0  }
0xbc: {  	[sflag:s0] =	ssyncadd.remote.s32 $0x1  }
0xbd: {  	_ =	sfence.sel $0xFFFF  }
0xbe: {  	[dreg:$0x0] =	wrdreg $0xFFFFFFFF;
	(pc) =	sbr.abs _section_cstart, $3  }
0xbf: {  	[dreg:$0x1] =	wrdreg $0xFFFFFFFF  }
0xc0: {  	_ =	task.clear_ibuf [dreg:s6], $0x2FFFF;
	_ =	strace $0x9FFFFFFF  }
0xc1: {  	(tm) =	ssettm $0x7FFFFFFF  }
tec
execute0_lowered:
.L_overlay_start_1:
0x0: {  	(tag) =	ssettag $0x1  }
0x1: {  	s7 =	rddreg [dreg:$0x0]  }
0x2: {  	s0 =	rddreg [dreg:$0x1]  }
0x3: {  	s2 =	simm.s32 $0x0;
	s3 =	srdreg.scid;
	s1 =	stileid.u32  }
0x4: {  	s10 =	simm.s32 $0x3;
	s11 =	simm.s32 $0x80;
	s12 =	simm.s32 $0x50  }
0x5: {  	s13 =	simm.s32 $0x100;
	s14 =	simm.s32 $0x2900;
	s15 =	simm.s32 $0x1  }
0x6: {  	s16 =	simm.s32 $0x2;
	s17 =	simm.s32 $0x5100;
	s18 =	simm.s32 $0x0  }
0x7: {  	[smem:$0x7FF] =	sst s2;
	s5 =	sand.u32 $0x1, s3;
	s3 =	sadd.s32 $0x1B800, s7  }
0x8: {  	s8 =	sshll.u32 s1, $0x1;
	s4 =	sadd.s32 $0x11A00, s7;
	s6 =	ssub.s32 $0x2, s5  }
0x9: {  	_ =	strace $0x80000050;
	s8 =	sor.u32 s5, s8;
	s9 =	sshrl.u32 s6, $0x1  }
0xa: {  	s5 =	sadd.s32 $0x7C00, s7;
	s9 =	ssub.s32 s6, s9;
	s6 =	smul.u32 $0x2710, s8  }
0xb: {  	s7 =	sadd.s32 $0x69C00, s7;
	s8 =	smul.u32 $0x1388, s8;
	s9 =	smax.u32 s9, $0x1  }
.LBB2_1:
0xc: {  	s19 =	simm.s32 $0x0  }
.LBB2_2:
0xd: {  	s20 =	smul.u32 $0x50, s19;
	_ =	sdelay $0x1  }
0xe: {  	s20 =	sadd.s32 s6, s20  }
0xf: {  	s20 =	sshrl.u32 s20, $0x3  }
0x10: {  	s22 =	simm.s32 $0x0;
	s21 =	sadd.s32 s4, s20  }
0x11: {  	[tilespmem:s22], [sflag:$0x3] =	stream.linear.gather [hbm4b:s21+s22], $0x50, $0x38;
	[tilespmem:$0x6500] =	vst v63  }
0x12: {  	_ =	swait.ge [sflag:s10], $0x50  }
0x13: {  	[sflag:s10] =	ssyncset.done $0x0  }
0x14: {  	s20 =	sadd.s32 s5, s20;
	[sflag:s10] =	ssyncadd.s32 $0xFFFFFFB0  }
0x15: {  	[tilespmem:s11], [sflag:$0x3] =	stream.linear.gather [hbm4b:s20+s22], $0x50, $0x38;
	[tilespmem:$0x6500] =	vst v63  }
0x16: {  	_ =	swait.ge [sflag:s10], $0x50  }
0x17: {  	[sflag:s10] =	ssyncset.done $0x0  }
0x18: {  	[sflag:s10] =	ssyncadd.s32 $0xFFFFFFB0  }
0x19: {  	[tilespmem:s13], [sflag:$0x1] =	stream.indirect.gather [hbm4b:s3+s12], $0x80, s22, s12, $0xb8;
	[tilespmem:$0x6500] =	vst v63  }
0x1a: {  	_ = 	snop  }
0x1b: {  	[tilespmem:s14], [sflag:$0x2] =	stream.indirect.gather [hbm4b:s3+s12], $0x80, s11, s12, $0xb8;
	[tilespmem:$0x6500] =	vst v63  }
0x1c: {  	_ =	swait.ge [sflag:s15], $0x2800  }
0x1d: {  	[sflag:s15] =	ssyncset.done $0x0  }
0x1e: {  	[sflag:s15] =	ssyncadd.s32 $0xFFFFD800  }
0x1f: {  	_ =	swait.ge [sflag:s16], $0x2800  }
0x20: {  	[sflag:s16] =	ssyncset.done $0x0  }
0x21: {  	s21 =	simm.s32 $0x0;
	[sflag:s16] =	ssyncadd.s32 $0xFFFFD800  }
0x22: {  	v0 =	vld [tilespmem:s21+$0x100]  }
0x23: {  	v1 =	vld [tilespmem:s21+$0x2940];
	_ =	sdelay $0x4  }
0x24: {  	v0 =	vadd.f32 v1, v0  }
0x25: {  	s20 =	simm.s32 $0x5140  }
0x26: {  	[tilespmem:s20+$0xFFFFFFC0] =	vst v0  }
0x27: {  	v0 =	vld [tilespmem:s21+$0x180]  }
0x28: {  	v58 =	vld [tilespmem:s21+$0x29C0];
	_ =	sdelay $0x4  }
0x29: {  	v0 =	vadd.f32 v58, v0;
	_ =	sdelay $0x1  }
0x2a: {  	[tilespmem:s20+$0x0] =	vst v0  }
0x2b: {  	v0 =	vld [tilespmem:s21+$0x110]  }
0x2c: {  	v59 =	vld [tilespmem:s21+$0x2950];
	_ =	sdelay $0x4  }
0x2d: {  	v0 =	vadd.f32 v59, v0;
	_ =	sdelay $0x1  }
0x2e: {  	[tilespmem:s20+$0xFFFFFFD0] =	vst v0  }
0x2f: {  	v0 =	vld [tilespmem:s21+$0x190]  }
0x30: {  	v60 =	vld [tilespmem:s21+$0x29D0];
	_ =	sdelay $0x4  }
0x31: {  	v0 =	vadd.f32 v60, v0;
	_ =	sdelay $0x1  }
0x32: {  	[tilespmem:s20+$0x10] =	vst v0  }
0x33: {  	v0 =	vld [tilespmem:s21+$0x120]  }
0x34: {  	v61 =	vld [tilespmem:s21+$0x2960];
	_ =	sdelay $0x4  }
0x35: {  	v0 =	vadd.f32 v61, v0;
	_ =	sdelay $0x1  }
0x36: {  	[tilespmem:s20+$0xFFFFFFE0] =	vst v0  }
0x37: {  	v0 =	vld [tilespmem:s21+$0x1A0]  }
0x38: {  	v62 =	vld [tilespmem:s21+$0x29E0];
	_ =	sdelay $0x4  }
0x39: {  	v0 =	vadd.f32 v62, v0;
	_ =	sdelay $0x1  }
0x3a: {  	[tilespmem:s20+$0x20] =	vst v0  }
0x3b: {  	v0 =	vld [tilespmem:s21+$0x130]  }
0x3c: {  	v63 =	vld [tilespmem:s21+$0x2970];
	_ =	sdelay $0x4  }
0x3d: {  	s31 =	smul.u32 $0x28, s19;
	v0 =	vadd.f32 v63, v0;
	_ =	sdelay $0x1  }
0x3e: {  	s24 =	simm.s32 $0x400;
	s23 =	simm.s32 $0x5140;
	s22 =	sadd.s32 s8, s31;
	[tilespmem:s20+$0xFFFFFFF0] =	vst v0  }
.LBB2_3:
0x3f: {  	p0 =	sne.s32 s24, $0x9C00  }
0x40: {  	v0 =	vld [tilespmem:s21+$0x1B0];
	s20 =	sadd.s32 $0x80, s20;
	s25 =	smov.u32 s24;
	s24 =	sadd.s32 $0x400, s24  }
0x41: {  	v1 =	vld [tilespmem:s21+$0x29F0];
	_ =	sdelay $0x4  }
0x42: {  	v0 =	vadd.f32 v1, v0;
	_ =	sdelay $0x1  }
0x43: {  	s21 =	sshra.s32 s25, $0x2;
	[tilespmem:s23+$0x30] =	vst v0;
	s23 =	smov.u32 s20  }
0x44: {  	v0 =	vld [tilespmem:s21+$0x100]  }
0x45: {  	v1 =	vld [tilespmem:s21+$0x2940];
	_ =	sdelay $0x4  }
0x46: {  	v0 =	vadd.f32 v1, v0;
	_ =	sdelay $0x1  }
0x47: {  	[tilespmem:s20+$0xFFFFFFC0] =	vst v0  }
0x48: {  	v0 =	vld [tilespmem:s21+$0x180]  }
0x49: {  	v1 =	vld [tilespmem:s21+$0x29C0];
	_ =	sdelay $0x4  }
0x4a: {  	v0 =	vadd.f32 v1, v0;
	_ =	sdelay $0x1  }
0x4b: {  	[tilespmem:s20+$0x0] =	vst v0  }
0x4c: {  	v0 =	vld [tilespmem:s21+$0x110]  }
0x4d: {  	v1 =	vld [tilespmem:s21+$0x2950];
	_ =	sdelay $0x4  }
0x4e: {  	v0 =	vadd.f32 v1, v0;
	_ =	sdelay $0x1  }
0x4f: {  	[tilespmem:s20+$0xFFFFFFD0] =	vst v0  }
0x50: {  	v0 =	vld [tilespmem:s21+$0x190]  }
0x51: {  	v1 =	vld [tilespmem:s21+$0x29D0];
	_ =	sdelay $0x4  }
0x52: {  	v0 =	vadd.f32 v1, v0;
	_ =	sdelay $0x1  }
0x53: {  	[tilespmem:s20+$0x10] =	vst v0  }
0x54: {  	v0 =	vld [tilespmem:s21+$0x120]  }
0x55: {  	v1 =	vld [tilespmem:s21+$0x2960];
	_ =	sdelay $0x4  }
0x56: {  	v0 =	vadd.f32 v1, v0;
	_ =	sdelay $0x1  }
0x57: {  	[tilespmem:s20+$0xFFFFFFE0] =	vst v0  }
0x58: {  	v0 =	vld [tilespmem:s21+$0x1A0]  }
0x59: {  	v1 =	vld [tilespmem:s21+$0x29E0];
	_ =	sdelay $0x4  }
0x5a: {  	v0 =	vadd.f32 v1, v0;
	_ =	sdelay $0x1  }
0x5b: {  	[tilespmem:s20+$0x20] =	vst v0  }
0x5c: {  	v0 =	vld [tilespmem:s21+$0x130]  }
0x5d: {  	v1 =	vld [tilespmem:s21+$0x2970];
	_ =	sdelay $0x2  }
.Ltmp0:
0x5e: {  	(pc) =	sbr.rel @p0 .LBB2_3-.Ltmp0, $3  }
0x5f: {  	_ = 	snop  }
0x60: {  	v0 =	vadd.f32 v1, v0;
	_ =	sdelay $0x1  }
0x61: {  	[tilespmem:s20+$0xFFFFFFF0] =	vst v0  }
0x62: {  	v0 =	vld [tilespmem:s21+$0x1B0]  }
0x63: {  	v1 =	vld [tilespmem:s21+$0x29F0];
	_ =	sdelay $0x4  }
0x64: {  	s19 =	sadd.s32 $0x1, s19;
	v0 =	vadd.f32 v1, v0  }
0x65: {  	s20 =	sshll.u32 s22, $0x4;
	p0 =	sne.s32 s19, $0x7D  }
.Ltmp1:
0x66: {  	s20 =	sadd.s32 s7, s20;
	[tilespmem:s23+$0x30] =	vst v0;
	(pc) =	sbr.rel @p0 .LBB2_2-.Ltmp1, $4  }
0x67: {  	[hbm4b:s20+s2] =	stream.linear.scatter [tilespmem:s17], [sflag:$0x3], $0x1400, $0x38;
	[tilespmem:$0x6500] =	vst v63  }
0x68: {  	_ =	swait.ge [sflag:s10], $0x1400  }
0x69: {  	[sflag:s10] =	ssyncset.done $0x0  }
0x6a: {  	[sflag:s10] =	ssyncadd.s32 $0xFFFFEC00  }
0x6b: {  	s18 =	sadd.s32 $0x1, s18  }
0x6c: {  	p0 =	sne.s32 s18, s9  }
.Ltmp2:
0x6d: {  	_ = 	snop;
	(pc) =	sbr.rel @p0 .LBB2_1-.Ltmp2, $1  }
0x6e: {  	_ =	sdelay $0x3  }
0x6f: {  	_ =	sfence.sel $0x180000  }
0x70: {  	[bflag:$0x0] =	sbarrier.arrive $0xFFFF  }
0x71: {  	p0 =	sne.s32 s1, $0x0;
	_ =	strace $0x90000050  }
0x72: {  	s0 =	sadd.s32 @!p0 $0x100000, s0;
	[bflag:$0x2] =	sbarrier.arrive $0xFFFF  }
0x73: {  	[sflag:s0] =	ssyncadd.tile.s32 @!p0 $0x1;
	_ =	shalt  }
.Lfunc_end2:
_tile_overlayer_lowered:
.L_overlay_start_2:
0x74: {  	(tag) =	ssettag $0x2  }
0x75: {  	s0 =	rddreg [dreg:$0x0];
	s2 =	stileid.u32  }
0x76: {  	s1 =	rddreg [dreg:$0x1];
	p0 =	sne.s32 s2, $0x0  }
0x77: {  	s3 =	rddreg [dreg:$0x2];
	[bflag:$0x3] =	sbarrier.arrive $0xFFFF;
	s2 =	simm.s32 @!p0 $0x1C03  }
0x78: {  	[timem:s3], [sflag:s2] =	dma.local @!p0 [hbm:s0], s1  }
0x79: {  	s0 =	simm.s32 @!p0 $0x3  }
0x7a: {  	_ =	swait.ge @!p0 [sflag:s0], s1  }
0x7b: {  	s1 =	ssub.s32 @!p0 $0x0, s1;
	[sflag:s0] =	ssyncset.done @!p0 $0x0  }
0x7c: {  	[sflag:s0] =	ssyncadd.s32 @!p0 s1  }
0x7d: {  	[bflag:$0x3] =	sbarrier.arrive $0xFFFF  }
0x7e: {  	_ =	shalt  }

// kernel: kernel.28.cloned.1.call-start
scs
__scs_entry_jumppad:
0x0: {  	(pc) =	sbr.rel $0x88, $3  }
0x1: {  	(tag) =	ssettag $0x0;
	lr =	simm.s32 $0x1  }
0x2: {  	[smem:$0x3F81] =	sst lr;
	_ =	strace $0xD0000000  }
0x3: {  	_ = 	snop  }
0x4: {  	_ = 	snop  }
0x5: {  	_ = 	snop  }
0x6: {  	_ = 	snop  }
0x7: {  	_ = 	snop  }
__scs_overlays_trampoline_lowered:
0x8: {  	[smem:$0x3F90] =	sst s0  }
0x9: {  	[smem:$0x3F91] =	sst s1  }
0xa: {  	[smem:$0x3F92] =	sst s2  }
0xb: {  	[smem:$0x3F93] =	sst s3  }
0xc: {  	[smem:$0x3F94] =	sst s4  }
0xd: {  	[smem:$0x3F95] =	sst s5  }
0xe: {  	[smem:$0x3F96] =	sst s6  }
0xf: {  	[smem:$0x3F97] =	sst s7  }
0x10: {  	[smem:$0x3F98] =	sst s8  }
0x11: {  	[smem:$0x3F99] =	sst s9;
	s0 =	simm.s32 @!p0 $0x0  }
0x12: {  	s1 =	sld [smem:$0x3F7F];
	s0 =	simm.s32 @p0 $0x1  }
0x13: {  	[smem:$0x3F9A] =	sst s0;
	s0 =	simm.s32 @!p1 $0x0  }
0x14: {  	s2 =	sld [smem:$0x3F7E];
	s0 =	simm.s32 @p1 $0x1  }
0x15: {  	[smem:$0x3F9B] =	sst s0;
	s0 =	simm.s32 @!p2 $0x0  }
0x16: {  	s3 =	sld [smem:$0x3FDB];
	s0 =	simm.s32 @p2 $0x1  }
0x17: {  	s4 =	simm.s32 $0x1BF5;
	[smem:$0x3F9D] =	sst s0  }
0x18: {  	s0 =	sld [smem:$0x3F80];
	_ =	swait.ge [sflag:s4], $0x0  }
0x19: {  	s7 =	sld [smem:$0x3F81]  }
0x1a: {  	s8 =	sadd.s32 $0xFFFFE003, lr  }
0x1b: {  	s9 =	sadd.s32 $0xFFFFFEF7, lr;
	s5 =	simm.s32 $0xFFFFFFFF;
	p2 =	slt.u32 s8, $0xFFFFF086  }
0x1c: {  	p1 =	slt.u32 s9, $0xF7A;
	s5 =	simm.s32 @!p2 $0x0  }
0x1d: {  	s5 =	simm.s32 @p1 $0x1;
	p0 =	seq.s32 s7, s2  }
0x1e: {  	s7 =	smul.u32 @!p0 $0xF7A, s2;
	p2 =	seq.s32 @!p0 s5, $0x0  }
0x1f: {  	s9 =	smul.u32 $0xF7A, s1;
	s8 =	simm.s32 @!p0 $0x1BF5;
	p2 =	por !p2, p0  }
0x20: {  	[sflag:s8] =	ssyncset.s32 @!p0 $0xFFFFF086;
	s6 =	sadd.s32 @!p0 s3, s7;
	s7 =	simm.s32 @!p0 $0x108  }
0x21: {  	s3 =	sadd.s32 s3, s9;
	s6 =	sadd.s32 @!p0 $0x88, s6;
	s7 =	simm.s32 @p2 $0x1082  }
0x22: {  	[simem:s7], [sflag:s8] =	dma.local @!p0 [hbm:s6], $0xF7A  }
0x23: {  	s9 =	sor.u32 $0xD0000000, s2;
	s6 =	simm.s32 $0x108;
	_ =	swait.ge @!p0 [sflag:s8], $0x0  }
0x24: {  	s3 =	sadd.s32 $0x88, s3;
	s6 =	simm.s32 @!p1 $0x1082;
	[sflag:s4] =	ssyncset.s32 $0xFFFFF086  }
0x25: {  	[simem:s6], [sflag:s4] =	dma.local [hbm:s3], $0xF7A  }
0x26: {  	[smem:$0x3F81] =	sst s1;
	(tag) =	ssettag s2;
	_ =	strace s9  }
0x27: {  	s1 =	sld [smem:$0x3F91]  }
0x28: {  	s2 =	sld [smem:$0x3F92]  }
0x29: {  	s4 =	sld [smem:$0x3F94]  }
0x2a: {  	p0 =	seq.s32 s5, $0x0;
	s5 =	sld [smem:$0x3F95]  }
0x2b: {  	s6 =	sld [smem:$0x3F96]  }
0x2c: {  	s7 =	sld [smem:$0x3F97]  }
0x2d: {  	s3 =	simm.s32 $0x108;
	s8 =	sld [smem:$0x3F98]  }
0x2e: {  	s3 =	simm.s32 @!p0 $0x1082;
	s9 =	sld [smem:$0x3F99]  }
0x2f: {  	lr =	sadd.s32 s0, s3;
	s0 =	sld [smem:$0x3F90]  }
0x30: {  	s3 =	sld [smem:$0x3F93]  }
0x31: {  	[smem:$0x3F9C] =	sst s10  }
0x32: {  	s10 =	sld [smem:$0x3F9A];
	_ =	sdelay $0x3  }
0x33: {  	p0 =	seq.s32 s10, $0x1;
	s10 =	sld [smem:$0x3F9C];
	_ =	sdelay $0x3  }
0x34: {  	[smem:$0x3F9C] =	sst s10  }
0x35: {  	s10 =	sld [smem:$0x3F9B];
	_ =	sdelay $0x3  }
0x36: {  	p1 =	seq.s32 s10, $0x1;
	s10 =	sld [smem:$0x3F9C];
	_ =	sdelay $0x3  }
0x37: {  	[smem:$0x3F9C] =	sst s10  }
0x38: {  	s10 =	sld [smem:$0x3F9D]  }
0x39: {  	_ = 	snop;
	(pc) =	sbr.ind lr, $3  }
0x3a: {  	_ = 	snop  }
0x3b: {  	_ = 	snop  }
0x3c: {  	p2 =	seq.s32 s10, $0x1;
	s10 =	sld [smem:$0x3F9C]  }
0x3d: {  	_ =	shalt  }
0x3e: {  	_ =	shalt  }
0x3f: {  	_ =	shalt  }
0x40: {  	_ =	shalt  }
0x41: {  	_ =	shalt  }
0x42: {  	_ =	shalt  }
0x43: {  	_ =	shalt  }
0x44: {  	_ =	shalt  }
0x45: {  	_ =	shalt  }
0x46: {  	_ =	shalt  }
0x47: {  	_ =	shalt  }
0x48: {  	_ =	shalt  }
0x49: {  	_ =	shalt  }
0x4a: {  	_ =	shalt  }
0x4b: {  	_ =	shalt  }
0x4c: {  	_ =	shalt  }
0x4d: {  	_ =	shalt  }
0x4e: {  	_ =	shalt  }
0x4f: {  	_ =	shalt  }
0x50: {  	_ =	shalt  }
0x51: {  	_ =	shalt  }
0x52: {  	_ =	shalt  }
0x53: {  	_ =	shalt  }
0x54: {  	_ =	shalt  }
0x55: {  	_ =	shalt  }
0x56: {  	_ =	shalt  }
0x57: {  	_ =	shalt  }
0x58: {  	_ =	shalt  }
0x59: {  	_ =	shalt  }
0x5a: {  	_ =	shalt  }
0x5b: {  	_ =	shalt  }
0x5c: {  	_ =	shalt  }
0x5d: {  	_ =	shalt  }
0x5e: {  	_ =	shalt  }
0x5f: {  	_ =	shalt  }
0x60: {  	_ =	shalt  }
0x61: {  	_ =	shalt  }
0x62: {  	_ =	shalt  }
0x63: {  	_ =	shalt  }
0x64: {  	_ =	shalt  }
0x65: {  	_ =	shalt  }
0x66: {  	_ =	shalt  }
0x67: {  	_ =	shalt  }
0x68: {  	_ =	shalt  }
0x69: {  	_ =	shalt  }
0x6a: {  	_ =	shalt  }
0x6b: {  	_ =	shalt  }
0x6c: {  	_ =	shalt  }
0x6d: {  	_ =	shalt  }
0x6e: {  	_ =	shalt  }
0x6f: {  	_ =	shalt  }
0x70: {  	_ =	shalt  }
0x71: {  	_ =	shalt  }
0x72: {  	_ =	shalt  }
0x73: {  	_ =	shalt  }
0x74: {  	_ =	shalt  }
0x75: {  	_ =	shalt  }
0x76: {  	_ =	shalt  }
0x77: {  	_ =	shalt  }
0x78: {  	_ =	shalt  }
0x79: {  	_ =	shalt  }
0x7a: {  	_ =	shalt  }
0x7b: {  	_ =	shalt  }
0x7c: {  	_ =	shalt  }
0x7d: {  	_ =	shalt  }
0x7e: {  	_ =	shalt  }
0x7f: {  	_ =	shalt  }
0x80: {  	_ =	shalt  }
0x81: {  	_ =	shalt  }
0x82: {  	_ =	shalt  }
0x83: {  	_ =	shalt  }
0x84: {  	_ =	shalt  }
0x85: {  	_ =	shalt  }
0x86: {  	_ =	shalt  }
0x87: {  	_ =	shalt  }
.Lfunc_end0:
.L_simem_size_0:
called_computation.4_lowered:
.L_overlay_start_0:
0x88: {  	s2 =	sld [smem:$0x3FD9]  }
0x89: {  	s3 =	sld [smem:$0x3FFE];
	_ =	sdelay $0x1  }
0x8a: {  	s1 =	srdreg.scid  }
0x8b: {  	s0 =	sand.u32 $0x1, s1  }
0x8c: {  	s17 =	sshll.u32 s0, $0xA;
	s2 =	sadd.s32 s3, s2  }
0x8d: {  	s2 =	sadd.s32 s2, s17  }
0x8e: {  	[smem:$0x3FA8] =	sst s2  }
0x8f: {  	_ = 	snop  }
0x90: {  	s2 =	sld [smem:$0x3FD0];
	(tm) =	ssettm $0x1  }
0x91: {  	s18 =	sld [smem:$0x3FFB];
	_ =	sdelay $0x3  }
0x92: {  	_ =	strace s18  }
0x93: {  	s3 =	sld [smem:$0x3FFC];
	_ =	sdelay $0x3  }
0x94: {  	_ =	strace s3  }
0x95: {  	s3 =	sld [smem:$0x3FFD];
	_ =	sdelay $0x3  }
0x96: {  	_ =	strace s3  }
0x97: {  	_ =	strace $0x8FFFFFFF  }
0x98: {  	s19 =	sld [smem:$0x3FDB];
	_ =	sdelay $0x1  }
0x99: {  	s4 =	simm.s32 $_scs_section_size  }
0x9a: {  	s5 =	simm.s32 $_size__tile_overlayer_lowered;
	s6 =	simm.s32 $_tile_overlayer_lowered  }
0x9b: {  	s22 =	simm.s32 $0x1BFF;
	s21 =	sshll.u32 s6, $0x1;
	s3 =	sadd.s32 s4, s19  }
0x9c: {  	s7 =	simm.s32 $0x0;
	s20 =	sshll.u32 s5, $0x1;
	s5 =	sadd.s32 s21, s3  }
0x9d: {  	[timem:s7], [sflag:s22] =	dma.local [hbm:s5], s20  }
0x9e: {  	_ =	swait.ge [sflag:s22], s20  }
0x9f: {  	s4 =	ssub.s32 $0x0, s20;
	[sflag:s22] =	ssyncset.done $0x0  }
0xa0: {  	[sflag:s22] =	ssyncadd.s32 s4;
	_ =	sdelay $0x1  }
0xa1: {  	s23 =	simm.s32 $0x1B8B  }
0xa2: {  	_ =	swait.ge [sflag:s23], $0x1  }
0xa3: {  	[sflag:s23] =	ssyncset.done $0x0  }
0xa4: {  	s25 =	simm.s32 $0x1B8E;
	s24 =	sld [smem:$0x3FFE];
	[sflag:s23] =	ssyncadd.s32 $0xFFFFFFFF  }
0xa5: {  	s26 =	simm.s32 $execute0_lowered;
	[smem:$0x3FD2] =	sst s25  }
0xa6: {  	s5 =	sshll.u32 s26, $0x1;
	_ =	strace $0x80000052;
	[dreg:$0x1] =	wrdreg $0xFFFFFFFF  }
0xa7: {  	s28 =	simm.s32 $_size_execute0_lowered;
	s3 =	sadd.s32 s3, s5;
	[dreg:$0x0] =	wrdreg $0x0  }
0xa8: {  	s5 =	sshll.u32 s28, $0x1;
	[dreg:$0x2] =	wrdreg s3  }
0xa9: {  	[dreg:$0x3] =	wrdreg s5  }
0xaa: {  	[dreg:$0x4] =	wrdreg $0xC0  }
0xab: {  	_ =	task [dreg:s7], $0x5FFFF  }
0xac: {  	[dreg:$0x1] =	wrdreg $0xFFFFFFFF  }
0xad: {  	[dreg:$0x0] =	wrdreg $0x60  }
0xae: {  	[dreg:$0x2] =	wrdreg s24  }
0xaf: {  	[dreg:$0x3] =	wrdreg s2  }
0xb0: {  	[dreg:$0x4] =	wrdreg $0x9  }
0xb1: {  	_ =	task.clear_ibuf [dreg:s7], $0x5FFFF;
	_ =	strace $0x90000052  }
0xb2: {  	s29 =	simm.s32 $0x9;
	_ =	strace $0x80000054  }
0xb3: {  	_ =	swait.ge [sflag:s29], $0x1  }
0xb4: {  	[sflag:s29] =	ssyncadd.s32 $0xFFFFFFFF  }
0xb5: {  	_ =	strace $0x90000054  }
0xb6: {  	_ =	sfence  }
0xb7: {  	s30 =	sld [smem:$0x0];
	_ =	sdelay $0x2  }
0xb8: {  	s31 =	sshll.u32 s1, $0xD;
	s1 =	sshrl.u32 s1, $0x2  }
0xb9: {  	s3 =	sand.u32 $0x4000, s31;
	s1 =	sadd.s32 s1, s30  }
0xba: {  	s0 =	sor.u32 s3, s0;
	s1 =	sshll.u32 s1, $0x11  }
0xbb: {  	s0 =	sor.u32 s1, s0  }
0xbc: {  	s0 =	sadd.s32 $0x8F2B, s0  }
0xbd: {  	[sflag:s0] =	ssyncadd.remote.s32 $0x1  }
0xbe: {  	_ =	sfence.sel $0xFFFF  }
0xbf: {  	[dreg:$0x0] =	wrdreg $0xFFFFFFFF;
	(pc) =	sbr.abs _section_cstart, $3  }
0xc0: {  	[dreg:$0x1] =	wrdreg $0xFFFFFFFF  }
0xc1: {  	_ =	task.clear_ibuf [dreg:s7], $0x2FFFF;
	_ =	strace $0x9FFFFFFF  }
0xc2: {  	(tm) =	ssettm $0x7FFFFFFF  }
0xc3: {  	_ =	shalt  }
tec
execute0_lowered:
.L_overlay_start_1:
0x0: {  	(tag) =	ssettag $0x1  }
0x1: {  	s6 =	rddreg [dreg:$0x0]  }
0x2: {  	s2 =	rddreg [dreg:$0x1];
	s4 =	srdreg.scid  }
0x3: {  	s1 =	stileid.u32;
	s3 =	simm.s32 $0x0;
	s13 =	simm.s32 $0x1080  }
0x4: {  	s14 =	simm.s32 $0x1180;
	s15 =	simm.s32 $0x1;
	s16 =	simm.s32 $0x5180  }
0x5: {  	s17 =	simm.s32 $0x0;
	s22 =	simm.s32 $0x0;
	s7 =	sand.u32 $0x1, s4  }
0x6: {  	s8 =	sshll.u32 s1, $0x1;
	s4 =	sadd.s32 $0x41AC00, s6;
	s29 =	sshrl.u32 s1, $0x2  }
0x7: {  	s9 =	sor.u32 s7, s8;
	s28 =	ssub.s32 $0x2, s7;
	s7 =	smul.u32 $0x14000, s29  }
0x8: {  	[smem:$0x7FF] =	sst s3;
	s5 =	sadd.s32 $0x2DAC00, s6;
	s10 =	smul.u32 $0xA00, s9  }
.Ltmp0:
0x9: {  	_ =	strace $0x80000053;
	s11 =	sshrl.u32 s28, $0x1;
	(pc) =	sbr.rel .LBB2_1-.Ltmp0, $4  }
0xa: {  	s12 =	sshll.u32 s9, $0x7;
	s31 =	sand.u32 $0xF, s9;
	s11 =	ssub.s32 s28, s11  }
0xb: {  	v2 =	vlaneseq.u32;
	s30 =	sand.u32 $0x380, s12;
	s12 =	simm.s32 $0x80;
	s10 =	sadd.s32 s10, s6  }
0xc: {  	v1 =	vimm.f32 $0.0e+00;
	v3 =	vor.u32 $0x10, v2;
	s6 =	sand.u32 $0x10, s8;
	s7 =	sor.u32 s7, s30;
	s9 =	smax.u32 s11, $0x1  }
0xd: {  	v4 =	vor.u32 $0x20, v2;
	v5 =	vor.u32 $0x30, v2;
	v0 =	vmov s31;
	s11 =	simm.s32 $0x1000;
	s8 =	sadd.s32 $0x1B800, s10;
	s10 =	simm.s32 $0x2  }
.LBB2_15:
0xe: {  	s17 =	sadd.s32 $0x1, s17  }
0xf: {  	p0 =	sne.s32 s17, s9  }
.Ltmp1:
0x10: {  	_ = 	snop;
	(pc) =	sbr.rel @!p0 .LBB2_16-.Ltmp1, $4  }
0x11: {  	[hbm4b:s8+s3] =	stream.linear.scatter [tilespmem:s16], [sflag:$0x2], $0x5000, $0x38;
	[tilespmem:$0xA180] =	vst v63  }
0x12: {  	_ =	swait.ge [sflag:s10], $0x5000  }
0x13: {  	[sflag:s10] =	ssyncset.done $0x0  }
0x14: {  	[sflag:s10] =	ssyncadd.s32 $0xFFFFB000  }
.LBB2_1:
0x15: {  	s18 =	simm.s32 $0x40;
	s19 =	simm.s32 $0x0  }
.LBB2_2:
0x16: {  	p0 =	sne.s32 s18, $0x13FC0;
	[tilespmem:s19+$0x5180] =	vst v1;
	s19 =	smov.u32 s18;
	s18 =	sadd.s32 $0x40, s18  }
.Ltmp2:
0x17: {  	(pc) =	sbr.rel @p0 .LBB2_2-.Ltmp2, $2  }
0x18: {  	_ =	sdelay $0x2  }
0x19: {  	s19 =	sshra.s32 s19, $0x2  }
.Ltmp3:
0x1a: {  	[tilespmem:s19+$0x5180] =	vst v1;
	s18 =	simm.s32 $0x0;
	(pc) =	sbr.rel .LBB2_4-.Ltmp3, $4  }
0x1b: {  	[tilespmem:s18], [sflag:$0x2] =	stream.linear.gather [hbm4b:s2+s18], $0x1000, $0x38;
	[tilespmem:$0xA180] =	vst v63  }
0x1c: {  	_ =	swait.ge [sflag:s10], $0x1000  }
0x1d: {  	[sflag:s10] =	ssyncset.done $0x0  }
0x1e: {  	[sflag:s10] =	ssyncadd.s32 $0xFFFFF000  }
.LBB2_14:
0x1f: {  	s18 =	sadd.s32 $0x1, s18  }
0x20: {  	p0 =	sne.s32 s18, $0x20  }
.Ltmp4:
0x21: {  	_ = 	snop;
	(pc) =	sbr.rel @!p0 .LBB2_15-.Ltmp4, $1  }
0x22: {  	_ =	sdelay $0x3  }
.LBB2_4:
0x23: {  	s19 =	sshll.u32 s18, $0x7  }
0x24: {  	s19 =	sand.u32 $0x3FFFFF80, s19  }
0x25: {  	s19 =	sor.u32 s19, s6  }
0x26: {  	v6 =	vld [tilespmem:s19+$0x0];
	_ =	sdelay $0x4  }
0x27: {  	v6 =	vperm.xlane v6, v0;
	_ =	sdelay $0x1  }
0x28: {  	(v2sf) =	vpush v6, $0x0;
	_ =	sdelay $0xe  }
0x29: {  	s19 =	spop (v2sf)  }
0x2a: {  	s20 =	sadd.s32 $0x7F, s19  }
0x2b: {  	s20 =	sshra.s32 s20, $0x7  }
0x2c: {  	p0 =	slt.s32 s20, $0x1  }
.Ltmp5:
0x2d: {  	_ = 	snop;
	(pc) =	sbr.rel @p0 .LBB2_14-.Ltmp5, $1  }
0x2e: {  	_ =	sdelay $0x3  }
.Ltmp6:
0x2f: {  	(pc) =	sbr.rel .LBB2_6-.Ltmp6, $3  }
0x30: {  	_ = 	snop  }
0x31: {  	s21 =	smul.u32 $0x50000, s18;
	_ =	sdelay $0x1  }
0x32: {  	s23 =	smov.u32 s19;
	s24 =	simm.s32 $0x0;
	s21 =	sadd.s32 s21, s7  }
.LBB2_9:
0x33: {  	s30 =	simm.s32 $0x1;
	s29 =	simm.s32 $0x11A0  }
.LBB2_12:
0x34: {  	_ =	sdelay $0x3  }
0x35: {  	s0 =	sand.u32 $0x7FFFFFF0, s30;
	[tilespmem:v6+s16+$0x0] =	vst.idx.msk @p0 $0xffff, v7  }
0x36: {  	v6 =	vld [tilespmem:s0+$0x1100];
	_ =	sdelay $0x3  }
0x37: {  	v7 =	vmov s30  }
0x38: {  	v6 =	vperm.xlane v6, v7;
	_ =	sdelay $0x1  }
0x39: {  	v6 =	vshll.u32 v6, $0x6  }
0x3a: {  	v7 =	vor.u32 v2, v6;
	_ =	sdelay $0x1  }
0x3b: {  	s0 =	sadd.s32 @p0 $0x80, s29  }
0x3c: {  	s25 =	smov.u32 @p0 s0  }
0x3d: {  	v9 =	vld [tilespmem:s25+$0xFFFFFFE0]  }
0x3e: {  	v8 =	vld.idx.msk [tilespmem:v7+s16+$0x0], $0xffff;
	_ =	sdelay $0x1  }
0x3f: {  	v10 =	vor.u32 v3, v6;
	_ =	sdelay $0x2  }
0x40: {  	v8 =	vmax.f32 v8, v9  }
0x41: {  	[tilespmem:v7+s16+$0x0] =	vst.idx.msk $0xffff, v8  }
0x42: {  	v7 =	vld.idx.msk [tilespmem:v10+s16+$0x0], $0xffff  }
0x43: {  	v8 =	vld [tilespmem:s25+$0xFFFFFFF0];
	_ =	sdelay $0x1  }
0x44: {  	v61 =	vor.u32 v4, v6;
	_ =	sdelay $0x2  }
0x45: {  	v7 =	vmax.f32 v7, v8  }
0x46: {  	[tilespmem:v10+s16+$0x0] =	vst.idx.msk $0xffff, v7  }
0x47: {  	v7 =	vld.idx.msk [tilespmem:v61+s16+$0x0], $0xffff  }
0x48: {  	v62 =	vld [tilespmem:s25+$0x0];
	_ =	sdelay $0x1  }
0x49: {  	v6 =	vor.u32 v5, v6;
	_ =	sdelay $0x2  }
0x4a: {  	v7 =	vmax.f32 v7, v62  }
0x4b: {  	[tilespmem:v61+s16+$0x0] =	vst.idx.msk $0xffff, v7  }
0x4c: {  	v7 =	vld.idx.msk [tilespmem:v6+s16+$0x0], $0xffff  }
0x4d: {  	v63 =	vld [tilespmem:s25+$0x10];
	_ =	sdelay $0x4  }
0x4e: {  	v7 =	vmax.f32 v7, v63  }
0x4f: {  	[tilespmem:v6+s16+$0x0] =	vst.idx.msk $0xffff, v7  }
.LBB2_13:
0x50: {  	s24 =	sadd.s32 $0x1, s24  }
0x51: {  	p0 =	sne.s32 s24, s20  }
.Ltmp7:
0x52: {  	_ = 	snop;
	(pc) =	sbr.rel @!p0 .LBB2_14-.Ltmp7, $2  }
0x53: {  	_ =	sdelay $0x2  }
0x54: {  	s23 =	sadd.s32 $0xFFFFFF80, s23  }
.LBB2_6:
0x55: {  	s25 =	sshll.u32 s24, $0xA  }
0x56: {  	s25 =	sadd.s32 s25, s21  }
0x57: {  	s25 =	sshrl.u32 s25, $0x3  }
0x58: {  	s25 =	sadd.s32 s5, s25  }
0x59: {  	[tilespmem:s11], [sflag:$0x2] =	stream.linear.gather [hbm4b:s25+s22], $0x80, $0x38;
	[tilespmem:$0xA180] =	vst v63  }
0x5a: {  	_ =	swait.ge [sflag:s10], $0x80  }
0x5b: {  	[sflag:s10] =	ssyncset.done $0x0  }
0x5c: {  	[sflag:s10] =	ssyncadd.s32 $0xFFFFFF80  }
0x5d: {  	v6 =	vld [tilespmem:$0x1000];
	_ =	sdelay $0x1  }
0x5e: {  	v7 =	vld [tilespmem:$0x1010];
	_ =	sdelay $0x1  }
0x5f: {  	v8 =	vld [tilespmem:$0x1020]  }
0x60: {  	v9 =	vshra.s32 v6, $0x9  }
0x61: {  	v61 =	vld [tilespmem:$0x1030];
	v6 =	vand.u32 $0x1FF, v6;
	[tilespmem:$0x1080] =	vst v9  }
0x62: {  	[tilespmem:$0x1100] =	vst v6;
	v6 =	vshra.s32 v7, $0x9  }
0x63: {  	[tilespmem:$0x1090] =	vst v6;
	v6 =	vand.u32 $0x1FF, v7;
	v7 =	vld [tilespmem:$0x1040]  }
0x64: {  	[tilespmem:$0x1110] =	vst v6;
	v6 =	vshra.s32 v8, $0x9  }
0x65: {  	v62 =	vld [tilespmem:$0x1050];
	[tilespmem:$0x10A0] =	vst v6;
	v6 =	vand.u32 $0x1FF, v8  }
0x66: {  	[tilespmem:$0x1120] =	vst v6;
	v6 =	vshra.s32 v61, $0x9  }
0x67: {  	v63 =	vld [tilespmem:$0x1060];
	[tilespmem:$0x10B0] =	vst v6;
	v6 =	vand.u32 $0x1FF, v61  }
0x68: {  	[tilespmem:$0x1130] =	vst v6;
	v6 =	vshra.s32 v7, $0x9  }
0x69: {  	[tilespmem:$0x10C0] =	vst v6;
	v6 =	vand.u32 $0x1FF, v7;
	v7 =	vld [tilespmem:$0x1070]  }
0x6a: {  	[tilespmem:$0x1140] =	vst v6;
	v6 =	vshra.s32 v62, $0x9  }
0x6b: {  	[tilespmem:$0x10D0] =	vst v6;
	v6 =	vand.u32 $0x1FF, v62  }
0x6c: {  	[tilespmem:$0x1150] =	vst v6;
	v6 =	vshra.s32 v63, $0x9  }
0x6d: {  	s31 =	sshll.u32 s24, $0x7;
	[tilespmem:$0x10E0] =	vst v6;
	v6 =	vand.u32 $0x1FF, v63  }
0x6e: {  	s25 =	ssub.s32 s19, s31;
	[tilespmem:$0x1160] =	vst v6;
	v6 =	vshra.s32 v7, $0x9  }
0x6f: {  	p0 =	slt.s32 s25, $0x1;
	[tilespmem:$0x10F0] =	vst v6;
	v6 =	vand.u32 $0x1FF, v7  }
.Ltmp8:
0x70: {  	[tilespmem:$0x1170] =	vst v6;
	(pc) =	sbr.rel @p0 .LBB2_13-.Ltmp8, $4  }
0x71: {  	[tilespmem:s14], [sflag:$0x1] =	stream.indirect.gather [hbm4b:s4+s12], $0x80, s13, s12, $0xb8;
	[tilespmem:$0xA180] =	vst v63  }
0x72: {  	_ =	swait.ge [sflag:s15], $0x4000  }
0x73: {  	[sflag:s15] =	ssyncset.done $0x0  }
0x74: {  	[sflag:s15] =	ssyncadd.s32 $0xFFFFC000  }
0x75: {  	p0 =	sgt.s32 s23, $0x1;
	s25 =	smov.u32 s23  }
0x76: {  	s25 =	simm.s32 @!p0 $0x1  }
0x77: {  	s26 =	smin.u32 s25, $0x80  }
0x78: {  	p1 =	sne.s32 s26, $0x1  }
.Ltmp9:
0x79: {  	_ = 	snop;
	(pc) =	sbr.rel @!p1 .LBB2_12-.Ltmp9, $3  }
0x7a: {  	_ =	sdelay $0x1  }
0x7b: {  	s28 =	simm.s32 $0x1;
	s30 =	simm.s32 $0x0  }
0x7c: {  	s29 =	simm.s32 $0x11A0;
	p0 =	por $0x0, $0x0;
	s25 =	simm.s32 $0x11A0  }
0x7d: {  	s29 =	sand.u32 $0x7FFFFFF0, s22  }
0x7e: {  	v6 =	vld [tilespmem:s29+$0x1100];
	_ =	sdelay $0x3  }
0x7f: {  	v7 =	vmov s22  }
0x80: {  	v6 =	vperm.xlane v6, v7;
	_ =	sdelay $0x1  }
0x81: {  	v6 =	vshll.u32 v6, $0x6  }
0x82: {  	v7 =	vor.u32 v2, v6;
	_ =	sdelay $0x3  }
0x83: {  	v9 =	vld [tilespmem:s25+$0xFFFFFFE0]  }
0x84: {  	v8 =	vld.idx.msk [tilespmem:v7+s16+$0x0], $0xffff;
	_ =	sdelay $0x1  }
0x85: {  	v10 =	vor.u32 v3, v6;
	_ =	sdelay $0x2  }
0x86: {  	v8 =	vmax.f32 v8, v9  }
0x87: {  	[tilespmem:v7+s16+$0x0] =	vst.idx.msk $0xffff, v8  }
0x88: {  	v7 =	vld.idx.msk [tilespmem:v10+s16+$0x0], $0xffff  }
0x89: {  	v8 =	vld [tilespmem:s25+$0xFFFFFFF0];
	_ =	sdelay $0x1  }
0x8a: {  	v63 =	vor.u32 v4, v6;
	_ =	sdelay $0x2  }
0x8b: {  	v7 =	vmax.f32 v7, v8  }
0x8c: {  	[tilespmem:v10+s16+$0x0] =	vst.idx.msk $0xffff, v7  }
0x8d: {  	v7 =	vld.idx.msk [tilespmem:v63+s16+$0x0], $0xffff  }
0x8e: {  	v8 =	vld [tilespmem:s25+$0x0];
	_ =	sdelay $0x1  }
0x8f: {  	v6 =	vor.u32 v5, v6;
	_ =	sdelay $0x2  }
0x90: {  	v7 =	vmax.f32 v7, v8  }
0x91: {  	[tilespmem:v63+s16+$0x0] =	vst.idx.msk $0xffff, v7  }
0x92: {  	v7 =	vld.idx.msk [tilespmem:v6+s16+$0x0], $0xffff  }
0x93: {  	p1 =	sne.s32 s26, $0x2;
	v8 =	vld [tilespmem:s25+$0x10]  }
.Ltmp10:
0x94: {  	_ = 	snop;
	(pc) =	sbr.rel @!p1 .LBB2_9-.Ltmp10, $2  }
0x95: {  	_ =	sdelay $0x2  }
0x96: {  	s30 =	simm.s32 $0x2;
	p0 =	por $0x1, $0x1;
	s29 =	simm.s32 $0x11A0;
	v7 =	vmax.f32 v7, v8  }
.LBB2_10:
0x97: {  	s31 =	sand.u32 $0x7FFFFFF0, s28  }
0x98: {  	[tilespmem:v6+s16+$0x0] =	vst.idx.msk $0xffff, v7;
	s29 =	sadd.s32 $0x80, s29;
	s0 =	smov.u32 s30;
	s30 =	sadd.s32 $0x1, s30  }
0x99: {  	p1 =	sne.s32 s26, s30;
	v6 =	vld [tilespmem:s31+$0x1100];
	_ =	sdelay $0x3  }
0x9a: {  	v7 =	vmov s28;
	s28 =	smov.u32 s0  }
0x9b: {  	v6 =	vperm.xlane v6, v7;
	_ =	sdelay $0x1  }
0x9c: {  	v6 =	vshll.u32 v6, $0x6  }
0x9d: {  	v7 =	vor.u32 v2, v6;
	_ =	sdelay $0x4  }
0x9e: {  	v8 =	vld.idx.msk [tilespmem:v7+s16+$0x0], $0xffff  }
0x9f: {  	v9 =	vld [tilespmem:s29+$0xFFFFFFE0];
	_ =	sdelay $0x1  }
0xa0: {  	v10 =	vor.u32 v3, v6;
	_ =	sdelay $0x2  }
0xa1: {  	v8 =	vmax.f32 v8, v9  }
0xa2: {  	[tilespmem:v7+s16+$0x0] =	vst.idx.msk $0xffff, v8  }
0xa3: {  	v7 =	vld.idx.msk [tilespmem:v10+s16+$0x0], $0xffff  }
0xa4: {  	v8 =	vld [tilespmem:s29+$0xFFFFFFF0];
	_ =	sdelay $0x1  }
0xa5: {  	v9 =	vor.u32 v4, v6;
	_ =	sdelay $0x2  }
0xa6: {  	v7 =	vmax.f32 v7, v8  }
0xa7: {  	[tilespmem:v10+s16+$0x0] =	vst.idx.msk $0xffff, v7  }
0xa8: {  	v7 =	vld.idx.msk [tilespmem:v9+s16+$0x0], $0xffff  }
0xa9: {  	v8 =	vld [tilespmem:s29+$0x0];
	_ =	sdelay $0x1  }
0xaa: {  	v6 =	vor.u32 v5, v6;
	_ =	sdelay $0x2  }
0xab: {  	v7 =	vmax.f32 v7, v8  }
0xac: {  	[tilespmem:v9+s16+$0x0] =	vst.idx.msk $0xffff, v7  }
0xad: {  	v7 =	vld.idx.msk [tilespmem:v6+s16+$0x0], $0xffff  }
0xae: {  	v8 =	vld [tilespmem:s29+$0x10]  }
.Ltmp11:
0xaf: {  	(pc) =	sbr.rel @p1 .LBB2_10-.Ltmp11, $2  }
0xb0: {  	_ =	sdelay $0x2  }
0xb1: {  	v7 =	vmax.f32 v7, v8  }
.Ltmp12:
0xb2: {  	(pc) =	sbr.rel .LBB2_12-.Ltmp12, $2  }
0xb3: {  	_ =	sdelay $0x2  }
0xb4: {  	s30 =	smov.u32 s28  }
.LBB2_16:
0xb5: {  	_ =	sfence.sel $0x180000  }
0xb6: {  	[bflag:$0x0] =	sbarrier.arrive $0xFFFF  }
0xb7: {  	_ =	strace $0x90000053  }
0xb8: {  	[bflag:$0x2] =	sbarrier.arrive $0xFFFF  }
0xb9: {  	p0 =	sne.s32 s1, $0x0;
	s0 =	rddreg [dreg:$0x2]  }
0xba: {  	s0 =	sadd.s32 @!p0 $0x100000, s0  }
0xbb: {  	[sflag:s0] =	ssyncadd.tile.s32 @!p0 $0x1;
	_ =	shalt  }
.Lfunc_end2:
_tile_overlayer_lowered:
.L_overlay_start_2:
0xbc: {  	(tag) =	ssettag $0x2  }
0xbd: {  	s0 =	rddreg [dreg:$0x0];
	s2 =	stileid.u32  }
0xbe: {  	s1 =	rddreg [dreg:$0x1];
	p0 =	sne.s32 s2, $0x0  }
0xbf: {  	s3 =	rddreg [dreg:$0x2];
	[bflag:$0x3] =	sbarrier.arrive $0xFFFF;
	s2 =	simm.s32 @!p0 $0x1C02  }
0xc0: {  	[timem:s3], [sflag:s2] =	dma.local @!p0 [hbm:s0], s1  }
0xc1: {  	s0 =	simm.s32 @!p0 $0x2  }
0xc2: {  	_ =	swait.ge @!p0 [sflag:s0], s1  }
0xc3: {  	s1 =	ssub.s32 @!p0 $0x0, s1;
	[sflag:s0] =	ssyncset.done @!p0 $0x0  }
0xc4: {  	[sflag:s0] =	ssyncadd.s32 @!p0 s1  }
0xc5: {  	[bflag:$0x3] =	sbarrier.arrive $0xFFFF  }
0xc6: {  	_ =	shalt  }

// kernel: kernel.31.cloned.1.call-start
scs
__scs_entry_jumppad:
0x0: {  	(pc) =	sbr.rel $0x88, $3  }
0x1: {  	(tag) =	ssettag $0x0;
	lr =	simm.s32 $0x1  }
0x2: {  	[smem:$0x3F81] =	sst lr;
	_ =	strace $0xD0000000  }
0x3: {  	_ = 	snop  }
0x4: {  	_ = 	snop  }
0x5: {  	_ = 	snop  }
0x6: {  	_ = 	snop  }
0x7: {  	_ = 	snop  }
__scs_overlays_trampoline_lowered:
0x8: {  	[smem:$0x3F90] =	sst s0  }
0x9: {  	[smem:$0x3F91] =	sst s1  }
0xa: {  	[smem:$0x3F92] =	sst s2  }
0xb: {  	[smem:$0x3F93] =	sst s3  }
0xc: {  	[smem:$0x3F94] =	sst s4  }
0xd: {  	[smem:$0x3F95] =	sst s5  }
0xe: {  	[smem:$0x3F96] =	sst s6  }
0xf: {  	[smem:$0x3F97] =	sst s7  }
0x10: {  	[smem:$0x3F98] =	sst s8  }
0x11: {  	[smem:$0x3F99] =	sst s9;
	s0 =	simm.s32 @!p0 $0x0  }
0x12: {  	s1 =	sld [smem:$0x3F7F];
	s0 =	simm.s32 @p0 $0x1  }
0x13: {  	[smem:$0x3F9A] =	sst s0;
	s0 =	simm.s32 @!p1 $0x0  }
0x14: {  	s2 =	sld [smem:$0x3F7E];
	s0 =	simm.s32 @p1 $0x1  }
0x15: {  	[smem:$0x3F9B] =	sst s0;
	s0 =	simm.s32 @!p2 $0x0  }
0x16: {  	s3 =	sld [smem:$0x3FDB];
	s0 =	simm.s32 @p2 $0x1  }
0x17: {  	s4 =	simm.s32 $0x1BF5;
	[smem:$0x3F9D] =	sst s0  }
0x18: {  	s0 =	sld [smem:$0x3F80];
	_ =	swait.ge [sflag:s4], $0x0  }
0x19: {  	s7 =	sld [smem:$0x3F81]  }
0x1a: {  	s8 =	sadd.s32 $0xFFFFE003, lr  }
0x1b: {  	s9 =	sadd.s32 $0xFFFFFEF7, lr;
	s5 =	simm.s32 $0xFFFFFFFF;
	p2 =	slt.u32 s8, $0xFFFFF086  }
0x1c: {  	p1 =	slt.u32 s9, $0xF7A;
	s5 =	simm.s32 @!p2 $0x0  }
0x1d: {  	s5 =	simm.s32 @p1 $0x1;
	p0 =	seq.s32 s7, s2  }
0x1e: {  	s7 =	smul.u32 @!p0 $0xF7A, s2;
	p2 =	seq.s32 @!p0 s5, $0x0  }
0x1f: {  	s9 =	smul.u32 $0xF7A, s1;
	s8 =	simm.s32 @!p0 $0x1BF5;
	p2 =	por !p2, p0  }
0x20: {  	[sflag:s8] =	ssyncset.s32 @!p0 $0xFFFFF086;
	s6 =	sadd.s32 @!p0 s3, s7;
	s7 =	simm.s32 @!p0 $0x108  }
0x21: {  	s3 =	sadd.s32 s3, s9;
	s6 =	sadd.s32 @!p0 $0x88, s6;
	s7 =	simm.s32 @p2 $0x1082  }
0x22: {  	[simem:s7], [sflag:s8] =	dma.local @!p0 [hbm:s6], $0xF7A  }
0x23: {  	s9 =	sor.u32 $0xD0000000, s2;
	s6 =	simm.s32 $0x108;
	_ =	swait.ge @!p0 [sflag:s8], $0x0  }
0x24: {  	s3 =	sadd.s32 $0x88, s3;
	s6 =	simm.s32 @!p1 $0x1082;
	[sflag:s4] =	ssyncset.s32 $0xFFFFF086  }
0x25: {  	[simem:s6], [sflag:s4] =	dma.local [hbm:s3], $0xF7A  }
0x26: {  	[smem:$0x3F81] =	sst s1;
	(tag) =	ssettag s2;
	_ =	strace s9  }
0x27: {  	s1 =	sld [smem:$0x3F91]  }
0x28: {  	s2 =	sld [smem:$0x3F92]  }
0x29: {  	s4 =	sld [smem:$0x3F94]  }
0x2a: {  	p0 =	seq.s32 s5, $0x0;
	s5 =	sld [smem:$0x3F95]  }
0x2b: {  	s6 =	sld [smem:$0x3F96]  }
0x2c: {  	s7 =	sld [smem:$0x3F97]  }
0x2d: {  	s3 =	simm.s32 $0x108;
	s8 =	sld [smem:$0x3F98]  }
0x2e: {  	s3 =	simm.s32 @!p0 $0x1082;
	s9 =	sld [smem:$0x3F99]  }
0x2f: {  	lr =	sadd.s32 s0, s3;
	s0 =	sld [smem:$0x3F90]  }
0x30: {  	s3 =	sld [smem:$0x3F93]  }
0x31: {  	[smem:$0x3F9C] =	sst s10  }
0x32: {  	s10 =	sld [smem:$0x3F9A];
	_ =	sdelay $0x3  }
0x33: {  	p0 =	seq.s32 s10, $0x1;
	s10 =	sld [smem:$0x3F9C];
	_ =	sdelay $0x3  }
0x34: {  	[smem:$0x3F9C] =	sst s10  }
0x35: {  	s10 =	sld [smem:$0x3F9B];
	_ =	sdelay $0x3  }
0x36: {  	p1 =	seq.s32 s10, $0x1;
	s10 =	sld [smem:$0x3F9C];
	_ =	sdelay $0x3  }
0x37: {  	[smem:$0x3F9C] =	sst s10  }
0x38: {  	s10 =	sld [smem:$0x3F9D]  }
0x39: {  	_ = 	snop;
	(pc) =	sbr.ind lr, $3  }
0x3a: {  	_ = 	snop  }
0x3b: {  	_ = 	snop  }
0x3c: {  	p2 =	seq.s32 s10, $0x1;
	s10 =	sld [smem:$0x3F9C]  }
0x3d: {  	_ =	shalt  }
0x3e: {  	_ =	shalt  }
0x3f: {  	_ =	shalt  }
0x40: {  	_ =	shalt  }
0x41: {  	_ =	shalt  }
0x42: {  	_ =	shalt  }
0x43: {  	_ =	shalt  }
0x44: {  	_ =	shalt  }
0x45: {  	_ =	shalt  }
0x46: {  	_ =	shalt  }
0x47: {  	_ =	shalt  }
0x48: {  	_ =	shalt  }
0x49: {  	_ =	shalt  }
0x4a: {  	_ =	shalt  }
0x4b: {  	_ =	shalt  }
0x4c: {  	_ =	shalt  }
0x4d: {  	_ =	shalt  }
0x4e: {  	_ =	shalt  }
0x4f: {  	_ =	shalt  }
0x50: {  	_ =	shalt  }
0x51: {  	_ =	shalt  }
0x52: {  	_ =	shalt  }
0x53: {  	_ =	shalt  }
0x54: {  	_ =	shalt  }
0x55: {  	_ =	shalt  }
0x56: {  	_ =	shalt  }
0x57: {  	_ =	shalt  }
0x58: {  	_ =	shalt  }
0x59: {  	_ =	shalt  }
0x5a: {  	_ =	shalt  }
0x5b: {  	_ =	shalt  }
0x5c: {  	_ =	shalt  }
0x5d: {  	_ =	shalt  }
0x5e: {  	_ =	shalt  }
0x5f: {  	_ =	shalt  }
0x60: {  	_ =	shalt  }
0x61: {  	_ =	shalt  }
0x62: {  	_ =	shalt  }
0x63: {  	_ =	shalt  }
0x64: {  	_ =	shalt  }
0x65: {  	_ =	shalt  }
0x66: {  	_ =	shalt  }
0x67: {  	_ =	shalt  }
0x68: {  	_ =	shalt  }
0x69: {  	_ =	shalt  }
0x6a: {  	_ =	shalt  }
0x6b: {  	_ =	shalt  }
0x6c: {  	_ =	shalt  }
0x6d: {  	_ =	shalt  }
0x6e: {  	_ =	shalt  }
0x6f: {  	_ =	shalt  }
0x70: {  	_ =	shalt  }
0x71: {  	_ =	shalt  }
0x72: {  	_ =	shalt  }
0x73: {  	_ =	shalt  }
0x74: {  	_ =	shalt  }
0x75: {  	_ =	shalt  }
0x76: {  	_ =	shalt  }
0x77: {  	_ =	shalt  }
0x78: {  	_ =	shalt  }
0x79: {  	_ =	shalt  }
0x7a: {  	_ =	shalt  }
0x7b: {  	_ =	shalt  }
0x7c: {  	_ =	shalt  }
0x7d: {  	_ =	shalt  }
0x7e: {  	_ =	shalt  }
0x7f: {  	_ =	shalt  }
0x80: {  	_ =	shalt  }
0x81: {  	_ =	shalt  }
0x82: {  	_ =	shalt  }
0x83: {  	_ =	shalt  }
0x84: {  	_ =	shalt  }
0x85: {  	_ =	shalt  }
0x86: {  	_ =	shalt  }
0x87: {  	_ =	shalt  }
.Lfunc_end0:
.L_simem_size_0:
called_computation.5_lowered:
.L_overlay_start_0:
0x88: {  	s2 =	sld [smem:$0x3FD9]  }
0x89: {  	s3 =	sld [smem:$0x3FFE];
	_ =	sdelay $0x1  }
0x8a: {  	s1 =	srdreg.scid  }
0x8b: {  	s0 =	sand.u32 $0x1, s1  }
0x8c: {  	s16 =	sshll.u32 s0, $0xA;
	s2 =	sadd.s32 s3, s2  }
0x8d: {  	s2 =	sadd.s32 s2, s16  }
0x8e: {  	[smem:$0x3FA8] =	sst s2  }
0x8f: {  	_ = 	snop  }
0x90: {  	(tm) =	ssettm $0x1  }
0x91: {  	s17 =	sld [smem:$0x3FFB];
	_ =	sdelay $0x3  }
0x92: {  	_ =	strace s17  }
0x93: {  	s2 =	sld [smem:$0x3FFC];
	_ =	sdelay $0x3  }
0x94: {  	_ =	strace s2  }
0x95: {  	s2 =	sld [smem:$0x3FFD];
	_ =	sdelay $0x3  }
0x96: {  	_ =	strace s2  }
0x97: {  	_ =	strace $0x8FFFFFFF  }
0x98: {  	s18 =	sld [smem:$0x3FDB];
	_ =	sdelay $0x1  }
0x99: {  	s19 =	simm.s32 $_scs_section_size  }
0x9a: {  	s4 =	simm.s32 $_size__tile_overlayer_lowered;
	s5 =	simm.s32 $_tile_overlayer_lowered  }
0x9b: {  	s22 =	simm.s32 $0x1BFF;
	s21 =	sshll.u32 s5, $0x1;
	s2 =	sadd.s32 s19, s18  }
0x9c: {  	s6 =	simm.s32 $0x0;
	s20 =	sshll.u32 s4, $0x1;
	s4 =	sadd.s32 s21, s2  }
0x9d: {  	[timem:s6], [sflag:s22] =	dma.local [hbm:s4], s20  }
0x9e: {  	_ =	swait.ge [sflag:s22], s20  }
0x9f: {  	s3 =	ssub.s32 $0x0, s20;
	[sflag:s22] =	ssyncset.done $0x0  }
0xa0: {  	[sflag:s22] =	ssyncadd.s32 s3;
	_ =	sdelay $0x1  }
0xa1: {  	s23 =	simm.s32 $0x1B8B  }
0xa2: {  	_ =	swait.ge [sflag:s23], $0x1  }
0xa3: {  	[sflag:s23] =	ssyncset.done $0x0  }
0xa4: {  	s25 =	simm.s32 $0x1B8E;
	s24 =	sld [smem:$0x3FFE];
	[sflag:s23] =	ssyncadd.s32 $0xFFFFFFFF  }
0xa5: {  	s26 =	simm.s32 $execute0_lowered;
	[smem:$0x3FD2] =	sst s25  }
0xa6: {  	s4 =	sshll.u32 s26, $0x1;
	_ =	strace $0x80000055;
	[dreg:$0x1] =	wrdreg $0xFFFFFFFF  }
0xa7: {  	s28 =	simm.s32 $_size_execute0_lowered;
	s2 =	sadd.s32 s2, s4;
	[dreg:$0x0] =	wrdreg $0x0  }
0xa8: {  	s4 =	sshll.u32 s28, $0x1;
	[dreg:$0x2] =	wrdreg s2  }
0xa9: {  	[dreg:$0x3] =	wrdreg s4  }
0xaa: {  	[dreg:$0x4] =	wrdreg $0xC0  }
0xab: {  	_ =	task [dreg:s6], $0x5FFFF  }
0xac: {  	[dreg:$0x1] =	wrdreg $0xFFFFFFFF  }
0xad: {  	[dreg:$0x0] =	wrdreg $0x60  }
0xae: {  	[dreg:$0x2] =	wrdreg s24  }
0xaf: {  	[dreg:$0x3] =	wrdreg $0x9  }
0xb0: {  	_ =	task.clear_ibuf [dreg:s6], $0x4FFFF;
	_ =	strace $0x90000055  }
0xb1: {  	s29 =	simm.s32 $0x9;
	_ =	strace $0x80000057  }
0xb2: {  	_ =	swait.ge [sflag:s29], $0x1  }
0xb3: {  	[sflag:s29] =	ssyncadd.s32 $0xFFFFFFFF  }
0xb4: {  	_ =	strace $0x90000057  }
0xb5: {  	_ =	sfence  }
0xb6: {  	s30 =	sld [smem:$0x0];
	_ =	sdelay $0x2  }
0xb7: {  	s31 =	sshll.u32 s1, $0xD;
	s1 =	sshrl.u32 s1, $0x2  }
0xb8: {  	s3 =	sand.u32 $0x4000, s31;
	s1 =	sadd.s32 s1, s30  }
0xb9: {  	s0 =	sor.u32 s3, s0;
	s1 =	sshll.u32 s1, $0x11  }
0xba: {  	s0 =	sor.u32 s1, s0  }
0xbb: {  	s0 =	sadd.s32 $0x8F2B, s0  }
0xbc: {  	[sflag:s0] =	ssyncadd.remote.s32 $0x1  }
0xbd: {  	_ =	sfence.sel $0xFFFF  }
0xbe: {  	[dreg:$0x0] =	wrdreg $0xFFFFFFFF;
	(pc) =	sbr.abs _section_cstart, $3  }
0xbf: {  	[dreg:$0x1] =	wrdreg $0xFFFFFFFF  }
0xc0: {  	_ =	task.clear_ibuf [dreg:s6], $0x2FFFF;
	_ =	strace $0x9FFFFFFF  }
0xc1: {  	(tm) =	ssettm $0x7FFFFFFF  }
tec
execute0_lowered:
.L_overlay_start_1:
0x0: {  	(tag) =	ssettag $0x1  }
0x1: {  	s7 =	rddreg [dreg:$0x0]  }
0x2: {  	s0 =	rddreg [dreg:$0x1]  }
0x3: {  	s2 =	simm.s32 $0x0;
	s3 =	srdreg.scid;
	s1 =	stileid.u32  }
0x4: {  	s10 =	simm.s32 $0x3;
	s11 =	simm.s32 $0x80;
	s12 =	simm.s32 $0x50  }
0x5: {  	s13 =	simm.s32 $0x100;
	s14 =	simm.s32 $0x2900;
	s15 =	simm.s32 $0x1  }
0x6: {  	s16 =	simm.s32 $0x2;
	s17 =	simm.s32 $0x5100;
	s18 =	simm.s32 $0x0  }
0x7: {  	[smem:$0x7FF] =	sst s2;
	s5 =	sand.u32 $0x1, s3;
	s3 =	sadd.s32 $0x1B800, s7  }
0x8: {  	s8 =	sshll.u32 s1, $0x1;
	s4 =	sadd.s32 $0x11A00, s7;
	s6 =	ssub.s32 $0x2, s5  }
0x9: {  	_ =	strace $0x80000056;
	s8 =	sor.u32 s5, s8;
	s9 =	sshrl.u32 s6, $0x1  }
0xa: {  	s5 =	sadd.s32 $0x7C00, s7;
	s9 =	ssub.s32 s6, s9;
	s6 =	smul.u32 $0x2710, s8  }
0xb: {  	s7 =	sadd.s32 $0x69C00, s7;
	s8 =	smul.u32 $0x1388, s8;
	s9 =	smax.u32 s9, $0x1  }
.LBB2_1:
0xc: {  	s19 =	simm.s32 $0x0  }
.LBB2_2:
0xd: {  	s20 =	smul.u32 $0x50, s19;
	_ =	sdelay $0x1  }
0xe: {  	s20 =	sadd.s32 s6, s20  }
0xf: {  	s20 =	sshrl.u32 s20, $0x3  }
0x10: {  	s22 =	simm.s32 $0x0;
	s21 =	sadd.s32 s4, s20  }
0x11: {  	[tilespmem:s22], [sflag:$0x3] =	stream.linear.gather [hbm4b:s21+s22], $0x50, $0x38;
	[tilespmem:$0x6500] =	vst v63  }
0x12: {  	_ =	swait.ge [sflag:s10], $0x50  }
0x13: {  	[sflag:s10] =	ssyncset.done $0x0  }
0x14: {  	s20 =	sadd.s32 s5, s20;
	[sflag:s10] =	ssyncadd.s32 $0xFFFFFFB0  }
0x15: {  	[tilespmem:s11], [sflag:$0x3] =	stream.linear.gather [hbm4b:s20+s22], $0x50, $0x38;
	[tilespmem:$0x6500] =	vst v63  }
0x16: {  	_ =	swait.ge [sflag:s10], $0x50  }
0x17: {  	[sflag:s10] =	ssyncset.done $0x0  }
0x18: {  	[sflag:s10] =	ssyncadd.s32 $0xFFFFFFB0  }
0x19: {  	[tilespmem:s13], [sflag:$0x1] =	stream.indirect.gather [hbm4b:s3+s12], $0x80, s22, s12, $0xb8;
	[tilespmem:$0x6500] =	vst v63  }
0x1a: {  	_ = 	snop  }
0x1b: {  	[tilespmem:s14], [sflag:$0x2] =	stream.indirect.gather [hbm4b:s3+s12], $0x80, s11, s12, $0xb8;
	[tilespmem:$0x6500] =	vst v63  }
0x1c: {  	_ =	swait.ge [sflag:s15], $0x2800  }
0x1d: {  	[sflag:s15] =	ssyncset.done $0x0  }
0x1e: {  	[sflag:s15] =	ssyncadd.s32 $0xFFFFD800  }
0x1f: {  	_ =	swait.ge [sflag:s16], $0x2800  }
0x20: {  	[sflag:s16] =	ssyncset.done $0x0  }
0x21: {  	s21 =	simm.s32 $0x0;
	[sflag:s16] =	ssyncadd.s32 $0xFFFFD800  }
0x22: {  	v0 =	vld [tilespmem:s21+$0x100]  }
0x23: {  	v1 =	vld [tilespmem:s21+$0x2940];
	_ =	sdelay $0x4  }
0x24: {  	v0 =	vadd.f32 v1, v0  }
0x25: {  	s20 =	simm.s32 $0x5140  }
0x26: {  	[tilespmem:s20+$0xFFFFFFC0] =	vst v0  }
0x27: {  	v0 =	vld [tilespmem:s21+$0x180]  }
0x28: {  	v58 =	vld [tilespmem:s21+$0x29C0];
	_ =	sdelay $0x4  }
0x29: {  	v0 =	vadd.f32 v58, v0;
	_ =	sdelay $0x1  }
0x2a: {  	[tilespmem:s20+$0x0] =	vst v0  }
0x2b: {  	v0 =	vld [tilespmem:s21+$0x110]  }
0x2c: {  	v59 =	vld [tilespmem:s21+$0x2950];
	_ =	sdelay $0x4  }
0x2d: {  	v0 =	vadd.f32 v59, v0;
	_ =	sdelay $0x1  }
0x2e: {  	[tilespmem:s20+$0xFFFFFFD0] =	vst v0  }
0x2f: {  	v0 =	vld [tilespmem:s21+$0x190]  }
0x30: {  	v60 =	vld [tilespmem:s21+$0x29D0];
	_ =	sdelay $0x4  }
0x31: {  	v0 =	vadd.f32 v60, v0;
	_ =	sdelay $0x1  }
0x32: {  	[tilespmem:s20+$0x10] =	vst v0  }
0x33: {  	v0 =	vld [tilespmem:s21+$0x120]  }
0x34: {  	v61 =	vld [tilespmem:s21+$0x2960];
	_ =	sdelay $0x4  }
0x35: {  	v0 =	vadd.f32 v61, v0;
	_ =	sdelay $0x1  }
0x36: {  	[tilespmem:s20+$0xFFFFFFE0] =	vst v0  }
0x37: {  	v0 =	vld [tilespmem:s21+$0x1A0]  }
0x38: {  	v62 =	vld [tilespmem:s21+$0x29E0];
	_ =	sdelay $0x4  }
0x39: {  	v0 =	vadd.f32 v62, v0;
	_ =	sdelay $0x1  }
0x3a: {  	[tilespmem:s20+$0x20] =	vst v0  }
0x3b: {  	v0 =	vld [tilespmem:s21+$0x130]  }
0x3c: {  	v63 =	vld [tilespmem:s21+$0x2970];
	_ =	sdelay $0x4  }
0x3d: {  	s31 =	smul.u32 $0x28, s19;
	v0 =	vadd.f32 v63, v0;
	_ =	sdelay $0x1  }
0x3e: {  	s24 =	simm.s32 $0x400;
	s23 =	simm.s32 $0x5140;
	s22 =	sadd.s32 s8, s31;
	[tilespmem:s20+$0xFFFFFFF0] =	vst v0  }
.LBB2_3:
0x3f: {  	p0 =	sne.s32 s24, $0x9C00  }
0x40: {  	v0 =	vld [tilespmem:s21+$0x1B0];
	s20 =	sadd.s32 $0x80, s20;
	s25 =	smov.u32 s24;
	s24 =	sadd.s32 $0x400, s24  }
0x41: {  	v1 =	vld [tilespmem:s21+$0x29F0];
	_ =	sdelay $0x4  }
0x42: {  	v0 =	vadd.f32 v1, v0;
	_ =	sdelay $0x1  }
0x43: {  	s21 =	sshra.s32 s25, $0x2;
	[tilespmem:s23+$0x30] =	vst v0;
	s23 =	smov.u32 s20  }
0x44: {  	v0 =	vld [tilespmem:s21+$0x100]  }
0x45: {  	v1 =	vld [tilespmem:s21+$0x2940];
	_ =	sdelay $0x4  }
0x46: {  	v0 =	vadd.f32 v1, v0;
	_ =	sdelay $0x1  }
0x47: {  	[tilespmem:s20+$0xFFFFFFC0] =	vst v0  }
0x48: {  	v0 =	vld [tilespmem:s21+$0x180]  }
0x49: {  	v1 =	vld [tilespmem:s21+$0x29C0];
	_ =	sdelay $0x4  }
0x4a: {  	v0 =	vadd.f32 v1, v0;
	_ =	sdelay $0x1  }
0x4b: {  	[tilespmem:s20+$0x0] =	vst v0  }
0x4c: {  	v0 =	vld [tilespmem:s21+$0x110]  }
0x4d: {  	v1 =	vld [tilespmem:s21+$0x2950];
	_ =	sdelay $0x4  }
0x4e: {  	v0 =	vadd.f32 v1, v0;
	_ =	sdelay $0x1  }
0x4f: {  	[tilespmem:s20+$0xFFFFFFD0] =	vst v0  }
0x50: {  	v0 =	vld [tilespmem:s21+$0x190]  }
0x51: {  	v1 =	vld [tilespmem:s21+$0x29D0];
	_ =	sdelay $0x4  }
0x52: {  	v0 =	vadd.f32 v1, v0;
	_ =	sdelay $0x1  }
0x53: {  	[tilespmem:s20+$0x10] =	vst v0  }
0x54: {  	v0 =	vld [tilespmem:s21+$0x120]  }
0x55: {  	v1 =	vld [tilespmem:s21+$0x2960];
	_ =	sdelay $0x4  }
0x56: {  	v0 =	vadd.f32 v1, v0;
	_ =	sdelay $0x1  }
0x57: {  	[tilespmem:s20+$0xFFFFFFE0] =	vst v0  }
0x58: {  	v0 =	vld [tilespmem:s21+$0x1A0]  }
0x59: {  	v1 =	vld [tilespmem:s21+$0x29E0];
	_ =	sdelay $0x4  }
0x5a: {  	v0 =	vadd.f32 v1, v0;
	_ =	sdelay $0x1  }
0x5b: {  	[tilespmem:s20+$0x20] =	vst v0  }
0x5c: {  	v0 =	vld [tilespmem:s21+$0x130]  }
0x5d: {  	v1 =	vld [tilespmem:s21+$0x2970];
	_ =	sdelay $0x2  }
.Ltmp0:
0x5e: {  	(pc) =	sbr.rel @p0 .LBB2_3-.Ltmp0, $3  }
0x5f: {  	_ = 	snop  }
0x60: {  	v0 =	vadd.f32 v1, v0;
	_ =	sdelay $0x1  }
0x61: {  	[tilespmem:s20+$0xFFFFFFF0] =	vst v0  }
0x62: {  	v0 =	vld [tilespmem:s21+$0x1B0]  }
0x63: {  	v1 =	vld [tilespmem:s21+$0x29F0];
	_ =	sdelay $0x4  }
0x64: {  	s19 =	sadd.s32 $0x1, s19;
	v0 =	vadd.f32 v1, v0  }
0x65: {  	s20 =	sshll.u32 s22, $0x4;
	p0 =	sne.s32 s19, $0x7D  }
.Ltmp1:
0x66: {  	s20 =	sadd.s32 s7, s20;
	[tilespmem:s23+$0x30] =	vst v0;
	(pc) =	sbr.rel @p0 .LBB2_2-.Ltmp1, $4  }
0x67: {  	[hbm4b:s20+s2] =	stream.linear.scatter [tilespmem:s17], [sflag:$0x3], $0x1400, $0x38;
	[tilespmem:$0x6500] =	vst v63  }
0x68: {  	_ =	swait.ge [sflag:s10], $0x1400  }
0x69: {  	[sflag:s10] =	ssyncset.done $0x0  }
0x6a: {  	[sflag:s10] =	ssyncadd.s32 $0xFFFFEC00  }
0x6b: {  	s18 =	sadd.s32 $0x1, s18  }
0x6c: {  	p0 =	sne.s32 s18, s9  }
.Ltmp2:
0x6d: {  	_ = 	snop;
	(pc) =	sbr.rel @p0 .LBB2_1-.Ltmp2, $1  }
0x6e: {  	_ =	sdelay $0x3  }
0x6f: {  	_ =	sfence.sel $0x180000  }
0x70: {  	[bflag:$0x0] =	sbarrier.arrive $0xFFFF  }
0x71: {  	p0 =	sne.s32 s1, $0x0;
	_ =	strace $0x90000056  }
0x72: {  	s0 =	sadd.s32 @!p0 $0x100000, s0;
	[bflag:$0x2] =	sbarrier.arrive $0xFFFF  }
0x73: {  	[sflag:s0] =	ssyncadd.tile.s32 @!p0 $0x1;
	_ =	shalt  }
.Lfunc_end2:
_tile_overlayer_lowered:
.L_overlay_start_2:
0x74: {  	(tag) =	ssettag $0x2  }
0x75: {  	s0 =	rddreg [dreg:$0x0];
	s2 =	stileid.u32  }
0x76: {  	s1 =	rddreg [dreg:$0x1];
	p0 =	sne.s32 s2, $0x0  }
0x77: {  	s3 =	rddreg [dreg:$0x2];
	[bflag:$0x3] =	sbarrier.arrive $0xFFFF;
	s2 =	simm.s32 @!p0 $0x1C03  }
0x78: {  	[timem:s3], [sflag:s2] =	dma.local @!p0 [hbm:s0], s1  }
0x79: {  	s0 =	simm.s32 @!p0 $0x3  }
0x7a: {  	_ =	swait.ge @!p0 [sflag:s0], s1  }
0x7b: {  	s1 =	ssub.s32 @!p0 $0x0, s1;
	[sflag:s0] =	ssyncset.done @!p0 $0x0  }
0x7c: {  	[sflag:s0] =	ssyncadd.s32 @!p0 s1  }
0x7d: {  	[bflag:$0x3] =	sbarrier.arrive $0xFFFF  }
0x7e: {  	_ =	shalt  }

// kernel: kernel.34.cloned.1.call-start
scs
__scs_entry_jumppad:
0x0: {  	(pc) =	sbr.rel $0x88, $3  }
0x1: {  	(tag) =	ssettag $0x0;
	lr =	simm.s32 $0x1  }
0x2: {  	[smem:$0x3F81] =	sst lr;
	_ =	strace $0xD0000000  }
0x3: {  	_ = 	snop  }
0x4: {  	_ = 	snop  }
0x5: {  	_ = 	snop  }
0x6: {  	_ = 	snop  }
0x7: {  	_ = 	snop  }
__scs_overlays_trampoline_lowered:
0x8: {  	[smem:$0x3F90] =	sst s0  }
0x9: {  	[smem:$0x3F91] =	sst s1  }
0xa: {  	[smem:$0x3F92] =	sst s2  }
0xb: {  	[smem:$0x3F93] =	sst s3  }
0xc: {  	[smem:$0x3F94] =	sst s4  }
0xd: {  	[smem:$0x3F95] =	sst s5  }
0xe: {  	[smem:$0x3F96] =	sst s6  }
0xf: {  	[smem:$0x3F97] =	sst s7  }
0x10: {  	[smem:$0x3F98] =	sst s8  }
0x11: {  	[smem:$0x3F99] =	sst s9;
	s0 =	simm.s32 @!p0 $0x0  }
0x12: {  	s1 =	sld [smem:$0x3F7F];
	s0 =	simm.s32 @p0 $0x1  }
0x13: {  	[smem:$0x3F9A] =	sst s0;
	s0 =	simm.s32 @!p1 $0x0  }
0x14: {  	s2 =	sld [smem:$0x3F7E];
	s0 =	simm.s32 @p1 $0x1  }
0x15: {  	[smem:$0x3F9B] =	sst s0;
	s0 =	simm.s32 @!p2 $0x0  }
0x16: {  	s3 =	sld [smem:$0x3FDB];
	s0 =	simm.s32 @p2 $0x1  }
0x17: {  	s4 =	simm.s32 $0x1BF5;
	[smem:$0x3F9D] =	sst s0  }
0x18: {  	s0 =	sld [smem:$0x3F80];
	_ =	swait.ge [sflag:s4], $0x0  }
0x19: {  	s7 =	sld [smem:$0x3F81]  }
0x1a: {  	s8 =	sadd.s32 $0xFFFFE003, lr  }
0x1b: {  	s9 =	sadd.s32 $0xFFFFFEF7, lr;
	s5 =	simm.s32 $0xFFFFFFFF;
	p2 =	slt.u32 s8, $0xFFFFF086  }
0x1c: {  	p1 =	slt.u32 s9, $0xF7A;
	s5 =	simm.s32 @!p2 $0x0  }
0x1d: {  	s5 =	simm.s32 @p1 $0x1;
	p0 =	seq.s32 s7, s2  }
0x1e: {  	s7 =	smul.u32 @!p0 $0xF7A, s2;
	p2 =	seq.s32 @!p0 s5, $0x0  }
0x1f: {  	s9 =	smul.u32 $0xF7A, s1;
	s8 =	simm.s32 @!p0 $0x1BF5;
	p2 =	por !p2, p0  }
0x20: {  	[sflag:s8] =	ssyncset.s32 @!p0 $0xFFFFF086;
	s6 =	sadd.s32 @!p0 s3, s7;
	s7 =	simm.s32 @!p0 $0x108  }
0x21: {  	s3 =	sadd.s32 s3, s9;
	s6 =	sadd.s32 @!p0 $0x88, s6;
	s7 =	simm.s32 @p2 $0x1082  }
0x22: {  	[simem:s7], [sflag:s8] =	dma.local @!p0 [hbm:s6], $0xF7A  }
0x23: {  	s9 =	sor.u32 $0xD0000000, s2;
	s6 =	simm.s32 $0x108;
	_ =	swait.ge @!p0 [sflag:s8], $0x0  }
0x24: {  	s3 =	sadd.s32 $0x88, s3;
	s6 =	simm.s32 @!p1 $0x1082;
	[sflag:s4] =	ssyncset.s32 $0xFFFFF086  }
0x25: {  	[simem:s6], [sflag:s4] =	dma.local [hbm:s3], $0xF7A  }
0x26: {  	[smem:$0x3F81] =	sst s1;
	(tag) =	ssettag s2;
	_ =	strace s9  }
0x27: {  	s1 =	sld [smem:$0x3F91]  }
0x28: {  	s2 =	sld [smem:$0x3F92]  }
0x29: {  	s4 =	sld [smem:$0x3F94]  }
0x2a: {  	p0 =	seq.s32 s5, $0x0;
	s5 =	sld [smem:$0x3F95]  }
0x2b: {  	s6 =	sld [smem:$0x3F96]  }
0x2c: {  	s7 =	sld [smem:$0x3F97]  }
0x2d: {  	s3 =	simm.s32 $0x108;
	s8 =	sld [smem:$0x3F98]  }
0x2e: {  	s3 =	simm.s32 @!p0 $0x1082;
	s9 =	sld [smem:$0x3F99]  }
0x2f: {  	lr =	sadd.s32 s0, s3;
	s0 =	sld [smem:$0x3F90]  }
0x30: {  	s3 =	sld [smem:$0x3F93]  }
0x31: {  	[smem:$0x3F9C] =	sst s10  }
0x32: {  	s10 =	sld [smem:$0x3F9A];
	_ =	sdelay $0x3  }
0x33: {  	p0 =	seq.s32 s10, $0x1;
	s10 =	sld [smem:$0x3F9C];
	_ =	sdelay $0x3  }
0x34: {  	[smem:$0x3F9C] =	sst s10  }
0x35: {  	s10 =	sld [smem:$0x3F9B];
	_ =	sdelay $0x3  }
0x36: {  	p1 =	seq.s32 s10, $0x1;
	s10 =	sld [smem:$0x3F9C];
	_ =	sdelay $0x3  }
0x37: {  	[smem:$0x3F9C] =	sst s10  }
0x38: {  	s10 =	sld [smem:$0x3F9D]  }
0x39: {  	_ = 	snop;
	(pc) =	sbr.ind lr, $3  }
0x3a: {  	_ = 	snop  }
0x3b: {  	_ = 	snop  }
0x3c: {  	p2 =	seq.s32 s10, $0x1;
	s10 =	sld [smem:$0x3F9C]  }
0x3d: {  	_ =	shalt  }
0x3e: {  	_ =	shalt  }
0x3f: {  	_ =	shalt  }
0x40: {  	_ =	shalt  }
0x41: {  	_ =	shalt  }
0x42: {  	_ =	shalt  }
0x43: {  	_ =	shalt  }
0x44: {  	_ =	shalt  }
0x45: {  	_ =	shalt  }
0x46: {  	_ =	shalt  }
0x47: {  	_ =	shalt  }
0x48: {  	_ =	shalt  }
0x49: {  	_ =	shalt  }
0x4a: {  	_ =	shalt  }
0x4b: {  	_ =	shalt  }
0x4c: {  	_ =	shalt  }
0x4d: {  	_ =	shalt  }
0x4e: {  	_ =	shalt  }
0x4f: {  	_ =	shalt  }
0x50: {  	_ =	shalt  }
0x51: {  	_ =	shalt  }
0x52: {  	_ =	shalt  }
0x53: {  	_ =	shalt  }
0x54: {  	_ =	shalt  }
0x55: {  	_ =	shalt  }
0x56: {  	_ =	shalt  }
0x57: {  	_ =	shalt  }
0x58: {  	_ =	shalt  }
0x59: {  	_ =	shalt  }
0x5a: {  	_ =	shalt  }
0x5b: {  	_ =	shalt  }
0x5c: {  	_ =	shalt  }
0x5d: {  	_ =	shalt  }
0x5e: {  	_ =	shalt  }
0x5f: {  	_ =	shalt  }
0x60: {  	_ =	shalt  }
0x61: {  	_ =	shalt  }
0x62: {  	_ =	shalt  }
0x63: {  	_ =	shalt  }
0x64: {  	_ =	shalt  }
0x65: {  	_ =	shalt  }
0x66: {  	_ =	shalt  }
0x67: {  	_ =	shalt  }
0x68: {  	_ =	shalt  }
0x69: {  	_ =	shalt  }
0x6a: {  	_ =	shalt  }
0x6b: {  	_ =	shalt  }
0x6c: {  	_ =	shalt  }
0x6d: {  	_ =	shalt  }
0x6e: {  	_ =	shalt  }
0x6f: {  	_ =	shalt  }
0x70: {  	_ =	shalt  }
0x71: {  	_ =	shalt  }
0x72: {  	_ =	shalt  }
0x73: {  	_ =	shalt  }
0x74: {  	_ =	shalt  }
0x75: {  	_ =	shalt  }
0x76: {  	_ =	shalt  }
0x77: {  	_ =	shalt  }
0x78: {  	_ =	shalt  }
0x79: {  	_ =	shalt  }
0x7a: {  	_ =	shalt  }
0x7b: {  	_ =	shalt  }
0x7c: {  	_ =	shalt  }
0x7d: {  	_ =	shalt  }
0x7e: {  	_ =	shalt  }
0x7f: {  	_ =	shalt  }
0x80: {  	_ =	shalt  }
0x81: {  	_ =	shalt  }
0x82: {  	_ =	shalt  }
0x83: {  	_ =	shalt  }
0x84: {  	_ =	shalt  }
0x85: {  	_ =	shalt  }
0x86: {  	_ =	shalt  }
0x87: {  	_ =	shalt  }
.Lfunc_end0:
.L_simem_size_0:
called_computation.6_lowered:
.L_overlay_start_0:
0x88: {  	s2 =	sld [smem:$0x3FD9]  }
0x89: {  	s3 =	sld [smem:$0x3FFE];
	_ =	sdelay $0x1  }
0x8a: {  	s1 =	srdreg.scid  }
0x8b: {  	s0 =	sand.u32 $0x1, s1  }
0x8c: {  	s17 =	sshll.u32 s0, $0xA;
	s2 =	sadd.s32 s3, s2  }
0x8d: {  	s2 =	sadd.s32 s2, s17  }
0x8e: {  	[smem:$0x3FA8] =	sst s2  }
0x8f: {  	_ = 	snop  }
0x90: {  	s2 =	sld [smem:$0x3FD0];
	(tm) =	ssettm $0x1  }
0x91: {  	s18 =	sld [smem:$0x3FFB];
	_ =	sdelay $0x3  }
0x92: {  	_ =	strace s18  }
0x93: {  	s3 =	sld [smem:$0x3FFC];
	_ =	sdelay $0x3  }
0x94: {  	_ =	strace s3  }
0x95: {  	s3 =	sld [smem:$0x3FFD];
	_ =	sdelay $0x3  }
0x96: {  	_ =	strace s3  }
0x97: {  	_ =	strace $0x8FFFFFFF  }
0x98: {  	s19 =	sld [smem:$0x3FDB];
	_ =	sdelay $0x1  }
0x99: {  	s4 =	simm.s32 $_scs_section_size  }
0x9a: {  	s5 =	simm.s32 $_size__tile_overlayer_lowered;
	s6 =	simm.s32 $_tile_overlayer_lowered  }
0x9b: {  	s22 =	simm.s32 $0x1BFF;
	s21 =	sshll.u32 s6, $0x1;
	s3 =	sadd.s32 s4, s19  }
0x9c: {  	s7 =	simm.s32 $0x0;
	s20 =	sshll.u32 s5, $0x1;
	s5 =	sadd.s32 s21, s3  }
0x9d: {  	[timem:s7], [sflag:s22] =	dma.local [hbm:s5], s20  }
0x9e: {  	_ =	swait.ge [sflag:s22], s20  }
0x9f: {  	s4 =	ssub.s32 $0x0, s20;
	[sflag:s22] =	ssyncset.done $0x0  }
0xa0: {  	[sflag:s22] =	ssyncadd.s32 s4;
	_ =	sdelay $0x1  }
0xa1: {  	s23 =	simm.s32 $0x1B8B  }
0xa2: {  	_ =	swait.ge [sflag:s23], $0x1  }
0xa3: {  	[sflag:s23] =	ssyncset.done $0x0  }
0xa4: {  	s25 =	simm.s32 $0x1B8E;
	s24 =	sld [smem:$0x3FFE];
	[sflag:s23] =	ssyncadd.s32 $0xFFFFFFFF  }
0xa5: {  	s26 =	simm.s32 $execute0_lowered;
	[smem:$0x3FD2] =	sst s25  }
0xa6: {  	s5 =	sshll.u32 s26, $0x1;
	_ =	strace $0x80000058;
	[dreg:$0x1] =	wrdreg $0xFFFFFFFF  }
0xa7: {  	s28 =	simm.s32 $_size_execute0_lowered;
	s3 =	sadd.s32 s3, s5;
	[dreg:$0x0] =	wrdreg $0x0  }
0xa8: {  	s5 =	sshll.u32 s28, $0x1;
	[dreg:$0x2] =	wrdreg s3  }
0xa9: {  	[dreg:$0x3] =	wrdreg s5  }
0xaa: {  	[dreg:$0x4] =	wrdreg $0xC0  }
0xab: {  	_ =	task [dreg:s7], $0x5FFFF  }
0xac: {  	[dreg:$0x1] =	wrdreg $0xFFFFFFFF  }
0xad: {  	[dreg:$0x0] =	wrdreg $0x60  }
0xae: {  	[dreg:$0x2] =	wrdreg s24  }
0xaf: {  	[dreg:$0x3] =	wrdreg s2  }
0xb0: {  	[dreg:$0x4] =	wrdreg $0x9  }
0xb1: {  	_ =	task.clear_ibuf [dreg:s7], $0x5FFFF;
	_ =	strace $0x90000058  }
0xb2: {  	s29 =	simm.s32 $0x9;
	_ =	strace $0x8000005A  }
0xb3: {  	_ =	swait.ge [sflag:s29], $0x1  }
0xb4: {  	[sflag:s29] =	ssyncadd.s32 $0xFFFFFFFF  }
0xb5: {  	_ =	strace $0x9000005A  }
0xb6: {  	_ =	sfence  }
0xb7: {  	s30 =	sld [smem:$0x0];
	_ =	sdelay $0x2  }
0xb8: {  	s31 =	sshll.u32 s1, $0xD;
	s1 =	sshrl.u32 s1, $0x2  }
0xb9: {  	s3 =	sand.u32 $0x4000, s31;
	s1 =	sadd.s32 s1, s30  }
0xba: {  	s0 =	sor.u32 s3, s0;
	s1 =	sshll.u32 s1, $0x11  }
0xbb: {  	s0 =	sor.u32 s1, s0  }
0xbc: {  	s0 =	sadd.s32 $0x8F2B, s0  }
0xbd: {  	[sflag:s0] =	ssyncadd.remote.s32 $0x1  }
0xbe: {  	_ =	sfence.sel $0xFFFF  }
0xbf: {  	[dreg:$0x0] =	wrdreg $0xFFFFFFFF;
	(pc) =	sbr.abs _section_cstart, $3  }
0xc0: {  	[dreg:$0x1] =	wrdreg $0xFFFFFFFF  }
0xc1: {  	_ =	task.clear_ibuf [dreg:s7], $0x2FFFF;
	_ =	strace $0x9FFFFFFF  }
0xc2: {  	(tm) =	ssettm $0x7FFFFFFF  }
0xc3: {  	_ =	shalt  }
tec
execute0_lowered:
.L_overlay_start_1:
0x0: {  	(tag) =	ssettag $0x1  }
0x1: {  	s6 =	rddreg [dreg:$0x0]  }
0x2: {  	s2 =	rddreg [dreg:$0x1];
	s4 =	srdreg.scid  }
0x3: {  	s1 =	stileid.u32;
	s3 =	simm.s32 $0x0;
	s13 =	simm.s32 $0x1080  }
0x4: {  	s14 =	simm.s32 $0x1180;
	s15 =	simm.s32 $0x1;
	s16 =	simm.s32 $0x5180  }
0x5: {  	s17 =	simm.s32 $0x0;
	s22 =	simm.s32 $0x0;
	s7 =	sand.u32 $0x1, s4  }
0x6: {  	s8 =	sshll.u32 s1, $0x1;
	s4 =	sadd.s32 $0x41AC00, s6;
	s29 =	sshrl.u32 s1, $0x2  }
0x7: {  	s9 =	sor.u32 s7, s8;
	s28 =	ssub.s32 $0x2, s7;
	s7 =	smul.u32 $0x14000, s29  }
0x8: {  	[smem:$0x7FF] =	sst s3;
	s5 =	sadd.s32 $0x2DAC00, s6;
	s10 =	smul.u32 $0xA00, s9  }
.Ltmp0:
0x9: {  	_ =	strace $0x80000059;
	s11 =	sshrl.u32 s28, $0x1;
	(pc) =	sbr.rel .LBB2_1-.Ltmp0, $4  }
0xa: {  	s12 =	sshll.u32 s9, $0x7;
	s31 =	sand.u32 $0xF, s9;
	s11 =	ssub.s32 s28, s11  }
0xb: {  	v2 =	vlaneseq.u32;
	s30 =	sand.u32 $0x380, s12;
	s12 =	simm.s32 $0x80;
	s10 =	sadd.s32 s10, s6  }
0xc: {  	v1 =	vimm.f32 $0.0e+00;
	v3 =	vor.u32 $0x10, v2;
	s6 =	sand.u32 $0x10, s8;
	s7 =	sor.u32 s7, s30;
	s9 =	smax.u32 s11, $0x1  }
0xd: {  	v4 =	vor.u32 $0x20, v2;
	v5 =	vor.u32 $0x30, v2;
	v0 =	vmov s31;
	s11 =	simm.s32 $0x1000;
	s8 =	sadd.s32 $0x7C00, s10;
	s10 =	simm.s32 $0x2  }
.LBB2_15:
0xe: {  	s17 =	sadd.s32 $0x1, s17  }
0xf: {  	p0 =	sne.s32 s17, s9  }
.Ltmp1:
0x10: {  	_ = 	snop;
	(pc) =	sbr.rel @!p0 .LBB2_16-.Ltmp1, $4  }
0x11: {  	[hbm4b:s8+s3] =	stream.linear.scatter [tilespmem:s16], [sflag:$0x2], $0x5000, $0x38;
	[tilespmem:$0xA180] =	vst v63  }
0x12: {  	_ =	swait.ge [sflag:s10], $0x5000  }
0x13: {  	[sflag:s10] =	ssyncset.done $0x0  }
0x14: {  	[sflag:s10] =	ssyncadd.s32 $0xFFFFB000  }
.LBB2_1:
0x15: {  	s18 =	simm.s32 $0x40;
	s19 =	simm.s32 $0x0  }
.LBB2_2:
0x16: {  	p0 =	sne.s32 s18, $0x13FC0;
	[tilespmem:s19+$0x5180] =	vst v1;
	s19 =	smov.u32 s18;
	s18 =	sadd.s32 $0x40, s18  }
.Ltmp2:
0x17: {  	(pc) =	sbr.rel @p0 .LBB2_2-.Ltmp2, $2  }
0x18: {  	_ =	sdelay $0x2  }
0x19: {  	s19 =	sshra.s32 s19, $0x2  }
.Ltmp3:
0x1a: {  	[tilespmem:s19+$0x5180] =	vst v1;
	s18 =	simm.s32 $0x0;
	(pc) =	sbr.rel .LBB2_4-.Ltmp3, $4  }
0x1b: {  	[tilespmem:s18], [sflag:$0x2] =	stream.linear.gather [hbm4b:s2+s18], $0x1000, $0x38;
	[tilespmem:$0xA180] =	vst v63  }
0x1c: {  	_ =	swait.ge [sflag:s10], $0x1000  }
0x1d: {  	[sflag:s10] =	ssyncset.done $0x0  }
0x1e: {  	[sflag:s10] =	ssyncadd.s32 $0xFFFFF000  }
.LBB2_14:
0x1f: {  	s18 =	sadd.s32 $0x1, s18  }
0x20: {  	p0 =	sne.s32 s18, $0x20  }
.Ltmp4:
0x21: {  	_ = 	snop;
	(pc) =	sbr.rel @!p0 .LBB2_15-.Ltmp4, $1  }
0x22: {  	_ =	sdelay $0x3  }
.LBB2_4:
0x23: {  	s19 =	sshll.u32 s18, $0x7  }
0x24: {  	s19 =	sand.u32 $0x3FFFFF80, s19  }
0x25: {  	s19 =	sor.u32 s19, s6  }
0x26: {  	v6 =	vld [tilespmem:s19+$0x0];
	_ =	sdelay $0x4  }
0x27: {  	v6 =	vperm.xlane v6, v0;
	_ =	sdelay $0x1  }
0x28: {  	(v2sf) =	vpush v6, $0x0;
	_ =	sdelay $0xe  }
0x29: {  	s19 =	spop (v2sf)  }
0x2a: {  	s20 =	sadd.s32 $0x7F, s19  }
0x2b: {  	s20 =	sshra.s32 s20, $0x7  }
0x2c: {  	p0 =	slt.s32 s20, $0x1  }
.Ltmp5:
0x2d: {  	_ = 	snop;
	(pc) =	sbr.rel @p0 .LBB2_14-.Ltmp5, $1  }
0x2e: {  	_ =	sdelay $0x3  }
.Ltmp6:
0x2f: {  	(pc) =	sbr.rel .LBB2_6-.Ltmp6, $3  }
0x30: {  	_ = 	snop  }
0x31: {  	s21 =	smul.u32 $0x50000, s18;
	_ =	sdelay $0x1  }
0x32: {  	s23 =	smov.u32 s19;
	s24 =	simm.s32 $0x0;
	s21 =	sadd.s32 s21, s7  }
.LBB2_9:
0x33: {  	s30 =	simm.s32 $0x1;
	s29 =	simm.s32 $0x11A0  }
.LBB2_12:
0x34: {  	_ =	sdelay $0x3  }
0x35: {  	s0 =	sand.u32 $0x7FFFFFF0, s30;
	[tilespmem:v6+s16+$0x0] =	vst.idx.msk @p0 $0xffff, v7  }
0x36: {  	v6 =	vld [tilespmem:s0+$0x1100];
	_ =	sdelay $0x3  }
0x37: {  	v7 =	vmov s30  }
0x38: {  	v6 =	vperm.xlane v6, v7;
	_ =	sdelay $0x1  }
0x39: {  	v6 =	vshll.u32 v6, $0x6  }
0x3a: {  	v7 =	vor.u32 v2, v6;
	_ =	sdelay $0x1  }
0x3b: {  	s0 =	sadd.s32 @p0 $0x80, s29  }
0x3c: {  	s25 =	smov.u32 @p0 s0  }
0x3d: {  	v9 =	vld [tilespmem:s25+$0xFFFFFFE0]  }
0x3e: {  	v8 =	vld.idx.msk [tilespmem:v7+s16+$0x0], $0xffff;
	_ =	sdelay $0x1  }
0x3f: {  	v10 =	vor.u32 v3, v6;
	_ =	sdelay $0x2  }
0x40: {  	v8 =	vmax.f32 v8, v9  }
0x41: {  	[tilespmem:v7+s16+$0x0] =	vst.idx.msk $0xffff, v8  }
0x42: {  	v7 =	vld.idx.msk [tilespmem:v10+s16+$0x0], $0xffff  }
0x43: {  	v8 =	vld [tilespmem:s25+$0xFFFFFFF0];
	_ =	sdelay $0x1  }
0x44: {  	v61 =	vor.u32 v4, v6;
	_ =	sdelay $0x2  }
0x45: {  	v7 =	vmax.f32 v7, v8  }
0x46: {  	[tilespmem:v10+s16+$0x0] =	vst.idx.msk $0xffff, v7  }
0x47: {  	v7 =	vld.idx.msk [tilespmem:v61+s16+$0x0], $0xffff  }
0x48: {  	v62 =	vld [tilespmem:s25+$0x0];
	_ =	sdelay $0x1  }
0x49: {  	v6 =	vor.u32 v5, v6;
	_ =	sdelay $0x2  }
0x4a: {  	v7 =	vmax.f32 v7, v62  }
0x4b: {  	[tilespmem:v61+s16+$0x0] =	vst.idx.msk $0xffff, v7  }
0x4c: {  	v7 =	vld.idx.msk [tilespmem:v6+s16+$0x0], $0xffff  }
0x4d: {  	v63 =	vld [tilespmem:s25+$0x10];
	_ =	sdelay $0x4  }
0x4e: {  	v7 =	vmax.f32 v7, v63  }
0x4f: {  	[tilespmem:v6+s16+$0x0] =	vst.idx.msk $0xffff, v7  }
.LBB2_13:
0x50: {  	s24 =	sadd.s32 $0x1, s24  }
0x51: {  	p0 =	sne.s32 s24, s20  }
.Ltmp7:
0x52: {  	_ = 	snop;
	(pc) =	sbr.rel @!p0 .LBB2_14-.Ltmp7, $2  }
0x53: {  	_ =	sdelay $0x2  }
0x54: {  	s23 =	sadd.s32 $0xFFFFFF80, s23  }
.LBB2_6:
0x55: {  	s25 =	sshll.u32 s24, $0xA  }
0x56: {  	s25 =	sadd.s32 s25, s21  }
0x57: {  	s25 =	sshrl.u32 s25, $0x3  }
0x58: {  	s25 =	sadd.s32 s5, s25  }
0x59: {  	[tilespmem:s11], [sflag:$0x2] =	stream.linear.gather [hbm4b:s25+s22], $0x80, $0x38;
	[tilespmem:$0xA180] =	vst v63  }
0x5a: {  	_ =	swait.ge [sflag:s10], $0x80  }
0x5b: {  	[sflag:s10] =	ssyncset.done $0x0  }
0x5c: {  	[sflag:s10] =	ssyncadd.s32 $0xFFFFFF80  }
0x5d: {  	v6 =	vld [tilespmem:$0x1000];
	_ =	sdelay $0x1  }
0x5e: {  	v7 =	vld [tilespmem:$0x1010];
	_ =	sdelay $0x1  }
0x5f: {  	v8 =	vld [tilespmem:$0x1020]  }
0x60: {  	v9 =	vshra.s32 v6, $0x9  }
0x61: {  	v61 =	vld [tilespmem:$0x1030];
	v6 =	vand.u32 $0x1FF, v6;
	[tilespmem:$0x1080] =	vst v9  }
0x62: {  	[tilespmem:$0x1100] =	vst v6;
	v6 =	vshra.s32 v7, $0x9  }
0x63: {  	[tilespmem:$0x1090] =	vst v6;
	v6 =	vand.u32 $0x1FF, v7;
	v7 =	vld [tilespmem:$0x1040]  }
0x64: {  	[tilespmem:$0x1110] =	vst v6;
	v6 =	vshra.s32 v8, $0x9  }
0x65: {  	v62 =	vld [tilespmem:$0x1050];
	[tilespmem:$0x10A0] =	vst v6;
	v6 =	vand.u32 $0x1FF, v8  }
0x66: {  	[tilespmem:$0x1120] =	vst v6;
	v6 =	vshra.s32 v61, $0x9  }
0x67: {  	v63 =	vld [tilespmem:$0x1060];
	[tilespmem:$0x10B0] =	vst v6;
	v6 =	vand.u32 $0x1FF, v61  }
0x68: {  	[tilespmem:$0x1130] =	vst v6;
	v6 =	vshra.s32 v7, $0x9  }
0x69: {  	[tilespmem:$0x10C0] =	vst v6;
	v6 =	vand.u32 $0x1FF, v7;
	v7 =	vld [tilespmem:$0x1070]  }
0x6a: {  	[tilespmem:$0x1140] =	vst v6;
	v6 =	vshra.s32 v62, $0x9  }
0x6b: {  	[tilespmem:$0x10D0] =	vst v6;
	v6 =	vand.u32 $0x1FF, v62  }
0x6c: {  	[tilespmem:$0x1150] =	vst v6;
	v6 =	vshra.s32 v63, $0x9  }
0x6d: {  	s31 =	sshll.u32 s24, $0x7;
	[tilespmem:$0x10E0] =	vst v6;
	v6 =	vand.u32 $0x1FF, v63  }
0x6e: {  	s25 =	ssub.s32 s19, s31;
	[tilespmem:$0x1160] =	vst v6;
	v6 =	vshra.s32 v7, $0x9  }
0x6f: {  	p0 =	slt.s32 s25, $0x1;
	[tilespmem:$0x10F0] =	vst v6;
	v6 =	vand.u32 $0x1FF, v7  }
.Ltmp8:
0x70: {  	[tilespmem:$0x1170] =	vst v6;
	(pc) =	sbr.rel @p0 .LBB2_13-.Ltmp8, $4  }
0x71: {  	[tilespmem:s14], [sflag:$0x1] =	stream.indirect.gather [hbm4b:s4+s12], $0x80, s13, s12, $0xb8;
	[tilespmem:$0xA180] =	vst v63  }
0x72: {  	_ =	swait.ge [sflag:s15], $0x4000  }
0x73: {  	[sflag:s15] =	ssyncset.done $0x0  }
0x74: {  	[sflag:s15] =	ssyncadd.s32 $0xFFFFC000  }
0x75: {  	p0 =	sgt.s32 s23, $0x1;
	s25 =	smov.u32 s23  }
0x76: {  	s25 =	simm.s32 @!p0 $0x1  }
0x77: {  	s26 =	smin.u32 s25, $0x80  }
0x78: {  	p1 =	sne.s32 s26, $0x1  }
.Ltmp9:
0x79: {  	_ = 	snop;
	(pc) =	sbr.rel @!p1 .LBB2_12-.Ltmp9, $3  }
0x7a: {  	_ =	sdelay $0x1  }
0x7b: {  	s28 =	simm.s32 $0x1;
	s30 =	simm.s32 $0x0  }
0x7c: {  	s29 =	simm.s32 $0x11A0;
	p0 =	por $0x0, $0x0;
	s25 =	simm.s32 $0x11A0  }
0x7d: {  	s29 =	sand.u32 $0x7FFFFFF0, s22  }
0x7e: {  	v6 =	vld [tilespmem:s29+$0x1100];
	_ =	sdelay $0x3  }
0x7f: {  	v7 =	vmov s22  }
0x80: {  	v6 =	vperm.xlane v6, v7;
	_ =	sdelay $0x1  }
0x81: {  	v6 =	vshll.u32 v6, $0x6  }
0x82: {  	v7 =	vor.u32 v2, v6;
	_ =	sdelay $0x3  }
0x83: {  	v9 =	vld [tilespmem:s25+$0xFFFFFFE0]  }
0x84: {  	v8 =	vld.idx.msk [tilespmem:v7+s16+$0x0], $0xffff;
	_ =	sdelay $0x1  }
0x85: {  	v10 =	vor.u32 v3, v6;
	_ =	sdelay $0x2  }
0x86: {  	v8 =	vmax.f32 v8, v9  }
0x87: {  	[tilespmem:v7+s16+$0x0] =	vst.idx.msk $0xffff, v8  }
0x88: {  	v7 =	vld.idx.msk [tilespmem:v10+s16+$0x0], $0xffff  }
0x89: {  	v8 =	vld [tilespmem:s25+$0xFFFFFFF0];
	_ =	sdelay $0x1  }
0x8a: {  	v63 =	vor.u32 v4, v6;
	_ =	sdelay $0x2  }
0x8b: {  	v7 =	vmax.f32 v7, v8  }
0x8c: {  	[tilespmem:v10+s16+$0x0] =	vst.idx.msk $0xffff, v7  }
0x8d: {  	v7 =	vld.idx.msk [tilespmem:v63+s16+$0x0], $0xffff  }
0x8e: {  	v8 =	vld [tilespmem:s25+$0x0];
	_ =	sdelay $0x1  }
0x8f: {  	v6 =	vor.u32 v5, v6;
	_ =	sdelay $0x2  }
0x90: {  	v7 =	vmax.f32 v7, v8  }
0x91: {  	[tilespmem:v63+s16+$0x0] =	vst.idx.msk $0xffff, v7  }
0x92: {  	v7 =	vld.idx.msk [tilespmem:v6+s16+$0x0], $0xffff  }
0x93: {  	p1 =	sne.s32 s26, $0x2;
	v8 =	vld [tilespmem:s25+$0x10]  }
.Ltmp10:
0x94: {  	_ = 	snop;
	(pc) =	sbr.rel @!p1 .LBB2_9-.Ltmp10, $2  }
0x95: {  	_ =	sdelay $0x2  }
0x96: {  	s30 =	simm.s32 $0x2;
	p0 =	por $0x1, $0x1;
	s29 =	simm.s32 $0x11A0;
	v7 =	vmax.f32 v7, v8  }
.LBB2_10:
0x97: {  	s31 =	sand.u32 $0x7FFFFFF0, s28  }
0x98: {  	[tilespmem:v6+s16+$0x0] =	vst.idx.msk $0xffff, v7;
	s29 =	sadd.s32 $0x80, s29;
	s0 =	smov.u32 s30;
	s30 =	sadd.s32 $0x1, s30  }
0x99: {  	p1 =	sne.s32 s26, s30;
	v6 =	vld [tilespmem:s31+$0x1100];
	_ =	sdelay $0x3  }
0x9a: {  	v7 =	vmov s28;
	s28 =	smov.u32 s0  }
0x9b: {  	v6 =	vperm.xlane v6, v7;
	_ =	sdelay $0x1  }
0x9c: {  	v6 =	vshll.u32 v6, $0x6  }
0x9d: {  	v7 =	vor.u32 v2, v6;
	_ =	sdelay $0x4  }
0x9e: {  	v8 =	vld.idx.msk [tilespmem:v7+s16+$0x0], $0xffff  }
0x9f: {  	v9 =	vld [tilespmem:s29+$0xFFFFFFE0];
	_ =	sdelay $0x1  }
0xa0: {  	v10 =	vor.u32 v3, v6;
	_ =	sdelay $0x2  }
0xa1: {  	v8 =	vmax.f32 v8, v9  }
0xa2: {  	[tilespmem:v7+s16+$0x0] =	vst.idx.msk $0xffff, v8  }
0xa3: {  	v7 =	vld.idx.msk [tilespmem:v10+s16+$0x0], $0xffff  }
0xa4: {  	v8 =	vld [tilespmem:s29+$0xFFFFFFF0];
	_ =	sdelay $0x1  }
0xa5: {  	v9 =	vor.u32 v4, v6;
	_ =	sdelay $0x2  }
0xa6: {  	v7 =	vmax.f32 v7, v8  }
0xa7: {  	[tilespmem:v10+s16+$0x0] =	vst.idx.msk $0xffff, v7  }
0xa8: {  	v7 =	vld.idx.msk [tilespmem:v9+s16+$0x0], $0xffff  }
0xa9: {  	v8 =	vld [tilespmem:s29+$0x0];
	_ =	sdelay $0x1  }
0xaa: {  	v6 =	vor.u32 v5, v6;
	_ =	sdelay $0x2  }
0xab: {  	v7 =	vmax.f32 v7, v8  }
0xac: {  	[tilespmem:v9+s16+$0x0] =	vst.idx.msk $0xffff, v7  }
0xad: {  	v7 =	vld.idx.msk [tilespmem:v6+s16+$0x0], $0xffff  }
0xae: {  	v8 =	vld [tilespmem:s29+$0x10]  }
.Ltmp11:
0xaf: {  	(pc) =	sbr.rel @p1 .LBB2_10-.Ltmp11, $2  }
0xb0: {  	_ =	sdelay $0x2  }
0xb1: {  	v7 =	vmax.f32 v7, v8  }
.Ltmp12:
0xb2: {  	(pc) =	sbr.rel .LBB2_12-.Ltmp12, $2  }
0xb3: {  	_ =	sdelay $0x2  }
0xb4: {  	s30 =	smov.u32 s28  }
.LBB2_16:
0xb5: {  	_ =	sfence.sel $0x180000  }
0xb6: {  	[bflag:$0x0] =	sbarrier.arrive $0xFFFF  }
0xb7: {  	_ =	strace $0x90000059  }
0xb8: {  	[bflag:$0x2] =	sbarrier.arrive $0xFFFF  }
0xb9: {  	p0 =	sne.s32 s1, $0x0;
	s0 =	rddreg [dreg:$0x2]  }
0xba: {  	s0 =	sadd.s32 @!p0 $0x100000, s0  }
0xbb: {  	[sflag:s0] =	ssyncadd.tile.s32 @!p0 $0x1;
	_ =	shalt  }
.Lfunc_end2:
_tile_overlayer_lowered:
.L_overlay_start_2:
0xbc: {  	(tag) =	ssettag $0x2  }
0xbd: {  	s0 =	rddreg [dreg:$0x0];
	s2 =	stileid.u32  }
0xbe: {  	s1 =	rddreg [dreg:$0x1];
	p0 =	sne.s32 s2, $0x0  }
0xbf: {  	s3 =	rddreg [dreg:$0x2];
	[bflag:$0x3] =	sbarrier.arrive $0xFFFF;
	s2 =	simm.s32 @!p0 $0x1C02  }
0xc0: {  	[timem:s3], [sflag:s2] =	dma.local @!p0 [hbm:s0], s1  }
0xc1: {  	s0 =	simm.s32 @!p0 $0x2  }
0xc2: {  	_ =	swait.ge @!p0 [sflag:s0], s1  }
0xc3: {  	s1 =	ssub.s32 @!p0 $0x0, s1;
	[sflag:s0] =	ssyncset.done @!p0 $0x0  }
0xc4: {  	[sflag:s0] =	ssyncadd.s32 @!p0 s1  }
0xc5: {  	[bflag:$0x3] =	sbarrier.arrive $0xFFFF  }
0xc6: {  	_ =	shalt  }

</sc_bundles>
